<compile_context>
chip_gen: v7x
topology: tpu7x:2x2x1
jax: 0.10.2.dev20260603
libtpu: 0.0.44.dev20260713+nightly
codegen_flags: <defaults>
</compile_context>

<pallas_src>
import functools

import jax
import jax.numpy as jnp
from jax import lax
from jax.experimental import pallas as pl
from jax.experimental.pallas import tpu as pltpu
from jax.experimental.pallas import tpu_sc as plsc

N_NODES = 10000
N_EDGES = 40000
NODE_IN = 32
EDGE_IN = 16
HIDDEN = 32
OUT = 32

NC = 2
NS = 16
NW = NC * NS
EP = 40960
BPW = EP // NW
CH = BPW // 128
NP = 10240
RPT = NP // NS

def _sc_mesh():
    return plsc.VectorSubcoreMesh(
        core_axis_name="c", subcore_axis_name="s",
        num_cores=NC, num_subcores=NS)



def _gather_body(table_hbm, idx_hbm, out_hbm, idx_v, rows_v, sem):
    wid = lax.axis_index("s") * NC + lax.axis_index("c")
    pltpu.sync_copy(idx_hbm.at[wid], idx_v)
    descs = [
        pltpu.async_copy(
            table_hbm.at[idx_v.at[j]], rows_v.at[pl.ds(j * 128, 128)], sem
        )
        for j in range(CH)
    ]
    for d in descs:
        d.wait()
    pltpu.sync_copy(rows_v, out_hbm.at[pl.ds(wid * BPW, BPW)])


def _make_sc_gather():
    return pl.kernel(
        _gather_body,
        out_type=jax.ShapeDtypeStruct((EP, 32), jnp.float32),
        mesh=_sc_mesh(),
        scratch_types=[
            pltpu.VMEM((CH, 128), jnp.int32),
            pltpu.VMEM((BPW, 32), jnp.float32),
            pltpu.SemaphoreType.DMA,
        ],
        compiler_params=pltpu.CompilerParams(use_tc_tiling_on_sc=False),
    )


def _scatter_body(with_counts, *refs):
    if with_counts:
        (msg_hbm, dst_hbm, dst8_hbm, z32_hbm, z16_hbm, ones_hbm,
         s_out, c_out, idx_v, msg_v, row_v, idx8_v, ones_v, cnt_v,
         sh_s, sh_c) = refs
    else:
        (msg_hbm, dst_hbm, z32_hbm,
         s_out, idx_v, msg_v, row_v, sh_s) = refs
    cid = lax.axis_index("c")
    sid = lax.axis_index("s")
    wid = sid * NC + cid
    pltpu.sync_copy(dst_hbm.at[wid], idx_v)
    pltpu.sync_copy(msg_hbm.at[pl.ds(wid * BPW, BPW)], msg_v)
    rb = sid * RPT
    pltpu.sync_copy(z32_hbm.at[pl.ds(rb, RPT)], row_v)
    pltpu.sync_copy(row_v, sh_s.at[pl.ds(rb, RPT)])
    if with_counts:
        pltpu.sync_copy(dst8_hbm.at[wid], idx8_v)
        pltpu.sync_copy(ones_hbm.at[:], ones_v)
        pltpu.sync_copy(z16_hbm.at[pl.ds(rb, RPT)], cnt_v)
        pltpu.sync_copy(cnt_v, sh_c.at[pl.ds(rb, RPT)])
    plsc.subcore_barrier()
    for j in range(CH):
        pltpu.sync_copy(
            msg_v.at[pl.ds(j * 128, 128)], sh_s.at[idx_v.at[j]], add=True
        )
    if with_counts:
        for j in range(CH):
            pltpu.sync_copy(
                ones_v.at[pl.ds(j * 128, 128)], sh_c.at[idx8_v.at[j]],
                add=True)
    plsc.subcore_barrier()
    ob = cid * NP + rb
    pltpu.sync_copy(sh_s.at[pl.ds(rb, RPT)], row_v)
    pltpu.sync_copy(row_v, s_out.at[pl.ds(ob, RPT)])
    if with_counts:
        pltpu.sync_copy(sh_c.at[pl.ds(rb, RPT)], cnt_v)
        pltpu.sync_copy(cnt_v, c_out.at[pl.ds(ob, RPT)])


def _make_sc_scatter(with_counts):
    if with_counts:
        out_type = (
            jax.ShapeDtypeStruct((2 * NP, 32), jnp.float32),
            jax.ShapeDtypeStruct((2 * NP, 16), jnp.float32),
        )
        scratch = [
            pltpu.VMEM((CH, 128), jnp.int32),
            pltpu.VMEM((BPW, 32), jnp.float32),
            pltpu.VMEM((RPT, 32), jnp.float32),
            pltpu.VMEM((CH, 128), jnp.int32),
            pltpu.VMEM((BPW, 16), jnp.float32),
            pltpu.VMEM((RPT, 16), jnp.float32),
            pltpu.VMEM_SHARED((NP, 32), jnp.float32),
            pltpu.VMEM_SHARED((NP, 16), jnp.float32),
        ]
    else:
        out_type = jax.ShapeDtypeStruct((2 * NP, 32), jnp.float32)
        scratch = [
            pltpu.VMEM((CH, 128), jnp.int32),
            pltpu.VMEM((BPW, 32), jnp.float32),
            pltpu.VMEM((RPT, 32), jnp.float32),
            pltpu.VMEM_SHARED((NP, 32), jnp.float32),
        ]
    return pl.kernel(
        functools.partial(_scatter_body, with_counts),
        out_type=out_type,
        mesh=_sc_mesh(),
        scratch_types=scratch,
        compiler_params=pltpu.CompilerParams(use_tc_tiling_on_sc=False),
    )



TE_MSG = 2048
TQ = TE_MSG // 4
TN = 2048


def _msg_body(ea_ref, xs_ref, w1r_ref, b1r_ref, tm_ref, w2_ref,
              b2r_ref, out_ref):
    ea = ea_ref[...]
    xs4 = xs_ref[...]
    xs = jnp.concatenate([xs4[:, 32 * m:32 * m + 32] for m in range(4)],
                         axis=0)
    p = (jnp.maximum(
            jnp.dot(ea, w1r_ref[...], preferred_element_type=jnp.float32)
            + b1r_ref[...], 0.0)
         * jnp.dot(xs, tm_ref[...], preferred_element_type=jnp.float32))
    msg = (jnp.dot(p, w2_ref[...], preferred_element_type=jnp.float32)
           + jnp.dot(xs, b2r_ref[...], preferred_element_type=jnp.float32))
    out_ref[...] = jnp.concatenate(
        [msg[TQ * m:TQ * m + TQ, :] for m in range(4)], axis=1)


def _make_tc_msg(interpret=False):
    nb = EP // TE_MSG
    return pl.pallas_call(
        _msg_body,
        grid=(nb,),
        in_specs=[
            pl.BlockSpec((TE_MSG, EDGE_IN), lambda i: (i, 0)),
            pl.BlockSpec((TQ, 128), lambda i: (i, 0)),
            pl.BlockSpec((EDGE_IN, HIDDEN * 32), lambda i: (0, 0)),
            pl.BlockSpec((1, HIDDEN * 32), lambda i: (0, 0)),
            pl.BlockSpec((32, HIDDEN * 32), lambda i: (0, 0)),
            pl.BlockSpec((HIDDEN * 32, 32), lambda i: (0, 0)),
            pl.BlockSpec((32, 32), lambda i: (0, 0)),
        ],
        out_specs=pl.BlockSpec((TE_MSG // 4, 128), lambda i: (i, 0)),
        out_shape=jax.ShapeDtypeStruct((EP // 4, 128), jnp.float32),
        interpret=interpret,
    )


def _unpack(p4, w, parts):
    return jnp.concatenate([p4[:, w * m:w * m + w] for m in range(parts)],
                           axis=0)


def _upd_body(sp0_ref, sp1_ref, cp0_ref, cp1_ref, x_ref, r1_ref, bz1_ref,
              r2_ref, bz2_ref, h1_ref, xr2_ref):
    s = _unpack(sp0_ref[...] + sp1_ref[...], 32, 4)
    cnt = _unpack(cp0_ref[...] + cp1_ref[...], 16, 8)[:, 0:1]
    inv = 1.0 / jnp.maximum(cnt, 1.0)
    xr1 = (jnp.dot(x_ref[...], r1_ref[...], preferred_element_type=jnp.float32)
           + bz1_ref[...])
    h1 = jnp.maximum(s * inv + xr1, 0.0)
    h1_ref[...] = h1
    xr2_ref[...] = (
        jnp.dot(h1, r2_ref[...], preferred_element_type=jnp.float32)
        + bz2_ref[...])


def _make_tc_update(interpret=False):
    nb = NP // TN
    return pl.pallas_call(
        _upd_body,
        grid=(nb,),
        in_specs=[
            pl.BlockSpec((TN // 4, 128), lambda i: (i, 0)),
            pl.BlockSpec((TN // 4, 128), lambda i: (i + NP // TN, 0)),
            pl.BlockSpec((TN // 8, 128), lambda i: (i, 0)),
            pl.BlockSpec((TN // 8, 128), lambda i: (i + NP // TN, 0)),
            pl.BlockSpec((TN, 32), lambda i: (i, 0)),
            pl.BlockSpec((NODE_IN, HIDDEN), lambda i: (0, 0)),
            pl.BlockSpec((1, HIDDEN), lambda i: (0, 0)),
            pl.BlockSpec((HIDDEN, OUT), lambda i: (0, 0)),
            pl.BlockSpec((1, OUT), lambda i: (0, 0)),
        ],
        out_specs=[
            pl.BlockSpec((TN, 32), lambda i: (i, 0)),
            pl.BlockSpec((TN, OUT), lambda i: (i, 0)),
        ],
        out_shape=[
            jax.ShapeDtypeStruct((NP, HIDDEN), jnp.float32),
            jax.ShapeDtypeStruct((NP, OUT), jnp.float32),
        ],
        interpret=interpret,
    )


def _fin_body(sp0_ref, sp1_ref, cp0_ref, cp1_ref, xr2_ref, out_ref):
    i = pl.program_id(0)
    nb = pl.num_programs(0)
    s = _unpack(sp0_ref[...] + sp1_ref[...], 32, 4)
    cnt = _unpack(cp0_ref[...] + cp1_ref[...], 16, 8)[:, 0:1]
    inv = 1.0 / jnp.maximum(cnt, 1.0)
    h2 = jnp.maximum(s * inv + xr2_ref[...], 0.0)
    rows = lax.broadcasted_iota(jnp.int32, (TN, OUT), 0) + i * TN
    contrib = jnp.sum(
        jnp.where(rows < N_NODES, h2, 0.0), axis=0, keepdims=True)

    @pl.when(i == 0)
    def _():
        out_ref[...] = jnp.zeros((1, OUT), jnp.float32)

    out_ref[...] += contrib

    @pl.when(i == nb - 1)
    def _():
        out_ref[...] = out_ref[...] * (1.0 / N_NODES)


def _make_tc_final(interpret=False):
    nb = NP // TN
    return pl.pallas_call(
        _fin_body,
        grid=(nb,),
        in_specs=[
            pl.BlockSpec((TN // 4, 128), lambda i: (i, 0)),
            pl.BlockSpec((TN // 4, 128), lambda i: (i + NP // TN, 0)),
            pl.BlockSpec((TN // 8, 128), lambda i: (i, 0)),
            pl.BlockSpec((TN // 8, 128), lambda i: (i + NP // TN, 0)),
            pl.BlockSpec((TN, OUT), lambda i: (i, 0)),
        ],
        out_specs=pl.BlockSpec((1, OUT), lambda i: (0, 0)),
        out_shape=jax.ShapeDtypeStruct((1, OUT), jnp.float32),
        interpret=interpret,
    )



def _rmat():
    return jnp.repeat(jnp.eye(HIDDEN, dtype=jnp.float32), 32, axis=1)


def _tmat():
    return jnp.tile(jnp.eye(32, dtype=jnp.float32), (1, HIDDEN))


def kernel(x, edge_index, edge_attr, en1_w1, en1_b1, en1_w2, en1_b2,
           root1, bias1, en2_w1, en2_b1, en2_w2, en2_b2, root2, bias2):
    src = edge_index[0]
    dst = edge_index[1]
    pad_e = EP - N_EDGES
    def _perm(a):
        return a.reshape(EP // TE_MSG, 4, TQ).swapaxes(1, 2).reshape(EP)

    src_i = _perm(jnp.concatenate([src, jnp.zeros((pad_e,), jnp.int32)])
                  ).reshape(NW, CH, 128)
    dstv = (dst // TN) * TN + (dst % TN % (TN // 4)) * 4 + (dst % TN) // (
        TN // 4)
    dstv8 = (dst // TN) * TN + (dst % TN % (TN // 8)) * 8 + (dst % TN) // (
        TN // 8)
    padv = jnp.full((pad_e,), NP - 1, jnp.int32)
    dst_i = _perm(jnp.concatenate([dstv, padv])).reshape(NW, CH, 128)
    dst_i8 = _perm(jnp.concatenate([dstv8, padv])).reshape(NW, CH, 128)

    x_p = jnp.concatenate([x, jnp.zeros((NP - N_NODES, NODE_IN), jnp.float32)])
    z32 = jnp.zeros((NP, 32), jnp.float32)
    z16 = jnp.zeros((NP, 16), jnp.float32)
    ones16 = jnp.ones((BPW, 16), jnp.float32)
    rm = _rmat()
    tm = _tmat()
    w1r1 = en1_w1 @ rm
    b1r1 = (en1_b1 @ rm).reshape(1, HIDDEN * 32)
    w1r2 = en2_w1 @ rm
    b1r2 = (en2_b1 @ rm).reshape(1, HIDDEN * 32)
    w2f1 = en1_w2.reshape(HIDDEN * NODE_IN, HIDDEN)
    w2f2 = en2_w2.reshape(HIDDEN * HIDDEN, OUT)
    b2r1 = en1_b2.reshape(NODE_IN, HIDDEN)
    b2r2 = en2_b2.reshape(HIDDEN, OUT)

    sc_gather = _make_sc_gather()
    tc_msg = _make_tc_msg()
    sc_scatter_c = _make_sc_scatter(True)
    sc_scatter = _make_sc_scatter(False)
    tc_update = _make_tc_update()
    tc_final = _make_tc_final()

    xs1 = sc_gather(x_p, src_i)
    msg1 = tc_msg(edge_attr, xs1.reshape(EP // 4, 128), w1r1, b1r1,
                  tm, w2f1, b2r1).reshape(EP, 32)
    s1, c1 = sc_scatter_c(msg1, dst_i, dst_i8, z32, z16, ones16)
    s1p = s1.reshape(2 * NP * 32 // 128, 128)
    c1p = c1.reshape(2 * NP * 16 // 128, 128)
    h1, xr2 = tc_update(s1p, s1p, c1p, c1p, x_p, root1,
                        bias1.reshape(1, HIDDEN),
                        root2, bias2.reshape(1, OUT))
    xs2 = sc_gather(h1, src_i)
    msg2 = tc_msg(edge_attr, xs2.reshape(EP // 4, 128), w1r2, b1r2,
                  tm, w2f2, b2r2).reshape(EP, 32)
    s2p = sc_scatter(msg2, dst_i, z32).reshape(2 * NP * 32 // 128, 128)
    return tc_final(s2p, s2p, c1p, c1p, xr2)

# --- scband reference (transcript-rebuilt; emitter-appended) ---
"""Pipeline reference for scband-edge-aware-gnn-10823317586520 (READ-ONLY COPY).

The authoritative reference and input builder live on the scoring server;
editing this copy changes nothing except your own understanding.
"""

import jax, jax.numpy as jnp
import numpy as np

N = 10000
E = 40000
NODE_IN = 32
EDGE_IN = 16
HIDDEN = 32
OUT = 32


def _glorot(key, shape):
    fan_in = shape[0]
    return jax.random.normal(key, shape, dtype=jnp.float32) * (1.0 / np.sqrt(fan_in))


def setup_inputs(seed: int = 0) -> dict:
    key = jax.random.key(seed)
    ks = jax.random.split(key, 20)
    inp = {}
    inp["x"] = jax.random.normal(ks[0], (N, NODE_IN), dtype=jnp.float32)
    inp["edge_index"] = jax.random.randint(ks[1], (2, E), 0, N, dtype=jnp.int32)
    inp["edge_attr"] = jax.random.normal(ks[2], (E, EDGE_IN), dtype=jnp.float32)
    # edge_net1: Linear(EDGE_IN, HIDDEN) -> ReLU -> Linear(HIDDEN, NODE_IN*HIDDEN)
    inp["en1_w1"] = _glorot(ks[3], (EDGE_IN, HIDDEN))
    inp["en1_b1"] = jnp.zeros((HIDDEN,), jnp.float32)
    inp["en1_w2"] = _glorot(ks[4], (HIDDEN, NODE_IN * HIDDEN))
    inp["en1_b2"] = jnp.zeros((NODE_IN * HIDDEN,), jnp.float32)
    # conv1 root weight + bias (NNConv root_weight=True, bias=True)
    inp["root1"] = _glorot(ks[5], (NODE_IN, HIDDEN))
    inp["bias1"] = jnp.zeros((HIDDEN,), jnp.float32)
    # edge_net2: Linear(EDGE_IN, HIDDEN) -> ReLU -> Linear(HIDDEN, HIDDEN*OUT)
    inp["en2_w1"] = _glorot(ks[6], (EDGE_IN, HIDDEN))
    inp["en2_b1"] = jnp.zeros((HIDDEN,), jnp.float32)
    inp["en2_w2"] = _glorot(ks[7], (HIDDEN, HIDDEN * OUT))
    inp["en2_b2"] = jnp.zeros((HIDDEN * OUT,), jnp.float32)
    inp["root2"] = _glorot(ks[8], (HIDDEN, OUT))
    inp["bias2"] = jnp.zeros((OUT,), jnp.float32)
    return inp


def _nnconv_mean(x, edge_attr, src, dst, w1, b1, w2, b2, root, bias, in_c, out_c):
    # dynamic edge-conditioned weights: [E, in_c, out_c]
    h = jax.nn.relu(edge_attr @ w1 + b1)
    W = (h @ w2 + b2).reshape(E, in_c, out_c)
    # message: x_src [E, in_c] times per-edge weight -> [E, out_c]
    msg = jnp.einsum('ei,eio->eo', jnp.take(x, src, axis=0), W)
    s = jax.ops.segment_sum(msg, dst, num_segments=N)
    cnt = jax.ops.segment_sum(jnp.ones((E,), jnp.float32), dst, num_segments=N)
    agg = s / jnp.clip(cnt, 1.0, None)[:, None]
    return agg + x @ root + bias


def reference(x, edge_index, edge_attr, en1_w1, en1_b1, en1_w2, en1_b2, root1, bias1, en2_w1, en2_b1, en2_w2, en2_b2, root2, bias2):
    src = edge_index[0]
    dst = edge_index[1]
    h1 = jax.nn.relu(_nnconv_mean(x, edge_attr, src, dst, en1_w1, en1_b1, en1_w2, en1_b2, root1, bias1, NODE_IN, HIDDEN))
    h2 = jax.nn.relu(_nnconv_mean(h1, edge_attr, src, dst, en2_w1, en2_b1, en2_w2, en2_b2, root2, bias2, HIDDEN, OUT))
    # batch=None path: global mean over all nodes, keepdim
    return jnp.mean(h2, axis=0, keepdims=True)

if __name__ == "__main__":
    import jax
    _d = setup_inputs()
    print(jax.jit(kernel)(*tuple(_d.values())))

</pallas_src>

<mosaic_0001>
#map = affine_map<(d0, d1) -> (0, 0)>
#map1 = affine_map<(d0, d1) -> (0, 0, 0)>
module attributes {stable_mosaic.version = 14 : i64} {
  func.func @_scatter_body(%arg0: i32, %arg1: i32, %arg2: memref<40960x32xf32, #tpu.memory_space<hbm>>, %arg3: memref<32x10x128xi32, #tpu.memory_space<hbm>>, %arg4: memref<10240x32xf32, #tpu.memory_space<hbm>>, %arg5: memref<20480x32xf32, #tpu.memory_space<hbm>>, %arg6: memref<10x128xi32, #tpu.memory_space<vmem>>, %arg7: memref<1280x32xf32, #tpu.memory_space<vmem>>, %arg8: memref<640x32xf32, #tpu.memory_space<vmem>>, %arg9: memref<10240x32xf32, #tpu.memory_space<vmem_shared>>) attributes {dimension_semantics = [#tpu.dimension_semantics<core_parallel>, #tpu.dimension_semantics<subcore_parallel>], iteration_bounds = array<i64: 2, 16>, scalar_prefetch = 0 : i64, scratch_operands = 4 : i64, tpu.core_type = #tpu.core_type<sc_vector_subcore>, window_params = [{transform_indices = #map}, {transform_indices = #map1}, {transform_indices = #map}, {transform_indices = #map}]} {
    %mul3A = arith.constant 2 : i32
    %mul3A_0 = arith.muli %arg1, %mul3A : i32
    %add3A = arith.addi %mul3A_0, %arg0 : i32
    "tpu.region"() ({
      %run_scoped3A_18 = tpu.sem_alloc : memref<!tpu.dma_semaphore, #tpu.memory_space<semaphore_mem>>
      %dma_start3A = arith.constant 0 : i32
      %dma_start3A_19 = arith.constant 0 : i32
      %dma_start3A_20 = tpu.memref_slice %arg3[%add3A, %dma_start3A, %dma_start3A_19] : memref<32x10x128xi32, #tpu.memory_space<hbm>> -> memref<1x10x128xi32, #tpu.memory_space<hbm>>
      %dma_start3A_21 = tpu.memref_squeeze %dma_start3A_20 : memref<1x10x128xi32, #tpu.memory_space<hbm>> -> memref<10x128xi32, #tpu.memory_space<hbm>>
      %dma_start3A_22 = arith.constant 0 : i32
      %dma_start3A_23 = arith.constant 0 : i32
      %dma_start3A_24 = tpu.memref_slice %arg3[%add3A, %dma_start3A_22, %dma_start3A_23] : memref<32x10x128xi32, #tpu.memory_space<hbm>> -> memref<1x10x128xi32, #tpu.memory_space<hbm>>
      %dma_start3A_25 = tpu.memref_squeeze %dma_start3A_24 : memref<1x10x128xi32, #tpu.memory_space<hbm>> -> memref<10x128xi32, #tpu.memory_space<hbm>>
      tpu.enqueue_dma source(%dma_start3A_25 : memref<10x128xi32, #tpu.memory_space<hbm>>) target(%arg6 : memref<10x128xi32, #tpu.memory_space<vmem>>) target_semaphore(%run_scoped3A_18 : memref<!tpu.dma_semaphore, #tpu.memory_space<semaphore_mem>>)
      %dma_wait3A = arith.constant 0 : i32
      %dma_wait3A_26 = arith.constant 0 : i32
      %dma_wait3A_27 = tpu.memref_slice %arg3[%add3A, %dma_wait3A, %dma_wait3A_26] : memref<32x10x128xi32, #tpu.memory_space<hbm>> -> memref<1x10x128xi32, #tpu.memory_space<hbm>>
      %dma_wait3A_28 = tpu.memref_squeeze %dma_wait3A_27 : memref<1x10x128xi32, #tpu.memory_space<hbm>> -> memref<10x128xi32, #tpu.memory_space<hbm>>
      %dma_wait3A_29 = arith.constant 0 : i32
      %dma_wait3A_30 = arith.constant 0 : i32
      %dma_wait3A_31 = tpu.memref_slice %arg3[%add3A, %dma_wait3A_29, %dma_wait3A_30] : memref<32x10x128xi32, #tpu.memory_space<hbm>> -> memref<1x10x128xi32, #tpu.memory_space<hbm>>
      %dma_wait3A_32 = tpu.memref_squeeze %dma_wait3A_31 : memref<1x10x128xi32, #tpu.memory_space<hbm>> -> memref<10x128xi32, #tpu.memory_space<hbm>>
      tpu.wait_dma2 semaphore(%run_scoped3A_18 : memref<!tpu.dma_semaphore, #tpu.memory_space<semaphore_mem>>) src(%dma_wait3A_32 : memref<10x128xi32, #tpu.memory_space<hbm>>) dst(%arg6 : memref<10x128xi32, #tpu.memory_space<vmem>>)
      tpu.yield
    }) : () -> ()
    %mul3A_1 = arith.constant 1280 : i32
    %mul3A_2 = arith.muli %add3A, %mul3A_1 : i32
    "tpu.region"() ({
      %run_scoped3A_18 = tpu.sem_alloc : memref<!tpu.dma_semaphore, #tpu.memory_space<semaphore_mem>>
      %dma_start3A = arith.constant 0 : i32
      %dma_start3A_19 = tpu.memref_slice %arg2[%mul3A_2, %dma_start3A] : memref<40960x32xf32, #tpu.memory_space<hbm>> -> memref<1280x32xf32, #tpu.memory_space<hbm>>
      %dma_start3A_20 = arith.constant 0 : i32
      %dma_start3A_21 = tpu.memref_slice %arg2[%mul3A_2, %dma_start3A_20] : memref<40960x32xf32, #tpu.memory_space<hbm>> -> memref<1280x32xf32, #tpu.memory_space<hbm>>
      tpu.enqueue_dma source(%dma_start3A_21 : memref<1280x32xf32, #tpu.memory_space<hbm>>) target(%arg7 : memref<1280x32xf32, #tpu.memory_space<vmem>>) target_semaphore(%run_scoped3A_18 : memref<!tpu.dma_semaphore, #tpu.memory_space<semaphore_mem>>)
      %dma_wait3A = arith.constant 0 : i32
      %dma_wait3A_22 = tpu.memref_slice %arg2[%mul3A_2, %dma_wait3A] : memref<40960x32xf32, #tpu.memory_space<hbm>> -> memref<1280x32xf32, #tpu.memory_space<hbm>>
      %dma_wait3A_23 = arith.constant 0 : i32
      %dma_wait3A_24 = tpu.memref_slice %arg2[%mul3A_2, %dma_wait3A_23] : memref<40960x32xf32, #tpu.memory_space<hbm>> -> memref<1280x32xf32, #tpu.memory_space<hbm>>
      tpu.wait_dma2 semaphore(%run_scoped3A_18 : memref<!tpu.dma_semaphore, #tpu.memory_space<semaphore_mem>>) src(%dma_wait3A_24 : memref<1280x32xf32, #tpu.memory_space<hbm>>) dst(%arg7 : memref<1280x32xf32, #tpu.memory_space<vmem>>)
      tpu.yield
    }) : () -> ()
    %mul3A_3 = arith.constant 640 : i32
    %mul3A_4 = arith.muli %arg1, %mul3A_3 : i32
    "tpu.region"() ({
      %run_scoped3A_18 = tpu.sem_alloc : memref<!tpu.dma_semaphore, #tpu.memory_space<semaphore_mem>>
      %dma_start3A = arith.constant 0 : i32
      %dma_start3A_19 = tpu.memref_slice %arg4[%mul3A_4, %dma_start3A] : memref<10240x32xf32, #tpu.memory_space<hbm>> -> memref<640x32xf32, #tpu.memory_space<hbm>>
      %dma_start3A_20 = arith.constant 0 : i32
      %dma_start3A_21 = tpu.memref_slice %arg4[%mul3A_4, %dma_start3A_20] : memref<10240x32xf32, #tpu.memory_space<hbm>> -> memref<640x32xf32, #tpu.memory_space<hbm>>
      tpu.enqueue_dma source(%dma_start3A_21 : memref<640x32xf32, #tpu.memory_space<hbm>>) target(%arg8 : memref<640x32xf32, #tpu.memory_space<vmem>>) target_semaphore(%run_scoped3A_18 : memref<!tpu.dma_semaphore, #tpu.memory_space<semaphore_mem>>)
      %dma_wait3A = arith.constant 0 : i32
      %dma_wait3A_22 = tpu.memref_slice %arg4[%mul3A_4, %dma_wait3A] : memref<10240x32xf32, #tpu.memory_space<hbm>> -> memref<640x32xf32, #tpu.memory_space<hbm>>
      %dma_wait3A_23 = arith.constant 0 : i32
      %dma_wait3A_24 = tpu.memref_slice %arg4[%mul3A_4, %dma_wait3A_23] : memref<10240x32xf32, #tpu.memory_space<hbm>> -> memref<640x32xf32, #tpu.memory_space<hbm>>
      tpu.wait_dma2 semaphore(%run_scoped3A_18 : memref<!tpu.dma_semaphore, #tpu.memory_space<semaphore_mem>>) src(%dma_wait3A_24 : memref<640x32xf32, #tpu.memory_space<hbm>>) dst(%arg8 : memref<640x32xf32, #tpu.memory_space<vmem>>)
      tpu.yield
    }) : () -> ()
    "tpu.region"() ({
      %run_scoped3A_18 = tpu.sem_alloc : memref<!tpu.dma_semaphore, #tpu.memory_space<semaphore_mem>>
      %dma_start3A = arith.constant 0 : i32
      %dma_start3A_19 = tpu.memref_slice %arg9[%mul3A_4, %dma_start3A] : memref<10240x32xf32, #tpu.memory_space<vmem_shared>> -> memref<640x32xf32, #tpu.memory_space<vmem_shared>>
      %dma_start3A_20 = arith.constant 0 : i32
      %dma_start3A_21 = tpu.memref_slice %arg9[%mul3A_4, %dma_start3A_20] : memref<10240x32xf32, #tpu.memory_space<vmem_shared>> -> memref<640x32xf32, #tpu.memory_space<vmem_shared>>
      tpu.enqueue_dma source(%arg8 : memref<640x32xf32, #tpu.memory_space<vmem>>) target(%dma_start3A_21 : memref<640x32xf32, #tpu.memory_space<vmem_shared>>) target_semaphore(%run_scoped3A_18 : memref<!tpu.dma_semaphore, #tpu.memory_space<semaphore_mem>>)
      %dma_wait3A = arith.constant 0 : i32
      %dma_wait3A_22 = tpu.memref_slice %arg9[%mul3A_4, %dma_wait3A] : memref<10240x32xf32, #tpu.memory_space<vmem_shared>> -> memref<640x32xf32, #tpu.memory_space<vmem_shared>>
      %dma_wait3A_23 = arith.constant 0 : i32
      %dma_wait3A_24 = tpu.memref_slice %arg9[%mul3A_4, %dma_wait3A_23] : memref<10240x32xf32, #tpu.memory_space<vmem_shared>> -> memref<640x32xf32, #tpu.memory_space<vmem_shared>>
      tpu.wait_dma2 semaphore(%run_scoped3A_18 : memref<!tpu.dma_semaphore, #tpu.memory_space<semaphore_mem>>) src(%arg8 : memref<640x32xf32, #tpu.memory_space<vmem>>) dst(%dma_wait3A_24 : memref<640x32xf32, #tpu.memory_space<vmem_shared>>)
      tpu.yield
    }) : () -> ()
    %barrier3A = arith.constant 0 : index
    tpu.barrier barrier_id(%barrier3A)
    %run_scoped3A = arith.constant 0 : i32
    "tpu.region"() ({
      %run_scoped3A_18 = tpu.sem_alloc : memref<!tpu.dma_semaphore, #tpu.memory_space<semaphore_mem>>
      %dma_start3A = arith.constant 0 : i32
      %dma_start3A_19 = arith.constant 0 : i32
      %dma_start3A_20 = tpu.memref_slice %arg7[%dma_start3A, %dma_start3A_19] : memref<1280x32xf32, #tpu.memory_space<vmem>> -> memref<128x32xf32, #tpu.memory_space<vmem>>
      %dma_start3A_21 = arith.constant 0 : i32
      %dma_start3A_22 = tpu.memref_slice %arg6[%run_scoped3A, %dma_start3A_21] : memref<10x128xi32, #tpu.memory_space<vmem>> -> memref<1x128xi32, #tpu.memory_space<vmem>>
      %dma_start3A_23 = tpu.memref_squeeze %dma_start3A_22 : memref<1x128xi32, #tpu.memory_space<vmem>> -> memref<128xi32, #tpu.memory_space<vmem>>
      %dma_start3A_24 = arith.constant 0 : i32
      %dma_start3A_25 = arith.constant 0 : i32
      %dma_start3A_26 = tpu.memref_slice %arg9[%dma_start3A_24, %dma_start3A_25] : memref<10240x32xf32, #tpu.memory_space<vmem_shared>> -> memref<10240x32xf32, #tpu.memory_space<vmem_shared>>
      tpu.enqueue_indirect_dma source(%dma_start3A_20 : memref<128x32xf32, #tpu.memory_space<vmem>>) target(%dma_start3A_26 : memref<10240x32xf32, #tpu.memory_space<vmem_shared>>) offsets(%dma_start3A_23 : memref<128xi32, #tpu.memory_space<vmem>>) semaphore(%run_scoped3A_18 : memref<!tpu.dma_semaphore, #tpu.memory_space<semaphore_mem>>) {add = true}
      %dma_wait3A = arith.constant 0 : i32
      %dma_wait3A_27 = arith.constant 0 : i32
      %dma_wait3A_28 = tpu.memref_slice %arg7[%dma_wait3A, %dma_wait3A_27] : memref<1280x32xf32, #tpu.memory_space<vmem>> -> memref<128x32xf32, #tpu.memory_space<vmem>>
      %dma_wait3A_29 = arith.constant 0 : i32
      %dma_wait3A_30 = tpu.memref_slice %arg6[%run_scoped3A, %dma_wait3A_29] : memref<10x128xi32, #tpu.memory_space<vmem>> -> memref<1x128xi32, #tpu.memory_space<vmem>>
      %dma_wait3A_31 = tpu.memref_squeeze %dma_wait3A_30 : memref<1x128xi32, #tpu.memory_space<vmem>> -> memref<128xi32, #tpu.memory_space<vmem>>
      %dma_wait3A_32 = arith.constant 0 : i32
      %dma_wait3A_33 = arith.constant 0 : i32
      %dma_wait3A_34 = tpu.memref_slice %arg9[%dma_wait3A_32, %dma_wait3A_33] : memref<10240x32xf32, #tpu.memory_space<vmem_shared>> -> memref<10240x32xf32, #tpu.memory_space<vmem_shared>>
      tpu.wait_indirect_dma semaphore(%run_scoped3A_18 : memref<!tpu.dma_semaphore, #tpu.memory_space<semaphore_mem>>) src(%dma_wait3A_28 : memref<128x32xf32, #tpu.memory_space<vmem>>) dst(%dma_wait3A_34 : memref<10240x32xf32, #tpu.memory_space<vmem_shared>>)
      tpu.yield
    }) : () -> ()
    %run_scoped3A_5 = arith.constant 1 : i32
    "tpu.region"() ({
      %run_scoped3A_18 = tpu.sem_alloc : memref<!tpu.dma_semaphore, #tpu.memory_space<semaphore_mem>>
      %dma_start3A = arith.constant 128 : i32
      %dma_start3A_19 = arith.constant 0 : i32
      %dma_start3A_20 = tpu.memref_slice %arg7[%dma_start3A, %dma_start3A_19] : memref<1280x32xf32, #tpu.memory_space<vmem>> -> memref<128x32xf32, #tpu.memory_space<vmem>>
      %dma_start3A_21 = arith.constant 0 : i32
      %dma_start3A_22 = tpu.memref_slice %arg6[%run_scoped3A_5, %dma_start3A_21] : memref<10x128xi32, #tpu.memory_space<vmem>> -> memref<1x128xi32, #tpu.memory_space<vmem>>
      %dma_start3A_23 = tpu.memref_squeeze %dma_start3A_22 : memref<1x128xi32, #tpu.memory_space<vmem>> -> memref<128xi32, #tpu.memory_space<vmem>>
      %dma_start3A_24 = arith.constant 0 : i32
      %dma_start3A_25 = arith.constant 0 : i32
      %dma_start3A_26 = tpu.memref_slice %arg9[%dma_start3A_24, %dma_start3A_25] : memref<10240x32xf32, #tpu.memory_space<vmem_shared>> -> memref<10240x32xf32, #tpu.memory_space<vmem_shared>>
      tpu.enqueue_indirect_dma source(%dma_start3A_20 : memref<128x32xf32, #tpu.memory_space<vmem>>) target(%dma_start3A_26 : memref<10240x32xf32, #tpu.memory_space<vmem_shared>>) offsets(%dma_start3A_23 : memref<128xi32, #tpu.memory_space<vmem>>) semaphore(%run_scoped3A_18 : memref<!tpu.dma_semaphore, #tpu.memory_space<semaphore_mem>>) {add = true}
      %dma_wait3A = arith.constant 128 : i32
      %dma_wait3A_27 = arith.constant 0 : i32
      %dma_wait3A_28 = tpu.memref_slice %arg7[%dma_wait3A, %dma_wait3A_27] : memref<1280x32xf32, #tpu.memory_space<vmem>> -> memref<128x32xf32, #tpu.memory_space<vmem>>
      %dma_wait3A_29 = arith.constant 0 : i32
      %dma_wait3A_30 = tpu.memref_slice %arg6[%run_scoped3A_5, %dma_wait3A_29] : memref<10x128xi32, #tpu.memory_space<vmem>> -> memref<1x128xi32, #tpu.memory_space<vmem>>
      %dma_wait3A_31 = tpu.memref_squeeze %dma_wait3A_30 : memref<1x128xi32, #tpu.memory_space<vmem>> -> memref<128xi32, #tpu.memory_space<vmem>>
      %dma_wait3A_32 = arith.constant 0 : i32
      %dma_wait3A_33 = arith.constant 0 : i32
      %dma_wait3A_34 = tpu.memref_slice %arg9[%dma_wait3A_32, %dma_wait3A_33] : memref<10240x32xf32, #tpu.memory_space<vmem_shared>> -> memref<10240x32xf32, #tpu.memory_space<vmem_shared>>
      tpu.wait_indirect_dma semaphore(%run_scoped3A_18 : memref<!tpu.dma_semaphore, #tpu.memory_space<semaphore_mem>>) src(%dma_wait3A_28 : memref<128x32xf32, #tpu.memory_space<vmem>>) dst(%dma_wait3A_34 : memref<10240x32xf32, #tpu.memory_space<vmem_shared>>)
      tpu.yield
    }) : () -> ()
    %run_scoped3A_6 = arith.constant 2 : i32
    "tpu.region"() ({
      %run_scoped3A_18 = tpu.sem_alloc : memref<!tpu.dma_semaphore, #tpu.memory_space<semaphore_mem>>
      %dma_start3A = arith.constant 256 : i32
      %dma_start3A_19 = arith.constant 0 : i32
      %dma_start3A_20 = tpu.memref_slice %arg7[%dma_start3A, %dma_start3A_19] : memref<1280x32xf32, #tpu.memory_space<vmem>> -> memref<128x32xf32, #tpu.memory_space<vmem>>
      %dma_start3A_21 = arith.constant 0 : i32
      %dma_start3A_22 = tpu.memref_slice %arg6[%run_scoped3A_6, %dma_start3A_21] : memref<10x128xi32, #tpu.memory_space<vmem>> -> memref<1x128xi32, #tpu.memory_space<vmem>>
      %dma_start3A_23 = tpu.memref_squeeze %dma_start3A_22 : memref<1x128xi32, #tpu.memory_space<vmem>> -> memref<128xi32, #tpu.memory_space<vmem>>
      %dma_start3A_24 = arith.constant 0 : i32
      %dma_start3A_25 = arith.constant 0 : i32
      %dma_start3A_26 = tpu.memref_slice %arg9[%dma_start3A_24, %dma_start3A_25] : memref<10240x32xf32, #tpu.memory_space<vmem_shared>> -> memref<10240x32xf32, #tpu.memory_space<vmem_shared>>
      tpu.enqueue_indirect_dma source(%dma_start3A_20 : memref<128x32xf32, #tpu.memory_space<vmem>>) target(%dma_start3A_26 : memref<10240x32xf32, #tpu.memory_space<vmem_shared>>) offsets(%dma_start3A_23 : memref<128xi32, #tpu.memory_space<vmem>>) semaphore(%run_scoped3A_18 : memref<!tpu.dma_semaphore, #tpu.memory_space<semaphore_mem>>) {add = true}
      %dma_wait3A = arith.constant 256 : i32
      %dma_wait3A_27 = arith.constant 0 : i32
      %dma_wait3A_28 = tpu.memref_slice %arg7[%dma_wait3A, %dma_wait3A_27] : memref<1280x32xf32, #tpu.memory_space<vmem>> -> memref<128x32xf32, #tpu.memory_space<vmem>>
      %dma_wait3A_29 = arith.constant 0 : i32
      %dma_wait3A_30 = tpu.memref_slice %arg6[%run_scoped3A_6, %dma_wait3A_29] : memref<10x128xi32, #tpu.memory_space<vmem>> -> memref<1x128xi32, #tpu.memory_space<vmem>>
      %dma_wait3A_31 = tpu.memref_squeeze %dma_wait3A_30 : memref<1x128xi32, #tpu.memory_space<vmem>> -> memref<128xi32, #tpu.memory_space<vmem>>
      %dma_wait3A_32 = arith.constant 0 : i32
      %dma_wait3A_33 = arith.constant 0 : i32
      %dma_wait3A_34 = tpu.memref_slice %arg9[%dma_wait3A_32, %dma_wait3A_33] : memref<10240x32xf32, #tpu.memory_space<vmem_shared>> -> memref<10240x32xf32, #tpu.memory_space<vmem_shared>>
      tpu.wait_indirect_dma semaphore(%run_scoped3A_18 : memref<!tpu.dma_semaphore, #tpu.memory_space<semaphore_mem>>) src(%dma_wait3A_28 : memref<128x32xf32, #tpu.memory_space<vmem>>) dst(%dma_wait3A_34 : memref<10240x32xf32, #tpu.memory_space<vmem_shared>>)
      tpu.yield
    }) : () -> ()
    %run_scoped3A_7 = arith.constant 3 : i32
    "tpu.region"() ({
      %run_scoped3A_18 = tpu.sem_alloc : memref<!tpu.dma_semaphore, #tpu.memory_space<semaphore_mem>>
      %dma_start3A = arith.constant 384 : i32
      %dma_start3A_19 = arith.constant 0 : i32
      %dma_start3A_20 = tpu.memref_slice %arg7[%dma_start3A, %dma_start3A_19] : memref<1280x32xf32, #tpu.memory_space<vmem>> -> memref<128x32xf32, #tpu.memory_space<vmem>>
      %dma_start3A_21 = arith.constant 0 : i32
      %dma_start3A_22 = tpu.memref_slice %arg6[%run_scoped3A_7, %dma_start3A_21] : memref<10x128xi32, #tpu.memory_space<vmem>> -> memref<1x128xi32, #tpu.memory_space<vmem>>
      %dma_start3A_23 = tpu.memref_squeeze %dma_start3A_22 : memref<1x128xi32, #tpu.memory_space<vmem>> -> memref<128xi32, #tpu.memory_space<vmem>>
      %dma_start3A_24 = arith.constant 0 : i32
      %dma_start3A_25 = arith.constant 0 : i32
      %dma_start3A_26 = tpu.memref_slice %arg9[%dma_start3A_24, %dma_start3A_25] : memref<10240x32xf32, #tpu.memory_space<vmem_shared>> -> memref<10240x32xf32, #tpu.memory_space<vmem_shared>>
      tpu.enqueue_indirect_dma source(%dma_start3A_20 : memref<128x32xf32, #tpu.memory_space<vmem>>) target(%dma_start3A_26 : memref<10240x32xf32, #tpu.memory_space<vmem_shared>>) offsets(%dma_start3A_23 : memref<128xi32, #tpu.memory_space<vmem>>) semaphore(%run_scoped3A_18 : memref<!tpu.dma_semaphore, #tpu.memory_space<semaphore_mem>>) {add = true}
      %dma_wait3A = arith.constant 384 : i32
      %dma_wait3A_27 = arith.constant 0 : i32
      %dma_wait3A_28 = tpu.memref_slice %arg7[%dma_wait3A, %dma_wait3A_27] : memref<1280x32xf32, #tpu.memory_space<vmem>> -> memref<128x32xf32, #tpu.memory_space<vmem>>
      %dma_wait3A_29 = arith.constant 0 : i32
      %dma_wait3A_30 = tpu.memref_slice %arg6[%run_scoped3A_7, %dma_wait3A_29] : memref<10x128xi32, #tpu.memory_space<vmem>> -> memref<1x128xi32, #tpu.memory_space<vmem>>
      %dma_wait3A_31 = tpu.memref_squeeze %dma_wait3A_30 : memref<1x128xi32, #tpu.memory_space<vmem>> -> memref<128xi32, #tpu.memory_space<vmem>>
      %dma_wait3A_32 = arith.constant 0 : i32
      %dma_wait3A_33 = arith.constant 0 : i32
      %dma_wait3A_34 = tpu.memref_slice %arg9[%dma_wait3A_32, %dma_wait3A_33] : memref<10240x32xf32, #tpu.memory_space<vmem_shared>> -> memref<10240x32xf32, #tpu.memory_space<vmem_shared>>
      tpu.wait_indirect_dma semaphore(%run_scoped3A_18 : memref<!tpu.dma_semaphore, #tpu.memory_space<semaphore_mem>>) src(%dma_wait3A_28 : memref<128x32xf32, #tpu.memory_space<vmem>>) dst(%dma_wait3A_34 : memref<10240x32xf32, #tpu.memory_space<vmem_shared>>)
      tpu.yield
    }) : () -> ()
    %run_scoped3A_8 = arith.constant 4 : i32
    "tpu.region"() ({
      %run_scoped3A_18 = tpu.sem_alloc : memref<!tpu.dma_semaphore, #tpu.memory_space<semaphore_mem>>
      %dma_start3A = arith.constant 512 : i32
      %dma_start3A_19 = arith.constant 0 : i32
      %dma_start3A_20 = tpu.memref_slice %arg7[%dma_start3A, %dma_start3A_19] : memref<1280x32xf32, #tpu.memory_space<vmem>> -> memref<128x32xf32, #tpu.memory_space<vmem>>
      %dma_start3A_21 = arith.constant 0 : i32
      %dma_start3A_22 = tpu.memref_slice %arg6[%run_scoped3A_8, %dma_start3A_21] : memref<10x128xi32, #tpu.memory_space<vmem>> -> memref<1x128xi32, #tpu.memory_space<vmem>>
      %dma_start3A_23 = tpu.memref_squeeze %dma_start3A_22 : memref<1x128xi32, #tpu.memory_space<vmem>> -> memref<128xi32, #tpu.memory_space<vmem>>
      %dma_start3A_24 = arith.constant 0 : i32
      %dma_start3A_25 = arith.constant 0 : i32
      %dma_start3A_26 = tpu.memref_slice %arg9[%dma_start3A_24, %dma_start3A_25] : memref<10240x32xf32, #tpu.memory_space<vmem_shared>> -> memref<10240x32xf32, #tpu.memory_space<vmem_shared>>
      tpu.enqueue_indirect_dma source(%dma_start3A_20 : memref<128x32xf32, #tpu.memory_space<vmem>>) target(%dma_start3A_26 : memref<10240x32xf32, #tpu.memory_space<vmem_shared>>) offsets(%dma_start3A_23 : memref<128xi32, #tpu.memory_space<vmem>>) semaphore(%run_scoped3A_18 : memref<!tpu.dma_semaphore, #tpu.memory_space<semaphore_mem>>) {add = true}
      %dma_wait3A = arith.constant 512 : i32
      %dma_wait3A_27 = arith.constant 0 : i32
      %dma_wait3A_28 = tpu.memref_slice %arg7[%dma_wait3A, %dma_wait3A_27] : memref<1280x32xf32, #tpu.memory_space<vmem>> -> memref<128x32xf32, #tpu.memory_space<vmem>>
      %dma_wait3A_29 = arith.constant 0 : i32
      %dma_wait3A_30 = tpu.memref_slice %arg6[%run_scoped3A_8, %dma_wait3A_29] : memref<10x128xi32, #tpu.memory_space<vmem>> -> memref<1x128xi32, #tpu.memory_space<vmem>>
      %dma_wait3A_31 = tpu.memref_squeeze %dma_wait3A_30 : memref<1x128xi32, #tpu.memory_space<vmem>> -> memref<128xi32, #tpu.memory_space<vmem>>
      %dma_wait3A_32 = arith.constant 0 : i32
      %dma_wait3A_33 = arith.constant 0 : i32
      %dma_wait3A_34 = tpu.memref_slice %arg9[%dma_wait3A_32, %dma_wait3A_33] : memref<10240x32xf32, #tpu.memory_space<vmem_shared>> -> memref<10240x32xf32, #tpu.memory_space<vmem_shared>>
      tpu.wait_indirect_dma semaphore(%run_scoped3A_18 : memref<!tpu.dma_semaphore, #tpu.memory_space<semaphore_mem>>) src(%dma_wait3A_28 : memref<128x32xf32, #tpu.memory_space<vmem>>) dst(%dma_wait3A_34 : memref<10240x32xf32, #tpu.memory_space<vmem_shared>>)
      tpu.yield
    }) : () -> ()
    %run_scoped3A_9 = arith.constant 5 : i32
    "tpu.region"() ({
      %run_scoped3A_18 = tpu.sem_alloc : memref<!tpu.dma_semaphore, #tpu.memory_space<semaphore_mem>>
      %dma_start3A = arith.constant 640 : i32
      %dma_start3A_19 = arith.constant 0 : i32
      %dma_start3A_20 = tpu.memref_slice %arg7[%dma_start3A, %dma_start3A_19] : memref<1280x32xf32, #tpu.memory_space<vmem>> -> memref<128x32xf32, #tpu.memory_space<vmem>>
      %dma_start3A_21 = arith.constant 0 : i32
      %dma_start3A_22 = tpu.memref_slice %arg6[%run_scoped3A_9, %dma_start3A_21] : memref<10x128xi32, #tpu.memory_space<vmem>> -> memref<1x128xi32, #tpu.memory_space<vmem>>
      %dma_start3A_23 = tpu.memref_squeeze %dma_start3A_22 : memref<1x128xi32, #tpu.memory_space<vmem>> -> memref<128xi32, #tpu.memory_space<vmem>>
      %dma_start3A_24 = arith.constant 0 : i32
      %dma_start3A_25 = arith.constant 0 : i32
      %dma_start3A_26 = tpu.memref_slice %arg9[%dma_start3A_24, %dma_start3A_25] : memref<10240x32xf32, #tpu.memory_space<vmem_shared>> -> memref<10240x32xf32, #tpu.memory_space<vmem_shared>>
      tpu.enqueue_indirect_dma source(%dma_start3A_20 : memref<128x32xf32, #tpu.memory_space<vmem>>) target(%dma_start3A_26 : memref<10240x32xf32, #tpu.memory_space<vmem_shared>>) offsets(%dma_start3A_23 : memref<128xi32, #tpu.memory_space<vmem>>) semaphore(%run_scoped3A_18 : memref<!tpu.dma_semaphore, #tpu.memory_space<semaphore_mem>>) {add = true}
      %dma_wait3A = arith.constant 640 : i32
      %dma_wait3A_27 = arith.constant 0 : i32
      %dma_wait3A_28 = tpu.memref_slice %arg7[%dma_wait3A, %dma_wait3A_27] : memref<1280x32xf32, #tpu.memory_space<vmem>> -> memref<128x32xf32, #tpu.memory_space<vmem>>
      %dma_wait3A_29 = arith.constant 0 : i32
      %dma_wait3A_30 = tpu.memref_slice %arg6[%run_scoped3A_9, %dma_wait3A_29] : memref<10x128xi32, #tpu.memory_space<vmem>> -> memref<1x128xi32, #tpu.memory_space<vmem>>
      %dma_wait3A_31 = tpu.memref_squeeze %dma_wait3A_30 : memref<1x128xi32, #tpu.memory_space<vmem>> -> memref<128xi32, #tpu.memory_space<vmem>>
      %dma_wait3A_32 = arith.constant 0 : i32
      %dma_wait3A_33 = arith.constant 0 : i32
      %dma_wait3A_34 = tpu.memref_slice %arg9[%dma_wait3A_32, %dma_wait3A_33] : memref<10240x32xf32, #tpu.memory_space<vmem_shared>> -> memref<10240x32xf32, #tpu.memory_space<vmem_shared>>
      tpu.wait_indirect_dma semaphore(%run_scoped3A_18 : memref<!tpu.dma_semaphore, #tpu.memory_space<semaphore_mem>>) src(%dma_wait3A_28 : memref<128x32xf32, #tpu.memory_space<vmem>>) dst(%dma_wait3A_34 : memref<10240x32xf32, #tpu.memory_space<vmem_shared>>)
      tpu.yield
    }) : () -> ()
    %run_scoped3A_10 = arith.constant 6 : i32
    "tpu.region"() ({
      %run_scoped3A_18 = tpu.sem_alloc : memref<!tpu.dma_semaphore, #tpu.memory_space<semaphore_mem>>
      %dma_start3A = arith.constant 768 : i32
      %dma_start3A_19 = arith.constant 0 : i32
      %dma_start3A_20 = tpu.memref_slice %arg7[%dma_start3A, %dma_start3A_19] : memref<1280x32xf32, #tpu.memory_space<vmem>> -> memref<128x32xf32, #tpu.memory_space<vmem>>
      %dma_start3A_21 = arith.constant 0 : i32
      %dma_start3A_22 = tpu.memref_slice %arg6[%run_scoped3A_10, %dma_start3A_21] : memref<10x128xi32, #tpu.memory_space<vmem>> -> memref<1x128xi32, #tpu.memory_space<vmem>>
      %dma_start3A_23 = tpu.memref_squeeze %dma_start3A_22 : memref<1x128xi32, #tpu.memory_space<vmem>> -> memref<128xi32, #tpu.memory_space<vmem>>
      %dma_start3A_24 = arith.constant 0 : i32
      %dma_start3A_25 = arith.constant 0 : i32
      %dma_start3A_26 = tpu.memref_slice %arg9[%dma_start3A_24, %dma_start3A_25] : memref<10240x32xf32, #tpu.memory_space<vmem_shared>> -> memref<10240x32xf32, #tpu.memory_space<vmem_shared>>
      tpu.enqueue_indirect_dma source(%dma_start3A_20 : memref<128x32xf32, #tpu.memory_space<vmem>>) target(%dma_start3A_26 : memref<10240x32xf32, #tpu.memory_space<vmem_shared>>) offsets(%dma_start3A_23 : memref<128xi32, #tpu.memory_space<vmem>>) semaphore(%run_scoped3A_18 : memref<!tpu.dma_semaphore, #tpu.memory_space<semaphore_mem>>) {add = true}
      %dma_wait3A = arith.constant 768 : i32
      %dma_wait3A_27 = arith.constant 0 : i32
      %dma_wait3A_28 = tpu.memref_slice %arg7[%dma_wait3A, %dma_wait3A_27] : memref<1280x32xf32, #tpu.memory_space<vmem>> -> memref<128x32xf32, #tpu.memory_space<vmem>>
      %dma_wait3A_29 = arith.constant 0 : i32
      %dma_wait3A_30 = tpu.memref_slice %arg6[%run_scoped3A_10, %dma_wait3A_29] : memref<10x128xi32, #tpu.memory_space<vmem>> -> memref<1x128xi32, #tpu.memory_space<vmem>>
      %dma_wait3A_31 = tpu.memref_squeeze %dma_wait3A_30 : memref<1x128xi32, #tpu.memory_space<vmem>> -> memref<128xi32, #tpu.memory_space<vmem>>
      %dma_wait3A_32 = arith.constant 0 : i32
      %dma_wait3A_33 = arith.constant 0 : i32
      %dma_wait3A_34 = tpu.memref_slice %arg9[%dma_wait3A_32, %dma_wait3A_33] : memref<10240x32xf32, #tpu.memory_space<vmem_shared>> -> memref<10240x32xf32, #tpu.memory_space<vmem_shared>>
      tpu.wait_indirect_dma semaphore(%run_scoped3A_18 : memref<!tpu.dma_semaphore, #tpu.memory_space<semaphore_mem>>) src(%dma_wait3A_28 : memref<128x32xf32, #tpu.memory_space<vmem>>) dst(%dma_wait3A_34 : memref<10240x32xf32, #tpu.memory_space<vmem_shared>>)
      tpu.yield
    }) : () -> ()
    %run_scoped3A_11 = arith.constant 7 : i32
    "tpu.region"() ({
      %run_scoped3A_18 = tpu.sem_alloc : memref<!tpu.dma_semaphore, #tpu.memory_space<semaphore_mem>>
      %dma_start3A = arith.constant 896 : i32
      %dma_start3A_19 = arith.constant 0 : i32
      %dma_start3A_20 = tpu.memref_slice %arg7[%dma_start3A, %dma_start3A_19] : memref<1280x32xf32, #tpu.memory_space<vmem>> -> memref<128x32xf32, #tpu.memory_space<vmem>>
      %dma_start3A_21 = arith.constant 0 : i32
      %dma_start3A_22 = tpu.memref_slice %arg6[%run_scoped3A_11, %dma_start3A_21] : memref<10x128xi32, #tpu.memory_space<vmem>> -> memref<1x128xi32, #tpu.memory_space<vmem>>
      %dma_start3A_23 = tpu.memref_squeeze %dma_start3A_22 : memref<1x128xi32, #tpu.memory_space<vmem>> -> memref<128xi32, #tpu.memory_space<vmem>>
      %dma_start3A_24 = arith.constant 0 : i32
      %dma_start3A_25 = arith.constant 0 : i32
      %dma_start3A_26 = tpu.memref_slice %arg9[%dma_start3A_24, %dma_start3A_25] : memref<10240x32xf32, #tpu.memory_space<vmem_shared>> -> memref<10240x32xf32, #tpu.memory_space<vmem_shared>>
      tpu.enqueue_indirect_dma source(%dma_start3A_20 : memref<128x32xf32, #tpu.memory_space<vmem>>) target(%dma_start3A_26 : memref<10240x32xf32, #tpu.memory_space<vmem_shared>>) offsets(%dma_start3A_23 : memref<128xi32, #tpu.memory_space<vmem>>) semaphore(%run_scoped3A_18 : memref<!tpu.dma_semaphore, #tpu.memory_space<semaphore_mem>>) {add = true}
      %dma_wait3A = arith.constant 896 : i32
      %dma_wait3A_27 = arith.constant 0 : i32
      %dma_wait3A_28 = tpu.memref_slice %arg7[%dma_wait3A, %dma_wait3A_27] : memref<1280x32xf32, #tpu.memory_space<vmem>> -> memref<128x32xf32, #tpu.memory_space<vmem>>
      %dma_wait3A_29 = arith.constant 0 : i32
      %dma_wait3A_30 = tpu.memref_slice %arg6[%run_scoped3A_11, %dma_wait3A_29] : memref<10x128xi32, #tpu.memory_space<vmem>> -> memref<1x128xi32, #tpu.memory_space<vmem>>
      %dma_wait3A_31 = tpu.memref_squeeze %dma_wait3A_30 : memref<1x128xi32, #tpu.memory_space<vmem>> -> memref<128xi32, #tpu.memory_space<vmem>>
      %dma_wait3A_32 = arith.constant 0 : i32
      %dma_wait3A_33 = arith.constant 0 : i32
      %dma_wait3A_34 = tpu.memref_slice %arg9[%dma_wait3A_32, %dma_wait3A_33] : memref<10240x32xf32, #tpu.memory_space<vmem_shared>> -> memref<10240x32xf32, #tpu.memory_space<vmem_shared>>
      tpu.wait_indirect_dma semaphore(%run_scoped3A_18 : memref<!tpu.dma_semaphore, #tpu.memory_space<semaphore_mem>>) src(%dma_wait3A_28 : memref<128x32xf32, #tpu.memory_space<vmem>>) dst(%dma_wait3A_34 : memref<10240x32xf32, #tpu.memory_space<vmem_shared>>)
      tpu.yield
    }) : () -> ()
    %run_scoped3A_12 = arith.constant 8 : i32
    "tpu.region"() ({
      %run_scoped3A_18 = tpu.sem_alloc : memref<!tpu.dma_semaphore, #tpu.memory_space<semaphore_mem>>
      %dma_start3A = arith.constant 1024 : i32
      %dma_start3A_19 = arith.constant 0 : i32
      %dma_start3A_20 = tpu.memref_slice %arg7[%dma_start3A, %dma_start3A_19] : memref<1280x32xf32, #tpu.memory_space<vmem>> -> memref<128x32xf32, #tpu.memory_space<vmem>>
      %dma_start3A_21 = arith.constant 0 : i32
      %dma_start3A_22 = tpu.memref_slice %arg6[%run_scoped3A_12, %dma_start3A_21] : memref<10x128xi32, #tpu.memory_space<vmem>> -> memref<1x128xi32, #tpu.memory_space<vmem>>
      %dma_start3A_23 = tpu.memref_squeeze %dma_start3A_22 : memref<1x128xi32, #tpu.memory_space<vmem>> -> memref<128xi32, #tpu.memory_space<vmem>>
      %dma_start3A_24 = arith.constant 0 : i32
      %dma_start3A_25 = arith.constant 0 : i32
      %dma_start3A_26 = tpu.memref_slice %arg9[%dma_start3A_24, %dma_start3A_25] : memref<10240x32xf32, #tpu.memory_space<vmem_shared>> -> memref<10240x32xf32, #tpu.memory_space<vmem_shared>>
      tpu.enqueue_indirect_dma source(%dma_start3A_20 : memref<128x32xf32, #tpu.memory_space<vmem>>) target(%dma_start3A_26 : memref<10240x32xf32, #tpu.memory_space<vmem_shared>>) offsets(%dma_start3A_23 : memref<128xi32, #tpu.memory_space<vmem>>) semaphore(%run_scoped3A_18 : memref<!tpu.dma_semaphore, #tpu.memory_space<semaphore_mem>>) {add = true}
      %dma_wait3A = arith.constant 1024 : i32
      %dma_wait3A_27 = arith.constant 0 : i32
      %dma_wait3A_28 = tpu.memref_slice %arg7[%dma_wait3A, %dma_wait3A_27] : memref<1280x32xf32, #tpu.memory_space<vmem>> -> memref<128x32xf32, #tpu.memory_space<vmem>>
      %dma_wait3A_29 = arith.constant 0 : i32
      %dma_wait3A_30 = tpu.memref_slice %arg6[%run_scoped3A_12, %dma_wait3A_29] : memref<10x128xi32, #tpu.memory_space<vmem>> -> memref<1x128xi32, #tpu.memory_space<vmem>>
      %dma_wait3A_31 = tpu.memref_squeeze %dma_wait3A_30 : memref<1x128xi32, #tpu.memory_space<vmem>> -> memref<128xi32, #tpu.memory_space<vmem>>
      %dma_wait3A_32 = arith.constant 0 : i32
      %dma_wait3A_33 = arith.constant 0 : i32
      %dma_wait3A_34 = tpu.memref_slice %arg9[%dma_wait3A_32, %dma_wait3A_33] : memref<10240x32xf32, #tpu.memory_space<vmem_shared>> -> memref<10240x32xf32, #tpu.memory_space<vmem_shared>>
      tpu.wait_indirect_dma semaphore(%run_scoped3A_18 : memref<!tpu.dma_semaphore, #tpu.memory_space<semaphore_mem>>) src(%dma_wait3A_28 : memref<128x32xf32, #tpu.memory_space<vmem>>) dst(%dma_wait3A_34 : memref<10240x32xf32, #tpu.memory_space<vmem_shared>>)
      tpu.yield
    }) : () -> ()
    %run_scoped3A_13 = arith.constant 9 : i32
    "tpu.region"() ({
      %run_scoped3A_18 = tpu.sem_alloc : memref<!tpu.dma_semaphore, #tpu.memory_space<semaphore_mem>>
      %dma_start3A = arith.constant 1152 : i32
      %dma_start3A_19 = arith.constant 0 : i32
      %dma_start3A_20 = tpu.memref_slice %arg7[%dma_start3A, %dma_start3A_19] : memref<1280x32xf32, #tpu.memory_space<vmem>> -> memref<128x32xf32, #tpu.memory_space<vmem>>
      %dma_start3A_21 = arith.constant 0 : i32
      %dma_start3A_22 = tpu.memref_slice %arg6[%run_scoped3A_13, %dma_start3A_21] : memref<10x128xi32, #tpu.memory_space<vmem>> -> memref<1x128xi32, #tpu.memory_space<vmem>>
      %dma_start3A_23 = tpu.memref_squeeze %dma_start3A_22 : memref<1x128xi32, #tpu.memory_space<vmem>> -> memref<128xi32, #tpu.memory_space<vmem>>
      %dma_start3A_24 = arith.constant 0 : i32
      %dma_start3A_25 = arith.constant 0 : i32
      %dma_start3A_26 = tpu.memref_slice %arg9[%dma_start3A_24, %dma_start3A_25] : memref<10240x32xf32, #tpu.memory_space<vmem_shared>> -> memref<10240x32xf32, #tpu.memory_space<vmem_shared>>
      tpu.enqueue_indirect_dma source(%dma_start3A_20 : memref<128x32xf32, #tpu.memory_space<vmem>>) target(%dma_start3A_26 : memref<10240x32xf32, #tpu.memory_space<vmem_shared>>) offsets(%dma_start3A_23 : memref<128xi32, #tpu.memory_space<vmem>>) semaphore(%run_scoped3A_18 : memref<!tpu.dma_semaphore, #tpu.memory_space<semaphore_mem>>) {add = true}
      %dma_wait3A = arith.constant 1152 : i32
      %dma_wait3A_27 = arith.constant 0 : i32
      %dma_wait3A_28 = tpu.memref_slice %arg7[%dma_wait3A, %dma_wait3A_27] : memref<1280x32xf32, #tpu.memory_space<vmem>> -> memref<128x32xf32, #tpu.memory_space<vmem>>
      %dma_wait3A_29 = arith.constant 0 : i32
      %dma_wait3A_30 = tpu.memref_slice %arg6[%run_scoped3A_13, %dma_wait3A_29] : memref<10x128xi32, #tpu.memory_space<vmem>> -> memref<1x128xi32, #tpu.memory_space<vmem>>
      %dma_wait3A_31 = tpu.memref_squeeze %dma_wait3A_30 : memref<1x128xi32, #tpu.memory_space<vmem>> -> memref<128xi32, #tpu.memory_space<vmem>>
      %dma_wait3A_32 = arith.constant 0 : i32
      %dma_wait3A_33 = arith.constant 0 : i32
      %dma_wait3A_34 = tpu.memref_slice %arg9[%dma_wait3A_32, %dma_wait3A_33] : memref<10240x32xf32, #tpu.memory_space<vmem_shared>> -> memref<10240x32xf32, #tpu.memory_space<vmem_shared>>
      tpu.wait_indirect_dma semaphore(%run_scoped3A_18 : memref<!tpu.dma_semaphore, #tpu.memory_space<semaphore_mem>>) src(%dma_wait3A_28 : memref<128x32xf32, #tpu.memory_space<vmem>>) dst(%dma_wait3A_34 : memref<10240x32xf32, #tpu.memory_space<vmem_shared>>)
      tpu.yield
    }) : () -> ()
    %barrier3A_14 = arith.constant 0 : index
    tpu.barrier barrier_id(%barrier3A_14)
    %mul3A_15 = arith.constant 10240 : i32
    %mul3A_16 = arith.muli %arg0, %mul3A_15 : i32
    %add3A_17 = arith.addi %mul3A_16, %mul3A_4 : i32
    "tpu.region"() ({
      %run_scoped3A_18 = tpu.sem_alloc : memref<!tpu.dma_semaphore, #tpu.memory_space<semaphore_mem>>
      %dma_start3A = arith.constant 0 : i32
      %dma_start3A_19 = tpu.memref_slice %arg9[%mul3A_4, %dma_start3A] : memref<10240x32xf32, #tpu.memory_space<vmem_shared>> -> memref<640x32xf32, #tpu.memory_space<vmem_shared>>
      %dma_start3A_20 = arith.constant 0 : i32
      %dma_start3A_21 = tpu.memref_slice %arg9[%mul3A_4, %dma_start3A_20] : memref<10240x32xf32, #tpu.memory_space<vmem_shared>> -> memref<640x32xf32, #tpu.memory_space<vmem_shared>>
      tpu.enqueue_dma source(%dma_start3A_21 : memref<640x32xf32, #tpu.memory_space<vmem_shared>>) target(%arg8 : memref<640x32xf32, #tpu.memory_space<vmem>>) target_semaphore(%run_scoped3A_18 : memref<!tpu.dma_semaphore, #tpu.memory_space<semaphore_mem>>)
      %dma_wait3A = arith.constant 0 : i32
      %dma_wait3A_22 = tpu.memref_slice %arg9[%mul3A_4, %dma_wait3A] : memref<10240x32xf32, #tpu.memory_space<vmem_shared>> -> memref<640x32xf32, #tpu.memory_space<vmem_shared>>
      %dma_wait3A_23 = arith.constant 0 : i32
      %dma_wait3A_24 = tpu.memref_slice %arg9[%mul3A_4, %dma_wait3A_23] : memref<10240x32xf32, #tpu.memory_space<vmem_shared>> -> memref<640x32xf32, #tpu.memory_space<vmem_shared>>
      tpu.wait_dma2 semaphore(%run_scoped3A_18 : memref<!tpu.dma_semaphore, #tpu.memory_space<semaphore_mem>>) src(%dma_wait3A_24 : memref<640x32xf32, #tpu.memory_space<vmem_shared>>) dst(%arg8 : memref<640x32xf32, #tpu.memory_space<vmem>>)
      tpu.yield
    }) : () -> ()
    "tpu.region"() ({
      %run_scoped3A_18 = tpu.sem_alloc : memref<!tpu.dma_semaphore, #tpu.memory_space<semaphore_mem>>
      %dma_start3A = arith.constant 0 : i32
      %dma_start3A_19 = tpu.memref_slice %arg5[%add3A_17, %dma_start3A] : memref<20480x32xf32, #tpu.memory_space<hbm>> -> memref<640x32xf32, #tpu.memory_space<hbm>>
      %dma_start3A_20 = arith.constant 0 : i32
      %dma_start3A_21 = tpu.memref_slice %arg5[%add3A_17, %dma_start3A_20] : memref<20480x32xf32, #tpu.memory_space<hbm>> -> memref<640x32xf32, #tpu.memory_space<hbm>>
      tpu.enqueue_dma source(%arg8 : memref<640x32xf32, #tpu.memory_space<vmem>>) target(%dma_start3A_21 : memref<640x32xf32, #tpu.memory_space<hbm>>) target_semaphore(%run_scoped3A_18 : memref<!tpu.dma_semaphore, #tpu.memory_space<semaphore_mem>>)
      %dma_wait3A = arith.constant 0 : i32
      %dma_wait3A_22 = tpu.memref_slice %arg5[%add3A_17, %dma_wait3A] : memref<20480x32xf32, #tpu.memory_space<hbm>> -> memref<640x32xf32, #tpu.memory_space<hbm>>
      %dma_wait3A_23 = arith.constant 0 : i32
      %dma_wait3A_24 = tpu.memref_slice %arg5[%add3A_17, %dma_wait3A_23] : memref<20480x32xf32, #tpu.memory_space<hbm>> -> memref<640x32xf32, #tpu.memory_space<hbm>>
      tpu.wait_dma2 semaphore(%run_scoped3A_18 : memref<!tpu.dma_semaphore, #tpu.memory_space<semaphore_mem>>) src(%arg8 : memref<640x32xf32, #tpu.memory_space<vmem>>) dst(%dma_wait3A_24 : memref<640x32xf32, #tpu.memory_space<hbm>>)
      tpu.yield
    }) : () -> ()
    return
  }
}

#map = affine_map<(d0, d1) -> (0, 0)>
#map1 = affine_map<(d0, d1) -> (0, 0, 0)>
module attributes {stable_mosaic.version = 14 : i64} {
  func.func @_gather_body(%arg0: i32, %arg1: i32, %arg2: memref<10240x32xf32, #tpu.memory_space<hbm>>, %arg3: memref<32x10x128xi32, #tpu.memory_space<hbm>>, %arg4: memref<40960x32xf32, #tpu.memory_space<hbm>>, %arg5: memref<10x128xi32, #tpu.memory_space<vmem>>, %arg6: memref<1280x32xf32, #tpu.memory_space<vmem>>, %arg7: memref<!tpu.dma_semaphore, #tpu.memory_space<semaphore_mem>>) attributes {dimension_semantics = [#tpu.dimension_semantics<core_parallel>, #tpu.dimension_semantics<subcore_parallel>], iteration_bounds = array<i64: 2, 16>, scalar_prefetch = 0 : i64, scratch_operands = 3 : i64, tpu.core_type = #tpu.core_type<sc_vector_subcore>, window_params = [{transform_indices = #map}, {transform_indices = #map1}, {transform_indices = #map}]} {
    %mul3A = arith.constant 2 : i32
    %mul3A_0 = arith.muli %arg1, %mul3A : i32
    %add3A = arith.addi %mul3A_0, %arg0 : i32
    "tpu.region"() ({
      %run_scoped3A = tpu.sem_alloc : memref<!tpu.dma_semaphore, #tpu.memory_space<semaphore_mem>>
      %dma_start3A_201 = arith.constant 0 : i32
      %dma_start3A_202 = arith.constant 0 : i32
      %dma_start3A_203 = tpu.memref_slice %arg3[%add3A, %dma_start3A_201, %dma_start3A_202] : memref<32x10x128xi32, #tpu.memory_space<hbm>> -> memref<1x10x128xi32, #tpu.memory_space<hbm>>
      %dma_start3A_204 = tpu.memref_squeeze %dma_start3A_203 : memref<1x10x128xi32, #tpu.memory_space<hbm>> -> memref<10x128xi32, #tpu.memory_space<hbm>>
      %dma_start3A_205 = arith.constant 0 : i32
      %dma_start3A_206 = arith.constant 0 : i32
      %dma_start3A_207 = tpu.memref_slice %arg3[%add3A, %dma_start3A_205, %dma_start3A_206] : memref<32x10x128xi32, #tpu.memory_space<hbm>> -> memref<1x10x128xi32, #tpu.memory_space<hbm>>
      %dma_start3A_208 = tpu.memref_squeeze %dma_start3A_207 : memref<1x10x128xi32, #tpu.memory_space<hbm>> -> memref<10x128xi32, #tpu.memory_space<hbm>>
      tpu.enqueue_dma source(%dma_start3A_208 : memref<10x128xi32, #tpu.memory_space<hbm>>) target(%arg5 : memref<10x128xi32, #tpu.memory_space<vmem>>) target_semaphore(%run_scoped3A : memref<!tpu.dma_semaphore, #tpu.memory_space<semaphore_mem>>)
      %dma_wait3A_209 = arith.constant 0 : i32
      %dma_wait3A_210 = arith.constant 0 : i32
      %dma_wait3A_211 = tpu.memref_slice %arg3[%add3A, %dma_wait3A_209, %dma_wait3A_210] : memref<32x10x128xi32, #tpu.memory_space<hbm>> -> memref<1x10x128xi32, #tpu.memory_space<hbm>>
      %dma_wait3A_212 = tpu.memref_squeeze %dma_wait3A_211 : memref<1x10x128xi32, #tpu.memory_space<hbm>> -> memref<10x128xi32, #tpu.memory_space<hbm>>
      %dma_wait3A_213 = arith.constant 0 : i32
      %dma_wait3A_214 = arith.constant 0 : i32
      %dma_wait3A_215 = tpu.memref_slice %arg3[%add3A, %dma_wait3A_213, %dma_wait3A_214] : memref<32x10x128xi32, #tpu.memory_space<hbm>> -> memref<1x10x128xi32, #tpu.memory_space<hbm>>
      %dma_wait3A_216 = tpu.memref_squeeze %dma_wait3A_215 : memref<1x10x128xi32, #tpu.memory_space<hbm>> -> memref<10x128xi32, #tpu.memory_space<hbm>>
      tpu.wait_dma2 semaphore(%run_scoped3A : memref<!tpu.dma_semaphore, #tpu.memory_space<semaphore_mem>>) src(%dma_wait3A_216 : memref<10x128xi32, #tpu.memory_space<hbm>>) dst(%arg5 : memref<10x128xi32, #tpu.memory_space<vmem>>)
      tpu.yield
    }) : () -> ()
    %dma_start3A = arith.constant 0 : i32
    %dma_start3A_1 = arith.constant 0 : i32
    %dma_start3A_2 = arith.constant 0 : i32
    %dma_start3A_3 = tpu.memref_slice %arg6[%dma_start3A_1, %dma_start3A_2] : memref<1280x32xf32, #tpu.memory_space<vmem>> -> memref<128x32xf32, #tpu.memory_space<vmem>>
    %dma_start3A_4 = arith.constant 0 : i32
    %dma_start3A_5 = tpu.memref_slice %arg5[%dma_start3A, %dma_start3A_4] : memref<10x128xi32, #tpu.memory_space<vmem>> -> memref<1x128xi32, #tpu.memory_space<vmem>>
    %dma_start3A_6 = tpu.memref_squeeze %dma_start3A_5 : memref<1x128xi32, #tpu.memory_space<vmem>> -> memref<128xi32, #tpu.memory_space<vmem>>
    %dma_start3A_7 = arith.constant 0 : i32
    %dma_start3A_8 = arith.constant 0 : i32
    %dma_start3A_9 = tpu.memref_slice %arg2[%dma_start3A_7, %dma_start3A_8] : memref<10240x32xf32, #tpu.memory_space<hbm>> -> memref<10240x32xf32, #tpu.memory_space<hbm>>
    tpu.enqueue_indirect_dma source(%dma_start3A_9 : memref<10240x32xf32, #tpu.memory_space<hbm>>) target(%dma_start3A_3 : memref<128x32xf32, #tpu.memory_space<vmem>>) offsets(%dma_start3A_6 : memref<128xi32, #tpu.memory_space<vmem>>) semaphore(%arg7 : memref<!tpu.dma_semaphore, #tpu.memory_space<semaphore_mem>>)
    %dma_start3A_10 = arith.constant 1 : i32
    %dma_start3A_11 = arith.constant 128 : i32
    %dma_start3A_12 = arith.constant 0 : i32
    %dma_start3A_13 = tpu.memref_slice %arg6[%dma_start3A_11, %dma_start3A_12] : memref<1280x32xf32, #tpu.memory_space<vmem>> -> memref<128x32xf32, #tpu.memory_space<vmem>>
    %dma_start3A_14 = arith.constant 0 : i32
    %dma_start3A_15 = tpu.memref_slice %arg5[%dma_start3A_10, %dma_start3A_14] : memref<10x128xi32, #tpu.memory_space<vmem>> -> memref<1x128xi32, #tpu.memory_space<vmem>>
    %dma_start3A_16 = tpu.memref_squeeze %dma_start3A_15 : memref<1x128xi32, #tpu.memory_space<vmem>> -> memref<128xi32, #tpu.memory_space<vmem>>
    %dma_start3A_17 = arith.constant 0 : i32
    %dma_start3A_18 = arith.constant 0 : i32
    %dma_start3A_19 = tpu.memref_slice %arg2[%dma_start3A_17, %dma_start3A_18] : memref<10240x32xf32, #tpu.memory_space<hbm>> -> memref<10240x32xf32, #tpu.memory_space<hbm>>
    tpu.enqueue_indirect_dma source(%dma_start3A_19 : memref<10240x32xf32, #tpu.memory_space<hbm>>) target(%dma_start3A_13 : memref<128x32xf32, #tpu.memory_space<vmem>>) offsets(%dma_start3A_16 : memref<128xi32, #tpu.memory_space<vmem>>) semaphore(%arg7 : memref<!tpu.dma_semaphore, #tpu.memory_space<semaphore_mem>>)
    %dma_start3A_20 = arith.constant 2 : i32
    %dma_start3A_21 = arith.constant 256 : i32
    %dma_start3A_22 = arith.constant 0 : i32
    %dma_start3A_23 = tpu.memref_slice %arg6[%dma_start3A_21, %dma_start3A_22] : memref<1280x32xf32, #tpu.memory_space<vmem>> -> memref<128x32xf32, #tpu.memory_space<vmem>>
    %dma_start3A_24 = arith.constant 0 : i32
    %dma_start3A_25 = tpu.memref_slice %arg5[%dma_start3A_20, %dma_start3A_24] : memref<10x128xi32, #tpu.memory_space<vmem>> -> memref<1x128xi32, #tpu.memory_space<vmem>>
    %dma_start3A_26 = tpu.memref_squeeze %dma_start3A_25 : memref<1x128xi32, #tpu.memory_space<vmem>> -> memref<128xi32, #tpu.memory_space<vmem>>
    %dma_start3A_27 = arith.constant 0 : i32
    %dma_start3A_28 = arith.constant 0 : i32
    %dma_start3A_29 = tpu.memref_slice %arg2[%dma_start3A_27, %dma_start3A_28] : memref<10240x32xf32, #tpu.memory_space<hbm>> -> memref<10240x32xf32, #tpu.memory_space<hbm>>
    tpu.enqueue_indirect_dma source(%dma_start3A_29 : memref<10240x32xf32, #tpu.memory_space<hbm>>) target(%dma_start3A_23 : memref<128x32xf32, #tpu.memory_space<vmem>>) offsets(%dma_start3A_26 : memref<128xi32, #tpu.memory_space<vmem>>) semaphore(%arg7 : memref<!tpu.dma_semaphore, #tpu.memory_space<semaphore_mem>>)
    %dma_start3A_30 = arith.constant 3 : i32
    %dma_start3A_31 = arith.constant 384 : i32
    %dma_start3A_32 = arith.constant 0 : i32
    %dma_start3A_33 = tpu.memref_slice %arg6[%dma_start3A_31, %dma_start3A_32] : memref<1280x32xf32, #tpu.memory_space<vmem>> -> memref<128x32xf32, #tpu.memory_space<vmem>>
    %dma_start3A_34 = arith.constant 0 : i32
    %dma_start3A_35 = tpu.memref_slice %arg5[%dma_start3A_30, %dma_start3A_34] : memref<10x128xi32, #tpu.memory_space<vmem>> -> memref<1x128xi32, #tpu.memory_space<vmem>>
    %dma_start3A_36 = tpu.memref_squeeze %dma_start3A_35 : memref<1x128xi32, #tpu.memory_space<vmem>> -> memref<128xi32, #tpu.memory_space<vmem>>
    %dma_start3A_37 = arith.constant 0 : i32
    %dma_start3A_38 = arith.constant 0 : i32
    %dma_start3A_39 = tpu.memref_slice %arg2[%dma_start3A_37, %dma_start3A_38] : memref<10240x32xf32, #tpu.memory_space<hbm>> -> memref<10240x32xf32, #tpu.memory_space<hbm>>
    tpu.enqueue_indirect_dma source(%dma_start3A_39 : memref<10240x32xf32, #tpu.memory_space<hbm>>) target(%dma_start3A_33 : memref<128x32xf32, #tpu.memory_space<vmem>>) offsets(%dma_start3A_36 : memref<128xi32, #tpu.memory_space<vmem>>) semaphore(%arg7 : memref<!tpu.dma_semaphore, #tpu.memory_space<semaphore_mem>>)
    %dma_start3A_40 = arith.constant 4 : i32
    %dma_start3A_41 = arith.constant 512 : i32
    %dma_start3A_42 = arith.constant 0 : i32
    %dma_start3A_43 = tpu.memref_slice %arg6[%dma_start3A_41, %dma_start3A_42] : memref<1280x32xf32, #tpu.memory_space<vmem>> -> memref<128x32xf32, #tpu.memory_space<vmem>>
    %dma_start3A_44 = arith.constant 0 : i32
    %dma_start3A_45 = tpu.memref_slice %arg5[%dma_start3A_40, %dma_start3A_44] : memref<10x128xi32, #tpu.memory_space<vmem>> -> memref<1x128xi32, #tpu.memory_space<vmem>>
    %dma_start3A_46 = tpu.memref_squeeze %dma_start3A_45 : memref<1x128xi32, #tpu.memory_space<vmem>> -> memref<128xi32, #tpu.memory_space<vmem>>
    %dma_start3A_47 = arith.constant 0 : i32
    %dma_start3A_48 = arith.constant 0 : i32
    %dma_start3A_49 = tpu.memref_slice %arg2[%dma_start3A_47, %dma_start3A_48] : memref<10240x32xf32, #tpu.memory_space<hbm>> -> memref<10240x32xf32, #tpu.memory_space<hbm>>
    tpu.enqueue_indirect_dma source(%dma_start3A_49 : memref<10240x32xf32, #tpu.memory_space<hbm>>) target(%dma_start3A_43 : memref<128x32xf32, #tpu.memory_space<vmem>>) offsets(%dma_start3A_46 : memref<128xi32, #tpu.memory_space<vmem>>) semaphore(%arg7 : memref<!tpu.dma_semaphore, #tpu.memory_space<semaphore_mem>>)
    %dma_start3A_50 = arith.constant 5 : i32
    %dma_start3A_51 = arith.constant 640 : i32
    %dma_start3A_52 = arith.constant 0 : i32
    %dma_start3A_53 = tpu.memref_slice %arg6[%dma_start3A_51, %dma_start3A_52] : memref<1280x32xf32, #tpu.memory_space<vmem>> -> memref<128x32xf32, #tpu.memory_space<vmem>>
    %dma_start3A_54 = arith.constant 0 : i32
    %dma_start3A_55 = tpu.memref_slice %arg5[%dma_start3A_50, %dma_start3A_54] : memref<10x128xi32, #tpu.memory_space<vmem>> -> memref<1x128xi32, #tpu.memory_space<vmem>>
    %dma_start3A_56 = tpu.memref_squeeze %dma_start3A_55 : memref<1x128xi32, #tpu.memory_space<vmem>> -> memref<128xi32, #tpu.memory_space<vmem>>
    %dma_start3A_57 = arith.constant 0 : i32
    %dma_start3A_58 = arith.constant 0 : i32
    %dma_start3A_59 = tpu.memref_slice %arg2[%dma_start3A_57, %dma_start3A_58] : memref<10240x32xf32, #tpu.memory_space<hbm>> -> memref<10240x32xf32, #tpu.memory_space<hbm>>
    tpu.enqueue_indirect_dma source(%dma_start3A_59 : memref<10240x32xf32, #tpu.memory_space<hbm>>) target(%dma_start3A_53 : memref<128x32xf32, #tpu.memory_space<vmem>>) offsets(%dma_start3A_56 : memref<128xi32, #tpu.memory_space<vmem>>) semaphore(%arg7 : memref<!tpu.dma_semaphore, #tpu.memory_space<semaphore_mem>>)
    %dma_start3A_60 = arith.constant 6 : i32
    %dma_start3A_61 = arith.constant 768 : i32
    %dma_start3A_62 = arith.constant 0 : i32
    %dma_start3A_63 = tpu.memref_slice %arg6[%dma_start3A_61, %dma_start3A_62] : memref<1280x32xf32, #tpu.memory_space<vmem>> -> memref<128x32xf32, #tpu.memory_space<vmem>>
    %dma_start3A_64 = arith.constant 0 : i32
    %dma_start3A_65 = tpu.memref_slice %arg5[%dma_start3A_60, %dma_start3A_64] : memref<10x128xi32, #tpu.memory_space<vmem>> -> memref<1x128xi32, #tpu.memory_space<vmem>>
    %dma_start3A_66 = tpu.memref_squeeze %dma_start3A_65 : memref<1x128xi32, #tpu.memory_space<vmem>> -> memref<128xi32, #tpu.memory_space<vmem>>
    %dma_start3A_67 = arith.constant 0 : i32
    %dma_start3A_68 = arith.constant 0 : i32
    %dma_start3A_69 = tpu.memref_slice %arg2[%dma_start3A_67, %dma_start3A_68] : memref<10240x32xf32, #tpu.memory_space<hbm>> -> memref<10240x32xf32, #tpu.memory_space<hbm>>
    tpu.enqueue_indirect_dma source(%dma_start3A_69 : memref<10240x32xf32, #tpu.memory_space<hbm>>) target(%dma_start3A_63 : memref<128x32xf32, #tpu.memory_space<vmem>>) offsets(%dma_start3A_66 : memref<128xi32, #tpu.memory_space<vmem>>) semaphore(%arg7 : memref<!tpu.dma_semaphore, #tpu.memory_space<semaphore_mem>>)
    %dma_start3A_70 = arith.constant 7 : i32
    %dma_start3A_71 = arith.constant 896 : i32
    %dma_start3A_72 = arith.constant 0 : i32
    %dma_start3A_73 = tpu.memref_slice %arg6[%dma_start3A_71, %dma_start3A_72] : memref<1280x32xf32, #tpu.memory_space<vmem>> -> memref<128x32xf32, #tpu.memory_space<vmem>>
    %dma_start3A_74 = arith.constant 0 : i32
    %dma_start3A_75 = tpu.memref_slice %arg5[%dma_start3A_70, %dma_start3A_74] : memref<10x128xi32, #tpu.memory_space<vmem>> -> memref<1x128xi32, #tpu.memory_space<vmem>>
    %dma_start3A_76 = tpu.memref_squeeze %dma_start3A_75 : memref<1x128xi32, #tpu.memory_space<vmem>> -> memref<128xi32, #tpu.memory_space<vmem>>
    %dma_start3A_77 = arith.constant 0 : i32
    %dma_start3A_78 = arith.constant 0 : i32
    %dma_start3A_79 = tpu.memref_slice %arg2[%dma_start3A_77, %dma_start3A_78] : memref<10240x32xf32, #tpu.memory_space<hbm>> -> memref<10240x32xf32, #tpu.memory_space<hbm>>
    tpu.enqueue_indirect_dma source(%dma_start3A_79 : memref<10240x32xf32, #tpu.memory_space<hbm>>) target(%dma_start3A_73 : memref<128x32xf32, #tpu.memory_space<vmem>>) offsets(%dma_start3A_76 : memref<128xi32, #tpu.memory_space<vmem>>) semaphore(%arg7 : memref<!tpu.dma_semaphore, #tpu.memory_space<semaphore_mem>>)
    %dma_start3A_80 = arith.constant 8 : i32
    %dma_start3A_81 = arith.constant 1024 : i32
    %dma_start3A_82 = arith.constant 0 : i32
    %dma_start3A_83 = tpu.memref_slice %arg6[%dma_start3A_81, %dma_start3A_82] : memref<1280x32xf32, #tpu.memory_space<vmem>> -> memref<128x32xf32, #tpu.memory_space<vmem>>
    %dma_start3A_84 = arith.constant 0 : i32
    %dma_start3A_85 = tpu.memref_slice %arg5[%dma_start3A_80, %dma_start3A_84] : memref<10x128xi32, #tpu.memory_space<vmem>> -> memref<1x128xi32, #tpu.memory_space<vmem>>
    %dma_start3A_86 = tpu.memref_squeeze %dma_start3A_85 : memref<1x128xi32, #tpu.memory_space<vmem>> -> memref<128xi32, #tpu.memory_space<vmem>>
    %dma_start3A_87 = arith.constant 0 : i32
    %dma_start3A_88 = arith.constant 0 : i32
    %dma_start3A_89 = tpu.memref_slice %arg2[%dma_start3A_87, %dma_start3A_88] : memref<10240x32xf32, #tpu.memory_space<hbm>> -> memref<10240x32xf32, #tpu.memory_space<hbm>>
    tpu.enqueue_indirect_dma source(%dma_start3A_89 : memref<10240x32xf32, #tpu.memory_space<hbm>>) target(%dma_start3A_83 : memref<128x32xf32, #tpu.memory_space<vmem>>) offsets(%dma_start3A_86 : memref<128xi32, #tpu.memory_space<vmem>>) semaphore(%arg7 : memref<!tpu.dma_semaphore, #tpu.memory_space<semaphore_mem>>)
    %dma_start3A_90 = arith.constant 9 : i32
    %dma_start3A_91 = arith.constant 1152 : i32
    %dma_start3A_92 = arith.constant 0 : i32
    %dma_start3A_93 = tpu.memref_slice %arg6[%dma_start3A_91, %dma_start3A_92] : memref<1280x32xf32, #tpu.memory_space<vmem>> -> memref<128x32xf32, #tpu.memory_space<vmem>>
    %dma_start3A_94 = arith.constant 0 : i32
    %dma_start3A_95 = tpu.memref_slice %arg5[%dma_start3A_90, %dma_start3A_94] : memref<10x128xi32, #tpu.memory_space<vmem>> -> memref<1x128xi32, #tpu.memory_space<vmem>>
    %dma_start3A_96 = tpu.memref_squeeze %dma_start3A_95 : memref<1x128xi32, #tpu.memory_space<vmem>> -> memref<128xi32, #tpu.memory_space<vmem>>
    %dma_start3A_97 = arith.constant 0 : i32
    %dma_start3A_98 = arith.constant 0 : i32
    %dma_start3A_99 = tpu.memref_slice %arg2[%dma_start3A_97, %dma_start3A_98] : memref<10240x32xf32, #tpu.memory_space<hbm>> -> memref<10240x32xf32, #tpu.memory_space<hbm>>
    tpu.enqueue_indirect_dma source(%dma_start3A_99 : memref<10240x32xf32, #tpu.memory_space<hbm>>) target(%dma_start3A_93 : memref<128x32xf32, #tpu.memory_space<vmem>>) offsets(%dma_start3A_96 : memref<128xi32, #tpu.memory_space<vmem>>) semaphore(%arg7 : memref<!tpu.dma_semaphore, #tpu.memory_space<semaphore_mem>>)
    %dma_wait3A = arith.constant 0 : i32
    %dma_wait3A_100 = arith.constant 0 : i32
    %dma_wait3A_101 = arith.constant 0 : i32
    %dma_wait3A_102 = tpu.memref_slice %arg6[%dma_wait3A_100, %dma_wait3A_101] : memref<1280x32xf32, #tpu.memory_space<vmem>> -> memref<128x32xf32, #tpu.memory_space<vmem>>
    %dma_wait3A_103 = arith.constant 0 : i32
    %dma_wait3A_104 = tpu.memref_slice %arg5[%dma_wait3A, %dma_wait3A_103] : memref<10x128xi32, #tpu.memory_space<vmem>> -> memref<1x128xi32, #tpu.memory_space<vmem>>
    %dma_wait3A_105 = tpu.memref_squeeze %dma_wait3A_104 : memref<1x128xi32, #tpu.memory_space<vmem>> -> memref<128xi32, #tpu.memory_space<vmem>>
    %dma_wait3A_106 = arith.constant 0 : i32
    %dma_wait3A_107 = arith.constant 0 : i32
    %dma_wait3A_108 = tpu.memref_slice %arg2[%dma_wait3A_106, %dma_wait3A_107] : memref<10240x32xf32, #tpu.memory_space<hbm>> -> memref<10240x32xf32, #tpu.memory_space<hbm>>
    tpu.wait_indirect_dma semaphore(%arg7 : memref<!tpu.dma_semaphore, #tpu.memory_space<semaphore_mem>>) src(%dma_wait3A_108 : memref<10240x32xf32, #tpu.memory_space<hbm>>) dst(%dma_wait3A_102 : memref<128x32xf32, #tpu.memory_space<vmem>>)
    %dma_wait3A_109 = arith.constant 1 : i32
    %dma_wait3A_110 = arith.constant 128 : i32
    %dma_wait3A_111 = arith.constant 0 : i32
    %dma_wait3A_112 = tpu.memref_slice %arg6[%dma_wait3A_110, %dma_wait3A_111] : memref<1280x32xf32, #tpu.memory_space<vmem>> -> memref<128x32xf32, #tpu.memory_space<vmem>>
    %dma_wait3A_113 = arith.constant 0 : i32
    %dma_wait3A_114 = tpu.memref_slice %arg5[%dma_wait3A_109, %dma_wait3A_113] : memref<10x128xi32, #tpu.memory_space<vmem>> -> memref<1x128xi32, #tpu.memory_space<vmem>>
    %dma_wait3A_115 = tpu.memref_squeeze %dma_wait3A_114 : memref<1x128xi32, #tpu.memory_space<vmem>> -> memref<128xi32, #tpu.memory_space<vmem>>
    %dma_wait3A_116 = arith.constant 0 : i32
    %dma_wait3A_117 = arith.constant 0 : i32
    %dma_wait3A_118 = tpu.memref_slice %arg2[%dma_wait3A_116, %dma_wait3A_117] : memref<10240x32xf32, #tpu.memory_space<hbm>> -> memref<10240x32xf32, #tpu.memory_space<hbm>>
    tpu.wait_indirect_dma semaphore(%arg7 : memref<!tpu.dma_semaphore, #tpu.memory_space<semaphore_mem>>) src(%dma_wait3A_118 : memref<10240x32xf32, #tpu.memory_space<hbm>>) dst(%dma_wait3A_112 : memref<128x32xf32, #tpu.memory_space<vmem>>)
    %dma_wait3A_119 = arith.constant 2 : i32
    %dma_wait3A_120 = arith.constant 256 : i32
    %dma_wait3A_121 = arith.constant 0 : i32
    %dma_wait3A_122 = tpu.memref_slice %arg6[%dma_wait3A_120, %dma_wait3A_121] : memref<1280x32xf32, #tpu.memory_space<vmem>> -> memref<128x32xf32, #tpu.memory_space<vmem>>
    %dma_wait3A_123 = arith.constant 0 : i32
    %dma_wait3A_124 = tpu.memref_slice %arg5[%dma_wait3A_119, %dma_wait3A_123] : memref<10x128xi32, #tpu.memory_space<vmem>> -> memref<1x128xi32, #tpu.memory_space<vmem>>
    %dma_wait3A_125 = tpu.memref_squeeze %dma_wait3A_124 : memref<1x128xi32, #tpu.memory_space<vmem>> -> memref<128xi32, #tpu.memory_space<vmem>>
    %dma_wait3A_126 = arith.constant 0 : i32
    %dma_wait3A_127 = arith.constant 0 : i32
    %dma_wait3A_128 = tpu.memref_slice %arg2[%dma_wait3A_126, %dma_wait3A_127] : memref<10240x32xf32, #tpu.memory_space<hbm>> -> memref<10240x32xf32, #tpu.memory_space<hbm>>
    tpu.wait_indirect_dma semaphore(%arg7 : memref<!tpu.dma_semaphore, #tpu.memory_space<semaphore_mem>>) src(%dma_wait3A_128 : memref<10240x32xf32, #tpu.memory_space<hbm>>) dst(%dma_wait3A_122 : memref<128x32xf32, #tpu.memory_space<vmem>>)
    %dma_wait3A_129 = arith.constant 3 : i32
    %dma_wait3A_130 = arith.constant 384 : i32
    %dma_wait3A_131 = arith.constant 0 : i32
    %dma_wait3A_132 = tpu.memref_slice %arg6[%dma_wait3A_130, %dma_wait3A_131] : memref<1280x32xf32, #tpu.memory_space<vmem>> -> memref<128x32xf32, #tpu.memory_space<vmem>>
    %dma_wait3A_133 = arith.constant 0 : i32
    %dma_wait3A_134 = tpu.memref_slice %arg5[%dma_wait3A_129, %dma_wait3A_133] : memref<10x128xi32, #tpu.memory_space<vmem>> -> memref<1x128xi32, #tpu.memory_space<vmem>>
    %dma_wait3A_135 = tpu.memref_squeeze %dma_wait3A_134 : memref<1x128xi32, #tpu.memory_space<vmem>> -> memref<128xi32, #tpu.memory_space<vmem>>
    %dma_wait3A_136 = arith.constant 0 : i32
    %dma_wait3A_137 = arith.constant 0 : i32
    %dma_wait3A_138 = tpu.memref_slice %arg2[%dma_wait3A_136, %dma_wait3A_137] : memref<10240x32xf32, #tpu.memory_space<hbm>> -> memref<10240x32xf32, #tpu.memory_space<hbm>>
    tpu.wait_indirect_dma semaphore(%arg7 : memref<!tpu.dma_semaphore, #tpu.memory_space<semaphore_mem>>) src(%dma_wait3A_138 : memref<10240x32xf32, #tpu.memory_space<hbm>>) dst(%dma_wait3A_132 : memref<128x32xf32, #tpu.memory_space<vmem>>)
    %dma_wait3A_139 = arith.constant 4 : i32
    %dma_wait3A_140 = arith.constant 512 : i32
    %dma_wait3A_141 = arith.constant 0 : i32
    %dma_wait3A_142 = tpu.memref_slice %arg6[%dma_wait3A_140, %dma_wait3A_141] : memref<1280x32xf32, #tpu.memory_space<vmem>> -> memref<128x32xf32, #tpu.memory_space<vmem>>
    %dma_wait3A_143 = arith.constant 0 : i32
    %dma_wait3A_144 = tpu.memref_slice %arg5[%dma_wait3A_139, %dma_wait3A_143] : memref<10x128xi32, #tpu.memory_space<vmem>> -> memref<1x128xi32, #tpu.memory_space<vmem>>
    %dma_wait3A_145 = tpu.memref_squeeze %dma_wait3A_144 : memref<1x128xi32, #tpu.memory_space<vmem>> -> memref<128xi32, #tpu.memory_space<vmem>>
    %dma_wait3A_146 = arith.constant 0 : i32
    %dma_wait3A_147 = arith.constant 0 : i32
    %dma_wait3A_148 = tpu.memref_slice %arg2[%dma_wait3A_146, %dma_wait3A_147] : memref<10240x32xf32, #tpu.memory_space<hbm>> -> memref<10240x32xf32, #tpu.memory_space<hbm>>
    tpu.wait_indirect_dma semaphore(%arg7 : memref<!tpu.dma_semaphore, #tpu.memory_space<semaphore_mem>>) src(%dma_wait3A_148 : memref<10240x32xf32, #tpu.memory_space<hbm>>) dst(%dma_wait3A_142 : memref<128x32xf32, #tpu.memory_space<vmem>>)
    %dma_wait3A_149 = arith.constant 5 : i32
    %dma_wait3A_150 = arith.constant 640 : i32
    %dma_wait3A_151 = arith.constant 0 : i32
    %dma_wait3A_152 = tpu.memref_slice %arg6[%dma_wait3A_150, %dma_wait3A_151] : memref<1280x32xf32, #tpu.memory_space<vmem>> -> memref<128x32xf32, #tpu.memory_space<vmem>>
    %dma_wait3A_153 = arith.constant 0 : i32
    %dma_wait3A_154 = tpu.memref_slice %arg5[%dma_wait3A_149, %dma_wait3A_153] : memref<10x128xi32, #tpu.memory_space<vmem>> -> memref<1x128xi32, #tpu.memory_space<vmem>>
    %dma_wait3A_155 = tpu.memref_squeeze %dma_wait3A_154 : memref<1x128xi32, #tpu.memory_space<vmem>> -> memref<128xi32, #tpu.memory_space<vmem>>
    %dma_wait3A_156 = arith.constant 0 : i32
    %dma_wait3A_157 = arith.constant 0 : i32
    %dma_wait3A_158 = tpu.memref_slice %arg2[%dma_wait3A_156, %dma_wait3A_157] : memref<10240x32xf32, #tpu.memory_space<hbm>> -> memref<10240x32xf32, #tpu.memory_space<hbm>>
    tpu.wait_indirect_dma semaphore(%arg7 : memref<!tpu.dma_semaphore, #tpu.memory_space<semaphore_mem>>) src(%dma_wait3A_158 : memref<10240x32xf32, #tpu.memory_space<hbm>>) dst(%dma_wait3A_152 : memref<128x32xf32, #tpu.memory_space<vmem>>)
    %dma_wait3A_159 = arith.constant 6 : i32
    %dma_wait3A_160 = arith.constant 768 : i32
    %dma_wait3A_161 = arith.constant 0 : i32
    %dma_wait3A_162 = tpu.memref_slice %arg6[%dma_wait3A_160, %dma_wait3A_161] : memref<1280x32xf32, #tpu.memory_space<vmem>> -> memref<128x32xf32, #tpu.memory_space<vmem>>
    %dma_wait3A_163 = arith.constant 0 : i32
    %dma_wait3A_164 = tpu.memref_slice %arg5[%dma_wait3A_159, %dma_wait3A_163] : memref<10x128xi32, #tpu.memory_space<vmem>> -> memref<1x128xi32, #tpu.memory_space<vmem>>
    %dma_wait3A_165 = tpu.memref_squeeze %dma_wait3A_164 : memref<1x128xi32, #tpu.memory_space<vmem>> -> memref<128xi32, #tpu.memory_space<vmem>>
    %dma_wait3A_166 = arith.constant 0 : i32
    %dma_wait3A_167 = arith.constant 0 : i32
    %dma_wait3A_168 = tpu.memref_slice %arg2[%dma_wait3A_166, %dma_wait3A_167] : memref<10240x32xf32, #tpu.memory_space<hbm>> -> memref<10240x32xf32, #tpu.memory_space<hbm>>
    tpu.wait_indirect_dma semaphore(%arg7 : memref<!tpu.dma_semaphore, #tpu.memory_space<semaphore_mem>>) src(%dma_wait3A_168 : memref<10240x32xf32, #tpu.memory_space<hbm>>) dst(%dma_wait3A_162 : memref<128x32xf32, #tpu.memory_space<vmem>>)
    %dma_wait3A_169 = arith.constant 7 : i32
    %dma_wait3A_170 = arith.constant 896 : i32
    %dma_wait3A_171 = arith.constant 0 : i32
    %dma_wait3A_172 = tpu.memref_slice %arg6[%dma_wait3A_170, %dma_wait3A_171] : memref<1280x32xf32, #tpu.memory_space<vmem>> -> memref<128x32xf32, #tpu.memory_space<vmem>>
    %dma_wait3A_173 = arith.constant 0 : i32
    %dma_wait3A_174 = tpu.memref_slice %arg5[%dma_wait3A_169, %dma_wait3A_173] : memref<10x128xi32, #tpu.memory_space<vmem>> -> memref<1x128xi32, #tpu.memory_space<vmem>>
    %dma_wait3A_175 = tpu.memref_squeeze %dma_wait3A_174 : memref<1x128xi32, #tpu.memory_space<vmem>> -> memref<128xi32, #tpu.memory_space<vmem>>
    %dma_wait3A_176 = arith.constant 0 : i32
    %dma_wait3A_177 = arith.constant 0 : i32
    %dma_wait3A_178 = tpu.memref_slice %arg2[%dma_wait3A_176, %dma_wait3A_177] : memref<10240x32xf32, #tpu.memory_space<hbm>> -> memref<10240x32xf32, #tpu.memory_space<hbm>>
    tpu.wait_indirect_dma semaphore(%arg7 : memref<!tpu.dma_semaphore, #tpu.memory_space<semaphore_mem>>) src(%dma_wait3A_178 : memref<10240x32xf32, #tpu.memory_space<hbm>>) dst(%dma_wait3A_172 : memref<128x32xf32, #tpu.memory_space<vmem>>)
    %dma_wait3A_179 = arith.constant 8 : i32
    %dma_wait3A_180 = arith.constant 1024 : i32
    %dma_wait3A_181 = arith.constant 0 : i32
    %dma_wait3A_182 = tpu.memref_slice %arg6[%dma_wait3A_180, %dma_wait3A_181] : memref<1280x32xf32, #tpu.memory_space<vmem>> -> memref<128x32xf32, #tpu.memory_space<vmem>>
    %dma_wait3A_183 = arith.constant 0 : i32
    %dma_wait3A_184 = tpu.memref_slice %arg5[%dma_wait3A_179, %dma_wait3A_183] : memref<10x128xi32, #tpu.memory_space<vmem>> -> memref<1x128xi32, #tpu.memory_space<vmem>>
    %dma_wait3A_185 = tpu.memref_squeeze %dma_wait3A_184 : memref<1x128xi32, #tpu.memory_space<vmem>> -> memref<128xi32, #tpu.memory_space<vmem>>
    %dma_wait3A_186 = arith.constant 0 : i32
    %dma_wait3A_187 = arith.constant 0 : i32
    %dma_wait3A_188 = tpu.memref_slice %arg2[%dma_wait3A_186, %dma_wait3A_187] : memref<10240x32xf32, #tpu.memory_space<hbm>> -> memref<10240x32xf32, #tpu.memory_space<hbm>>
    tpu.wait_indirect_dma semaphore(%arg7 : memref<!tpu.dma_semaphore, #tpu.memory_space<semaphore_mem>>) src(%dma_wait3A_188 : memref<10240x32xf32, #tpu.memory_space<hbm>>) dst(%dma_wait3A_182 : memref<128x32xf32, #tpu.memory_space<vmem>>)
    %dma_wait3A_189 = arith.constant 9 : i32
    %dma_wait3A_190 = arith.constant 1152 : i32
    %dma_wait3A_191 = arith.constant 0 : i32
    %dma_wait3A_192 = tpu.memref_slice %arg6[%dma_wait3A_190, %dma_wait3A_191] : memref<1280x32xf32, #tpu.memory_space<vmem>> -> memref<128x32xf32, #tpu.memory_space<vmem>>
    %dma_wait3A_193 = arith.constant 0 : i32
    %dma_wait3A_194 = tpu.memref_slice %arg5[%dma_wait3A_189, %dma_wait3A_193] : memref<10x128xi32, #tpu.memory_space<vmem>> -> memref<1x128xi32, #tpu.memory_space<vmem>>
    %dma_wait3A_195 = tpu.memref_squeeze %dma_wait3A_194 : memref<1x128xi32, #tpu.memory_space<vmem>> -> memref<128xi32, #tpu.memory_space<vmem>>
    %dma_wait3A_196 = arith.constant 0 : i32
    %dma_wait3A_197 = arith.constant 0 : i32
    %dma_wait3A_198 = tpu.memref_slice %arg2[%dma_wait3A_196, %dma_wait3A_197] : memref<10240x32xf32, #tpu.memory_space<hbm>> -> memref<10240x32xf32, #tpu.memory_space<hbm>>
    tpu.wait_indirect_dma semaphore(%arg7 : memref<!tpu.dma_semaphore, #tpu.memory_space<semaphore_mem>>) src(%dma_wait3A_198 : memref<10240x32xf32, #tpu.memory_space<hbm>>) dst(%dma_wait3A_192 : memref<128x32xf32, #tpu.memory_space<vmem>>)
    %mul3A_199 = arith.constant 1280 : i32
    %mul3A_200 = arith.muli %add3A, %mul3A_199 : i32
    "tpu.region"() ({
      %run_scoped3A = tpu.sem_alloc : memref<!tpu.dma_semaphore, #tpu.memory_space<semaphore_mem>>
      %dma_start3A_201 = arith.constant 0 : i32
      %dma_start3A_202 = tpu.memref_slice %arg4[%mul3A_200, %dma_start3A_201] : memref<40960x32xf32, #tpu.memory_space<hbm>> -> memref<1280x32xf32, #tpu.memory_space<hbm>>
      %dma_start3A_203 = arith.constant 0 : i32
      %dma_start3A_204 = tpu.memref_slice %arg4[%mul3A_200, %dma_start3A_203] : memref<40960x32xf32, #tpu.memory_space<hbm>> -> memref<1280x32xf32, #tpu.memory_space<hbm>>
      tpu.enqueue_dma source(%arg6 : memref<1280x32xf32, #tpu.memory_space<vmem>>) target(%dma_start3A_204 : memref<1280x32xf32, #tpu.memory_space<hbm>>) target_semaphore(%run_scoped3A : memref<!tpu.dma_semaphore, #tpu.memory_space<semaphore_mem>>)
      %dma_wait3A_205 = arith.constant 0 : i32
      %dma_wait3A_206 = tpu.memref_slice %arg4[%mul3A_200, %dma_wait3A_205] : memref<40960x32xf32, #tpu.memory_space<hbm>> -> memref<1280x32xf32, #tpu.memory_space<hbm>>
      %dma_wait3A_207 = arith.constant 0 : i32
      %dma_wait3A_208 = tpu.memref_slice %arg4[%mul3A_200, %dma_wait3A_207] : memref<40960x32xf32, #tpu.memory_space<hbm>> -> memref<1280x32xf32, #tpu.memory_space<hbm>>
      tpu.wait_dma2 semaphore(%run_scoped3A : memref<!tpu.dma_semaphore, #tpu.memory_space<semaphore_mem>>) src(%arg6 : memref<1280x32xf32, #tpu.memory_space<vmem>>) dst(%dma_wait3A_208 : memref<1280x32xf32, #tpu.memory_space<hbm>>)
      tpu.yield
    }) : () -> ()
    return
  }
}

#map = affine_map<(d0, d1) -> (0, 0)>
#map1 = affine_map<(d0, d1) -> (0, 0, 0)>
module attributes {stable_mosaic.version = 14 : i64} {
  func.func @_gather_body(%arg0: i32, %arg1: i32, %arg2: memref<10240x32xf32, #tpu.memory_space<hbm>>, %arg3: memref<32x10x128xi32, #tpu.memory_space<hbm>>, %arg4: memref<40960x32xf32, #tpu.memory_space<hbm>>, %arg5: memref<10x128xi32, #tpu.memory_space<vmem>>, %arg6: memref<1280x32xf32, #tpu.memory_space<vmem>>, %arg7: memref<!tpu.dma_semaphore, #tpu.memory_space<semaphore_mem>>) attributes {dimension_semantics = [#tpu.dimension_semantics<core_parallel>, #tpu.dimension_semantics<subcore_parallel>], iteration_bounds = array<i64: 2, 16>, scalar_prefetch = 0 : i64, scratch_operands = 3 : i64, tpu.core_type = #tpu.core_type<sc_vector_subcore>, window_params = [{transform_indices = #map}, {transform_indices = #map1}, {transform_indices = #map}]} {
    %mul3A = arith.constant 2 : i32
    %mul3A_0 = arith.muli %arg1, %mul3A : i32
    %add3A = arith.addi %mul3A_0, %arg0 : i32
    "tpu.region"() ({
      %run_scoped3A = tpu.sem_alloc : memref<!tpu.dma_semaphore, #tpu.memory_space<semaphore_mem>>
      %dma_start3A_201 = arith.constant 0 : i32
      %dma_start3A_202 = arith.constant 0 : i32
      %dma_start3A_203 = tpu.memref_slice %arg3[%add3A, %dma_start3A_201, %dma_start3A_202] : memref<32x10x128xi32, #tpu.memory_space<hbm>> -> memref<1x10x128xi32, #tpu.memory_space<hbm>>
      %dma_start3A_204 = tpu.memref_squeeze %dma_start3A_203 : memref<1x10x128xi32, #tpu.memory_space<hbm>> -> memref<10x128xi32, #tpu.memory_space<hbm>>
      %dma_start3A_205 = arith.constant 0 : i32
      %dma_start3A_206 = arith.constant 0 : i32
      %dma_start3A_207 = tpu.memref_slice %arg3[%add3A, %dma_start3A_205, %dma_start3A_206] : memref<32x10x128xi32, #tpu.memory_space<hbm>> -> memref<1x10x128xi32, #tpu.memory_space<hbm>>
      %dma_start3A_208 = tpu.memref_squeeze %dma_start3A_207 : memref<1x10x128xi32, #tpu.memory_space<hbm>> -> memref<10x128xi32, #tpu.memory_space<hbm>>
      tpu.enqueue_dma source(%dma_start3A_208 : memref<10x128xi32, #tpu.memory_space<hbm>>) target(%arg5 : memref<10x128xi32, #tpu.memory_space<vmem>>) target_semaphore(%run_scoped3A : memref<!tpu.dma_semaphore, #tpu.memory_space<semaphore_mem>>)
      %dma_wait3A_209 = arith.constant 0 : i32
      %dma_wait3A_210 = arith.constant 0 : i32
      %dma_wait3A_211 = tpu.memref_slice %arg3[%add3A, %dma_wait3A_209, %dma_wait3A_210] : memref<32x10x128xi32, #tpu.memory_space<hbm>> -> memref<1x10x128xi32, #tpu.memory_space<hbm>>
      %dma_wait3A_212 = tpu.memref_squeeze %dma_wait3A_211 : memref<1x10x128xi32, #tpu.memory_space<hbm>> -> memref<10x128xi32, #tpu.memory_space<hbm>>
      %dma_wait3A_213 = arith.constant 0 : i32
      %dma_wait3A_214 = arith.constant 0 : i32
      %dma_wait3A_215 = tpu.memref_slice %arg3[%add3A, %dma_wait3A_213, %dma_wait3A_214] : memref<32x10x128xi32, #tpu.memory_space<hbm>> -> memref<1x10x128xi32, #tpu.memory_space<hbm>>
      %dma_wait3A_216 = tpu.memref_squeeze %dma_wait3A_215 : memref<1x10x128xi32, #tpu.memory_space<hbm>> -> memref<10x128xi32, #tpu.memory_space<hbm>>
      tpu.wait_dma2 semaphore(%run_scoped3A : memref<!tpu.dma_semaphore, #tpu.memory_space<semaphore_mem>>) src(%dma_wait3A_216 : memref<10x128xi32, #tpu.memory_space<hbm>>) dst(%arg5 : memref<10x128xi32, #tpu.memory_space<vmem>>)
      tpu.yield
    }) : () -> ()
    %dma_start3A = arith.constant 0 : i32
    %dma_start3A_1 = arith.constant 0 : i32
    %dma_start3A_2 = arith.constant 0 : i32
    %dma_start3A_3 = tpu.memref_slice %arg6[%dma_start3A_1, %dma_start3A_2] : memref<1280x32xf32, #tpu.memory_space<vmem>> -> memref<128x32xf32, #tpu.memory_space<vmem>>
    %dma_start3A_4 = arith.constant 0 : i32
    %dma_start3A_5 = tpu.memref_slice %arg5[%dma_start3A, %dma_start3A_4] : memref<10x128xi32, #tpu.memory_space<vmem>> -> memref<1x128xi32, #tpu.memory_space<vmem>>
    %dma_start3A_6 = tpu.memref_squeeze %dma_start3A_5 : memref<1x128xi32, #tpu.memory_space<vmem>> -> memref<128xi32, #tpu.memory_space<vmem>>
    %dma_start3A_7 = arith.constant 0 : i32
    %dma_start3A_8 = arith.constant 0 : i32
    %dma_start3A_9 = tpu.memref_slice %arg2[%dma_start3A_7, %dma_start3A_8] : memref<10240x32xf32, #tpu.memory_space<hbm>> -> memref<10240x32xf32, #tpu.memory_space<hbm>>
    tpu.enqueue_indirect_dma source(%dma_start3A_9 : memref<10240x32xf32, #tpu.memory_space<hbm>>) target(%dma_start3A_3 : memref<128x32xf32, #tpu.memory_space<vmem>>) offsets(%dma_start3A_6 : memref<128xi32, #tpu.memory_space<vmem>>) semaphore(%arg7 : memref<!tpu.dma_semaphore, #tpu.memory_space<semaphore_mem>>)
    %dma_start3A_10 = arith.constant 1 : i32
    %dma_start3A_11 = arith.constant 128 : i32
    %dma_start3A_12 = arith.constant 0 : i32
    %dma_start3A_13 = tpu.memref_slice %arg6[%dma_start3A_11, %dma_start3A_12] : memref<1280x32xf32, #tpu.memory_space<vmem>> -> memref<128x32xf32, #tpu.memory_space<vmem>>
    %dma_start3A_14 = arith.constant 0 : i32
    %dma_start3A_15 = tpu.memref_slice %arg5[%dma_start3A_10, %dma_start3A_14] : memref<10x128xi32, #tpu.memory_space<vmem>> -> memref<1x128xi32, #tpu.memory_space<vmem>>
    %dma_start3A_16 = tpu.memref_squeeze %dma_start3A_15 : memref<1x128xi32, #tpu.memory_space<vmem>> -> memref<128xi32, #tpu.memory_space<vmem>>
    %dma_start3A_17 = arith.constant 0 : i32
    %dma_start3A_18 = arith.constant 0 : i32
    %dma_start3A_19 = tpu.memref_slice %arg2[%dma_start3A_17, %dma_start3A_18] : memref<10240x32xf32, #tpu.memory_space<hbm>> -> memref<10240x32xf32, #tpu.memory_space<hbm>>
    tpu.enqueue_indirect_dma source(%dma_start3A_19 : memref<10240x32xf32, #tpu.memory_space<hbm>>) target(%dma_start3A_13 : memref<128x32xf32, #tpu.memory_space<vmem>>) offsets(%dma_start3A_16 : memref<128xi32, #tpu.memory_space<vmem>>) semaphore(%arg7 : memref<!tpu.dma_semaphore, #tpu.memory_space<semaphore_mem>>)
    %dma_start3A_20 = arith.constant 2 : i32
    %dma_start3A_21 = arith.constant 256 : i32
    %dma_start3A_22 = arith.constant 0 : i32
    %dma_start3A_23 = tpu.memref_slice %arg6[%dma_start3A_21, %dma_start3A_22] : memref<1280x32xf32, #tpu.memory_space<vmem>> -> memref<128x32xf32, #tpu.memory_space<vmem>>
    %dma_start3A_24 = arith.constant 0 : i32
    %dma_start3A_25 = tpu.memref_slice %arg5[%dma_start3A_20, %dma_start3A_24] : memref<10x128xi32, #tpu.memory_space<vmem>> -> memref<1x128xi32, #tpu.memory_space<vmem>>
    %dma_start3A_26 = tpu.memref_squeeze %dma_start3A_25 : memref<1x128xi32, #tpu.memory_space<vmem>> -> memref<128xi32, #tpu.memory_space<vmem>>
    %dma_start3A_27 = arith.constant 0 : i32
    %dma_start3A_28 = arith.constant 0 : i32
    %dma_start3A_29 = tpu.memref_slice %arg2[%dma_start3A_27, %dma_start3A_28] : memref<10240x32xf32, #tpu.memory_space<hbm>> -> memref<10240x32xf32, #tpu.memory_space<hbm>>
    tpu.enqueue_indirect_dma source(%dma_start3A_29 : memref<10240x32xf32, #tpu.memory_space<hbm>>) target(%dma_start3A_23 : memref<128x32xf32, #tpu.memory_space<vmem>>) offsets(%dma_start3A_26 : memref<128xi32, #tpu.memory_space<vmem>>) semaphore(%arg7 : memref<!tpu.dma_semaphore, #tpu.memory_space<semaphore_mem>>)
    %dma_start3A_30 = arith.constant 3 : i32
    %dma_start3A_31 = arith.constant 384 : i32
    %dma_start3A_32 = arith.constant 0 : i32
    %dma_start3A_33 = tpu.memref_slice %arg6[%dma_start3A_31, %dma_start3A_32] : memref<1280x32xf32, #tpu.memory_space<vmem>> -> memref<128x32xf32, #tpu.memory_space<vmem>>
    %dma_start3A_34 = arith.constant 0 : i32
    %dma_start3A_35 = tpu.memref_slice %arg5[%dma_start3A_30, %dma_start3A_34] : memref<10x128xi32, #tpu.memory_space<vmem>> -> memref<1x128xi32, #tpu.memory_space<vmem>>
    %dma_start3A_36 = tpu.memref_squeeze %dma_start3A_35 : memref<1x128xi32, #tpu.memory_space<vmem>> -> memref<128xi32, #tpu.memory_space<vmem>>
    %dma_start3A_37 = arith.constant 0 : i32
    %dma_start3A_38 = arith.constant 0 : i32
    %dma_start3A_39 = tpu.memref_slice %arg2[%dma_start3A_37, %dma_start3A_38] : memref<10240x32xf32, #tpu.memory_space<hbm>> -> memref<10240x32xf32, #tpu.memory_space<hbm>>
    tpu.enqueue_indirect_dma source(%dma_start3A_39 : memref<10240x32xf32, #tpu.memory_space<hbm>>) target(%dma_start3A_33 : memref<128x32xf32, #tpu.memory_space<vmem>>) offsets(%dma_start3A_36 : memref<128xi32, #tpu.memory_space<vmem>>) semaphore(%arg7 : memref<!tpu.dma_semaphore, #tpu.memory_space<semaphore_mem>>)
    %dma_start3A_40 = arith.constant 4 : i32
    %dma_start3A_41 = arith.constant 512 : i32
    %dma_start3A_42 = arith.constant 0 : i32
    %dma_start3A_43 = tpu.memref_slice %arg6[%dma_start3A_41, %dma_start3A_42] : memref<1280x32xf32, #tpu.memory_space<vmem>> -> memref<128x32xf32, #tpu.memory_space<vmem>>
    %dma_start3A_44 = arith.constant 0 : i32
    %dma_start3A_45 = tpu.memref_slice %arg5[%dma_start3A_40, %dma_start3A_44] : memref<10x128xi32, #tpu.memory_space<vmem>> -> memref<1x128xi32, #tpu.memory_space<vmem>>
    %dma_start3A_46 = tpu.memref_squeeze %dma_start3A_45 : memref<1x128xi32, #tpu.memory_space<vmem>> -> memref<128xi32, #tpu.memory_space<vmem>>
    %dma_start3A_47 = arith.constant 0 : i32
    %dma_start3A_48 = arith.constant 0 : i32
    %dma_start3A_49 = tpu.memref_slice %arg2[%dma_start3A_47, %dma_start3A_48] : memref<10240x32xf32, #tpu.memory_space<hbm>> -> memref<10240x32xf32, #tpu.memory_space<hbm>>
    tpu.enqueue_indirect_dma source(%dma_start3A_49 : memref<10240x32xf32, #tpu.memory_space<hbm>>) target(%dma_start3A_43 : memref<128x32xf32, #tpu.memory_space<vmem>>) offsets(%dma_start3A_46 : memref<128xi32, #tpu.memory_space<vmem>>) semaphore(%arg7 : memref<!tpu.dma_semaphore, #tpu.memory_space<semaphore_mem>>)
    %dma_start3A_50 = arith.constant 5 : i32
    %dma_start3A_51 = arith.constant 640 : i32
    %dma_start3A_52 = arith.constant 0 : i32
    %dma_start3A_53 = tpu.memref_slice %arg6[%dma_start3A_51, %dma_start3A_52] : memref<1280x32xf32, #tpu.memory_space<vmem>> -> memref<128x32xf32, #tpu.memory_space<vmem>>
    %dma_start3A_54 = arith.constant 0 : i32
    %dma_start3A_55 = tpu.memref_slice %arg5[%dma_start3A_50, %dma_start3A_54] : memref<10x128xi32, #tpu.memory_space<vmem>> -> memref<1x128xi32, #tpu.memory_space<vmem>>
    %dma_start3A_56 = tpu.memref_squeeze %dma_start3A_55 : memref<1x128xi32, #tpu.memory_space<vmem>> -> memref<128xi32, #tpu.memory_space<vmem>>
    %dma_start3A_57 = arith.constant 0 : i32
    %dma_start3A_58 = arith.constant 0 : i32
    %dma_start3A_59 = tpu.memref_slice %arg2[%dma_start3A_57, %dma_start3A_58] : memref<10240x32xf32, #tpu.memory_space<hbm>> -> memref<10240x32xf32, #tpu.memory_space<hbm>>
    tpu.enqueue_indirect_dma source(%dma_start3A_59 : memref<10240x32xf32, #tpu.memory_space<hbm>>) target(%dma_start3A_53 : memref<128x32xf32, #tpu.memory_space<vmem>>) offsets(%dma_start3A_56 : memref<128xi32, #tpu.memory_space<vmem>>) semaphore(%arg7 : memref<!tpu.dma_semaphore, #tpu.memory_space<semaphore_mem>>)
    %dma_start3A_60 = arith.constant 6 : i32
    %dma_start3A_61 = arith.constant 768 : i32
    %dma_start3A_62 = arith.constant 0 : i32
    %dma_start3A_63 = tpu.memref_slice %arg6[%dma_start3A_61, %dma_start3A_62] : memref<1280x32xf32, #tpu.memory_space<vmem>> -> memref<128x32xf32, #tpu.memory_space<vmem>>
    %dma_start3A_64 = arith.constant 0 : i32
    %dma_start3A_65 = tpu.memref_slice %arg5[%dma_start3A_60, %dma_start3A_64] : memref<10x128xi32, #tpu.memory_space<vmem>> -> memref<1x128xi32, #tpu.memory_space<vmem>>
    %dma_start3A_66 = tpu.memref_squeeze %dma_start3A_65 : memref<1x128xi32, #tpu.memory_space<vmem>> -> memref<128xi32, #tpu.memory_space<vmem>>
    %dma_start3A_67 = arith.constant 0 : i32
    %dma_start3A_68 = arith.constant 0 : i32
    %dma_start3A_69 = tpu.memref_slice %arg2[%dma_start3A_67, %dma_start3A_68] : memref<10240x32xf32, #tpu.memory_space<hbm>> -> memref<10240x32xf32, #tpu.memory_space<hbm>>
    tpu.enqueue_indirect_dma source(%dma_start3A_69 : memref<10240x32xf32, #tpu.memory_space<hbm>>) target(%dma_start3A_63 : memref<128x32xf32, #tpu.memory_space<vmem>>) offsets(%dma_start3A_66 : memref<128xi32, #tpu.memory_space<vmem>>) semaphore(%arg7 : memref<!tpu.dma_semaphore, #tpu.memory_space<semaphore_mem>>)
    %dma_start3A_70 = arith.constant 7 : i32
    %dma_start3A_71 = arith.constant 896 : i32
    %dma_start3A_72 = arith.constant 0 : i32
    %dma_start3A_73 = tpu.memref_slice %arg6[%dma_start3A_71, %dma_start3A_72] : memref<1280x32xf32, #tpu.memory_space<vmem>> -> memref<128x32xf32, #tpu.memory_space<vmem>>
    %dma_start3A_74 = arith.constant 0 : i32
    %dma_start3A_75 = tpu.memref_slice %arg5[%dma_start3A_70, %dma_start3A_74] : memref<10x128xi32, #tpu.memory_space<vmem>> -> memref<1x128xi32, #tpu.memory_space<vmem>>
    %dma_start3A_76 = tpu.memref_squeeze %dma_start3A_75 : memref<1x128xi32, #tpu.memory_space<vmem>> -> memref<128xi32, #tpu.memory_space<vmem>>
    %dma_start3A_77 = arith.constant 0 : i32
    %dma_start3A_78 = arith.constant 0 : i32
    %dma_start3A_79 = tpu.memref_slice %arg2[%dma_start3A_77, %dma_start3A_78] : memref<10240x32xf32, #tpu.memory_space<hbm>> -> memref<10240x32xf32, #tpu.memory_space<hbm>>
    tpu.enqueue_indirect_dma source(%dma_start3A_79 : memref<10240x32xf32, #tpu.memory_space<hbm>>) target(%dma_start3A_73 : memref<128x32xf32, #tpu.memory_space<vmem>>) offsets(%dma_start3A_76 : memref<128xi32, #tpu.memory_space<vmem>>) semaphore(%arg7 : memref<!tpu.dma_semaphore, #tpu.memory_space<semaphore_mem>>)
    %dma_start3A_80 = arith.constant 8 : i32
    %dma_start3A_81 = arith.constant 1024 : i32
    %dma_start3A_82 = arith.constant 0 : i32
    %dma_start3A_83 = tpu.memref_slice %arg6[%dma_start3A_81, %dma_start3A_82] : memref<1280x32xf32, #tpu.memory_space<vmem>> -> memref<128x32xf32, #tpu.memory_space<vmem>>
    %dma_start3A_84 = arith.constant 0 : i32
    %dma_start3A_85 = tpu.memref_slice %arg5[%dma_start3A_80, %dma_start3A_84] : memref<10x128xi32, #tpu.memory_space<vmem>> -> memref<1x128xi32, #tpu.memory_space<vmem>>
    %dma_start3A_86 = tpu.memref_squeeze %dma_start3A_85 : memref<1x128xi32, #tpu.memory_space<vmem>> -> memref<128xi32, #tpu.memory_space<vmem>>
    %dma_start3A_87 = arith.constant 0 : i32
    %dma_start3A_88 = arith.constant 0 : i32
    %dma_start3A_89 = tpu.memref_slice %arg2[%dma_start3A_87, %dma_start3A_88] : memref<10240x32xf32, #tpu.memory_space<hbm>> -> memref<10240x32xf32, #tpu.memory_space<hbm>>
    tpu.enqueue_indirect_dma source(%dma_start3A_89 : memref<10240x32xf32, #tpu.memory_space<hbm>>) target(%dma_start3A_83 : memref<128x32xf32, #tpu.memory_space<vmem>>) offsets(%dma_start3A_86 : memref<128xi32, #tpu.memory_space<vmem>>) semaphore(%arg7 : memref<!tpu.dma_semaphore, #tpu.memory_space<semaphore_mem>>)
    %dma_start3A_90 = arith.constant 9 : i32
    %dma_start3A_91 = arith.constant 1152 : i32
    %dma_start3A_92 = arith.constant 0 : i32
    %dma_start3A_93 = tpu.memref_slice %arg6[%dma_start3A_91, %dma_start3A_92] : memref<1280x32xf32, #tpu.memory_space<vmem>> -> memref<128x32xf32, #tpu.memory_space<vmem>>
    %dma_start3A_94 = arith.constant 0 : i32
    %dma_start3A_95 = tpu.memref_slice %arg5[%dma_start3A_90, %dma_start3A_94] : memref<10x128xi32, #tpu.memory_space<vmem>> -> memref<1x128xi32, #tpu.memory_space<vmem>>
    %dma_start3A_96 = tpu.memref_squeeze %dma_start3A_95 : memref<1x128xi32, #tpu.memory_space<vmem>> -> memref<128xi32, #tpu.memory_space<vmem>>
    %dma_start3A_97 = arith.constant 0 : i32
    %dma_start3A_98 = arith.constant 0 : i32
    %dma_start3A_99 = tpu.memref_slice %arg2[%dma_start3A_97, %dma_start3A_98] : memref<10240x32xf32, #tpu.memory_space<hbm>> -> memref<10240x32xf32, #tpu.memory_space<hbm>>
    tpu.enqueue_indirect_dma source(%dma_start3A_99 : memref<10240x32xf32, #tpu.memory_space<hbm>>) target(%dma_start3A_93 : memref<128x32xf32, #tpu.memory_space<vmem>>) offsets(%dma_start3A_96 : memref<128xi32, #tpu.memory_space<vmem>>) semaphore(%arg7 : memref<!tpu.dma_semaphore, #tpu.memory_space<semaphore_mem>>)
    %dma_wait3A = arith.constant 0 : i32
    %dma_wait3A_100 = arith.constant 0 : i32
    %dma_wait3A_101 = arith.constant 0 : i32
    %dma_wait3A_102 = tpu.memref_slice %arg6[%dma_wait3A_100, %dma_wait3A_101] : memref<1280x32xf32, #tpu.memory_space<vmem>> -> memref<128x32xf32, #tpu.memory_space<vmem>>
    %dma_wait3A_103 = arith.constant 0 : i32
    %dma_wait3A_104 = tpu.memref_slice %arg5[%dma_wait3A, %dma_wait3A_103] : memref<10x128xi32, #tpu.memory_space<vmem>> -> memref<1x128xi32, #tpu.memory_space<vmem>>
    %dma_wait3A_105 = tpu.memref_squeeze %dma_wait3A_104 : memref<1x128xi32, #tpu.memory_space<vmem>> -> memref<128xi32, #tpu.memory_space<vmem>>
    %dma_wait3A_106 = arith.constant 0 : i32
    %dma_wait3A_107 = arith.constant 0 : i32
    %dma_wait3A_108 = tpu.memref_slice %arg2[%dma_wait3A_106, %dma_wait3A_107] : memref<10240x32xf32, #tpu.memory_space<hbm>> -> memref<10240x32xf32, #tpu.memory_space<hbm>>
    tpu.wait_indirect_dma semaphore(%arg7 : memref<!tpu.dma_semaphore, #tpu.memory_space<semaphore_mem>>) src(%dma_wait3A_108 : memref<10240x32xf32, #tpu.memory_space<hbm>>) dst(%dma_wait3A_102 : memref<128x32xf32, #tpu.memory_space<vmem>>)
    %dma_wait3A_109 = arith.constant 1 : i32
    %dma_wait3A_110 = arith.constant 128 : i32
    %dma_wait3A_111 = arith.constant 0 : i32
    %dma_wait3A_112 = tpu.memref_slice %arg6[%dma_wait3A_110, %dma_wait3A_111] : memref<1280x32xf32, #tpu.memory_space<vmem>> -> memref<128x32xf32, #tpu.memory_space<vmem>>
    %dma_wait3A_113 = arith.constant 0 : i32
    %dma_wait3A_114 = tpu.memref_slice %arg5[%dma_wait3A_109, %dma_wait3A_113] : memref<10x128xi32, #tpu.memory_space<vmem>> -> memref<1x128xi32, #tpu.memory_space<vmem>>
    %dma_wait3A_115 = tpu.memref_squeeze %dma_wait3A_114 : memref<1x128xi32, #tpu.memory_space<vmem>> -> memref<128xi32, #tpu.memory_space<vmem>>
    %dma_wait3A_116 = arith.constant 0 : i32
    %dma_wait3A_117 = arith.constant 0 : i32
    %dma_wait3A_118 = tpu.memref_slice %arg2[%dma_wait3A_116, %dma_wait3A_117] : memref<10240x32xf32, #tpu.memory_space<hbm>> -> memref<10240x32xf32, #tpu.memory_space<hbm>>
    tpu.wait_indirect_dma semaphore(%arg7 : memref<!tpu.dma_semaphore, #tpu.memory_space<semaphore_mem>>) src(%dma_wait3A_118 : memref<10240x32xf32, #tpu.memory_space<hbm>>) dst(%dma_wait3A_112 : memref<128x32xf32, #tpu.memory_space<vmem>>)
    %dma_wait3A_119 = arith.constant 2 : i32
    %dma_wait3A_120 = arith.constant 256 : i32
    %dma_wait3A_121 = arith.constant 0 : i32
    %dma_wait3A_122 = tpu.memref_slice %arg6[%dma_wait3A_120, %dma_wait3A_121] : memref<1280x32xf32, #tpu.memory_space<vmem>> -> memref<128x32xf32, #tpu.memory_space<vmem>>
    %dma_wait3A_123 = arith.constant 0 : i32
    %dma_wait3A_124 = tpu.memref_slice %arg5[%dma_wait3A_119, %dma_wait3A_123] : memref<10x128xi32, #tpu.memory_space<vmem>> -> memref<1x128xi32, #tpu.memory_space<vmem>>
    %dma_wait3A_125 = tpu.memref_squeeze %dma_wait3A_124 : memref<1x128xi32, #tpu.memory_space<vmem>> -> memref<128xi32, #tpu.memory_space<vmem>>
    %dma_wait3A_126 = arith.constant 0 : i32
    %dma_wait3A_127 = arith.constant 0 : i32
    %dma_wait3A_128 = tpu.memref_slice %arg2[%dma_wait3A_126, %dma_wait3A_127] : memref<10240x32xf32, #tpu.memory_space<hbm>> -> memref<10240x32xf32, #tpu.memory_space<hbm>>
    tpu.wait_indirect_dma semaphore(%arg7 : memref<!tpu.dma_semaphore, #tpu.memory_space<semaphore_mem>>) src(%dma_wait3A_128 : memref<10240x32xf32, #tpu.memory_space<hbm>>) dst(%dma_wait3A_122 : memref<128x32xf32, #tpu.memory_space<vmem>>)
    %dma_wait3A_129 = arith.constant 3 : i32
    %dma_wait3A_130 = arith.constant 384 : i32
    %dma_wait3A_131 = arith.constant 0 : i32
    %dma_wait3A_132 = tpu.memref_slice %arg6[%dma_wait3A_130, %dma_wait3A_131] : memref<1280x32xf32, #tpu.memory_space<vmem>> -> memref<128x32xf32, #tpu.memory_space<vmem>>
    %dma_wait3A_133 = arith.constant 0 : i32
    %dma_wait3A_134 = tpu.memref_slice %arg5[%dma_wait3A_129, %dma_wait3A_133] : memref<10x128xi32, #tpu.memory_space<vmem>> -> memref<1x128xi32, #tpu.memory_space<vmem>>
    %dma_wait3A_135 = tpu.memref_squeeze %dma_wait3A_134 : memref<1x128xi32, #tpu.memory_space<vmem>> -> memref<128xi32, #tpu.memory_space<vmem>>
    %dma_wait3A_136 = arith.constant 0 : i32
    %dma_wait3A_137 = arith.constant 0 : i32
    %dma_wait3A_138 = tpu.memref_slice %arg2[%dma_wait3A_136, %dma_wait3A_137] : memref<10240x32xf32, #tpu.memory_space<hbm>> -> memref<10240x32xf32, #tpu.memory_space<hbm>>
    tpu.wait_indirect_dma semaphore(%arg7 : memref<!tpu.dma_semaphore, #tpu.memory_space<semaphore_mem>>) src(%dma_wait3A_138 : memref<10240x32xf32, #tpu.memory_space<hbm>>) dst(%dma_wait3A_132 : memref<128x32xf32, #tpu.memory_space<vmem>>)
    %dma_wait3A_139 = arith.constant 4 : i32
    %dma_wait3A_140 = arith.constant 512 : i32
    %dma_wait3A_141 = arith.constant 0 : i32
    %dma_wait3A_142 = tpu.memref_slice %arg6[%dma_wait3A_140, %dma_wait3A_141] : memref<1280x32xf32, #tpu.memory_space<vmem>> -> memref<128x32xf32, #tpu.memory_space<vmem>>
    %dma_wait3A_143 = arith.constant 0 : i32
    %dma_wait3A_144 = tpu.memref_slice %arg5[%dma_wait3A_139, %dma_wait3A_143] : memref<10x128xi32, #tpu.memory_space<vmem>> -> memref<1x128xi32, #tpu.memory_space<vmem>>
    %dma_wait3A_145 = tpu.memref_squeeze %dma_wait3A_144 : memref<1x128xi32, #tpu.memory_space<vmem>> -> memref<128xi32, #tpu.memory_space<vmem>>
    %dma_wait3A_146 = arith.constant 0 : i32
    %dma_wait3A_147 = arith.constant 0 : i32
    %dma_wait3A_148 = tpu.memref_slice %arg2[%dma_wait3A_146, %dma_wait3A_147] : memref<10240x32xf32, #tpu.memory_space<hbm>> -> memref<10240x32xf32, #tpu.memory_space<hbm>>
    tpu.wait_indirect_dma semaphore(%arg7 : memref<!tpu.dma_semaphore, #tpu.memory_space<semaphore_mem>>) src(%dma_wait3A_148 : memref<10240x32xf32, #tpu.memory_space<hbm>>) dst(%dma_wait3A_142 : memref<128x32xf32, #tpu.memory_space<vmem>>)
    %dma_wait3A_149 = arith.constant 5 : i32
    %dma_wait3A_150 = arith.constant 640 : i32
    %dma_wait3A_151 = arith.constant 0 : i32
    %dma_wait3A_152 = tpu.memref_slice %arg6[%dma_wait3A_150, %dma_wait3A_151] : memref<1280x32xf32, #tpu.memory_space<vmem>> -> memref<128x32xf32, #tpu.memory_space<vmem>>
    %dma_wait3A_153 = arith.constant 0 : i32
    %dma_wait3A_154 = tpu.memref_slice %arg5[%dma_wait3A_149, %dma_wait3A_153] : memref<10x128xi32, #tpu.memory_space<vmem>> -> memref<1x128xi32, #tpu.memory_space<vmem>>
    %dma_wait3A_155 = tpu.memref_squeeze %dma_wait3A_154 : memref<1x128xi32, #tpu.memory_space<vmem>> -> memref<128xi32, #tpu.memory_space<vmem>>
    %dma_wait3A_156 = arith.constant 0 : i32
    %dma_wait3A_157 = arith.constant 0 : i32
    %dma_wait3A_158 = tpu.memref_slice %arg2[%dma_wait3A_156, %dma_wait3A_157] : memref<10240x32xf32, #tpu.memory_space<hbm>> -> memref<10240x32xf32, #tpu.memory_space<hbm>>
    tpu.wait_indirect_dma semaphore(%arg7 : memref<!tpu.dma_semaphore, #tpu.memory_space<semaphore_mem>>) src(%dma_wait3A_158 : memref<10240x32xf32, #tpu.memory_space<hbm>>) dst(%dma_wait3A_152 : memref<128x32xf32, #tpu.memory_space<vmem>>)
    %dma_wait3A_159 = arith.constant 6 : i32
    %dma_wait3A_160 = arith.constant 768 : i32
    %dma_wait3A_161 = arith.constant 0 : i32
    %dma_wait3A_162 = tpu.memref_slice %arg6[%dma_wait3A_160, %dma_wait3A_161] : memref<1280x32xf32, #tpu.memory_space<vmem>> -> memref<128x32xf32, #tpu.memory_space<vmem>>
    %dma_wait3A_163 = arith.constant 0 : i32
    %dma_wait3A_164 = tpu.memref_slice %arg5[%dma_wait3A_159, %dma_wait3A_163] : memref<10x128xi32, #tpu.memory_space<vmem>> -> memref<1x128xi32, #tpu.memory_space<vmem>>
    %dma_wait3A_165 = tpu.memref_squeeze %dma_wait3A_164 : memref<1x128xi32, #tpu.memory_space<vmem>> -> memref<128xi32, #tpu.memory_space<vmem>>
    %dma_wait3A_166 = arith.constant 0 : i32
    %dma_wait3A_167 = arith.constant 0 : i32
    %dma_wait3A_168 = tpu.memref_slice %arg2[%dma_wait3A_166, %dma_wait3A_167] : memref<10240x32xf32, #tpu.memory_space<hbm>> -> memref<10240x32xf32, #tpu.memory_space<hbm>>
    tpu.wait_indirect_dma semaphore(%arg7 : memref<!tpu.dma_semaphore, #tpu.memory_space<semaphore_mem>>) src(%dma_wait3A_168 : memref<10240x32xf32, #tpu.memory_space<hbm>>) dst(%dma_wait3A_162 : memref<128x32xf32, #tpu.memory_space<vmem>>)
    %dma_wait3A_169 = arith.constant 7 : i32
    %dma_wait3A_170 = arith.constant 896 : i32
    %dma_wait3A_171 = arith.constant 0 : i32
    %dma_wait3A_172 = tpu.memref_slice %arg6[%dma_wait3A_170, %dma_wait3A_171] : memref<1280x32xf32, #tpu.memory_space<vmem>> -> memref<128x32xf32, #tpu.memory_space<vmem>>
    %dma_wait3A_173 = arith.constant 0 : i32
    %dma_wait3A_174 = tpu.memref_slice %arg5[%dma_wait3A_169, %dma_wait3A_173] : memref<10x128xi32, #tpu.memory_space<vmem>> -> memref<1x128xi32, #tpu.memory_space<vmem>>
    %dma_wait3A_175 = tpu.memref_squeeze %dma_wait3A_174 : memref<1x128xi32, #tpu.memory_space<vmem>> -> memref<128xi32, #tpu.memory_space<vmem>>
    %dma_wait3A_176 = arith.constant 0 : i32
    %dma_wait3A_177 = arith.constant 0 : i32
    %dma_wait3A_178 = tpu.memref_slice %arg2[%dma_wait3A_176, %dma_wait3A_177] : memref<10240x32xf32, #tpu.memory_space<hbm>> -> memref<10240x32xf32, #tpu.memory_space<hbm>>
    tpu.wait_indirect_dma semaphore(%arg7 : memref<!tpu.dma_semaphore, #tpu.memory_space<semaphore_mem>>) src(%dma_wait3A_178 : memref<10240x32xf32, #tpu.memory_space<hbm>>) dst(%dma_wait3A_172 : memref<128x32xf32, #tpu.memory_space<vmem>>)
    %dma_wait3A_179 = arith.constant 8 : i32
    %dma_wait3A_180 = arith.constant 1024 : i32
    %dma_wait3A_181 = arith.constant 0 : i32
    %dma_wait3A_182 = tpu.memref_slice %arg6[%dma_wait3A_180, %dma_wait3A_181] : memref<1280x32xf32, #tpu.memory_space<vmem>> -> memref<128x32xf32, #tpu.memory_space<vmem>>
    %dma_wait3A_183 = arith.constant 0 : i32
    %dma_wait3A_184 = tpu.memref_slice %arg5[%dma_wait3A_179, %dma_wait3A_183] : memref<10x128xi32, #tpu.memory_space<vmem>> -> memref<1x128xi32, #tpu.memory_space<vmem>>
    %dma_wait3A_185 = tpu.memref_squeeze %dma_wait3A_184 : memref<1x128xi32, #tpu.memory_space<vmem>> -> memref<128xi32, #tpu.memory_space<vmem>>
    %dma_wait3A_186 = arith.constant 0 : i32
    %dma_wait3A_187 = arith.constant 0 : i32
    %dma_wait3A_188 = tpu.memref_slice %arg2[%dma_wait3A_186, %dma_wait3A_187] : memref<10240x32xf32, #tpu.memory_space<hbm>> -> memref<10240x32xf32, #tpu.memory_space<hbm>>
    tpu.wait_indirect_dma semaphore(%arg7 : memref<!tpu.dma_semaphore, #tpu.memory_space<semaphore_mem>>) src(%dma_wait3A_188 : memref<10240x32xf32, #tpu.memory_space<hbm>>) dst(%dma_wait3A_182 : memref<128x32xf32, #tpu.memory_space<vmem>>)
    %dma_wait3A_189 = arith.constant 9 : i32
    %dma_wait3A_190 = arith.constant 1152 : i32
    %dma_wait3A_191 = arith.constant 0 : i32
    %dma_wait3A_192 = tpu.memref_slice %arg6[%dma_wait3A_190, %dma_wait3A_191] : memref<1280x32xf32, #tpu.memory_space<vmem>> -> memref<128x32xf32, #tpu.memory_space<vmem>>
    %dma_wait3A_193 = arith.constant 0 : i32
    %dma_wait3A_194 = tpu.memref_slice %arg5[%dma_wait3A_189, %dma_wait3A_193] : memref<10x128xi32, #tpu.memory_space<vmem>> -> memref<1x128xi32, #tpu.memory_space<vmem>>
    %dma_wait3A_195 = tpu.memref_squeeze %dma_wait3A_194 : memref<1x128xi32, #tpu.memory_space<vmem>> -> memref<128xi32, #tpu.memory_space<vmem>>
    %dma_wait3A_196 = arith.constant 0 : i32
    %dma_wait3A_197 = arith.constant 0 : i32
    %dma_wait3A_198 = tpu.memref_slice %arg2[%dma_wait3A_196, %dma_wait3A_197] : memref<10240x32xf32, #tpu.memory_space<hbm>> -> memref<10240x32xf32, #tpu.memory_space<hbm>>
    tpu.wait_indirect_dma semaphore(%arg7 : memref<!tpu.dma_semaphore, #tpu.memory_space<semaphore_mem>>) src(%dma_wait3A_198 : memref<10240x32xf32, #tpu.memory_space<hbm>>) dst(%dma_wait3A_192 : memref<128x32xf32, #tpu.memory_space<vmem>>)
    %mul3A_199 = arith.constant 1280 : i32
    %mul3A_200 = arith.muli %add3A, %mul3A_199 : i32
    "tpu.region"() ({
      %run_scoped3A = tpu.sem_alloc : memref<!tpu.dma_semaphore, #tpu.memory_space<semaphore_mem>>
      %dma_start3A_201 = arith.constant 0 : i32
      %dma_start3A_202 = tpu.memref_slice %arg4[%mul3A_200, %dma_start3A_201] : memref<40960x32xf32, #tpu.memory_space<hbm>> -> memref<1280x32xf32, #tpu.memory_space<hbm>>
      %dma_start3A_203 = arith.constant 0 : i32
      %dma_start3A_204 = tpu.memref_slice %arg4[%mul3A_200, %dma_start3A_203] : memref<40960x32xf32, #tpu.memory_space<hbm>> -> memref<1280x32xf32, #tpu.memory_space<hbm>>
      tpu.enqueue_dma source(%arg6 : memref<1280x32xf32, #tpu.memory_space<vmem>>) target(%dma_start3A_204 : memref<1280x32xf32, #tpu.memory_space<hbm>>) target_semaphore(%run_scoped3A : memref<!tpu.dma_semaphore, #tpu.memory_space<semaphore_mem>>)
      %dma_wait3A_205 = arith.constant 0 : i32
      %dma_wait3A_206 = tpu.memref_slice %arg4[%mul3A_200, %dma_wait3A_205] : memref<40960x32xf32, #tpu.memory_space<hbm>> -> memref<1280x32xf32, #tpu.memory_space<hbm>>
      %dma_wait3A_207 = arith.constant 0 : i32
      %dma_wait3A_208 = tpu.memref_slice %arg4[%mul3A_200, %dma_wait3A_207] : memref<40960x32xf32, #tpu.memory_space<hbm>> -> memref<1280x32xf32, #tpu.memory_space<hbm>>
      tpu.wait_dma2 semaphore(%run_scoped3A : memref<!tpu.dma_semaphore, #tpu.memory_space<semaphore_mem>>) src(%arg6 : memref<1280x32xf32, #tpu.memory_space<vmem>>) dst(%dma_wait3A_208 : memref<1280x32xf32, #tpu.memory_space<hbm>>)
      tpu.yield
    }) : () -> ()
    return
  }
}

#map = affine_map<(d0, d1) -> (0, 0)>
#map1 = affine_map<(d0, d1) -> (0, 0, 0)>
module attributes {stable_mosaic.version = 14 : i64} {
  func.func @_scatter_body(%arg0: i32, %arg1: i32, %arg2: memref<40960x32xf32, #tpu.memory_space<hbm>>, %arg3: memref<32x10x128xi32, #tpu.memory_space<hbm>>, %arg4: memref<32x10x128xi32, #tpu.memory_space<hbm>>, %arg5: memref<10240x32xf32, #tpu.memory_space<hbm>>, %arg6: memref<10240x16xf32, #tpu.memory_space<hbm>>, %arg7: memref<1280x16xf32, #tpu.memory_space<hbm>>, %arg8: memref<20480x32xf32, #tpu.memory_space<hbm>>, %arg9: memref<20480x16xf32, #tpu.memory_space<hbm>>, %arg10: memref<10x128xi32, #tpu.memory_space<vmem>>, %arg11: memref<1280x32xf32, #tpu.memory_space<vmem>>, %arg12: memref<640x32xf32, #tpu.memory_space<vmem>>, %arg13: memref<10x128xi32, #tpu.memory_space<vmem>>, %arg14: memref<1280x16xf32, #tpu.memory_space<vmem>>, %arg15: memref<640x16xf32, #tpu.memory_space<vmem>>, %arg16: memref<10240x32xf32, #tpu.memory_space<vmem_shared>>, %arg17: memref<10240x16xf32, #tpu.memory_space<vmem_shared>>) attributes {dimension_semantics = [#tpu.dimension_semantics<core_parallel>, #tpu.dimension_semantics<subcore_parallel>], iteration_bounds = array<i64: 2, 16>, scalar_prefetch = 0 : i64, scratch_operands = 8 : i64, tpu.core_type = #tpu.core_type<sc_vector_subcore>, window_params = [{transform_indices = #map}, {transform_indices = #map1}, {transform_indices = #map1}, {transform_indices = #map}, {transform_indices = #map}, {transform_indices = #map}, {transform_indices = #map}, {transform_indices = #map}]} {
    %mul3A = arith.constant 2 : i32
    %mul3A_0 = arith.muli %arg1, %mul3A : i32
    %add3A = arith.addi %mul3A_0, %arg0 : i32
    "tpu.region"() ({
      %run_scoped3A_28 = tpu.sem_alloc : memref<!tpu.dma_semaphore, #tpu.memory_space<semaphore_mem>>
      %dma_start3A = arith.constant 0 : i32
      %dma_start3A_29 = arith.constant 0 : i32
      %dma_start3A_30 = tpu.memref_slice %arg3[%add3A, %dma_start3A, %dma_start3A_29] : memref<32x10x128xi32, #tpu.memory_space<hbm>> -> memref<1x10x128xi32, #tpu.memory_space<hbm>>
      %dma_start3A_31 = tpu.memref_squeeze %dma_start3A_30 : memref<1x10x128xi32, #tpu.memory_space<hbm>> -> memref<10x128xi32, #tpu.memory_space<hbm>>
      %dma_start3A_32 = arith.constant 0 : i32
      %dma_start3A_33 = arith.constant 0 : i32
      %dma_start3A_34 = tpu.memref_slice %arg3[%add3A, %dma_start3A_32, %dma_start3A_33] : memref<32x10x128xi32, #tpu.memory_space<hbm>> -> memref<1x10x128xi32, #tpu.memory_space<hbm>>
      %dma_start3A_35 = tpu.memref_squeeze %dma_start3A_34 : memref<1x10x128xi32, #tpu.memory_space<hbm>> -> memref<10x128xi32, #tpu.memory_space<hbm>>
      tpu.enqueue_dma source(%dma_start3A_35 : memref<10x128xi32, #tpu.memory_space<hbm>>) target(%arg10 : memref<10x128xi32, #tpu.memory_space<vmem>>) target_semaphore(%run_scoped3A_28 : memref<!tpu.dma_semaphore, #tpu.memory_space<semaphore_mem>>)
      %dma_wait3A = arith.constant 0 : i32
      %dma_wait3A_36 = arith.constant 0 : i32
      %dma_wait3A_37 = tpu.memref_slice %arg3[%add3A, %dma_wait3A, %dma_wait3A_36] : memref<32x10x128xi32, #tpu.memory_space<hbm>> -> memref<1x10x128xi32, #tpu.memory_space<hbm>>
      %dma_wait3A_38 = tpu.memref_squeeze %dma_wait3A_37 : memref<1x10x128xi32, #tpu.memory_space<hbm>> -> memref<10x128xi32, #tpu.memory_space<hbm>>
      %dma_wait3A_39 = arith.constant 0 : i32
      %dma_wait3A_40 = arith.constant 0 : i32
      %dma_wait3A_41 = tpu.memref_slice %arg3[%add3A, %dma_wait3A_39, %dma_wait3A_40] : memref<32x10x128xi32, #tpu.memory_space<hbm>> -> memref<1x10x128xi32, #tpu.memory_space<hbm>>
      %dma_wait3A_42 = tpu.memref_squeeze %dma_wait3A_41 : memref<1x10x128xi32, #tpu.memory_space<hbm>> -> memref<10x128xi32, #tpu.memory_space<hbm>>
      tpu.wait_dma2 semaphore(%run_scoped3A_28 : memref<!tpu.dma_semaphore, #tpu.memory_space<semaphore_mem>>) src(%dma_wait3A_42 : memref<10x128xi32, #tpu.memory_space<hbm>>) dst(%arg10 : memref<10x128xi32, #tpu.memory_space<vmem>>)
      tpu.yield
    }) : () -> ()
    %mul3A_1 = arith.constant 1280 : i32
    %mul3A_2 = arith.muli %add3A, %mul3A_1 : i32
    "tpu.region"() ({
      %run_scoped3A_28 = tpu.sem_alloc : memref<!tpu.dma_semaphore, #tpu.memory_space<semaphore_mem>>
      %dma_start3A = arith.constant 0 : i32
      %dma_start3A_29 = tpu.memref_slice %arg2[%mul3A_2, %dma_start3A] : memref<40960x32xf32, #tpu.memory_space<hbm>> -> memref<1280x32xf32, #tpu.memory_space<hbm>>
      %dma_start3A_30 = arith.constant 0 : i32
      %dma_start3A_31 = tpu.memref_slice %arg2[%mul3A_2, %dma_start3A_30] : memref<40960x32xf32, #tpu.memory_space<hbm>> -> memref<1280x32xf32, #tpu.memory_space<hbm>>
      tpu.enqueue_dma source(%dma_start3A_31 : memref<1280x32xf32, #tpu.memory_space<hbm>>) target(%arg11 : memref<1280x32xf32, #tpu.memory_space<vmem>>) target_semaphore(%run_scoped3A_28 : memref<!tpu.dma_semaphore, #tpu.memory_space<semaphore_mem>>)
      %dma_wait3A = arith.constant 0 : i32
      %dma_wait3A_32 = tpu.memref_slice %arg2[%mul3A_2, %dma_wait3A] : memref<40960x32xf32, #tpu.memory_space<hbm>> -> memref<1280x32xf32, #tpu.memory_space<hbm>>
      %dma_wait3A_33 = arith.constant 0 : i32
      %dma_wait3A_34 = tpu.memref_slice %arg2[%mul3A_2, %dma_wait3A_33] : memref<40960x32xf32, #tpu.memory_space<hbm>> -> memref<1280x32xf32, #tpu.memory_space<hbm>>
      tpu.wait_dma2 semaphore(%run_scoped3A_28 : memref<!tpu.dma_semaphore, #tpu.memory_space<semaphore_mem>>) src(%dma_wait3A_34 : memref<1280x32xf32, #tpu.memory_space<hbm>>) dst(%arg11 : memref<1280x32xf32, #tpu.memory_space<vmem>>)
      tpu.yield
    }) : () -> ()
    %mul3A_3 = arith.constant 640 : i32
    %mul3A_4 = arith.muli %arg1, %mul3A_3 : i32
    "tpu.region"() ({
      %run_scoped3A_28 = tpu.sem_alloc : memref<!tpu.dma_semaphore, #tpu.memory_space<semaphore_mem>>
      %dma_start3A = arith.constant 0 : i32
      %dma_start3A_29 = tpu.memref_slice %arg5[%mul3A_4, %dma_start3A] : memref<10240x32xf32, #tpu.memory_space<hbm>> -> memref<640x32xf32, #tpu.memory_space<hbm>>
      %dma_start3A_30 = arith.constant 0 : i32
      %dma_start3A_31 = tpu.memref_slice %arg5[%mul3A_4, %dma_start3A_30] : memref<10240x32xf32, #tpu.memory_space<hbm>> -> memref<640x32xf32, #tpu.memory_space<hbm>>
      tpu.enqueue_dma source(%dma_start3A_31 : memref<640x32xf32, #tpu.memory_space<hbm>>) target(%arg12 : memref<640x32xf32, #tpu.memory_space<vmem>>) target_semaphore(%run_scoped3A_28 : memref<!tpu.dma_semaphore, #tpu.memory_space<semaphore_mem>>)
      %dma_wait3A = arith.constant 0 : i32
      %dma_wait3A_32 = tpu.memref_slice %arg5[%mul3A_4, %dma_wait3A] : memref<10240x32xf32, #tpu.memory_space<hbm>> -> memref<640x32xf32, #tpu.memory_space<hbm>>
      %dma_wait3A_33 = arith.constant 0 : i32
      %dma_wait3A_34 = tpu.memref_slice %arg5[%mul3A_4, %dma_wait3A_33] : memref<10240x32xf32, #tpu.memory_space<hbm>> -> memref<640x32xf32, #tpu.memory_space<hbm>>
      tpu.wait_dma2 semaphore(%run_scoped3A_28 : memref<!tpu.dma_semaphore, #tpu.memory_space<semaphore_mem>>) src(%dma_wait3A_34 : memref<640x32xf32, #tpu.memory_space<hbm>>) dst(%arg12 : memref<640x32xf32, #tpu.memory_space<vmem>>)
      tpu.yield
    }) : () -> ()
    "tpu.region"() ({
      %run_scoped3A_28 = tpu.sem_alloc : memref<!tpu.dma_semaphore, #tpu.memory_space<semaphore_mem>>
      %dma_start3A = arith.constant 0 : i32
      %dma_start3A_29 = tpu.memref_slice %arg16[%mul3A_4, %dma_start3A] : memref<10240x32xf32, #tpu.memory_space<vmem_shared>> -> memref<640x32xf32, #tpu.memory_space<vmem_shared>>
      %dma_start3A_30 = arith.constant 0 : i32
      %dma_start3A_31 = tpu.memref_slice %arg16[%mul3A_4, %dma_start3A_30] : memref<10240x32xf32, #tpu.memory_space<vmem_shared>> -> memref<640x32xf32, #tpu.memory_space<vmem_shared>>
      tpu.enqueue_dma source(%arg12 : memref<640x32xf32, #tpu.memory_space<vmem>>) target(%dma_start3A_31 : memref<640x32xf32, #tpu.memory_space<vmem_shared>>) target_semaphore(%run_scoped3A_28 : memref<!tpu.dma_semaphore, #tpu.memory_space<semaphore_mem>>)
      %dma_wait3A = arith.constant 0 : i32
      %dma_wait3A_32 = tpu.memref_slice %arg16[%mul3A_4, %dma_wait3A] : memref<10240x32xf32, #tpu.memory_space<vmem_shared>> -> memref<640x32xf32, #tpu.memory_space<vmem_shared>>
      %dma_wait3A_33 = arith.constant 0 : i32
      %dma_wait3A_34 = tpu.memref_slice %arg16[%mul3A_4, %dma_wait3A_33] : memref<10240x32xf32, #tpu.memory_space<vmem_shared>> -> memref<640x32xf32, #tpu.memory_space<vmem_shared>>
      tpu.wait_dma2 semaphore(%run_scoped3A_28 : memref<!tpu.dma_semaphore, #tpu.memory_space<semaphore_mem>>) src(%arg12 : memref<640x32xf32, #tpu.memory_space<vmem>>) dst(%dma_wait3A_34 : memref<640x32xf32, #tpu.memory_space<vmem_shared>>)
      tpu.yield
    }) : () -> ()
    "tpu.region"() ({
      %run_scoped3A_28 = tpu.sem_alloc : memref<!tpu.dma_semaphore, #tpu.memory_space<semaphore_mem>>
      %dma_start3A = arith.constant 0 : i32
      %dma_start3A_29 = arith.constant 0 : i32
      %dma_start3A_30 = tpu.memref_slice %arg4[%add3A, %dma_start3A, %dma_start3A_29] : memref<32x10x128xi32, #tpu.memory_space<hbm>> -> memref<1x10x128xi32, #tpu.memory_space<hbm>>
      %dma_start3A_31 = tpu.memref_squeeze %dma_start3A_30 : memref<1x10x128xi32, #tpu.memory_space<hbm>> -> memref<10x128xi32, #tpu.memory_space<hbm>>
      %dma_start3A_32 = arith.constant 0 : i32
      %dma_start3A_33 = arith.constant 0 : i32
      %dma_start3A_34 = tpu.memref_slice %arg4[%add3A, %dma_start3A_32, %dma_start3A_33] : memref<32x10x128xi32, #tpu.memory_space<hbm>> -> memref<1x10x128xi32, #tpu.memory_space<hbm>>
      %dma_start3A_35 = tpu.memref_squeeze %dma_start3A_34 : memref<1x10x128xi32, #tpu.memory_space<hbm>> -> memref<10x128xi32, #tpu.memory_space<hbm>>
      tpu.enqueue_dma source(%dma_start3A_35 : memref<10x128xi32, #tpu.memory_space<hbm>>) target(%arg13 : memref<10x128xi32, #tpu.memory_space<vmem>>) target_semaphore(%run_scoped3A_28 : memref<!tpu.dma_semaphore, #tpu.memory_space<semaphore_mem>>)
      %dma_wait3A = arith.constant 0 : i32
      %dma_wait3A_36 = arith.constant 0 : i32
      %dma_wait3A_37 = tpu.memref_slice %arg4[%add3A, %dma_wait3A, %dma_wait3A_36] : memref<32x10x128xi32, #tpu.memory_space<hbm>> -> memref<1x10x128xi32, #tpu.memory_space<hbm>>
      %dma_wait3A_38 = tpu.memref_squeeze %dma_wait3A_37 : memref<1x10x128xi32, #tpu.memory_space<hbm>> -> memref<10x128xi32, #tpu.memory_space<hbm>>
      %dma_wait3A_39 = arith.constant 0 : i32
      %dma_wait3A_40 = arith.constant 0 : i32
      %dma_wait3A_41 = tpu.memref_slice %arg4[%add3A, %dma_wait3A_39, %dma_wait3A_40] : memref<32x10x128xi32, #tpu.memory_space<hbm>> -> memref<1x10x128xi32, #tpu.memory_space<hbm>>
      %dma_wait3A_42 = tpu.memref_squeeze %dma_wait3A_41 : memref<1x10x128xi32, #tpu.memory_space<hbm>> -> memref<10x128xi32, #tpu.memory_space<hbm>>
      tpu.wait_dma2 semaphore(%run_scoped3A_28 : memref<!tpu.dma_semaphore, #tpu.memory_space<semaphore_mem>>) src(%dma_wait3A_42 : memref<10x128xi32, #tpu.memory_space<hbm>>) dst(%arg13 : memref<10x128xi32, #tpu.memory_space<vmem>>)
      tpu.yield
    }) : () -> ()
    "tpu.region"() ({
      %run_scoped3A_28 = tpu.sem_alloc : memref<!tpu.dma_semaphore, #tpu.memory_space<semaphore_mem>>
      %dma_start3A = arith.constant 0 : i32
      %dma_start3A_29 = arith.constant 0 : i32
      %dma_start3A_30 = tpu.memref_slice %arg7[%dma_start3A, %dma_start3A_29] : memref<1280x16xf32, #tpu.memory_space<hbm>> -> memref<1280x16xf32, #tpu.memory_space<hbm>>
      %dma_start3A_31 = arith.constant 0 : i32
      %dma_start3A_32 = arith.constant 0 : i32
      %dma_start3A_33 = tpu.memref_slice %arg7[%dma_start3A_31, %dma_start3A_32] : memref<1280x16xf32, #tpu.memory_space<hbm>> -> memref<1280x16xf32, #tpu.memory_space<hbm>>
      tpu.enqueue_dma source(%dma_start3A_33 : memref<1280x16xf32, #tpu.memory_space<hbm>>) target(%arg14 : memref<1280x16xf32, #tpu.memory_space<vmem>>) target_semaphore(%run_scoped3A_28 : memref<!tpu.dma_semaphore, #tpu.memory_space<semaphore_mem>>)
      %dma_wait3A = arith.constant 0 : i32
      %dma_wait3A_34 = arith.constant 0 : i32
      %dma_wait3A_35 = tpu.memref_slice %arg7[%dma_wait3A, %dma_wait3A_34] : memref<1280x16xf32, #tpu.memory_space<hbm>> -> memref<1280x16xf32, #tpu.memory_space<hbm>>
      %dma_wait3A_36 = arith.constant 0 : i32
      %dma_wait3A_37 = arith.constant 0 : i32
      %dma_wait3A_38 = tpu.memref_slice %arg7[%dma_wait3A_36, %dma_wait3A_37] : memref<1280x16xf32, #tpu.memory_space<hbm>> -> memref<1280x16xf32, #tpu.memory_space<hbm>>
      tpu.wait_dma2 semaphore(%run_scoped3A_28 : memref<!tpu.dma_semaphore, #tpu.memory_space<semaphore_mem>>) src(%dma_wait3A_38 : memref<1280x16xf32, #tpu.memory_space<hbm>>) dst(%arg14 : memref<1280x16xf32, #tpu.memory_space<vmem>>)
      tpu.yield
    }) : () -> ()
    "tpu.region"() ({
      %run_scoped3A_28 = tpu.sem_alloc : memref<!tpu.dma_semaphore, #tpu.memory_space<semaphore_mem>>
      %dma_start3A = arith.constant 0 : i32
      %dma_start3A_29 = tpu.memref_slice %arg6[%mul3A_4, %dma_start3A] : memref<10240x16xf32, #tpu.memory_space<hbm>> -> memref<640x16xf32, #tpu.memory_space<hbm>>
      %dma_start3A_30 = arith.constant 0 : i32
      %dma_start3A_31 = tpu.memref_slice %arg6[%mul3A_4, %dma_start3A_30] : memref<10240x16xf32, #tpu.memory_space<hbm>> -> memref<640x16xf32, #tpu.memory_space<hbm>>
      tpu.enqueue_dma source(%dma_start3A_31 : memref<640x16xf32, #tpu.memory_space<hbm>>) target(%arg15 : memref<640x16xf32, #tpu.memory_space<vmem>>) target_semaphore(%run_scoped3A_28 : memref<!tpu.dma_semaphore, #tpu.memory_space<semaphore_mem>>)
      %dma_wait3A = arith.constant 0 : i32
      %dma_wait3A_32 = tpu.memref_slice %arg6[%mul3A_4, %dma_wait3A] : memref<10240x16xf32, #tpu.memory_space<hbm>> -> memref<640x16xf32, #tpu.memory_space<hbm>>
      %dma_wait3A_33 = arith.constant 0 : i32
      %dma_wait3A_34 = tpu.memref_slice %arg6[%mul3A_4, %dma_wait3A_33] : memref<10240x16xf32, #tpu.memory_space<hbm>> -> memref<640x16xf32, #tpu.memory_space<hbm>>
      tpu.wait_dma2 semaphore(%run_scoped3A_28 : memref<!tpu.dma_semaphore, #tpu.memory_space<semaphore_mem>>) src(%dma_wait3A_34 : memref<640x16xf32, #tpu.memory_space<hbm>>) dst(%arg15 : memref<640x16xf32, #tpu.memory_space<vmem>>)
      tpu.yield
    }) : () -> ()
    "tpu.region"() ({
      %run_scoped3A_28 = tpu.sem_alloc : memref<!tpu.dma_semaphore, #tpu.memory_space<semaphore_mem>>
      %dma_start3A = arith.constant 0 : i32
      %dma_start3A_29 = tpu.memref_slice %arg17[%mul3A_4, %dma_start3A] : memref<10240x16xf32, #tpu.memory_space<vmem_shared>> -> memref<640x16xf32, #tpu.memory_space<vmem_shared>>
      %dma_start3A_30 = arith.constant 0 : i32
      %dma_start3A_31 = tpu.memref_slice %arg17[%mul3A_4, %dma_start3A_30] : memref<10240x16xf32, #tpu.memory_space<vmem_shared>> -> memref<640x16xf32, #tpu.memory_space<vmem_shared>>
      tpu.enqueue_dma source(%arg15 : memref<640x16xf32, #tpu.memory_space<vmem>>) target(%dma_start3A_31 : memref<640x16xf32, #tpu.memory_space<vmem_shared>>) target_semaphore(%run_scoped3A_28 : memref<!tpu.dma_semaphore, #tpu.memory_space<semaphore_mem>>)
      %dma_wait3A = arith.constant 0 : i32
      %dma_wait3A_32 = tpu.memref_slice %arg17[%mul3A_4, %dma_wait3A] : memref<10240x16xf32, #tpu.memory_space<vmem_shared>> -> memref<640x16xf32, #tpu.memory_space<vmem_shared>>
      %dma_wait3A_33 = arith.constant 0 : i32
      %dma_wait3A_34 = tpu.memref_slice %arg17[%mul3A_4, %dma_wait3A_33] : memref<10240x16xf32, #tpu.memory_space<vmem_shared>> -> memref<640x16xf32, #tpu.memory_space<vmem_shared>>
      tpu.wait_dma2 semaphore(%run_scoped3A_28 : memref<!tpu.dma_semaphore, #tpu.memory_space<semaphore_mem>>) src(%arg15 : memref<640x16xf32, #tpu.memory_space<vmem>>) dst(%dma_wait3A_34 : memref<640x16xf32, #tpu.memory_space<vmem_shared>>)
      tpu.yield
    }) : () -> ()
    %barrier3A = arith.constant 0 : index
    tpu.barrier barrier_id(%barrier3A)
    %run_scoped3A = arith.constant 0 : i32
    "tpu.region"() ({
      %run_scoped3A_28 = tpu.sem_alloc : memref<!tpu.dma_semaphore, #tpu.memory_space<semaphore_mem>>
      %dma_start3A = arith.constant 0 : i32
      %dma_start3A_29 = arith.constant 0 : i32
      %dma_start3A_30 = tpu.memref_slice %arg11[%dma_start3A, %dma_start3A_29] : memref<1280x32xf32, #tpu.memory_space<vmem>> -> memref<128x32xf32, #tpu.memory_space<vmem>>
      %dma_start3A_31 = arith.constant 0 : i32
      %dma_start3A_32 = tpu.memref_slice %arg10[%run_scoped3A, %dma_start3A_31] : memref<10x128xi32, #tpu.memory_space<vmem>> -> memref<1x128xi32, #tpu.memory_space<vmem>>
      %dma_start3A_33 = tpu.memref_squeeze %dma_start3A_32 : memref<1x128xi32, #tpu.memory_space<vmem>> -> memref<128xi32, #tpu.memory_space<vmem>>
      %dma_start3A_34 = arith.constant 0 : i32
      %dma_start3A_35 = arith.constant 0 : i32
      %dma_start3A_36 = tpu.memref_slice %arg16[%dma_start3A_34, %dma_start3A_35] : memref<10240x32xf32, #tpu.memory_space<vmem_shared>> -> memref<10240x32xf32, #tpu.memory_space<vmem_shared>>
      tpu.enqueue_indirect_dma source(%dma_start3A_30 : memref<128x32xf32, #tpu.memory_space<vmem>>) target(%dma_start3A_36 : memref<10240x32xf32, #tpu.memory_space<vmem_shared>>) offsets(%dma_start3A_33 : memref<128xi32, #tpu.memory_space<vmem>>) semaphore(%run_scoped3A_28 : memref<!tpu.dma_semaphore, #tpu.memory_space<semaphore_mem>>) {add = true}
      %dma_wait3A = arith.constant 0 : i32
      %dma_wait3A_37 = arith.constant 0 : i32
      %dma_wait3A_38 = tpu.memref_slice %arg11[%dma_wait3A, %dma_wait3A_37] : memref<1280x32xf32, #tpu.memory_space<vmem>> -> memref<128x32xf32, #tpu.memory_space<vmem>>
      %dma_wait3A_39 = arith.constant 0 : i32
      %dma_wait3A_40 = tpu.memref_slice %arg10[%run_scoped3A, %dma_wait3A_39] : memref<10x128xi32, #tpu.memory_space<vmem>> -> memref<1x128xi32, #tpu.memory_space<vmem>>
      %dma_wait3A_41 = tpu.memref_squeeze %dma_wait3A_40 : memref<1x128xi32, #tpu.memory_space<vmem>> -> memref<128xi32, #tpu.memory_space<vmem>>
      %dma_wait3A_42 = arith.constant 0 : i32
      %dma_wait3A_43 = arith.constant 0 : i32
      %dma_wait3A_44 = tpu.memref_slice %arg16[%dma_wait3A_42, %dma_wait3A_43] : memref<10240x32xf32, #tpu.memory_space<vmem_shared>> -> memref<10240x32xf32, #tpu.memory_space<vmem_shared>>
      tpu.wait_indirect_dma semaphore(%run_scoped3A_28 : memref<!tpu.dma_semaphore, #tpu.memory_space<semaphore_mem>>) src(%dma_wait3A_38 : memref<128x32xf32, #tpu.memory_space<vmem>>) dst(%dma_wait3A_44 : memref<10240x32xf32, #tpu.memory_space<vmem_shared>>)
      tpu.yield
    }) : () -> ()
    %run_scoped3A_5 = arith.constant 1 : i32
    "tpu.region"() ({
      %run_scoped3A_28 = tpu.sem_alloc : memref<!tpu.dma_semaphore, #tpu.memory_space<semaphore_mem>>
      %dma_start3A = arith.constant 128 : i32
      %dma_start3A_29 = arith.constant 0 : i32
      %dma_start3A_30 = tpu.memref_slice %arg11[%dma_start3A, %dma_start3A_29] : memref<1280x32xf32, #tpu.memory_space<vmem>> -> memref<128x32xf32, #tpu.memory_space<vmem>>
      %dma_start3A_31 = arith.constant 0 : i32
      %dma_start3A_32 = tpu.memref_slice %arg10[%run_scoped3A_5, %dma_start3A_31] : memref<10x128xi32, #tpu.memory_space<vmem>> -> memref<1x128xi32, #tpu.memory_space<vmem>>
      %dma_start3A_33 = tpu.memref_squeeze %dma_start3A_32 : memref<1x128xi32, #tpu.memory_space<vmem>> -> memref<128xi32, #tpu.memory_space<vmem>>
      %dma_start3A_34 = arith.constant 0 : i32
      %dma_start3A_35 = arith.constant 0 : i32
      %dma_start3A_36 = tpu.memref_slice %arg16[%dma_start3A_34, %dma_start3A_35] : memref<10240x32xf32, #tpu.memory_space<vmem_shared>> -> memref<10240x32xf32, #tpu.memory_space<vmem_shared>>
      tpu.enqueue_indirect_dma source(%dma_start3A_30 : memref<128x32xf32, #tpu.memory_space<vmem>>) target(%dma_start3A_36 : memref<10240x32xf32, #tpu.memory_space<vmem_shared>>) offsets(%dma_start3A_33 : memref<128xi32, #tpu.memory_space<vmem>>) semaphore(%run_scoped3A_28 : memref<!tpu.dma_semaphore, #tpu.memory_space<semaphore_mem>>) {add = true}
      %dma_wait3A = arith.constant 128 : i32
      %dma_wait3A_37 = arith.constant 0 : i32
      %dma_wait3A_38 = tpu.memref_slice %arg11[%dma_wait3A, %dma_wait3A_37] : memref<1280x32xf32, #tpu.memory_space<vmem>> -> memref<128x32xf32, #tpu.memory_space<vmem>>
      %dma_wait3A_39 = arith.constant 0 : i32
      %dma_wait3A_40 = tpu.memref_slice %arg10[%run_scoped3A_5, %dma_wait3A_39] : memref<10x128xi32, #tpu.memory_space<vmem>> -> memref<1x128xi32, #tpu.memory_space<vmem>>
      %dma_wait3A_41 = tpu.memref_squeeze %dma_wait3A_40 : memref<1x128xi32, #tpu.memory_space<vmem>> -> memref<128xi32, #tpu.memory_space<vmem>>
      %dma_wait3A_42 = arith.constant 0 : i32
      %dma_wait3A_43 = arith.constant 0 : i32
      %dma_wait3A_44 = tpu.memref_slice %arg16[%dma_wait3A_42, %dma_wait3A_43] : memref<10240x32xf32, #tpu.memory_space<vmem_shared>> -> memref<10240x32xf32, #tpu.memory_space<vmem_shared>>
      tpu.wait_indirect_dma semaphore(%run_scoped3A_28 : memref<!tpu.dma_semaphore, #tpu.memory_space<semaphore_mem>>) src(%dma_wait3A_38 : memref<128x32xf32, #tpu.memory_space<vmem>>) dst(%dma_wait3A_44 : memref<10240x32xf32, #tpu.memory_space<vmem_shared>>)
      tpu.yield
    }) : () -> ()
    %run_scoped3A_6 = arith.constant 2 : i32
    "tpu.region"() ({
      %run_scoped3A_28 = tpu.sem_alloc : memref<!tpu.dma_semaphore, #tpu.memory_space<semaphore_mem>>
      %dma_start3A = arith.constant 256 : i32
      %dma_start3A_29 = arith.constant 0 : i32
      %dma_start3A_30 = tpu.memref_slice %arg11[%dma_start3A, %dma_start3A_29] : memref<1280x32xf32, #tpu.memory_space<vmem>> -> memref<128x32xf32, #tpu.memory_space<vmem>>
      %dma_start3A_31 = arith.constant 0 : i32
      %dma_start3A_32 = tpu.memref_slice %arg10[%run_scoped3A_6, %dma_start3A_31] : memref<10x128xi32, #tpu.memory_space<vmem>> -> memref<1x128xi32, #tpu.memory_space<vmem>>
      %dma_start3A_33 = tpu.memref_squeeze %dma_start3A_32 : memref<1x128xi32, #tpu.memory_space<vmem>> -> memref<128xi32, #tpu.memory_space<vmem>>
      %dma_start3A_34 = arith.constant 0 : i32
      %dma_start3A_35 = arith.constant 0 : i32
      %dma_start3A_36 = tpu.memref_slice %arg16[%dma_start3A_34, %dma_start3A_35] : memref<10240x32xf32, #tpu.memory_space<vmem_shared>> -> memref<10240x32xf32, #tpu.memory_space<vmem_shared>>
      tpu.enqueue_indirect_dma source(%dma_start3A_30 : memref<128x32xf32, #tpu.memory_space<vmem>>) target(%dma_start3A_36 : memref<10240x32xf32, #tpu.memory_space<vmem_shared>>) offsets(%dma_start3A_33 : memref<128xi32, #tpu.memory_space<vmem>>) semaphore(%run_scoped3A_28 : memref<!tpu.dma_semaphore, #tpu.memory_space<semaphore_mem>>) {add = true}
      %dma_wait3A = arith.constant 256 : i32
      %dma_wait3A_37 = arith.constant 0 : i32
      %dma_wait3A_38 = tpu.memref_slice %arg11[%dma_wait3A, %dma_wait3A_37] : memref<1280x32xf32, #tpu.memory_space<vmem>> -> memref<128x32xf32, #tpu.memory_space<vmem>>
      %dma_wait3A_39 = arith.constant 0 : i32
      %dma_wait3A_40 = tpu.memref_slice %arg10[%run_scoped3A_6, %dma_wait3A_39] : memref<10x128xi32, #tpu.memory_space<vmem>> -> memref<1x128xi32, #tpu.memory_space<vmem>>
      %dma_wait3A_41 = tpu.memref_squeeze %dma_wait3A_40 : memref<1x128xi32, #tpu.memory_space<vmem>> -> memref<128xi32, #tpu.memory_space<vmem>>
      %dma_wait3A_42 = arith.constant 0 : i32
      %dma_wait3A_43 = arith.constant 0 : i32
      %dma_wait3A_44 = tpu.memref_slice %arg16[%dma_wait3A_42, %dma_wait3A_43] : memref<10240x32xf32, #tpu.memory_space<vmem_shared>> -> memref<10240x32xf32, #tpu.memory_space<vmem_shared>>
      tpu.wait_indirect_dma semaphore(%run_scoped3A_28 : memref<!tpu.dma_semaphore, #tpu.memory_space<semaphore_mem>>) src(%dma_wait3A_38 : memref<128x32xf32, #tpu.memory_space<vmem>>) dst(%dma_wait3A_44 : memref<10240x32xf32, #tpu.memory_space<vmem_shared>>)
      tpu.yield
    }) : () -> ()
    %run_scoped3A_7 = arith.constant 3 : i32
    "tpu.region"() ({
      %run_scoped3A_28 = tpu.sem_alloc : memref<!tpu.dma_semaphore, #tpu.memory_space<semaphore_mem>>
      %dma_start3A = arith.constant 384 : i32
      %dma_start3A_29 = arith.constant 0 : i32
      %dma_start3A_30 = tpu.memref_slice %arg11[%dma_start3A, %dma_start3A_29] : memref<1280x32xf32, #tpu.memory_space<vmem>> -> memref<128x32xf32, #tpu.memory_space<vmem>>
      %dma_start3A_31 = arith.constant 0 : i32
      %dma_start3A_32 = tpu.memref_slice %arg10[%run_scoped3A_7, %dma_start3A_31] : memref<10x128xi32, #tpu.memory_space<vmem>> -> memref<1x128xi32, #tpu.memory_space<vmem>>
      %dma_start3A_33 = tpu.memref_squeeze %dma_start3A_32 : memref<1x128xi32, #tpu.memory_space<vmem>> -> memref<128xi32, #tpu.memory_space<vmem>>
      %dma_start3A_34 = arith.constant 0 : i32
      %dma_start3A_35 = arith.constant 0 : i32
      %dma_start3A_36 = tpu.memref_slice %arg16[%dma_start3A_34, %dma_start3A_35] : memref<10240x32xf32, #tpu.memory_space<vmem_shared>> -> memref<10240x32xf32, #tpu.memory_space<vmem_shared>>
      tpu.enqueue_indirect_dma source(%dma_start3A_30 : memref<128x32xf32, #tpu.memory_space<vmem>>) target(%dma_start3A_36 : memref<10240x32xf32, #tpu.memory_space<vmem_shared>>) offsets(%dma_start3A_33 : memref<128xi32, #tpu.memory_space<vmem>>) semaphore(%run_scoped3A_28 : memref<!tpu.dma_semaphore, #tpu.memory_space<semaphore_mem>>) {add = true}
      %dma_wait3A = arith.constant 384 : i32
      %dma_wait3A_37 = arith.constant 0 : i32
      %dma_wait3A_38 = tpu.memref_slice %arg11[%dma_wait3A, %dma_wait3A_37] : memref<1280x32xf32, #tpu.memory_space<vmem>> -> memref<128x32xf32, #tpu.memory_space<vmem>>
      %dma_wait3A_39 = arith.constant 0 : i32
      %dma_wait3A_40 = tpu.memref_slice %arg10[%run_scoped3A_7, %dma_wait3A_39] : memref<10x128xi32, #tpu.memory_space<vmem>> -> memref<1x128xi32, #tpu.memory_space<vmem>>
      %dma_wait3A_41 = tpu.memref_squeeze %dma_wait3A_40 : memref<1x128xi32, #tpu.memory_space<vmem>> -> memref<128xi32, #tpu.memory_space<vmem>>
      %dma_wait3A_42 = arith.constant 0 : i32
      %dma_wait3A_43 = arith.constant 0 : i32
      %dma_wait3A_44 = tpu.memref_slice %arg16[%dma_wait3A_42, %dma_wait3A_43] : memref<10240x32xf32, #tpu.memory_space<vmem_shared>> -> memref<10240x32xf32, #tpu.memory_space<vmem_shared>>
      tpu.wait_indirect_dma semaphore(%run_scoped3A_28 : memref<!tpu.dma_semaphore, #tpu.memory_space<semaphore_mem>>) src(%dma_wait3A_38 : memref<128x32xf32, #tpu.memory_space<vmem>>) dst(%dma_wait3A_44 : memref<10240x32xf32, #tpu.memory_space<vmem_shared>>)
      tpu.yield
    }) : () -> ()
    %run_scoped3A_8 = arith.constant 4 : i32
    "tpu.region"() ({
      %run_scoped3A_28 = tpu.sem_alloc : memref<!tpu.dma_semaphore, #tpu.memory_space<semaphore_mem>>
      %dma_start3A = arith.constant 512 : i32
      %dma_start3A_29 = arith.constant 0 : i32
      %dma_start3A_30 = tpu.memref_slice %arg11[%dma_start3A, %dma_start3A_29] : memref<1280x32xf32, #tpu.memory_space<vmem>> -> memref<128x32xf32, #tpu.memory_space<vmem>>
      %dma_start3A_31 = arith.constant 0 : i32
      %dma_start3A_32 = tpu.memref_slice %arg10[%run_scoped3A_8, %dma_start3A_31] : memref<10x128xi32, #tpu.memory_space<vmem>> -> memref<1x128xi32, #tpu.memory_space<vmem>>
      %dma_start3A_33 = tpu.memref_squeeze %dma_start3A_32 : memref<1x128xi32, #tpu.memory_space<vmem>> -> memref<128xi32, #tpu.memory_space<vmem>>
      %dma_start3A_34 = arith.constant 0 : i32
      %dma_start3A_35 = arith.constant 0 : i32
      %dma_start3A_36 = tpu.memref_slice %arg16[%dma_start3A_34, %dma_start3A_35] : memref<10240x32xf32, #tpu.memory_space<vmem_shared>> -> memref<10240x32xf32, #tpu.memory_space<vmem_shared>>
      tpu.enqueue_indirect_dma source(%dma_start3A_30 : memref<128x32xf32, #tpu.memory_space<vmem>>) target(%dma_start3A_36 : memref<10240x32xf32, #tpu.memory_space<vmem_shared>>) offsets(%dma_start3A_33 : memref<128xi32, #tpu.memory_space<vmem>>) semaphore(%run_scoped3A_28 : memref<!tpu.dma_semaphore, #tpu.memory_space<semaphore_mem>>) {add = true}
      %dma_wait3A = arith.constant 512 : i32
      %dma_wait3A_37 = arith.constant 0 : i32
      %dma_wait3A_38 = tpu.memref_slice %arg11[%dma_wait3A, %dma_wait3A_37] : memref<1280x32xf32, #tpu.memory_space<vmem>> -> memref<128x32xf32, #tpu.memory_space<vmem>>
      %dma_wait3A_39 = arith.constant 0 : i32
      %dma_wait3A_40 = tpu.memref_slice %arg10[%run_scoped3A_8, %dma_wait3A_39] : memref<10x128xi32, #tpu.memory_space<vmem>> -> memref<1x128xi32, #tpu.memory_space<vmem>>
      %dma_wait3A_41 = tpu.memref_squeeze %dma_wait3A_40 : memref<1x128xi32, #tpu.memory_space<vmem>> -> memref<128xi32, #tpu.memory_space<vmem>>
      %dma_wait3A_42 = arith.constant 0 : i32
      %dma_wait3A_43 = arith.constant 0 : i32
      %dma_wait3A_44 = tpu.memref_slice %arg16[%dma_wait3A_42, %dma_wait3A_43] : memref<10240x32xf32, #tpu.memory_space<vmem_shared>> -> memref<10240x32xf32, #tpu.memory_space<vmem_shared>>
      tpu.wait_indirect_dma semaphore(%run_scoped3A_28 : memref<!tpu.dma_semaphore, #tpu.memory_space<semaphore_mem>>) src(%dma_wait3A_38 : memref<128x32xf32, #tpu.memory_space<vmem>>) dst(%dma_wait3A_44 : memref<10240x32xf32, #tpu.memory_space<vmem_shared>>)
      tpu.yield
    }) : () -> ()
    %run_scoped3A_9 = arith.constant 5 : i32
    "tpu.region"() ({
      %run_scoped3A_28 = tpu.sem_alloc : memref<!tpu.dma_semaphore, #tpu.memory_space<semaphore_mem>>
      %dma_start3A = arith.constant 640 : i32
      %dma_start3A_29 = arith.constant 0 : i32
      %dma_start3A_30 = tpu.memref_slice %arg11[%dma_start3A, %dma_start3A_29] : memref<1280x32xf32, #tpu.memory_space<vmem>> -> memref<128x32xf32, #tpu.memory_space<vmem>>
      %dma_start3A_31 = arith.constant 0 : i32
      %dma_start3A_32 = tpu.memref_slice %arg10[%run_scoped3A_9, %dma_start3A_31] : memref<10x128xi32, #tpu.memory_space<vmem>> -> memref<1x128xi32, #tpu.memory_space<vmem>>
      %dma_start3A_33 = tpu.memref_squeeze %dma_start3A_32 : memref<1x128xi32, #tpu.memory_space<vmem>> -> memref<128xi32, #tpu.memory_space<vmem>>
      %dma_start3A_34 = arith.constant 0 : i32
      %dma_start3A_35 = arith.constant 0 : i32
      %dma_start3A_36 = tpu.memref_slice %arg16[%dma_start3A_34, %dma_start3A_35] : memref<10240x32xf32, #tpu.memory_space<vmem_shared>> -> memref<10240x32xf32, #tpu.memory_space<vmem_shared>>
      tpu.enqueue_indirect_dma source(%dma_start3A_30 : memref<128x32xf32, #tpu.memory_space<vmem>>) target(%dma_start3A_36 : memref<10240x32xf32, #tpu.memory_space<vmem_shared>>) offsets(%dma_start3A_33 : memref<128xi32, #tpu.memory_space<vmem>>) semaphore(%run_scoped3A_28 : memref<!tpu.dma_semaphore, #tpu.memory_space<semaphore_mem>>) {add = true}
      %dma_wait3A = arith.constant 640 : i32
      %dma_wait3A_37 = arith.constant 0 : i32
      %dma_wait3A_38 = tpu.memref_slice %arg11[%dma_wait3A, %dma_wait3A_37] : memref<1280x32xf32, #tpu.memory_space<vmem>> -> memref<128x32xf32, #tpu.memory_space<vmem>>
      %dma_wait3A_39 = arith.constant 0 : i32
      %dma_wait3A_40 = tpu.memref_slice %arg10[%run_scoped3A_9, %dma_wait3A_39] : memref<10x128xi32, #tpu.memory_space<vmem>> -> memref<1x128xi32, #tpu.memory_space<vmem>>
      %dma_wait3A_41 = tpu.memref_squeeze %dma_wait3A_40 : memref<1x128xi32, #tpu.memory_space<vmem>> -> memref<128xi32, #tpu.memory_space<vmem>>
      %dma_wait3A_42 = arith.constant 0 : i32
      %dma_wait3A_43 = arith.constant 0 : i32
      %dma_wait3A_44 = tpu.memref_slice %arg16[%dma_wait3A_42, %dma_wait3A_43] : memref<10240x32xf32, #tpu.memory_space<vmem_shared>> -> memref<10240x32xf32, #tpu.memory_space<vmem_shared>>
      tpu.wait_indirect_dma semaphore(%run_scoped3A_28 : memref<!tpu.dma_semaphore, #tpu.memory_space<semaphore_mem>>) src(%dma_wait3A_38 : memref<128x32xf32, #tpu.memory_space<vmem>>) dst(%dma_wait3A_44 : memref<10240x32xf32, #tpu.memory_space<vmem_shared>>)
      tpu.yield
    }) : () -> ()
    %run_scoped3A_10 = arith.constant 6 : i32
    "tpu.region"() ({
      %run_scoped3A_28 = tpu.sem_alloc : memref<!tpu.dma_semaphore, #tpu.memory_space<semaphore_mem>>
      %dma_start3A = arith.constant 768 : i32
      %dma_start3A_29 = arith.constant 0 : i32
      %dma_start3A_30 = tpu.memref_slice %arg11[%dma_start3A, %dma_start3A_29] : memref<1280x32xf32, #tpu.memory_space<vmem>> -> memref<128x32xf32, #tpu.memory_space<vmem>>
      %dma_start3A_31 = arith.constant 0 : i32
      %dma_start3A_32 = tpu.memref_slice %arg10[%run_scoped3A_10, %dma_start3A_31] : memref<10x128xi32, #tpu.memory_space<vmem>> -> memref<1x128xi32, #tpu.memory_space<vmem>>
      %dma_start3A_33 = tpu.memref_squeeze %dma_start3A_32 : memref<1x128xi32, #tpu.memory_space<vmem>> -> memref<128xi32, #tpu.memory_space<vmem>>
      %dma_start3A_34 = arith.constant 0 : i32
      %dma_start3A_35 = arith.constant 0 : i32
      %dma_start3A_36 = tpu.memref_slice %arg16[%dma_start3A_34, %dma_start3A_35] : memref<10240x32xf32, #tpu.memory_space<vmem_shared>> -> memref<10240x32xf32, #tpu.memory_space<vmem_shared>>
      tpu.enqueue_indirect_dma source(%dma_start3A_30 : memref<128x32xf32, #tpu.memory_space<vmem>>) target(%dma_start3A_36 : memref<10240x32xf32, #tpu.memory_space<vmem_shared>>) offsets(%dma_start3A_33 : memref<128xi32, #tpu.memory_space<vmem>>) semaphore(%run_scoped3A_28 : memref<!tpu.dma_semaphore, #tpu.memory_space<semaphore_mem>>) {add = true}
      %dma_wait3A = arith.constant 768 : i32
      %dma_wait3A_37 = arith.constant 0 : i32
      %dma_wait3A_38 = tpu.memref_slice %arg11[%dma_wait3A, %dma_wait3A_37] : memref<1280x32xf32, #tpu.memory_space<vmem>> -> memref<128x32xf32, #tpu.memory_space<vmem>>
      %dma_wait3A_39 = arith.constant 0 : i32
      %dma_wait3A_40 = tpu.memref_slice %arg10[%run_scoped3A_10, %dma_wait3A_39] : memref<10x128xi32, #tpu.memory_space<vmem>> -> memref<1x128xi32, #tpu.memory_space<vmem>>
      %dma_wait3A_41 = tpu.memref_squeeze %dma_wait3A_40 : memref<1x128xi32, #tpu.memory_space<vmem>> -> memref<128xi32, #tpu.memory_space<vmem>>
      %dma_wait3A_42 = arith.constant 0 : i32
      %dma_wait3A_43 = arith.constant 0 : i32
      %dma_wait3A_44 = tpu.memref_slice %arg16[%dma_wait3A_42, %dma_wait3A_43] : memref<10240x32xf32, #tpu.memory_space<vmem_shared>> -> memref<10240x32xf32, #tpu.memory_space<vmem_shared>>
      tpu.wait_indirect_dma semaphore(%run_scoped3A_28 : memref<!tpu.dma_semaphore, #tpu.memory_space<semaphore_mem>>) src(%dma_wait3A_38 : memref<128x32xf32, #tpu.memory_space<vmem>>) dst(%dma_wait3A_44 : memref<10240x32xf32, #tpu.memory_space<vmem_shared>>)
      tpu.yield
    }) : () -> ()
    %run_scoped3A_11 = arith.constant 7 : i32
    "tpu.region"() ({
      %run_scoped3A_28 = tpu.sem_alloc : memref<!tpu.dma_semaphore, #tpu.memory_space<semaphore_mem>>
      %dma_start3A = arith.constant 896 : i32
      %dma_start3A_29 = arith.constant 0 : i32
      %dma_start3A_30 = tpu.memref_slice %arg11[%dma_start3A, %dma_start3A_29] : memref<1280x32xf32, #tpu.memory_space<vmem>> -> memref<128x32xf32, #tpu.memory_space<vmem>>
      %dma_start3A_31 = arith.constant 0 : i32
      %dma_start3A_32 = tpu.memref_slice %arg10[%run_scoped3A_11, %dma_start3A_31] : memref<10x128xi32, #tpu.memory_space<vmem>> -> memref<1x128xi32, #tpu.memory_space<vmem>>
      %dma_start3A_33 = tpu.memref_squeeze %dma_start3A_32 : memref<1x128xi32, #tpu.memory_space<vmem>> -> memref<128xi32, #tpu.memory_space<vmem>>
      %dma_start3A_34 = arith.constant 0 : i32
      %dma_start3A_35 = arith.constant 0 : i32
      %dma_start3A_36 = tpu.memref_slice %arg16[%dma_start3A_34, %dma_start3A_35] : memref<10240x32xf32, #tpu.memory_space<vmem_shared>> -> memref<10240x32xf32, #tpu.memory_space<vmem_shared>>
      tpu.enqueue_indirect_dma source(%dma_start3A_30 : memref<128x32xf32, #tpu.memory_space<vmem>>) target(%dma_start3A_36 : memref<10240x32xf32, #tpu.memory_space<vmem_shared>>) offsets(%dma_start3A_33 : memref<128xi32, #tpu.memory_space<vmem>>) semaphore(%run_scoped3A_28 : memref<!tpu.dma_semaphore, #tpu.memory_space<semaphore_mem>>) {add = true}
      %dma_wait3A = arith.constant 896 : i32
      %dma_wait3A_37 = arith.constant 0 : i32
      %dma_wait3A_38 = tpu.memref_slice %arg11[%dma_wait3A, %dma_wait3A_37] : memref<1280x32xf32, #tpu.memory_space<vmem>> -> memref<128x32xf32, #tpu.memory_space<vmem>>
      %dma_wait3A_39 = arith.constant 0 : i32
      %dma_wait3A_40 = tpu.memref_slice %arg10[%run_scoped3A_11, %dma_wait3A_39] : memref<10x128xi32, #tpu.memory_space<vmem>> -> memref<1x128xi32, #tpu.memory_space<vmem>>
      %dma_wait3A_41 = tpu.memref_squeeze %dma_wait3A_40 : memref<1x128xi32, #tpu.memory_space<vmem>> -> memref<128xi32, #tpu.memory_space<vmem>>
      %dma_wait3A_42 = arith.constant 0 : i32
      %dma_wait3A_43 = arith.constant 0 : i32
      %dma_wait3A_44 = tpu.memref_slice %arg16[%dma_wait3A_42, %dma_wait3A_43] : memref<10240x32xf32, #tpu.memory_space<vmem_shared>> -> memref<10240x32xf32, #tpu.memory_space<vmem_shared>>
      tpu.wait_indirect_dma semaphore(%run_scoped3A_28 : memref<!tpu.dma_semaphore, #tpu.memory_space<semaphore_mem>>) src(%dma_wait3A_38 : memref<128x32xf32, #tpu.memory_space<vmem>>) dst(%dma_wait3A_44 : memref<10240x32xf32, #tpu.memory_space<vmem_shared>>)
      tpu.yield
    }) : () -> ()
    %run_scoped3A_12 = arith.constant 8 : i32
    "tpu.region"() ({
      %run_scoped3A_28 = tpu.sem_alloc : memref<!tpu.dma_semaphore, #tpu.memory_space<semaphore_mem>>
      %dma_start3A = arith.constant 1024 : i32
      %dma_start3A_29 = arith.constant 0 : i32
      %dma_start3A_30 = tpu.memref_slice %arg11[%dma_start3A, %dma_start3A_29] : memref<1280x32xf32, #tpu.memory_space<vmem>> -> memref<128x32xf32, #tpu.memory_space<vmem>>
      %dma_start3A_31 = arith.constant 0 : i32
      %dma_start3A_32 = tpu.memref_slice %arg10[%run_scoped3A_12, %dma_start3A_31] : memref<10x128xi32, #tpu.memory_space<vmem>> -> memref<1x128xi32, #tpu.memory_space<vmem>>
      %dma_start3A_33 = tpu.memref_squeeze %dma_start3A_32 : memref<1x128xi32, #tpu.memory_space<vmem>> -> memref<128xi32, #tpu.memory_space<vmem>>
      %dma_start3A_34 = arith.constant 0 : i32
      %dma_start3A_35 = arith.constant 0 : i32
      %dma_start3A_36 = tpu.memref_slice %arg16[%dma_start3A_34, %dma_start3A_35] : memref<10240x32xf32, #tpu.memory_space<vmem_shared>> -> memref<10240x32xf32, #tpu.memory_space<vmem_shared>>
      tpu.enqueue_indirect_dma source(%dma_start3A_30 : memref<128x32xf32, #tpu.memory_space<vmem>>) target(%dma_start3A_36 : memref<10240x32xf32, #tpu.memory_space<vmem_shared>>) offsets(%dma_start3A_33 : memref<128xi32, #tpu.memory_space<vmem>>) semaphore(%run_scoped3A_28 : memref<!tpu.dma_semaphore, #tpu.memory_space<semaphore_mem>>) {add = true}
      %dma_wait3A = arith.constant 1024 : i32
      %dma_wait3A_37 = arith.constant 0 : i32
      %dma_wait3A_38 = tpu.memref_slice %arg11[%dma_wait3A, %dma_wait3A_37] : memref<1280x32xf32, #tpu.memory_space<vmem>> -> memref<128x32xf32, #tpu.memory_space<vmem>>
      %dma_wait3A_39 = arith.constant 0 : i32
      %dma_wait3A_40 = tpu.memref_slice %arg10[%run_scoped3A_12, %dma_wait3A_39] : memref<10x128xi32, #tpu.memory_space<vmem>> -> memref<1x128xi32, #tpu.memory_space<vmem>>
      %dma_wait3A_41 = tpu.memref_squeeze %dma_wait3A_40 : memref<1x128xi32, #tpu.memory_space<vmem>> -> memref<128xi32, #tpu.memory_space<vmem>>
      %dma_wait3A_42 = arith.constant 0 : i32
      %dma_wait3A_43 = arith.constant 0 : i32
      %dma_wait3A_44 = tpu.memref_slice %arg16[%dma_wait3A_42, %dma_wait3A_43] : memref<10240x32xf32, #tpu.memory_space<vmem_shared>> -> memref<10240x32xf32, #tpu.memory_space<vmem_shared>>
      tpu.wait_indirect_dma semaphore(%run_scoped3A_28 : memref<!tpu.dma_semaphore, #tpu.memory_space<semaphore_mem>>) src(%dma_wait3A_38 : memref<128x32xf32, #tpu.memory_space<vmem>>) dst(%dma_wait3A_44 : memref<10240x32xf32, #tpu.memory_space<vmem_shared>>)
      tpu.yield
    }) : () -> ()
    %run_scoped3A_13 = arith.constant 9 : i32
    "tpu.region"() ({
      %run_scoped3A_28 = tpu.sem_alloc : memref<!tpu.dma_semaphore, #tpu.memory_space<semaphore_mem>>
      %dma_start3A = arith.constant 1152 : i32
      %dma_start3A_29 = arith.constant 0 : i32
      %dma_start3A_30 = tpu.memref_slice %arg11[%dma_start3A, %dma_start3A_29] : memref<1280x32xf32, #tpu.memory_space<vmem>> -> memref<128x32xf32, #tpu.memory_space<vmem>>
      %dma_start3A_31 = arith.constant 0 : i32
      %dma_start3A_32 = tpu.memref_slice %arg10[%run_scoped3A_13, %dma_start3A_31] : memref<10x128xi32, #tpu.memory_space<vmem>> -> memref<1x128xi32, #tpu.memory_space<vmem>>
      %dma_start3A_33 = tpu.memref_squeeze %dma_start3A_32 : memref<1x128xi32, #tpu.memory_space<vmem>> -> memref<128xi32, #tpu.memory_space<vmem>>
      %dma_start3A_34 = arith.constant 0 : i32
      %dma_start3A_35 = arith.constant 0 : i32
      %dma_start3A_36 = tpu.memref_slice %arg16[%dma_start3A_34, %dma_start3A_35] : memref<10240x32xf32, #tpu.memory_space<vmem_shared>> -> memref<10240x32xf32, #tpu.memory_space<vmem_shared>>
      tpu.enqueue_indirect_dma source(%dma_start3A_30 : memref<128x32xf32, #tpu.memory_space<vmem>>) target(%dma_start3A_36 : memref<10240x32xf32, #tpu.memory_space<vmem_shared>>) offsets(%dma_start3A_33 : memref<128xi32, #tpu.memory_space<vmem>>) semaphore(%run_scoped3A_28 : memref<!tpu.dma_semaphore, #tpu.memory_space<semaphore_mem>>) {add = true}
      %dma_wait3A = arith.constant 1152 : i32
      %dma_wait3A_37 = arith.constant 0 : i32
      %dma_wait3A_38 = tpu.memref_slice %arg11[%dma_wait3A, %dma_wait3A_37] : memref<1280x32xf32, #tpu.memory_space<vmem>> -> memref<128x32xf32, #tpu.memory_space<vmem>>
      %dma_wait3A_39 = arith.constant 0 : i32
      %dma_wait3A_40 = tpu.memref_slice %arg10[%run_scoped3A_13, %dma_wait3A_39] : memref<10x128xi32, #tpu.memory_space<vmem>> -> memref<1x128xi32, #tpu.memory_space<vmem>>
      %dma_wait3A_41 = tpu.memref_squeeze %dma_wait3A_40 : memref<1x128xi32, #tpu.memory_space<vmem>> -> memref<128xi32, #tpu.memory_space<vmem>>
      %dma_wait3A_42 = arith.constant 0 : i32
      %dma_wait3A_43 = arith.constant 0 : i32
      %dma_wait3A_44 = tpu.memref_slice %arg16[%dma_wait3A_42, %dma_wait3A_43] : memref<10240x32xf32, #tpu.memory_space<vmem_shared>> -> memref<10240x32xf32, #tpu.memory_space<vmem_shared>>
      tpu.wait_indirect_dma semaphore(%run_scoped3A_28 : memref<!tpu.dma_semaphore, #tpu.memory_space<semaphore_mem>>) src(%dma_wait3A_38 : memref<128x32xf32, #tpu.memory_space<vmem>>) dst(%dma_wait3A_44 : memref<10240x32xf32, #tpu.memory_space<vmem_shared>>)
      tpu.yield
    }) : () -> ()
    %run_scoped3A_14 = arith.constant 0 : i32
    "tpu.region"() ({
      %run_scoped3A_28 = tpu.sem_alloc : memref<!tpu.dma_semaphore, #tpu.memory_space<semaphore_mem>>
      %dma_start3A = arith.constant 0 : i32
      %dma_start3A_29 = arith.constant 0 : i32
      %dma_start3A_30 = tpu.memref_slice %arg14[%dma_start3A, %dma_start3A_29] : memref<1280x16xf32, #tpu.memory_space<vmem>> -> memref<128x16xf32, #tpu.memory_space<vmem>>
      %dma_start3A_31 = arith.constant 0 : i32
      %dma_start3A_32 = tpu.memref_slice %arg13[%run_scoped3A_14, %dma_start3A_31] : memref<10x128xi32, #tpu.memory_space<vmem>> -> memref<1x128xi32, #tpu.memory_space<vmem>>
      %dma_start3A_33 = tpu.memref_squeeze %dma_start3A_32 : memref<1x128xi32, #tpu.memory_space<vmem>> -> memref<128xi32, #tpu.memory_space<vmem>>
      %dma_start3A_34 = arith.constant 0 : i32
      %dma_start3A_35 = arith.constant 0 : i32
      %dma_start3A_36 = tpu.memref_slice %arg17[%dma_start3A_34, %dma_start3A_35] : memref<10240x16xf32, #tpu.memory_space<vmem_shared>> -> memref<10240x16xf32, #tpu.memory_space<vmem_shared>>
      tpu.enqueue_indirect_dma source(%dma_start3A_30 : memref<128x16xf32, #tpu.memory_space<vmem>>) target(%dma_start3A_36 : memref<10240x16xf32, #tpu.memory_space<vmem_shared>>) offsets(%dma_start3A_33 : memref<128xi32, #tpu.memory_space<vmem>>) semaphore(%run_scoped3A_28 : memref<!tpu.dma_semaphore, #tpu.memory_space<semaphore_mem>>) {add = true}
      %dma_wait3A = arith.constant 0 : i32
      %dma_wait3A_37 = arith.constant 0 : i32
      %dma_wait3A_38 = tpu.memref_slice %arg14[%dma_wait3A, %dma_wait3A_37] : memref<1280x16xf32, #tpu.memory_space<vmem>> -> memref<128x16xf32, #tpu.memory_space<vmem>>
      %dma_wait3A_39 = arith.constant 0 : i32
      %dma_wait3A_40 = tpu.memref_slice %arg13[%run_scoped3A_14, %dma_wait3A_39] : memref<10x128xi32, #tpu.memory_space<vmem>> -> memref<1x128xi32, #tpu.memory_space<vmem>>
      %dma_wait3A_41 = tpu.memref_squeeze %dma_wait3A_40 : memref<1x128xi32, #tpu.memory_space<vmem>> -> memref<128xi32, #tpu.memory_space<vmem>>
      %dma_wait3A_42 = arith.constant 0 : i32
      %dma_wait3A_43 = arith.constant 0 : i32
      %dma_wait3A_44 = tpu.memref_slice %arg17[%dma_wait3A_42, %dma_wait3A_43] : memref<10240x16xf32, #tpu.memory_space<vmem_shared>> -> memref<10240x16xf32, #tpu.memory_space<vmem_shared>>
      tpu.wait_indirect_dma semaphore(%run_scoped3A_28 : memref<!tpu.dma_semaphore, #tpu.memory_space<semaphore_mem>>) src(%dma_wait3A_38 : memref<128x16xf32, #tpu.memory_space<vmem>>) dst(%dma_wait3A_44 : memref<10240x16xf32, #tpu.memory_space<vmem_shared>>)
      tpu.yield
    }) : () -> ()
    %run_scoped3A_15 = arith.constant 1 : i32
    "tpu.region"() ({
      %run_scoped3A_28 = tpu.sem_alloc : memref<!tpu.dma_semaphore, #tpu.memory_space<semaphore_mem>>
      %dma_start3A = arith.constant 128 : i32
      %dma_start3A_29 = arith.constant 0 : i32
      %dma_start3A_30 = tpu.memref_slice %arg14[%dma_start3A, %dma_start3A_29] : memref<1280x16xf32, #tpu.memory_space<vmem>> -> memref<128x16xf32, #tpu.memory_space<vmem>>
      %dma_start3A_31 = arith.constant 0 : i32
      %dma_start3A_32 = tpu.memref_slice %arg13[%run_scoped3A_15, %dma_start3A_31] : memref<10x128xi32, #tpu.memory_space<vmem>> -> memref<1x128xi32, #tpu.memory_space<vmem>>
      %dma_start3A_33 = tpu.memref_squeeze %dma_start3A_32 : memref<1x128xi32, #tpu.memory_space<vmem>> -> memref<128xi32, #tpu.memory_space<vmem>>
      %dma_start3A_34 = arith.constant 0 : i32
      %dma_start3A_35 = arith.constant 0 : i32
      %dma_start3A_36 = tpu.memref_slice %arg17[%dma_start3A_34, %dma_start3A_35] : memref<10240x16xf32, #tpu.memory_space<vmem_shared>> -> memref<10240x16xf32, #tpu.memory_space<vmem_shared>>
      tpu.enqueue_indirect_dma source(%dma_start3A_30 : memref<128x16xf32, #tpu.memory_space<vmem>>) target(%dma_start3A_36 : memref<10240x16xf32, #tpu.memory_space<vmem_shared>>) offsets(%dma_start3A_33 : memref<128xi32, #tpu.memory_space<vmem>>) semaphore(%run_scoped3A_28 : memref<!tpu.dma_semaphore, #tpu.memory_space<semaphore_mem>>) {add = true}
      %dma_wait3A = arith.constant 128 : i32
      %dma_wait3A_37 = arith.constant 0 : i32
      %dma_wait3A_38 = tpu.memref_slice %arg14[%dma_wait3A, %dma_wait3A_37] : memref<1280x16xf32, #tpu.memory_space<vmem>> -> memref<128x16xf32, #tpu.memory_space<vmem>>
      %dma_wait3A_39 = arith.constant 0 : i32
      %dma_wait3A_40 = tpu.memref_slice %arg13[%run_scoped3A_15, %dma_wait3A_39] : memref<10x128xi32, #tpu.memory_space<vmem>> -> memref<1x128xi32, #tpu.memory_space<vmem>>
      %dma_wait3A_41 = tpu.memref_squeeze %dma_wait3A_40 : memref<1x128xi32, #tpu.memory_space<vmem>> -> memref<128xi32, #tpu.memory_space<vmem>>
      %dma_wait3A_42 = arith.constant 0 : i32
      %dma_wait3A_43 = arith.constant 0 : i32
      %dma_wait3A_44 = tpu.memref_slice %arg17[%dma_wait3A_42, %dma_wait3A_43] : memref<10240x16xf32, #tpu.memory_space<vmem_shared>> -> memref<10240x16xf32, #tpu.memory_space<vmem_shared>>
      tpu.wait_indirect_dma semaphore(%run_scoped3A_28 : memref<!tpu.dma_semaphore, #tpu.memory_space<semaphore_mem>>) src(%dma_wait3A_38 : memref<128x16xf32, #tpu.memory_space<vmem>>) dst(%dma_wait3A_44 : memref<10240x16xf32, #tpu.memory_space<vmem_shared>>)
      tpu.yield
    }) : () -> ()
    %run_scoped3A_16 = arith.constant 2 : i32
    "tpu.region"() ({
      %run_scoped3A_28 = tpu.sem_alloc : memref<!tpu.dma_semaphore, #tpu.memory_space<semaphore_mem>>
      %dma_start3A = arith.constant 256 : i32
      %dma_start3A_29 = arith.constant 0 : i32
      %dma_start3A_30 = tpu.memref_slice %arg14[%dma_start3A, %dma_start3A_29] : memref<1280x16xf32, #tpu.memory_space<vmem>> -> memref<128x16xf32, #tpu.memory_space<vmem>>
      %dma_start3A_31 = arith.constant 0 : i32
      %dma_start3A_32 = tpu.memref_slice %arg13[%run_scoped3A_16, %dma_start3A_31] : memref<10x128xi32, #tpu.memory_space<vmem>> -> memref<1x128xi32, #tpu.memory_space<vmem>>
      %dma_start3A_33 = tpu.memref_squeeze %dma_start3A_32 : memref<1x128xi32, #tpu.memory_space<vmem>> -> memref<128xi32, #tpu.memory_space<vmem>>
      %dma_start3A_34 = arith.constant 0 : i32
      %dma_start3A_35 = arith.constant 0 : i32
      %dma_start3A_36 = tpu.memref_slice %arg17[%dma_start3A_34, %dma_start3A_35] : memref<10240x16xf32, #tpu.memory_space<vmem_shared>> -> memref<10240x16xf32, #tpu.memory_space<vmem_shared>>
      tpu.enqueue_indirect_dma source(%dma_start3A_30 : memref<128x16xf32, #tpu.memory_space<vmem>>) target(%dma_start3A_36 : memref<10240x16xf32, #tpu.memory_space<vmem_shared>>) offsets(%dma_start3A_33 : memref<128xi32, #tpu.memory_space<vmem>>) semaphore(%run_scoped3A_28 : memref<!tpu.dma_semaphore, #tpu.memory_space<semaphore_mem>>) {add = true}
      %dma_wait3A = arith.constant 256 : i32
      %dma_wait3A_37 = arith.constant 0 : i32
      %dma_wait3A_38 = tpu.memref_slice %arg14[%dma_wait3A, %dma_wait3A_37] : memref<1280x16xf32, #tpu.memory_space<vmem>> -> memref<128x16xf32, #tpu.memory_space<vmem>>
      %dma_wait3A_39 = arith.constant 0 : i32
      %dma_wait3A_40 = tpu.memref_slice %arg13[%run_scoped3A_16, %dma_wait3A_39] : memref<10x128xi32, #tpu.memory_space<vmem>> -> memref<1x128xi32, #tpu.memory_space<vmem>>
      %dma_wait3A_41 = tpu.memref_squeeze %dma_wait3A_40 : memref<1x128xi32, #tpu.memory_space<vmem>> -> memref<128xi32, #tpu.memory_space<vmem>>
      %dma_wait3A_42 = arith.constant 0 : i32
      %dma_wait3A_43 = arith.constant 0 : i32
      %dma_wait3A_44 = tpu.memref_slice %arg17[%dma_wait3A_42, %dma_wait3A_43] : memref<10240x16xf32, #tpu.memory_space<vmem_shared>> -> memref<10240x16xf32, #tpu.memory_space<vmem_shared>>
      tpu.wait_indirect_dma semaphore(%run_scoped3A_28 : memref<!tpu.dma_semaphore, #tpu.memory_space<semaphore_mem>>) src(%dma_wait3A_38 : memref<128x16xf32, #tpu.memory_space<vmem>>) dst(%dma_wait3A_44 : memref<10240x16xf32, #tpu.memory_space<vmem_shared>>)
      tpu.yield
    }) : () -> ()
    %run_scoped3A_17 = arith.constant 3 : i32
    "tpu.region"() ({
      %run_scoped3A_28 = tpu.sem_alloc : memref<!tpu.dma_semaphore, #tpu.memory_space<semaphore_mem>>
      %dma_start3A = arith.constant 384 : i32
      %dma_start3A_29 = arith.constant 0 : i32
      %dma_start3A_30 = tpu.memref_slice %arg14[%dma_start3A, %dma_start3A_29] : memref<1280x16xf32, #tpu.memory_space<vmem>> -> memref<128x16xf32, #tpu.memory_space<vmem>>
      %dma_start3A_31 = arith.constant 0 : i32
      %dma_start3A_32 = tpu.memref_slice %arg13[%run_scoped3A_17, %dma_start3A_31] : memref<10x128xi32, #tpu.memory_space<vmem>> -> memref<1x128xi32, #tpu.memory_space<vmem>>
      %dma_start3A_33 = tpu.memref_squeeze %dma_start3A_32 : memref<1x128xi32, #tpu.memory_space<vmem>> -> memref<128xi32, #tpu.memory_space<vmem>>
      %dma_start3A_34 = arith.constant 0 : i32
      %dma_start3A_35 = arith.constant 0 : i32
      %dma_start3A_36 = tpu.memref_slice %arg17[%dma_start3A_34, %dma_start3A_35] : memref<10240x16xf32, #tpu.memory_space<vmem_shared>> -> memref<10240x16xf32, #tpu.memory_space<vmem_shared>>
      tpu.enqueue_indirect_dma source(%dma_start3A_30 : memref<128x16xf32, #tpu.memory_space<vmem>>) target(%dma_start3A_36 : memref<10240x16xf32, #tpu.memory_space<vmem_shared>>) offsets(%dma_start3A_33 : memref<128xi32, #tpu.memory_space<vmem>>) semaphore(%run_scoped3A_28 : memref<!tpu.dma_semaphore, #tpu.memory_space<semaphore_mem>>) {add = true}
      %dma_wait3A = arith.constant 384 : i32
      %dma_wait3A_37 = arith.constant 0 : i32
      %dma_wait3A_38 = tpu.memref_slice %arg14[%dma_wait3A, %dma_wait3A_37] : memref<1280x16xf32, #tpu.memory_space<vmem>> -> memref<128x16xf32, #tpu.memory_space<vmem>>
      %dma_wait3A_39 = arith.constant 0 : i32
      %dma_wait3A_40 = tpu.memref_slice %arg13[%run_scoped3A_17, %dma_wait3A_39] : memref<10x128xi32, #tpu.memory_space<vmem>> -> memref<1x128xi32, #tpu.memory_space<vmem>>
      %dma_wait3A_41 = tpu.memref_squeeze %dma_wait3A_40 : memref<1x128xi32, #tpu.memory_space<vmem>> -> memref<128xi32, #tpu.memory_space<vmem>>
      %dma_wait3A_42 = arith.constant 0 : i32
      %dma_wait3A_43 = arith.constant 0 : i32
      %dma_wait3A_44 = tpu.memref_slice %arg17[%dma_wait3A_42, %dma_wait3A_43] : memref<10240x16xf32, #tpu.memory_space<vmem_shared>> -> memref<10240x16xf32, #tpu.memory_space<vmem_shared>>
      tpu.wait_indirect_dma semaphore(%run_scoped3A_28 : memref<!tpu.dma_semaphore, #tpu.memory_space<semaphore_mem>>) src(%dma_wait3A_38 : memref<128x16xf32, #tpu.memory_space<vmem>>) dst(%dma_wait3A_44 : memref<10240x16xf32, #tpu.memory_space<vmem_shared>>)
      tpu.yield
    }) : () -> ()
    %run_scoped3A_18 = arith.constant 4 : i32
    "tpu.region"() ({
      %run_scoped3A_28 = tpu.sem_alloc : memref<!tpu.dma_semaphore, #tpu.memory_space<semaphore_mem>>
      %dma_start3A = arith.constant 512 : i32
      %dma_start3A_29 = arith.constant 0 : i32
      %dma_start3A_30 = tpu.memref_slice %arg14[%dma_start3A, %dma_start3A_29] : memref<1280x16xf32, #tpu.memory_space<vmem>> -> memref<128x16xf32, #tpu.memory_space<vmem>>
      %dma_start3A_31 = arith.constant 0 : i32
      %dma_start3A_32 = tpu.memref_slice %arg13[%run_scoped3A_18, %dma_start3A_31] : memref<10x128xi32, #tpu.memory_space<vmem>> -> memref<1x128xi32, #tpu.memory_space<vmem>>
      %dma_start3A_33 = tpu.memref_squeeze %dma_start3A_32 : memref<1x128xi32, #tpu.memory_space<vmem>> -> memref<128xi32, #tpu.memory_space<vmem>>
      %dma_start3A_34 = arith.constant 0 : i32
      %dma_start3A_35 = arith.constant 0 : i32
      %dma_start3A_36 = tpu.memref_slice %arg17[%dma_start3A_34, %dma_start3A_35] : memref<10240x16xf32, #tpu.memory_space<vmem_shared>> -> memref<10240x16xf32, #tpu.memory_space<vmem_shared>>
      tpu.enqueue_indirect_dma source(%dma_start3A_30 : memref<128x16xf32, #tpu.memory_space<vmem>>) target(%dma_start3A_36 : memref<10240x16xf32, #tpu.memory_space<vmem_shared>>) offsets(%dma_start3A_33 : memref<128xi32, #tpu.memory_space<vmem>>) semaphore(%run_scoped3A_28 : memref<!tpu.dma_semaphore, #tpu.memory_space<semaphore_mem>>) {add = true}
      %dma_wait3A = arith.constant 512 : i32
      %dma_wait3A_37 = arith.constant 0 : i32
      %dma_wait3A_38 = tpu.memref_slice %arg14[%dma_wait3A, %dma_wait3A_37] : memref<1280x16xf32, #tpu.memory_space<vmem>> -> memref<128x16xf32, #tpu.memory_space<vmem>>
      %dma_wait3A_39 = arith.constant 0 : i32
      %dma_wait3A_40 = tpu.memref_slice %arg13[%run_scoped3A_18, %dma_wait3A_39] : memref<10x128xi32, #tpu.memory_space<vmem>> -> memref<1x128xi32, #tpu.memory_space<vmem>>
      %dma_wait3A_41 = tpu.memref_squeeze %dma_wait3A_40 : memref<1x128xi32, #tpu.memory_space<vmem>> -> memref<128xi32, #tpu.memory_space<vmem>>
      %dma_wait3A_42 = arith.constant 0 : i32
      %dma_wait3A_43 = arith.constant 0 : i32
      %dma_wait3A_44 = tpu.memref_slice %arg17[%dma_wait3A_42, %dma_wait3A_43] : memref<10240x16xf32, #tpu.memory_space<vmem_shared>> -> memref<10240x16xf32, #tpu.memory_space<vmem_shared>>
      tpu.wait_indirect_dma semaphore(%run_scoped3A_28 : memref<!tpu.dma_semaphore, #tpu.memory_space<semaphore_mem>>) src(%dma_wait3A_38 : memref<128x16xf32, #tpu.memory_space<vmem>>) dst(%dma_wait3A_44 : memref<10240x16xf32, #tpu.memory_space<vmem_shared>>)
      tpu.yield
    }) : () -> ()
    %run_scoped3A_19 = arith.constant 5 : i32
    "tpu.region"() ({
      %run_scoped3A_28 = tpu.sem_alloc : memref<!tpu.dma_semaphore, #tpu.memory_space<semaphore_mem>>
      %dma_start3A = arith.constant 640 : i32
      %dma_start3A_29 = arith.constant 0 : i32
      %dma_start3A_30 = tpu.memref_slice %arg14[%dma_start3A, %dma_start3A_29] : memref<1280x16xf32, #tpu.memory_space<vmem>> -> memref<128x16xf32, #tpu.memory_space<vmem>>
      %dma_start3A_31 = arith.constant 0 : i32
      %dma_start3A_32 = tpu.memref_slice %arg13[%run_scoped3A_19, %dma_start3A_31] : memref<10x128xi32, #tpu.memory_space<vmem>> -> memref<1x128xi32, #tpu.memory_space<vmem>>
      %dma_start3A_33 = tpu.memref_squeeze %dma_start3A_32 : memref<1x128xi32, #tpu.memory_space<vmem>> -> memref<128xi32, #tpu.memory_space<vmem>>
      %dma_start3A_34 = arith.constant 0 : i32
      %dma_start3A_35 = arith.constant 0 : i32
      %dma_start3A_36 = tpu.memref_slice %arg17[%dma_start3A_34, %dma_start3A_35] : memref<10240x16xf32, #tpu.memory_space<vmem_shared>> -> memref<10240x16xf32, #tpu.memory_space<vmem_shared>>
      tpu.enqueue_indirect_dma source(%dma_start3A_30 : memref<128x16xf32, #tpu.memory_space<vmem>>) target(%dma_start3A_36 : memref<10240x16xf32, #tpu.memory_space<vmem_shared>>) offsets(%dma_start3A_33 : memref<128xi32, #tpu.memory_space<vmem>>) semaphore(%run_scoped3A_28 : memref<!tpu.dma_semaphore, #tpu.memory_space<semaphore_mem>>) {add = true}
      %dma_wait3A = arith.constant 640 : i32
      %dma_wait3A_37 = arith.constant 0 : i32
      %dma_wait3A_38 = tpu.memref_slice %arg14[%dma_wait3A, %dma_wait3A_37] : memref<1280x16xf32, #tpu.memory_space<vmem>> -> memref<128x16xf32, #tpu.memory_space<vmem>>
      %dma_wait3A_39 = arith.constant 0 : i32
      %dma_wait3A_40 = tpu.memref_slice %arg13[%run_scoped3A_19, %dma_wait3A_39] : memref<10x128xi32, #tpu.memory_space<vmem>> -> memref<1x128xi32, #tpu.memory_space<vmem>>
      %dma_wait3A_41 = tpu.memref_squeeze %dma_wait3A_40 : memref<1x128xi32, #tpu.memory_space<vmem>> -> memref<128xi32, #tpu.memory_space<vmem>>
      %dma_wait3A_42 = arith.constant 0 : i32
      %dma_wait3A_43 = arith.constant 0 : i32
      %dma_wait3A_44 = tpu.memref_slice %arg17[%dma_wait3A_42, %dma_wait3A_43] : memref<10240x16xf32, #tpu.memory_space<vmem_shared>> -> memref<10240x16xf32, #tpu.memory_space<vmem_shared>>
      tpu.wait_indirect_dma semaphore(%run_scoped3A_28 : memref<!tpu.dma_semaphore, #tpu.memory_space<semaphore_mem>>) src(%dma_wait3A_38 : memref<128x16xf32, #tpu.memory_space<vmem>>) dst(%dma_wait3A_44 : memref<10240x16xf32, #tpu.memory_space<vmem_shared>>)
      tpu.yield
    }) : () -> ()
    %run_scoped3A_20 = arith.constant 6 : i32
    "tpu.region"() ({
      %run_scoped3A_28 = tpu.sem_alloc : memref<!tpu.dma_semaphore, #tpu.memory_space<semaphore_mem>>
      %dma_start3A = arith.constant 768 : i32
      %dma_start3A_29 = arith.constant 0 : i32
      %dma_start3A_30 = tpu.memref_slice %arg14[%dma_start3A, %dma_start3A_29] : memref<1280x16xf32, #tpu.memory_space<vmem>> -> memref<128x16xf32, #tpu.memory_space<vmem>>
      %dma_start3A_31 = arith.constant 0 : i32
      %dma_start3A_32 = tpu.memref_slice %arg13[%run_scoped3A_20, %dma_start3A_31] : memref<10x128xi32, #tpu.memory_space<vmem>> -> memref<1x128xi32, #tpu.memory_space<vmem>>
      %dma_start3A_33 = tpu.memref_squeeze %dma_start3A_32 : memref<1x128xi32, #tpu.memory_space<vmem>> -> memref<128xi32, #tpu.memory_space<vmem>>
      %dma_start3A_34 = arith.constant 0 : i32
      %dma_start3A_35 = arith.constant 0 : i32
      %dma_start3A_36 = tpu.memref_slice %arg17[%dma_start3A_34, %dma_start3A_35] : memref<10240x16xf32, #tpu.memory_space<vmem_shared>> -> memref<10240x16xf32, #tpu.memory_space<vmem_shared>>
      tpu.enqueue_indirect_dma source(%dma_start3A_30 : memref<128x16xf32, #tpu.memory_space<vmem>>) target(%dma_start3A_36 : memref<10240x16xf32, #tpu.memory_space<vmem_shared>>) offsets(%dma_start3A_33 : memref<128xi32, #tpu.memory_space<vmem>>) semaphore(%run_scoped3A_28 : memref<!tpu.dma_semaphore, #tpu.memory_space<semaphore_mem>>) {add = true}
      %dma_wait3A = arith.constant 768 : i32
      %dma_wait3A_37 = arith.constant 0 : i32
      %dma_wait3A_38 = tpu.memref_slice %arg14[%dma_wait3A, %dma_wait3A_37] : memref<1280x16xf32, #tpu.memory_space<vmem>> -> memref<128x16xf32, #tpu.memory_space<vmem>>
      %dma_wait3A_39 = arith.constant 0 : i32
      %dma_wait3A_40 = tpu.memref_slice %arg13[%run_scoped3A_20, %dma_wait3A_39] : memref<10x128xi32, #tpu.memory_space<vmem>> -> memref<1x128xi32, #tpu.memory_space<vmem>>
      %dma_wait3A_41 = tpu.memref_squeeze %dma_wait3A_40 : memref<1x128xi32, #tpu.memory_space<vmem>> -> memref<128xi32, #tpu.memory_space<vmem>>
      %dma_wait3A_42 = arith.constant 0 : i32
      %dma_wait3A_43 = arith.constant 0 : i32
      %dma_wait3A_44 = tpu.memref_slice %arg17[%dma_wait3A_42, %dma_wait3A_43] : memref<10240x16xf32, #tpu.memory_space<vmem_shared>> -> memref<10240x16xf32, #tpu.memory_space<vmem_shared>>
      tpu.wait_indirect_dma semaphore(%run_scoped3A_28 : memref<!tpu.dma_semaphore, #tpu.memory_space<semaphore_mem>>) src(%dma_wait3A_38 : memref<128x16xf32, #tpu.memory_space<vmem>>) dst(%dma_wait3A_44 : memref<10240x16xf32, #tpu.memory_space<vmem_shared>>)
      tpu.yield
    }) : () -> ()
    %run_scoped3A_21 = arith.constant 7 : i32
    "tpu.region"() ({
      %run_scoped3A_28 = tpu.sem_alloc : memref<!tpu.dma_semaphore, #tpu.memory_space<semaphore_mem>>
      %dma_start3A = arith.constant 896 : i32
      %dma_start3A_29 = arith.constant 0 : i32
      %dma_start3A_30 = tpu.memref_slice %arg14[%dma_start3A, %dma_start3A_29] : memref<1280x16xf32, #tpu.memory_space<vmem>> -> memref<128x16xf32, #tpu.memory_space<vmem>>
      %dma_start3A_31 = arith.constant 0 : i32
      %dma_start3A_32 = tpu.memref_slice %arg13[%run_scoped3A_21, %dma_start3A_31] : memref<10x128xi32, #tpu.memory_space<vmem>> -> memref<1x128xi32, #tpu.memory_space<vmem>>
      %dma_start3A_33 = tpu.memref_squeeze %dma_start3A_32 : memref<1x128xi32, #tpu.memory_space<vmem>> -> memref<128xi32, #tpu.memory_space<vmem>>
      %dma_start3A_34 = arith.constant 0 : i32
      %dma_start3A_35 = arith.constant 0 : i32
      %dma_start3A_36 = tpu.memref_slice %arg17[%dma_start3A_34, %dma_start3A_35] : memref<10240x16xf32, #tpu.memory_space<vmem_shared>> -> memref<10240x16xf32, #tpu.memory_space<vmem_shared>>
      tpu.enqueue_indirect_dma source(%dma_start3A_30 : memref<128x16xf32, #tpu.memory_space<vmem>>) target(%dma_start3A_36 : memref<10240x16xf32, #tpu.memory_space<vmem_shared>>) offsets(%dma_start3A_33 : memref<128xi32, #tpu.memory_space<vmem>>) semaphore(%run_scoped3A_28 : memref<!tpu.dma_semaphore, #tpu.memory_space<semaphore_mem>>) {add = true}
      %dma_wait3A = arith.constant 896 : i32
      %dma_wait3A_37 = arith.constant 0 : i32
      %dma_wait3A_38 = tpu.memref_slice %arg14[%dma_wait3A, %dma_wait3A_37] : memref<1280x16xf32, #tpu.memory_space<vmem>> -> memref<128x16xf32, #tpu.memory_space<vmem>>
      %dma_wait3A_39 = arith.constant 0 : i32
      %dma_wait3A_40 = tpu.memref_slice %arg13[%run_scoped3A_21, %dma_wait3A_39] : memref<10x128xi32, #tpu.memory_space<vmem>> -> memref<1x128xi32, #tpu.memory_space<vmem>>
      %dma_wait3A_41 = tpu.memref_squeeze %dma_wait3A_40 : memref<1x128xi32, #tpu.memory_space<vmem>> -> memref<128xi32, #tpu.memory_space<vmem>>
      %dma_wait3A_42 = arith.constant 0 : i32
      %dma_wait3A_43 = arith.constant 0 : i32
      %dma_wait3A_44 = tpu.memref_slice %arg17[%dma_wait3A_42, %dma_wait3A_43] : memref<10240x16xf32, #tpu.memory_space<vmem_shared>> -> memref<10240x16xf32, #tpu.memory_space<vmem_shared>>
      tpu.wait_indirect_dma semaphore(%run_scoped3A_28 : memref<!tpu.dma_semaphore, #tpu.memory_space<semaphore_mem>>) src(%dma_wait3A_38 : memref<128x16xf32, #tpu.memory_space<vmem>>) dst(%dma_wait3A_44 : memref<10240x16xf32, #tpu.memory_space<vmem_shared>>)
      tpu.yield
    }) : () -> ()
    %run_scoped3A_22 = arith.constant 8 : i32
    "tpu.region"() ({
      %run_scoped3A_28 = tpu.sem_alloc : memref<!tpu.dma_semaphore, #tpu.memory_space<semaphore_mem>>
      %dma_start3A = arith.constant 1024 : i32
      %dma_start3A_29 = arith.constant 0 : i32
      %dma_start3A_30 = tpu.memref_slice %arg14[%dma_start3A, %dma_start3A_29] : memref<1280x16xf32, #tpu.memory_space<vmem>> -> memref<128x16xf32, #tpu.memory_space<vmem>>
      %dma_start3A_31 = arith.constant 0 : i32
      %dma_start3A_32 = tpu.memref_slice %arg13[%run_scoped3A_22, %dma_start3A_31] : memref<10x128xi32, #tpu.memory_space<vmem>> -> memref<1x128xi32, #tpu.memory_space<vmem>>
      %dma_start3A_33 = tpu.memref_squeeze %dma_start3A_32 : memref<1x128xi32, #tpu.memory_space<vmem>> -> memref<128xi32, #tpu.memory_space<vmem>>
      %dma_start3A_34 = arith.constant 0 : i32
      %dma_start3A_35 = arith.constant 0 : i32
      %dma_start3A_36 = tpu.memref_slice %arg17[%dma_start3A_34, %dma_start3A_35] : memref<10240x16xf32, #tpu.memory_space<vmem_shared>> -> memref<10240x16xf32, #tpu.memory_space<vmem_shared>>
      tpu.enqueue_indirect_dma source(%dma_start3A_30 : memref<128x16xf32, #tpu.memory_space<vmem>>) target(%dma_start3A_36 : memref<10240x16xf32, #tpu.memory_space<vmem_shared>>) offsets(%dma_start3A_33 : memref<128xi32, #tpu.memory_space<vmem>>) semaphore(%run_scoped3A_28 : memref<!tpu.dma_semaphore, #tpu.memory_space<semaphore_mem>>) {add = true}
      %dma_wait3A = arith.constant 1024 : i32
      %dma_wait3A_37 = arith.constant 0 : i32
      %dma_wait3A_38 = tpu.memref_slice %arg14[%dma_wait3A, %dma_wait3A_37] : memref<1280x16xf32, #tpu.memory_space<vmem>> -> memref<128x16xf32, #tpu.memory_space<vmem>>
      %dma_wait3A_39 = arith.constant 0 : i32
      %dma_wait3A_40 = tpu.memref_slice %arg13[%run_scoped3A_22, %dma_wait3A_39] : memref<10x128xi32, #tpu.memory_space<vmem>> -> memref<1x128xi32, #tpu.memory_space<vmem>>
      %dma_wait3A_41 = tpu.memref_squeeze %dma_wait3A_40 : memref<1x128xi32, #tpu.memory_space<vmem>> -> memref<128xi32, #tpu.memory_space<vmem>>
      %dma_wait3A_42 = arith.constant 0 : i32
      %dma_wait3A_43 = arith.constant 0 : i32
      %dma_wait3A_44 = tpu.memref_slice %arg17[%dma_wait3A_42, %dma_wait3A_43] : memref<10240x16xf32, #tpu.memory_space<vmem_shared>> -> memref<10240x16xf32, #tpu.memory_space<vmem_shared>>
      tpu.wait_indirect_dma semaphore(%run_scoped3A_28 : memref<!tpu.dma_semaphore, #tpu.memory_space<semaphore_mem>>) src(%dma_wait3A_38 : memref<128x16xf32, #tpu.memory_space<vmem>>) dst(%dma_wait3A_44 : memref<10240x16xf32, #tpu.memory_space<vmem_shared>>)
      tpu.yield
    }) : () -> ()
    %run_scoped3A_23 = arith.constant 9 : i32
    "tpu.region"() ({
      %run_scoped3A_28 = tpu.sem_alloc : memref<!tpu.dma_semaphore, #tpu.memory_space<semaphore_mem>>
      %dma_start3A = arith.constant 1152 : i32
      %dma_start3A_29 = arith.constant 0 : i32
      %dma_start3A_30 = tpu.memref_slice %arg14[%dma_start3A, %dma_start3A_29] : memref<1280x16xf32, #tpu.memory_space<vmem>> -> memref<128x16xf32, #tpu.memory_space<vmem>>
      %dma_start3A_31 = arith.constant 0 : i32
      %dma_start3A_32 = tpu.memref_slice %arg13[%run_scoped3A_23, %dma_start3A_31] : memref<10x128xi32, #tpu.memory_space<vmem>> -> memref<1x128xi32, #tpu.memory_space<vmem>>
      %dma_start3A_33 = tpu.memref_squeeze %dma_start3A_32 : memref<1x128xi32, #tpu.memory_space<vmem>> -> memref<128xi32, #tpu.memory_space<vmem>>
      %dma_start3A_34 = arith.constant 0 : i32
      %dma_start3A_35 = arith.constant 0 : i32
      %dma_start3A_36 = tpu.memref_slice %arg17[%dma_start3A_34, %dma_start3A_35] : memref<10240x16xf32, #tpu.memory_space<vmem_shared>> -> memref<10240x16xf32, #tpu.memory_space<vmem_shared>>
      tpu.enqueue_indirect_dma source(%dma_start3A_30 : memref<128x16xf32, #tpu.memory_space<vmem>>) target(%dma_start3A_36 : memref<10240x16xf32, #tpu.memory_space<vmem_shared>>) offsets(%dma_start3A_33 : memref<128xi32, #tpu.memory_space<vmem>>) semaphore(%run_scoped3A_28 : memref<!tpu.dma_semaphore, #tpu.memory_space<semaphore_mem>>) {add = true}
      %dma_wait3A = arith.constant 1152 : i32
      %dma_wait3A_37 = arith.constant 0 : i32
      %dma_wait3A_38 = tpu.memref_slice %arg14[%dma_wait3A, %dma_wait3A_37] : memref<1280x16xf32, #tpu.memory_space<vmem>> -> memref<128x16xf32, #tpu.memory_space<vmem>>
      %dma_wait3A_39 = arith.constant 0 : i32
      %dma_wait3A_40 = tpu.memref_slice %arg13[%run_scoped3A_23, %dma_wait3A_39] : memref<10x128xi32, #tpu.memory_space<vmem>> -> memref<1x128xi32, #tpu.memory_space<vmem>>
      %dma_wait3A_41 = tpu.memref_squeeze %dma_wait3A_40 : memref<1x128xi32, #tpu.memory_space<vmem>> -> memref<128xi32, #tpu.memory_space<vmem>>
      %dma_wait3A_42 = arith.constant 0 : i32
      %dma_wait3A_43 = arith.constant 0 : i32
      %dma_wait3A_44 = tpu.memref_slice %arg17[%dma_wait3A_42, %dma_wait3A_43] : memref<10240x16xf32, #tpu.memory_space<vmem_shared>> -> memref<10240x16xf32, #tpu.memory_space<vmem_shared>>
      tpu.wait_indirect_dma semaphore(%run_scoped3A_28 : memref<!tpu.dma_semaphore, #tpu.memory_space<semaphore_mem>>) src(%dma_wait3A_38 : memref<128x16xf32, #tpu.memory_space<vmem>>) dst(%dma_wait3A_44 : memref<10240x16xf32, #tpu.memory_space<vmem_shared>>)
      tpu.yield
    }) : () -> ()
    %barrier3A_24 = arith.constant 0 : index
    tpu.barrier barrier_id(%barrier3A_24)
    %mul3A_25 = arith.constant 10240 : i32
    %mul3A_26 = arith.muli %arg0, %mul3A_25 : i32
    %add3A_27 = arith.addi %mul3A_26, %mul3A_4 : i32
    "tpu.region"() ({
      %run_scoped3A_28 = tpu.sem_alloc : memref<!tpu.dma_semaphore, #tpu.memory_space<semaphore_mem>>
      %dma_start3A = arith.constant 0 : i32
      %dma_start3A_29 = tpu.memref_slice %arg16[%mul3A_4, %dma_start3A] : memref<10240x32xf32, #tpu.memory_space<vmem_shared>> -> memref<640x32xf32, #tpu.memory_space<vmem_shared>>
      %dma_start3A_30 = arith.constant 0 : i32
      %dma_start3A_31 = tpu.memref_slice %arg16[%mul3A_4, %dma_start3A_30] : memref<10240x32xf32, #tpu.memory_space<vmem_shared>> -> memref<640x32xf32, #tpu.memory_space<vmem_shared>>
      tpu.enqueue_dma source(%dma_start3A_31 : memref<640x32xf32, #tpu.memory_space<vmem_shared>>) target(%arg12 : memref<640x32xf32, #tpu.memory_space<vmem>>) target_semaphore(%run_scoped3A_28 : memref<!tpu.dma_semaphore, #tpu.memory_space<semaphore_mem>>)
      %dma_wait3A = arith.constant 0 : i32
      %dma_wait3A_32 = tpu.memref_slice %arg16[%mul3A_4, %dma_wait3A] : memref<10240x32xf32, #tpu.memory_space<vmem_shared>> -> memref<640x32xf32, #tpu.memory_space<vmem_shared>>
      %dma_wait3A_33 = arith.constant 0 : i32
      %dma_wait3A_34 = tpu.memref_slice %arg16[%mul3A_4, %dma_wait3A_33] : memref<10240x32xf32, #tpu.memory_space<vmem_shared>> -> memref<640x32xf32, #tpu.memory_space<vmem_shared>>
      tpu.wait_dma2 semaphore(%run_scoped3A_28 : memref<!tpu.dma_semaphore, #tpu.memory_space<semaphore_mem>>) src(%dma_wait3A_34 : memref<640x32xf32, #tpu.memory_space<vmem_shared>>) dst(%arg12 : memref<640x32xf32, #tpu.memory_space<vmem>>)
      tpu.yield
    }) : () -> ()
    "tpu.region"() ({
      %run_scoped3A_28 = tpu.sem_alloc : memref<!tpu.dma_semaphore, #tpu.memory_space<semaphore_mem>>
      %dma_start3A = arith.constant 0 : i32
      %dma_start3A_29 = tpu.memref_slice %arg8[%add3A_27, %dma_start3A] : memref<20480x32xf32, #tpu.memory_space<hbm>> -> memref<640x32xf32, #tpu.memory_space<hbm>>
      %dma_start3A_30 = arith.constant 0 : i32
      %dma_start3A_31 = tpu.memref_slice %arg8[%add3A_27, %dma_start3A_30] : memref<20480x32xf32, #tpu.memory_space<hbm>> -> memref<640x32xf32, #tpu.memory_space<hbm>>
      tpu.enqueue_dma source(%arg12 : memref<640x32xf32, #tpu.memory_space<vmem>>) target(%dma_start3A_31 : memref<640x32xf32, #tpu.memory_space<hbm>>) target_semaphore(%run_scoped3A_28 : memref<!tpu.dma_semaphore, #tpu.memory_space<semaphore_mem>>)
      %dma_wait3A = arith.constant 0 : i32
      %dma_wait3A_32 = tpu.memref_slice %arg8[%add3A_27, %dma_wait3A] : memref<20480x32xf32, #tpu.memory_space<hbm>> -> memref<640x32xf32, #tpu.memory_space<hbm>>
      %dma_wait3A_33 = arith.constant 0 : i32
      %dma_wait3A_34 = tpu.memref_slice %arg8[%add3A_27, %dma_wait3A_33] : memref<20480x32xf32, #tpu.memory_space<hbm>> -> memref<640x32xf32, #tpu.memory_space<hbm>>
      tpu.wait_dma2 semaphore(%run_scoped3A_28 : memref<!tpu.dma_semaphore, #tpu.memory_space<semaphore_mem>>) src(%arg12 : memref<640x32xf32, #tpu.memory_space<vmem>>) dst(%dma_wait3A_34 : memref<640x32xf32, #tpu.memory_space<hbm>>)
      tpu.yield
    }) : () -> ()
    "tpu.region"() ({
      %run_scoped3A_28 = tpu.sem_alloc : memref<!tpu.dma_semaphore, #tpu.memory_space<semaphore_mem>>
      %dma_start3A = arith.constant 0 : i32
      %dma_start3A_29 = tpu.memref_slice %arg17[%mul3A_4, %dma_start3A] : memref<10240x16xf32, #tpu.memory_space<vmem_shared>> -> memref<640x16xf32, #tpu.memory_space<vmem_shared>>
      %dma_start3A_30 = arith.constant 0 : i32
      %dma_start3A_31 = tpu.memref_slice %arg17[%mul3A_4, %dma_start3A_30] : memref<10240x16xf32, #tpu.memory_space<vmem_shared>> -> memref<640x16xf32, #tpu.memory_space<vmem_shared>>
      tpu.enqueue_dma source(%dma_start3A_31 : memref<640x16xf32, #tpu.memory_space<vmem_shared>>) target(%arg15 : memref<640x16xf32, #tpu.memory_space<vmem>>) target_semaphore(%run_scoped3A_28 : memref<!tpu.dma_semaphore, #tpu.memory_space<semaphore_mem>>)
      %dma_wait3A = arith.constant 0 : i32
      %dma_wait3A_32 = tpu.memref_slice %arg17[%mul3A_4, %dma_wait3A] : memref<10240x16xf32, #tpu.memory_space<vmem_shared>> -> memref<640x16xf32, #tpu.memory_space<vmem_shared>>
      %dma_wait3A_33 = arith.constant 0 : i32
      %dma_wait3A_34 = tpu.memref_slice %arg17[%mul3A_4, %dma_wait3A_33] : memref<10240x16xf32, #tpu.memory_space<vmem_shared>> -> memref<640x16xf32, #tpu.memory_space<vmem_shared>>
      tpu.wait_dma2 semaphore(%run_scoped3A_28 : memref<!tpu.dma_semaphore, #tpu.memory_space<semaphore_mem>>) src(%dma_wait3A_34 : memref<640x16xf32, #tpu.memory_space<vmem_shared>>) dst(%arg15 : memref<640x16xf32, #tpu.memory_space<vmem>>)
      tpu.yield
    }) : () -> ()
    "tpu.region"() ({
      %run_scoped3A_28 = tpu.sem_alloc : memref<!tpu.dma_semaphore, #tpu.memory_space<semaphore_mem>>
      %dma_start3A = arith.constant 0 : i32
      %dma_start3A_29 = tpu.memref_slice %arg9[%add3A_27, %dma_start3A] : memref<20480x16xf32, #tpu.memory_space<hbm>> -> memref<640x16xf32, #tpu.memory_space<hbm>>
      %dma_start3A_30 = arith.constant 0 : i32
      %dma_start3A_31 = tpu.memref_slice %arg9[%add3A_27, %dma_start3A_30] : memref<20480x16xf32, #tpu.memory_space<hbm>> -> memref<640x16xf32, #tpu.memory_space<hbm>>
      tpu.enqueue_dma source(%arg15 : memref<640x16xf32, #tpu.memory_space<vmem>>) target(%dma_start3A_31 : memref<640x16xf32, #tpu.memory_space<hbm>>) target_semaphore(%run_scoped3A_28 : memref<!tpu.dma_semaphore, #tpu.memory_space<semaphore_mem>>)
      %dma_wait3A = arith.constant 0 : i32
      %dma_wait3A_32 = tpu.memref_slice %arg9[%add3A_27, %dma_wait3A] : memref<20480x16xf32, #tpu.memory_space<hbm>> -> memref<640x16xf32, #tpu.memory_space<hbm>>
      %dma_wait3A_33 = arith.constant 0 : i32
      %dma_wait3A_34 = tpu.memref_slice %arg9[%add3A_27, %dma_wait3A_33] : memref<20480x16xf32, #tpu.memory_space<hbm>> -> memref<640x16xf32, #tpu.memory_space<hbm>>
      tpu.wait_dma2 semaphore(%run_scoped3A_28 : memref<!tpu.dma_semaphore, #tpu.memory_space<semaphore_mem>>) src(%arg15 : memref<640x16xf32, #tpu.memory_space<vmem>>) dst(%dma_wait3A_34 : memref<640x16xf32, #tpu.memory_space<hbm>>)
      tpu.yield
    }) : () -> ()
    return
  }
}

module attributes {stable_mosaic.version = 14 : i64} {
  func.func @_msg_body(%arg0: i32, %arg1: memref<2048x16xf32, #tpu.memory_space<vmem>>, %arg2: memref<512x128xf32, #tpu.memory_space<vmem>>, %arg3: memref<16x1024xf32, #tpu.memory_space<vmem>>, %arg4: memref<1x1024xf32, #tpu.memory_space<vmem>>, %arg5: memref<32x1024xf32, #tpu.memory_space<vmem>>, %arg6: memref<1024x32xf32, #tpu.memory_space<vmem>>, %arg7: memref<32x32xf32, #tpu.memory_space<vmem>>, %arg8: memref<512x128xf32, #tpu.memory_space<vmem>>) attributes {dimension_semantics = [#tpu.dimension_semantics<arbitrary>], iteration_bounds = array<i64: 20>, scalar_prefetch = 0 : i64, scratch_operands = 0 : i64, tpu.core_type = #tpu.core_type<tc>, window_params = [{transform_indices = @transform_0, window_bounds = array<i64: 2048, 16>}, {transform_indices = @transform_1, window_bounds = array<i64: 512, 128>}, {pipeline_mode = #tpu.pipeline_mode<synchronous>, transform_indices = @transform_2, window_bounds = array<i64: 16, 1024>}, {pipeline_mode = #tpu.pipeline_mode<synchronous>, transform_indices = @transform_3, window_bounds = array<i64: 1, 1024>}, {pipeline_mode = #tpu.pipeline_mode<synchronous>, transform_indices = @transform_4, window_bounds = array<i64: 32, 1024>}, {pipeline_mode = #tpu.pipeline_mode<synchronous>, transform_indices = @transform_5, window_bounds = array<i64: 1024, 32>}, {pipeline_mode = #tpu.pipeline_mode<synchronous>, transform_indices = @transform_6, window_bounds = array<i64: 32, 32>}, {transform_indices = @transform_7, window_bounds = array<i64: 512, 128>}]} {
    %get3A = arith.constant 0 : index
    %get3A_0 = arith.constant 0 : index
    %get3A_1 = vector.load %arg1[%get3A, %get3A_0] : memref<2048x16xf32, #tpu.memory_space<vmem>>, vector<2048x16xf32>
    %get3A_2 = arith.constant 0 : index
    %get3A_3 = arith.constant 0 : index
    %get3A_4 = vector.load %arg2[%get3A_2, %get3A_3] : memref<512x128xf32, #tpu.memory_space<vmem>>, vector<512x128xf32>
    %slice3A = vector.extract_strided_slice %get3A_4 {offsets = [0, 0], sizes = [512, 32], strides = [1, 1]} : vector<512x128xf32> to vector<512x32xf32>
    %slice3A_5 = vector.extract_strided_slice %get3A_4 {offsets = [0, 32], sizes = [512, 32], strides = [1, 1]} : vector<512x128xf32> to vector<512x32xf32>
    %slice3A_6 = vector.extract_strided_slice %get3A_4 {offsets = [0, 64], sizes = [512, 32], strides = [1, 1]} : vector<512x128xf32> to vector<512x32xf32>
    %slice3A_7 = vector.extract_strided_slice %get3A_4 {offsets = [0, 96], sizes = [512, 32], strides = [1, 1]} : vector<512x128xf32> to vector<512x32xf32>
    %concatenate3A = tpu.concatenate %slice3A, %slice3A_5, %slice3A_6, %slice3A_7 in 0 : vector<512x32xf32>, vector<512x32xf32>, vector<512x32xf32>, vector<512x32xf32> -> vector<2048x32xf32>
    %get3A_8 = arith.constant 0 : index
    %get3A_9 = arith.constant 0 : index
    %get3A_10 = vector.load %arg3[%get3A_8, %get3A_9] : memref<16x1024xf32, #tpu.memory_space<vmem>>, vector<16x1024xf32>
    %dot_general3A = arith.constant dense<0.000000e+00> : vector<2048x1024xf32>
    %dot_general3A_11 = tpu.matmul %get3A_1, %get3A_10, %dot_general3A {dimension_numbers = #tpu.dot_dimension_numbers<[1], [0], [0], [1], [0, 0, 1, 1], [], []>, transpose_lhs_hint = false} : vector<2048x16xf32>, vector<16x1024xf32>, vector<2048x1024xf32> -> vector<2048x1024xf32>
    %get3A_12 = arith.constant 0 : index
    %get3A_13 = arith.constant 0 : index
    %get3A_14 = vector.load %arg4[%get3A_12, %get3A_13] : memref<1x1024xf32, #tpu.memory_space<vmem>>, vector<1x1024xf32>
    %add3A = vector.broadcast %get3A_14 : vector<1x1024xf32> to vector<2048x1024xf32>
    %add3A_15 = arith.addf %dot_general3A_11, %add3A : vector<2048x1024xf32>
    %max3A = arith.constant 0.000000e+00 : f32
    %max3A_16 = vector.broadcast %max3A : f32 to vector<2048x1024xf32>
    %max3A_17 = arith.maximumf %add3A_15, %max3A_16 : vector<2048x1024xf32>
    %get3A_18 = arith.constant 0 : index
    %get3A_19 = arith.constant 0 : index
    %get3A_20 = vector.load %arg5[%get3A_18, %get3A_19] : memref<32x1024xf32, #tpu.memory_space<vmem>>, vector<32x1024xf32>
    %dot_general3A_21 = arith.constant dense<0.000000e+00> : vector<2048x1024xf32>
    %dot_general3A_22 = tpu.matmul %concatenate3A, %get3A_20, %dot_general3A_21 {dimension_numbers = #tpu.dot_dimension_numbers<[1], [0], [0], [1], [0, 0, 1, 1], [], []>, transpose_lhs_hint = false} : vector<2048x32xf32>, vector<32x1024xf32>, vector<2048x1024xf32> -> vector<2048x1024xf32>
    %mul3A = arith.mulf %max3A_17, %dot_general3A_22 : vector<2048x1024xf32>
    %get3A_23 = arith.constant 0 : index
    %get3A_24 = arith.constant 0 : index
    %get3A_25 = vector.load %arg6[%get3A_23, %get3A_24] : memref<1024x32xf32, #tpu.memory_space<vmem>>, vector<1024x32xf32>
    %dot_general3A_26 = arith.constant dense<0.000000e+00> : vector<2048x32xf32>
    %dot_general3A_27 = tpu.matmul %mul3A, %get3A_25, %dot_general3A_26 {dimension_numbers = #tpu.dot_dimension_numbers<[1], [0], [0], [1], [0, 0, 1, 1], [], []>, transpose_lhs_hint = false} : vector<2048x1024xf32>, vector<1024x32xf32>, vector<2048x32xf32> -> vector<2048x32xf32>
    %get3A_28 = arith.constant 0 : index
    %get3A_29 = arith.constant 0 : index
    %get3A_30 = vector.load %arg7[%get3A_28, %get3A_29] : memref<32x32xf32, #tpu.memory_space<vmem>>, vector<32x32xf32>
    %dot_general3A_31 = arith.constant dense<0.000000e+00> : vector<2048x32xf32>
    %dot_general3A_32 = tpu.matmul %concatenate3A, %get3A_30, %dot_general3A_31 {dimension_numbers = #tpu.dot_dimension_numbers<[1], [0], [0], [1], [0, 0, 1, 1], [], []>, transpose_lhs_hint = false} : vector<2048x32xf32>, vector<32x32xf32>, vector<2048x32xf32> -> vector<2048x32xf32>
    %add3A_33 = arith.addf %dot_general3A_27, %dot_general3A_32 : vector<2048x32xf32>
    %slice3A_34 = vector.extract_strided_slice %add3A_33 {offsets = [0, 0], sizes = [512, 32], strides = [1, 1]} : vector<2048x32xf32> to vector<512x32xf32>
    %slice3A_35 = vector.extract_strided_slice %add3A_33 {offsets = [512, 0], sizes = [512, 32], strides = [1, 1]} : vector<2048x32xf32> to vector<512x32xf32>
    %slice3A_36 = vector.extract_strided_slice %add3A_33 {offsets = [1024, 0], sizes = [512, 32], strides = [1, 1]} : vector<2048x32xf32> to vector<512x32xf32>
    %slice3A_37 = vector.extract_strided_slice %add3A_33 {offsets = [1536, 0], sizes = [512, 32], strides = [1, 1]} : vector<2048x32xf32> to vector<512x32xf32>
    %concatenate3A_38 = tpu.concatenate %slice3A_34, %slice3A_35, %slice3A_36, %slice3A_37 in 1 : vector<512x32xf32>, vector<512x32xf32>, vector<512x32xf32>, vector<512x32xf32> -> vector<512x128xf32>
    %swap3A = arith.constant 0 : index
    %swap3A_39 = arith.constant 0 : index
    %swap3A_40 = vector.load %arg8[%swap3A, %swap3A_39] : memref<512x128xf32, #tpu.memory_space<vmem>>, vector<512x128xf32>
    tpu.vector_store %arg8[%swap3A, %swap3A_39], %concatenate3A_38 {strides = array<i32>} : memref<512x128xf32, #tpu.memory_space<vmem>>, vector<512x128xf32>,
    return
  }
  func.func @transform_0(%arg0: i32) -> (i32, i32) {
    %c0_i32 = arith.constant 0 : i32
    %c0_i32_0 = arith.constant 0 : i32
    return %arg0, %c0_i32 : i32, i32
  }
  func.func @transform_1(%arg0: i32) -> (i32, i32) {
    %c0_i32 = arith.constant 0 : i32
    %c0_i32_0 = arith.constant 0 : i32
    return %arg0, %c0_i32 : i32, i32
  }
  func.func @transform_2(%arg0: i32) -> (i32, i32) {
    %c0_i32 = arith.constant 0 : i32
    %c0_i32_0 = arith.constant 0 : i32
    %c0_i32_1 = arith.constant 0 : i32
    return %c0_i32, %c0_i32_0 : i32, i32
  }
  func.func @transform_3(%arg0: i32) -> (i32, i32) {
    %c0_i32 = arith.constant 0 : i32
    %c0_i32_0 = arith.constant 0 : i32
    %c0_i32_1 = arith.constant 0 : i32
    return %c0_i32, %c0_i32_0 : i32, i32
  }
  func.func @transform_4(%arg0: i32) -> (i32, i32) {
    %c0_i32 = arith.constant 0 : i32
    %c0_i32_0 = arith.constant 0 : i32
    %c0_i32_1 = arith.constant 0 : i32
    return %c0_i32, %c0_i32_0 : i32, i32
  }
  func.func @transform_5(%arg0: i32) -> (i32, i32) {
    %c0_i32 = arith.constant 0 : i32
    %c0_i32_0 = arith.constant 0 : i32
    %c0_i32_1 = arith.constant 0 : i32
    return %c0_i32, %c0_i32_0 : i32, i32
  }
  func.func @transform_6(%arg0: i32) -> (i32, i32) {
    %c0_i32 = arith.constant 0 : i32
    %c0_i32_0 = arith.constant 0 : i32
    %c0_i32_1 = arith.constant 0 : i32
    return %c0_i32, %c0_i32_0 : i32, i32
  }
  func.func @transform_7(%arg0: i32) -> (i32, i32) {
    %c0_i32 = arith.constant 0 : i32
    %c0_i32_0 = arith.constant 0 : i32
    return %arg0, %c0_i32 : i32, i32
  }
}

module attributes {stable_mosaic.version = 14 : i64} {
  func.func @_upd_body(%arg0: i32, %arg1: memref<512x128xf32, #tpu.memory_space<vmem>>, %arg2: memref<512x128xf32, #tpu.memory_space<vmem>>, %arg3: memref<256x128xf32, #tpu.memory_space<vmem>>, %arg4: memref<256x128xf32, #tpu.memory_space<vmem>>, %arg5: memref<2048x32xf32, #tpu.memory_space<vmem>>, %arg6: memref<32x32xf32, #tpu.memory_space<vmem>>, %arg7: memref<1x32xf32, #tpu.memory_space<vmem>>, %arg8: memref<32x32xf32, #tpu.memory_space<vmem>>, %arg9: memref<1x32xf32, #tpu.memory_space<vmem>>, %arg10: memref<2048x32xf32, #tpu.memory_space<vmem>>, %arg11: memref<2048x32xf32, #tpu.memory_space<vmem>>) attributes {dimension_semantics = [#tpu.dimension_semantics<arbitrary>], iteration_bounds = array<i64: 5>, scalar_prefetch = 0 : i64, scratch_operands = 0 : i64, tpu.core_type = #tpu.core_type<tc>, window_params = [{transform_indices = @transform_0, window_bounds = array<i64: 512, 128>}, {transform_indices = @transform_1, window_bounds = array<i64: 512, 128>}, {transform_indices = @transform_2, window_bounds = array<i64: 256, 128>}, {transform_indices = @transform_3, window_bounds = array<i64: 256, 128>}, {transform_indices = @transform_4, window_bounds = array<i64: 2048, 32>}, {pipeline_mode = #tpu.pipeline_mode<synchronous>, transform_indices = @transform_5, window_bounds = array<i64: 32, 32>}, {pipeline_mode = #tpu.pipeline_mode<synchronous>, transform_indices = @transform_6, window_bounds = array<i64: 1, 32>}, {pipeline_mode = #tpu.pipeline_mode<synchronous>, transform_indices = @transform_7, window_bounds = array<i64: 32, 32>}, {pipeline_mode = #tpu.pipeline_mode<synchronous>, transform_indices = @transform_8, window_bounds = array<i64: 1, 32>}, {transform_indices = @transform_9, window_bounds = array<i64: 2048, 32>}, {transform_indices = @transform_10, window_bounds = array<i64: 2048, 32>}]} {
    %get3A = arith.constant 0 : index
    %get3A_0 = arith.constant 0 : index
    %get3A_1 = vector.load %arg1[%get3A, %get3A_0] : memref<512x128xf32, #tpu.memory_space<vmem>>, vector<512x128xf32>
    %get3A_2 = arith.constant 0 : index
    %get3A_3 = arith.constant 0 : index
    %get3A_4 = vector.load %arg2[%get3A_2, %get3A_3] : memref<512x128xf32, #tpu.memory_space<vmem>>, vector<512x128xf32>
    %add3A = arith.addf %get3A_1, %get3A_4 : vector<512x128xf32>
    %slice3A = vector.extract_strided_slice %add3A {offsets = [0, 0], sizes = [512, 32], strides = [1, 1]} : vector<512x128xf32> to vector<512x32xf32>
    %slice3A_5 = vector.extract_strided_slice %add3A {offsets = [0, 32], sizes = [512, 32], strides = [1, 1]} : vector<512x128xf32> to vector<512x32xf32>
    %slice3A_6 = vector.extract_strided_slice %add3A {offsets = [0, 64], sizes = [512, 32], strides = [1, 1]} : vector<512x128xf32> to vector<512x32xf32>
    %slice3A_7 = vector.extract_strided_slice %add3A {offsets = [0, 96], sizes = [512, 32], strides = [1, 1]} : vector<512x128xf32> to vector<512x32xf32>
    %concatenate3A = tpu.concatenate %slice3A, %slice3A_5, %slice3A_6, %slice3A_7 in 0 : vector<512x32xf32>, vector<512x32xf32>, vector<512x32xf32>, vector<512x32xf32> -> vector<2048x32xf32>
    %get3A_8 = arith.constant 0 : index
    %get3A_9 = arith.constant 0 : index
    %get3A_10 = vector.load %arg3[%get3A_8, %get3A_9] : memref<256x128xf32, #tpu.memory_space<vmem>>, vector<256x128xf32>
    %get3A_11 = arith.constant 0 : index
    %get3A_12 = arith.constant 0 : index
    %get3A_13 = vector.load %arg4[%get3A_11, %get3A_12] : memref<256x128xf32, #tpu.memory_space<vmem>>, vector<256x128xf32>
    %add3A_14 = arith.addf %get3A_10, %get3A_13 : vector<256x128xf32>
    %slice3A_15 = vector.extract_strided_slice %add3A_14 {offsets = [0, 0], sizes = [256, 16], strides = [1, 1]} : vector<256x128xf32> to vector<256x16xf32>
    %slice3A_16 = vector.extract_strided_slice %add3A_14 {offsets = [0, 16], sizes = [256, 16], strides = [1, 1]} : vector<256x128xf32> to vector<256x16xf32>
    %slice3A_17 = vector.extract_strided_slice %add3A_14 {offsets = [0, 32], sizes = [256, 16], strides = [1, 1]} : vector<256x128xf32> to vector<256x16xf32>
    %slice3A_18 = vector.extract_strided_slice %add3A_14 {offsets = [0, 48], sizes = [256, 16], strides = [1, 1]} : vector<256x128xf32> to vector<256x16xf32>
    %slice3A_19 = vector.extract_strided_slice %add3A_14 {offsets = [0, 64], sizes = [256, 16], strides = [1, 1]} : vector<256x128xf32> to vector<256x16xf32>
    %slice3A_20 = vector.extract_strided_slice %add3A_14 {offsets = [0, 80], sizes = [256, 16], strides = [1, 1]} : vector<256x128xf32> to vector<256x16xf32>
    %slice3A_21 = vector.extract_strided_slice %add3A_14 {offsets = [0, 96], sizes = [256, 16], strides = [1, 1]} : vector<256x128xf32> to vector<256x16xf32>
    %slice3A_22 = vector.extract_strided_slice %add3A_14 {offsets = [0, 112], sizes = [256, 16], strides = [1, 1]} : vector<256x128xf32> to vector<256x16xf32>
    %concatenate3A_23 = tpu.concatenate %slice3A_15, %slice3A_16, %slice3A_17, %slice3A_18, %slice3A_19, %slice3A_20, %slice3A_21, %slice3A_22 in 0 : vector<256x16xf32>, vector<256x16xf32>, vector<256x16xf32>, vector<256x16xf32>, vector<256x16xf32>, vector<256x16xf32>, vector<256x16xf32>, vector<256x16xf32> -> vector<2048x16xf32>
    %slice3A_24 = vector.extract_strided_slice %concatenate3A_23 {offsets = [0, 0], sizes = [2048, 1], strides = [1, 1]} : vector<2048x16xf32> to vector<2048x1xf32>
    %max3A = arith.constant 1.000000e+00 : f32
    %max3A_25 = vector.broadcast %max3A : f32 to vector<2048x1xf32>
    %max3A_26 = arith.maximumf %slice3A_24, %max3A_25 : vector<2048x1xf32>
    %div3A = arith.constant 1.000000e+00 : f32
    %div3A_27 = vector.broadcast %div3A : f32 to vector<2048x1xf32>
    %div3A_28 = arith.divf %div3A_27, %max3A_26 : vector<2048x1xf32>
    %get3A_29 = arith.constant 0 : index
    %get3A_30 = arith.constant 0 : index
    %get3A_31 = vector.load %arg5[%get3A_29, %get3A_30] : memref<2048x32xf32, #tpu.memory_space<vmem>>, vector<2048x32xf32>
    %get3A_32 = arith.constant 0 : index
    %get3A_33 = arith.constant 0 : index
    %get3A_34 = vector.load %arg6[%get3A_32, %get3A_33] : memref<32x32xf32, #tpu.memory_space<vmem>>, vector<32x32xf32>
    %dot_general3A = arith.constant dense<0.000000e+00> : vector<2048x32xf32>
    %dot_general3A_35 = tpu.matmul %get3A_31, %get3A_34, %dot_general3A {dimension_numbers = #tpu.dot_dimension_numbers<[1], [0], [0], [1], [0, 0, 1, 1], [], []>, transpose_lhs_hint = false} : vector<2048x32xf32>, vector<32x32xf32>, vector<2048x32xf32> -> vector<2048x32xf32>
    %get3A_36 = arith.constant 0 : index
    %get3A_37 = arith.constant 0 : index
    %get3A_38 = vector.load %arg7[%get3A_36, %get3A_37] : memref<1x32xf32, #tpu.memory_space<vmem>>, vector<1x32xf32>
    %add3A_39 = vector.broadcast %get3A_38 : vector<1x32xf32> to vector<2048x32xf32>
    %add3A_40 = arith.addf %dot_general3A_35, %add3A_39 : vector<2048x32xf32>
    %mul3A = vector.broadcast %div3A_28 : vector<2048x1xf32> to vector<2048x32xf32>
    %mul3A_41 = arith.mulf %concatenate3A, %mul3A : vector<2048x32xf32>
    %add3A_42 = arith.addf %mul3A_41, %add3A_40 : vector<2048x32xf32>
    %max3A_43 = arith.constant 0.000000e+00 : f32
    %max3A_44 = vector.broadcast %max3A_43 : f32 to vector<2048x32xf32>
    %max3A_45 = arith.maximumf %add3A_42, %max3A_44 : vector<2048x32xf32>
    %swap3A = arith.constant 0 : index
    %swap3A_46 = arith.constant 0 : index
    %swap3A_47 = vector.load %arg10[%swap3A, %swap3A_46] : memref<2048x32xf32, #tpu.memory_space<vmem>>, vector<2048x32xf32>
    tpu.vector_store %arg10[%swap3A, %swap3A_46], %max3A_45 {strides = array<i32>} : memref<2048x32xf32, #tpu.memory_space<vmem>>, vector<2048x32xf32>,
    %get3A_48 = arith.constant 0 : index
    %get3A_49 = arith.constant 0 : index
    %get3A_50 = vector.load %arg8[%get3A_48, %get3A_49] : memref<32x32xf32, #tpu.memory_space<vmem>>, vector<32x32xf32>
    %dot_general3A_51 = arith.constant dense<0.000000e+00> : vector<2048x32xf32>
    %dot_general3A_52 = tpu.matmul %max3A_45, %get3A_50, %dot_general3A_51 {dimension_numbers = #tpu.dot_dimension_numbers<[1], [0], [0], [1], [0, 0, 1, 1], [], []>, transpose_lhs_hint = false} : vector<2048x32xf32>, vector<32x32xf32>, vector<2048x32xf32> -> vector<2048x32xf32>
    %get3A_53 = arith.constant 0 : index
    %get3A_54 = arith.constant 0 : index
    %get3A_55 = vector.load %arg9[%get3A_53, %get3A_54] : memref<1x32xf32, #tpu.memory_space<vmem>>, vector<1x32xf32>
    %add3A_56 = vector.broadcast %get3A_55 : vector<1x32xf32> to vector<2048x32xf32>
    %add3A_57 = arith.addf %dot_general3A_52, %add3A_56 : vector<2048x32xf32>
    %swap3A_58 = arith.constant 0 : index
    %swap3A_59 = arith.constant 0 : index
    %swap3A_60 = vector.load %arg11[%swap3A_58, %swap3A_59] : memref<2048x32xf32, #tpu.memory_space<vmem>>, vector<2048x32xf32>
    tpu.vector_store %arg11[%swap3A_58, %swap3A_59], %add3A_57 {strides = array<i32>} : memref<2048x32xf32, #tpu.memory_space<vmem>>, vector<2048x32xf32>,
    return
  }
  func.func @transform_0(%arg0: i32) -> (i32, i32) {
    %c0_i32 = arith.constant 0 : i32
    %c0_i32_0 = arith.constant 0 : i32
    return %arg0, %c0_i32 : i32, i32
  }
  func.func @transform_1(%arg0: i32) -> (i32, i32) {
    %add3A = arith.constant 5 : i32
    %add3A_0 = arith.addi %arg0, %add3A : i32
    %c0_i32 = arith.constant 0 : i32
    %c0_i32_1 = arith.constant 0 : i32
    return %add3A_0, %c0_i32 : i32, i32
  }
  func.func @transform_2(%arg0: i32) -> (i32, i32) {
    %c0_i32 = arith.constant 0 : i32
    %c0_i32_0 = arith.constant 0 : i32
    return %arg0, %c0_i32 : i32, i32
  }
  func.func @transform_3(%arg0: i32) -> (i32, i32) {
    %add3A = arith.constant 5 : i32
    %add3A_0 = arith.addi %arg0, %add3A : i32
    %c0_i32 = arith.constant 0 : i32
    %c0_i32_1 = arith.constant 0 : i32
    return %add3A_0, %c0_i32 : i32, i32
  }
  func.func @transform_4(%arg0: i32) -> (i32, i32) {
    %c0_i32 = arith.constant 0 : i32
    %c0_i32_0 = arith.constant 0 : i32
    return %arg0, %c0_i32 : i32, i32
  }
  func.func @transform_5(%arg0: i32) -> (i32, i32) {
    %c0_i32 = arith.constant 0 : i32
    %c0_i32_0 = arith.constant 0 : i32
    %c0_i32_1 = arith.constant 0 : i32
    return %c0_i32, %c0_i32_0 : i32, i32
  }
  func.func @transform_6(%arg0: i32) -> (i32, i32) {
    %c0_i32 = arith.constant 0 : i32
    %c0_i32_0 = arith.constant 0 : i32
    %c0_i32_1 = arith.constant 0 : i32
    return %c0_i32, %c0_i32_0 : i32, i32
  }
  func.func @transform_7(%arg0: i32) -> (i32, i32) {
    %c0_i32 = arith.constant 0 : i32
    %c0_i32_0 = arith.constant 0 : i32
    %c0_i32_1 = arith.constant 0 : i32
    return %c0_i32, %c0_i32_0 : i32, i32
  }
  func.func @transform_8(%arg0: i32) -> (i32, i32) {
    %c0_i32 = arith.constant 0 : i32
    %c0_i32_0 = arith.constant 0 : i32
    %c0_i32_1 = arith.constant 0 : i32
    return %c0_i32, %c0_i32_0 : i32, i32
  }
  func.func @transform_9(%arg0: i32) -> (i32, i32) {
    %c0_i32 = arith.constant 0 : i32
    %c0_i32_0 = arith.constant 0 : i32
    return %arg0, %c0_i32 : i32, i32
  }
  func.func @transform_10(%arg0: i32) -> (i32, i32) {
    %c0_i32 = arith.constant 0 : i32
    %c0_i32_0 = arith.constant 0 : i32
    return %arg0, %c0_i32 : i32, i32
  }
}

module attributes {stable_mosaic.version = 14 : i64} {
  func.func @_fin_body(%arg0: i32, %arg1: memref<512x128xf32, #tpu.memory_space<vmem>>, %arg2: memref<512x128xf32, #tpu.memory_space<vmem>>, %arg3: memref<256x128xf32, #tpu.memory_space<vmem>>, %arg4: memref<256x128xf32, #tpu.memory_space<vmem>>, %arg5: memref<2048x32xf32, #tpu.memory_space<vmem>>, %arg6: memref<1x32xf32, #tpu.memory_space<vmem>>) attributes {dimension_semantics = [#tpu.dimension_semantics<arbitrary>], iteration_bounds = array<i64: 5>, scalar_prefetch = 0 : i64, scratch_operands = 0 : i64, tpu.core_type = #tpu.core_type<tc>, window_params = [{transform_indices = @transform_0, window_bounds = array<i64: 512, 128>}, {transform_indices = @transform_1, window_bounds = array<i64: 512, 128>}, {transform_indices = @transform_2, window_bounds = array<i64: 256, 128>}, {transform_indices = @transform_3, window_bounds = array<i64: 256, 128>}, {transform_indices = @transform_4, window_bounds = array<i64: 2048, 32>}, {pipeline_mode = #tpu.pipeline_mode<synchronous>, transform_indices = @transform_5, window_bounds = array<i64: 1, 32>}]} {
    %get3A = arith.constant 0 : index
    %get3A_0 = arith.constant 0 : index
    %get3A_1 = vector.load %arg1[%get3A, %get3A_0] : memref<512x128xf32, #tpu.memory_space<vmem>>, vector<512x128xf32>
    %get3A_2 = arith.constant 0 : index
    %get3A_3 = arith.constant 0 : index
    %get3A_4 = vector.load %arg2[%get3A_2, %get3A_3] : memref<512x128xf32, #tpu.memory_space<vmem>>, vector<512x128xf32>
    %add3A = arith.addf %get3A_1, %get3A_4 : vector<512x128xf32>
    %slice3A = vector.extract_strided_slice %add3A {offsets = [0, 0], sizes = [512, 32], strides = [1, 1]} : vector<512x128xf32> to vector<512x32xf32>
    %slice3A_5 = vector.extract_strided_slice %add3A {offsets = [0, 32], sizes = [512, 32], strides = [1, 1]} : vector<512x128xf32> to vector<512x32xf32>
    %slice3A_6 = vector.extract_strided_slice %add3A {offsets = [0, 64], sizes = [512, 32], strides = [1, 1]} : vector<512x128xf32> to vector<512x32xf32>
    %slice3A_7 = vector.extract_strided_slice %add3A {offsets = [0, 96], sizes = [512, 32], strides = [1, 1]} : vector<512x128xf32> to vector<512x32xf32>
    %concatenate3A = tpu.concatenate %slice3A, %slice3A_5, %slice3A_6, %slice3A_7 in 0 : vector<512x32xf32>, vector<512x32xf32>, vector<512x32xf32>, vector<512x32xf32> -> vector<2048x32xf32>
    %get3A_8 = arith.constant 0 : index
    %get3A_9 = arith.constant 0 : index
    %get3A_10 = vector.load %arg3[%get3A_8, %get3A_9] : memref<256x128xf32, #tpu.memory_space<vmem>>, vector<256x128xf32>
    %get3A_11 = arith.constant 0 : index
    %get3A_12 = arith.constant 0 : index
    %get3A_13 = vector.load %arg4[%get3A_11, %get3A_12] : memref<256x128xf32, #tpu.memory_space<vmem>>, vector<256x128xf32>
    %add3A_14 = arith.addf %get3A_10, %get3A_13 : vector<256x128xf32>
    %slice3A_15 = vector.extract_strided_slice %add3A_14 {offsets = [0, 0], sizes = [256, 16], strides = [1, 1]} : vector<256x128xf32> to vector<256x16xf32>
    %slice3A_16 = vector.extract_strided_slice %add3A_14 {offsets = [0, 16], sizes = [256, 16], strides = [1, 1]} : vector<256x128xf32> to vector<256x16xf32>
    %slice3A_17 = vector.extract_strided_slice %add3A_14 {offsets = [0, 32], sizes = [256, 16], strides = [1, 1]} : vector<256x128xf32> to vector<256x16xf32>
    %slice3A_18 = vector.extract_strided_slice %add3A_14 {offsets = [0, 48], sizes = [256, 16], strides = [1, 1]} : vector<256x128xf32> to vector<256x16xf32>
    %slice3A_19 = vector.extract_strided_slice %add3A_14 {offsets = [0, 64], sizes = [256, 16], strides = [1, 1]} : vector<256x128xf32> to vector<256x16xf32>
    %slice3A_20 = vector.extract_strided_slice %add3A_14 {offsets = [0, 80], sizes = [256, 16], strides = [1, 1]} : vector<256x128xf32> to vector<256x16xf32>
    %slice3A_21 = vector.extract_strided_slice %add3A_14 {offsets = [0, 96], sizes = [256, 16], strides = [1, 1]} : vector<256x128xf32> to vector<256x16xf32>
    %slice3A_22 = vector.extract_strided_slice %add3A_14 {offsets = [0, 112], sizes = [256, 16], strides = [1, 1]} : vector<256x128xf32> to vector<256x16xf32>
    %concatenate3A_23 = tpu.concatenate %slice3A_15, %slice3A_16, %slice3A_17, %slice3A_18, %slice3A_19, %slice3A_20, %slice3A_21, %slice3A_22 in 0 : vector<256x16xf32>, vector<256x16xf32>, vector<256x16xf32>, vector<256x16xf32>, vector<256x16xf32>, vector<256x16xf32>, vector<256x16xf32>, vector<256x16xf32> -> vector<2048x16xf32>
    %slice3A_24 = vector.extract_strided_slice %concatenate3A_23 {offsets = [0, 0], sizes = [2048, 1], strides = [1, 1]} : vector<2048x16xf32> to vector<2048x1xf32>
    %max3A = arith.constant 1.000000e+00 : f32
    %max3A_25 = vector.broadcast %max3A : f32 to vector<2048x1xf32>
    %max3A_26 = arith.maximumf %slice3A_24, %max3A_25 : vector<2048x1xf32>
    %div3A = arith.constant 1.000000e+00 : f32
    %div3A_27 = vector.broadcast %div3A : f32 to vector<2048x1xf32>
    %div3A_28 = arith.divf %div3A_27, %max3A_26 : vector<2048x1xf32>
    %mul3A = vector.broadcast %div3A_28 : vector<2048x1xf32> to vector<2048x32xf32>
    %mul3A_29 = arith.mulf %concatenate3A, %mul3A : vector<2048x32xf32>
    %get3A_30 = arith.constant 0 : index
    %get3A_31 = arith.constant 0 : index
    %get3A_32 = vector.load %arg5[%get3A_30, %get3A_31] : memref<2048x32xf32, #tpu.memory_space<vmem>>, vector<2048x32xf32>
    %add3A_33 = arith.addf %mul3A_29, %get3A_32 : vector<2048x32xf32>
    %max3A_34 = arith.constant 0.000000e+00 : f32
    %max3A_35 = vector.broadcast %max3A_34 : f32 to vector<2048x32xf32>
    %max3A_36 = arith.maximumf %add3A_33, %max3A_35 : vector<2048x32xf32>
    %iota3A = tpu.iota {dimensions = array<i32: 0>} : vector<2048x32xi32>
    %mul3A_37 = arith.constant 2048 : i32
    %mul3A_38 = arith.muli %arg0, %mul3A_37 : i32
    %add3A_39 = vector.broadcast %mul3A_38 : i32 to vector<2048x32xi32>
    %add3A_40 = arith.addi %iota3A, %add3A_39 : vector<2048x32xi32>
    %lt3A = arith.constant 10000 : i32
    %lt3A_41 = vector.broadcast %lt3A : i32 to vector<2048x32xi32>
    %lt3A_42 = arith.cmpi slt, %add3A_40, %lt3A_41 : vector<2048x32xi32>
    %jit3A = arith.constant 0.000000e+00 : f32
    %broadcast_in_dim3A = vector.broadcast %jit3A : f32 to vector<2048x32xf32>
    %select_n3A = arith.select %lt3A_42, %max3A_36, %broadcast_in_dim3A : vector<2048x32xi1>, vector<2048x32xf32>
    %reduce_sum3A = arith.constant dense<0.000000e+00> : vector<32xf32>
    %reduce_sum3A_43 = vector.multi_reduction <add>, %select_n3A, %reduce_sum3A [0] : vector<2048x32xf32> to vector<32xf32>
    %broadcast_in_dim3A_44 = vector.shape_cast %reduce_sum3A_43 : vector<32xf32> to vector<1x32xf32>
    %eq3A = arith.constant 0 : i32
    %eq3A_45 = arith.cmpi eq, %arg0, %eq3A : i32
    %convert_element_type3A = arith.extui %eq3A_45 : i1 to i32
    %cond3A = arith.constant 0 : i32
    %cond3A_46 = arith.cmpi ne, %convert_element_type3A, %cond3A : i32
    scf.if %cond3A_46 {
      %broadcast_in_dim3A_58 = arith.constant 0.000000e+00 : f32
      %broadcast_in_dim3A_59 = vector.broadcast %broadcast_in_dim3A_58 : f32 to vector<1x32xf32>
      %swap3A_60 = arith.constant 0 : index
      %swap3A_61 = arith.constant 0 : index
      %swap3A_62 = vector.load %arg6[%swap3A_60, %swap3A_61] : memref<1x32xf32, #tpu.memory_space<vmem>>, vector<1x32xf32>
      tpu.vector_store %arg6[%swap3A_60, %swap3A_61], %broadcast_in_dim3A_59 {strides = array<i32>} : memref<1x32xf32, #tpu.memory_space<vmem>>, vector<1x32xf32>,
    } else {
    }
    %get3A_47 = arith.constant 0 : index
    %get3A_48 = arith.constant 0 : index
    %get3A_49 = vector.load %arg6[%get3A_47, %get3A_48] : memref<1x32xf32, #tpu.memory_space<vmem>>, vector<1x32xf32>
    %add3A_50 = arith.addf %get3A_49, %broadcast_in_dim3A_44 : vector<1x32xf32>
    %swap3A = arith.constant 0 : index
    %swap3A_51 = arith.constant 0 : index
    %swap3A_52 = vector.load %arg6[%swap3A, %swap3A_51] : memref<1x32xf32, #tpu.memory_space<vmem>>, vector<1x32xf32>
    tpu.vector_store %arg6[%swap3A, %swap3A_51], %add3A_50 {strides = array<i32>} : memref<1x32xf32, #tpu.memory_space<vmem>>, vector<1x32xf32>,
    %eq3A_53 = arith.constant 4 : i32
    %eq3A_54 = arith.cmpi eq, %arg0, %eq3A_53 : i32
    %convert_element_type3A_55 = arith.extui %eq3A_54 : i1 to i32
    %cond3A_56 = arith.constant 0 : i32
    %cond3A_57 = arith.cmpi ne, %convert_element_type3A_55, %cond3A_56 : i32
    scf.if %cond3A_57 {
      %get3A_58 = arith.constant 0 : index
      %get3A_59 = arith.constant 0 : index
      %get3A_60 = vector.load %arg6[%get3A_58, %get3A_59] : memref<1x32xf32, #tpu.memory_space<vmem>>, vector<1x32xf32>
      %mul3A_61 = arith.constant 9.99999974E-5 : f32
      %mul3A_62 = vector.broadcast %mul3A_61 : f32 to vector<1x32xf32>
      %mul3A_63 = arith.mulf %get3A_60, %mul3A_62 : vector<1x32xf32>
      %swap3A_64 = arith.constant 0 : index
      %swap3A_65 = arith.constant 0 : index
      %swap3A_66 = vector.load %arg6[%swap3A_64, %swap3A_65] : memref<1x32xf32, #tpu.memory_space<vmem>>, vector<1x32xf32>
      tpu.vector_store %arg6[%swap3A_64, %swap3A_65], %mul3A_63 {strides = array<i32>} : memref<1x32xf32, #tpu.memory_space<vmem>>, vector<1x32xf32>,
    } else {
    }
    return
  }
  func.func @transform_0(%arg0: i32) -> (i32, i32) {
    %c0_i32 = arith.constant 0 : i32
    %c0_i32_0 = arith.constant 0 : i32
    return %arg0, %c0_i32 : i32, i32
  }
  func.func @transform_1(%arg0: i32) -> (i32, i32) {
    %add3A = arith.constant 5 : i32
    %add3A_0 = arith.addi %arg0, %add3A : i32
    %c0_i32 = arith.constant 0 : i32
    %c0_i32_1 = arith.constant 0 : i32
    return %add3A_0, %c0_i32 : i32, i32
  }
  func.func @transform_2(%arg0: i32) -> (i32, i32) {
    %c0_i32 = arith.constant 0 : i32
    %c0_i32_0 = arith.constant 0 : i32
    return %arg0, %c0_i32 : i32, i32
  }
  func.func @transform_3(%arg0: i32) -> (i32, i32) {
    %add3A = arith.constant 5 : i32
    %add3A_0 = arith.addi %arg0, %add3A : i32
    %c0_i32 = arith.constant 0 : i32
    %c0_i32_1 = arith.constant 0 : i32
    return %add3A_0, %c0_i32 : i32, i32
  }
  func.func @transform_4(%arg0: i32) -> (i32, i32) {
    %c0_i32 = arith.constant 0 : i32
    %c0_i32_0 = arith.constant 0 : i32
    return %arg0, %c0_i32 : i32, i32
  }
  func.func @transform_5(%arg0: i32) -> (i32, i32) {
    %c0_i32 = arith.constant 0 : i32
    %c0_i32_0 = arith.constant 0 : i32
    %c0_i32_1 = arith.constant 0 : i32
    return %c0_i32, %c0_i32_0 : i32, i32
  }
}

</mosaic_0001>

<sc_bundles>
// kernel: kernel.10.cloned.1.call-start
scs
__scs_entry_jumppad:
0x0: {  	(pc) =	sbr.rel $0x88, $3  }
0x1: {  	(tag) =	ssettag $0x0;
	lr =	simm.s32 $0x1  }
0x2: {  	[smem:$0x3F92] =	sst lr;
	_ =	strace $0xD0000000  }
0x3: {  	_ = 	snop  }
0x4: {  	_ = 	snop  }
0x5: {  	_ = 	snop  }
0x6: {  	_ = 	snop  }
0x7: {  	_ = 	snop  }
__scs_overlays_trampoline_lowered:
0x8: {  	[smem:$0x3FA1] =	sst s0  }
0x9: {  	[smem:$0x3FA2] =	sst s1  }
0xa: {  	[smem:$0x3FA3] =	sst s2  }
0xb: {  	[smem:$0x3FA4] =	sst s3  }
0xc: {  	[smem:$0x3FA5] =	sst s4  }
0xd: {  	[smem:$0x3FA6] =	sst s5  }
0xe: {  	[smem:$0x3FA7] =	sst s6  }
0xf: {  	[smem:$0x3FA8] =	sst s7  }
0x10: {  	[smem:$0x3FA9] =	sst s8  }
0x11: {  	[smem:$0x3FAA] =	sst s9;
	s0 =	simm.s32 @!p0 $0x0  }
0x12: {  	s1 =	sld [smem:$0x3F90];
	s0 =	simm.s32 @p0 $0x1  }
0x13: {  	[smem:$0x3FAB] =	sst s0;
	s0 =	simm.s32 @!p1 $0x0  }
0x14: {  	s2 =	sld [smem:$0x3F8F];
	s0 =	simm.s32 @p1 $0x1  }
0x15: {  	[smem:$0x3FAC] =	sst s0;
	s0 =	simm.s32 @!p2 $0x0  }
0x16: {  	s3 =	sld [smem:$0x3FDB];
	s0 =	simm.s32 @p2 $0x1  }
0x17: {  	s4 =	simm.s32 $0x1BF5;
	[smem:$0x3FAE] =	sst s0  }
0x18: {  	s0 =	sld [smem:$0x3F91];
	_ =	swait.ge [sflag:s4], $0x0  }
0x19: {  	s7 =	sld [smem:$0x3F92]  }
0x1a: {  	s8 =	sadd.s32 $0xFFFFE003, lr  }
0x1b: {  	s9 =	sadd.s32 $0xFFFFFEF7, lr;
	s5 =	simm.s32 $0xFFFFFFFF;
	p2 =	slt.u32 s8, $0xFFFFF086  }
0x1c: {  	p1 =	slt.u32 s9, $0xF7A;
	s5 =	simm.s32 @!p2 $0x0  }
0x1d: {  	s5 =	simm.s32 @p1 $0x1;
	p0 =	seq.s32 s7, s2  }
0x1e: {  	s7 =	smul.u32 @!p0 $0xF7A, s2;
	p2 =	seq.s32 @!p0 s5, $0x0  }
0x1f: {  	s9 =	smul.u32 $0xF7A, s1;
	s8 =	simm.s32 @!p0 $0x1BF5;
	p2 =	por !p2, p0  }
0x20: {  	[sflag:s8] =	ssyncset.s32 @!p0 $0xFFFFF086;
	s6 =	sadd.s32 @!p0 s3, s7;
	s7 =	simm.s32 @!p0 $0x108  }
0x21: {  	s3 =	sadd.s32 s3, s9;
	s6 =	sadd.s32 @!p0 $0x88, s6;
	s7 =	simm.s32 @p2 $0x1082  }
0x22: {  	[simem:s7], [sflag:s8] =	dma.local @!p0 [hbm:s6], $0xF7A  }
0x23: {  	s9 =	sor.u32 $0xD0000000, s2;
	s6 =	simm.s32 $0x108;
	_ =	swait.ge @!p0 [sflag:s8], $0x0  }
0x24: {  	s3 =	sadd.s32 $0x88, s3;
	s6 =	simm.s32 @!p1 $0x1082;
	[sflag:s4] =	ssyncset.s32 $0xFFFFF086  }
0x25: {  	[simem:s6], [sflag:s4] =	dma.local [hbm:s3], $0xF7A  }
0x26: {  	[smem:$0x3F92] =	sst s1;
	(tag) =	ssettag s2;
	_ =	strace s9  }
0x27: {  	s1 =	sld [smem:$0x3FA2]  }
0x28: {  	s2 =	sld [smem:$0x3FA3]  }
0x29: {  	s4 =	sld [smem:$0x3FA5]  }
0x2a: {  	p0 =	seq.s32 s5, $0x0;
	s5 =	sld [smem:$0x3FA6]  }
0x2b: {  	s6 =	sld [smem:$0x3FA7]  }
0x2c: {  	s7 =	sld [smem:$0x3FA8]  }
0x2d: {  	s3 =	simm.s32 $0x108;
	s8 =	sld [smem:$0x3FA9]  }
0x2e: {  	s3 =	simm.s32 @!p0 $0x1082;
	s9 =	sld [smem:$0x3FAA]  }
0x2f: {  	lr =	sadd.s32 s0, s3;
	s0 =	sld [smem:$0x3FA1]  }
0x30: {  	s3 =	sld [smem:$0x3FA4]  }
0x31: {  	[smem:$0x3FAD] =	sst s10  }
0x32: {  	s10 =	sld [smem:$0x3FAB];
	_ =	sdelay $0x3  }
0x33: {  	p0 =	seq.s32 s10, $0x1;
	s10 =	sld [smem:$0x3FAD];
	_ =	sdelay $0x3  }
0x34: {  	[smem:$0x3FAD] =	sst s10  }
0x35: {  	s10 =	sld [smem:$0x3FAC];
	_ =	sdelay $0x3  }
0x36: {  	p1 =	seq.s32 s10, $0x1;
	s10 =	sld [smem:$0x3FAD];
	_ =	sdelay $0x3  }
0x37: {  	[smem:$0x3FAD] =	sst s10  }
0x38: {  	s10 =	sld [smem:$0x3FAE]  }
0x39: {  	_ = 	snop;
	(pc) =	sbr.ind lr, $3  }
0x3a: {  	_ = 	snop  }
0x3b: {  	_ = 	snop  }
0x3c: {  	p2 =	seq.s32 s10, $0x1;
	s10 =	sld [smem:$0x3FAD]  }
0x3d: {  	_ =	shalt  }
0x3e: {  	_ =	shalt  }
0x3f: {  	_ =	shalt  }
0x40: {  	_ =	shalt  }
0x41: {  	_ =	shalt  }
0x42: {  	_ =	shalt  }
0x43: {  	_ =	shalt  }
0x44: {  	_ =	shalt  }
0x45: {  	_ =	shalt  }
0x46: {  	_ =	shalt  }
0x47: {  	_ =	shalt  }
0x48: {  	_ =	shalt  }
0x49: {  	_ =	shalt  }
0x4a: {  	_ =	shalt  }
0x4b: {  	_ =	shalt  }
0x4c: {  	_ =	shalt  }
0x4d: {  	_ =	shalt  }
0x4e: {  	_ =	shalt  }
0x4f: {  	_ =	shalt  }
0x50: {  	_ =	shalt  }
0x51: {  	_ =	shalt  }
0x52: {  	_ =	shalt  }
0x53: {  	_ =	shalt  }
0x54: {  	_ =	shalt  }
0x55: {  	_ =	shalt  }
0x56: {  	_ =	shalt  }
0x57: {  	_ =	shalt  }
0x58: {  	_ =	shalt  }
0x59: {  	_ =	shalt  }
0x5a: {  	_ =	shalt  }
0x5b: {  	_ =	shalt  }
0x5c: {  	_ =	shalt  }
0x5d: {  	_ =	shalt  }
0x5e: {  	_ =	shalt  }
0x5f: {  	_ =	shalt  }
0x60: {  	_ =	shalt  }
0x61: {  	_ =	shalt  }
0x62: {  	_ =	shalt  }
0x63: {  	_ =	shalt  }
0x64: {  	_ =	shalt  }
0x65: {  	_ =	shalt  }
0x66: {  	_ =	shalt  }
0x67: {  	_ =	shalt  }
0x68: {  	_ =	shalt  }
0x69: {  	_ =	shalt  }
0x6a: {  	_ =	shalt  }
0x6b: {  	_ =	shalt  }
0x6c: {  	_ =	shalt  }
0x6d: {  	_ =	shalt  }
0x6e: {  	_ =	shalt  }
0x6f: {  	_ =	shalt  }
0x70: {  	_ =	shalt  }
0x71: {  	_ =	shalt  }
0x72: {  	_ =	shalt  }
0x73: {  	_ =	shalt  }
0x74: {  	_ =	shalt  }
0x75: {  	_ =	shalt  }
0x76: {  	_ =	shalt  }
0x77: {  	_ =	shalt  }
0x78: {  	_ =	shalt  }
0x79: {  	_ =	shalt  }
0x7a: {  	_ =	shalt  }
0x7b: {  	_ =	shalt  }
0x7c: {  	_ =	shalt  }
0x7d: {  	_ =	shalt  }
0x7e: {  	_ =	shalt  }
0x7f: {  	_ =	shalt  }
0x80: {  	_ =	shalt  }
0x81: {  	_ =	shalt  }
0x82: {  	_ =	shalt  }
0x83: {  	_ =	shalt  }
0x84: {  	_ =	shalt  }
0x85: {  	_ =	shalt  }
0x86: {  	_ =	shalt  }
0x87: {  	_ =	shalt  }
.Lfunc_end0:
.L_simem_size_0:
called_computation_lowered:
.L_overlay_start_0:
0x88: {  	s2 =	sld [smem:$0x3FD9]  }
0x89: {  	s3 =	sld [smem:$0x3FFE];
	_ =	sdelay $0x1  }
0x8a: {  	s1 =	srdreg.scid  }
0x8b: {  	s0 =	sand.u32 $0x1, s1  }
0x8c: {  	s16 =	sshll.u32 s0, $0xA;
	s2 =	sadd.s32 s3, s2  }
0x8d: {  	s2 =	sadd.s32 s2, s16  }
0x8e: {  	[smem:$0x3FB9] =	sst s2  }
0x8f: {  	_ = 	snop  }
0x90: {  	(tm) =	ssettm $0x1  }
0x91: {  	s17 =	sld [smem:$0x3FFB];
	_ =	sdelay $0x3  }
0x92: {  	_ =	strace s17  }
0x93: {  	s2 =	sld [smem:$0x3FFC];
	_ =	sdelay $0x3  }
0x94: {  	_ =	strace s2  }
0x95: {  	s2 =	sld [smem:$0x3FFD];
	_ =	sdelay $0x3  }
0x96: {  	_ =	strace s2  }
0x97: {  	_ =	strace $0x8FFFFFFF  }
0x98: {  	s18 =	sld [smem:$0x3FDB];
	_ =	sdelay $0x1  }
0x99: {  	s19 =	simm.s32 $_scs_section_size  }
0x9a: {  	s4 =	simm.s32 $_size__tile_overlayer_lowered;
	s5 =	simm.s32 $_tile_overlayer_lowered  }
0x9b: {  	s22 =	simm.s32 $0x1BFF;
	s21 =	sshll.u32 s5, $0x1;
	s2 =	sadd.s32 s19, s18  }
0x9c: {  	s6 =	simm.s32 $0x0;
	s20 =	sshll.u32 s4, $0x1;
	s4 =	sadd.s32 s21, s2  }
0x9d: {  	[timem:s6], [sflag:s22] =	dma.local [hbm:s4], s20  }
0x9e: {  	_ =	swait.ge [sflag:s22], s20  }
0x9f: {  	s3 =	ssub.s32 $0x0, s20;
	[sflag:s22] =	ssyncset.done $0x0  }
0xa0: {  	[sflag:s22] =	ssyncadd.s32 s3;
	_ =	sdelay $0x1  }
0xa1: {  	s23 =	simm.s32 $0x1B8B  }
0xa2: {  	_ =	swait.ge [sflag:s23], $0x1  }
0xa3: {  	[sflag:s23] =	ssyncset.done $0x0  }
0xa4: {  	s25 =	simm.s32 $0x1B8E;
	s24 =	sld [smem:$0x3FFE];
	[sflag:s23] =	ssyncadd.s32 $0xFFFFFFFF  }
0xa5: {  	s26 =	simm.s32 $execute0_lowered;
	[smem:$0x3FD2] =	sst s25  }
0xa6: {  	s4 =	sshll.u32 s26, $0x1;
	_ =	strace $0x80000046;
	[dreg:$0x1] =	wrdreg $0xFFFFFFFF  }
0xa7: {  	s28 =	simm.s32 $_size_execute0_lowered;
	s2 =	sadd.s32 s2, s4;
	[dreg:$0x0] =	wrdreg $0x0  }
0xa8: {  	s4 =	sshll.u32 s28, $0x1;
	[dreg:$0x2] =	wrdreg s2  }
0xa9: {  	[dreg:$0x3] =	wrdreg s4  }
0xaa: {  	[dreg:$0x4] =	wrdreg $0xC0  }
0xab: {  	_ =	task [dreg:s6], $0x5FFFF  }
0xac: {  	[dreg:$0x1] =	wrdreg $0xFFFFFFFF  }
0xad: {  	[dreg:$0x0] =	wrdreg $0x60  }
0xae: {  	[dreg:$0x2] =	wrdreg s24  }
0xaf: {  	[dreg:$0x3] =	wrdreg $0x9  }
0xb0: {  	_ =	task.clear_ibuf [dreg:s6], $0x4FFFF;
	_ =	strace $0x90000046  }
0xb1: {  	s29 =	simm.s32 $0x9;
	_ =	strace $0x80000048  }
0xb2: {  	_ =	swait.ge [sflag:s29], $0x1  }
0xb3: {  	[sflag:s29] =	ssyncadd.s32 $0xFFFFFFFF  }
0xb4: {  	_ =	strace $0x90000048  }
0xb5: {  	_ =	sfence  }
0xb6: {  	s30 =	sld [smem:$0x0];
	_ =	sdelay $0x2  }
0xb7: {  	s31 =	sshll.u32 s1, $0xD;
	s1 =	sshrl.u32 s1, $0x2  }
0xb8: {  	s3 =	sand.u32 $0x4000, s31;
	s1 =	sadd.s32 s1, s30  }
0xb9: {  	s0 =	sor.u32 s3, s0;
	s1 =	sshll.u32 s1, $0x11  }
0xba: {  	s0 =	sor.u32 s1, s0  }
0xbb: {  	s0 =	sadd.s32 $0x8F2B, s0  }
0xbc: {  	[sflag:s0] =	ssyncadd.remote.s32 $0x1  }
0xbd: {  	_ =	sfence.sel $0xFFFF  }
0xbe: {  	[dreg:$0x0] =	wrdreg $0xFFFFFFFF;
	(pc) =	sbr.abs _section_cstart, $3  }
0xbf: {  	[dreg:$0x1] =	wrdreg $0xFFFFFFFF  }
0xc0: {  	_ =	task.clear_ibuf [dreg:s6], $0x2FFFF;
	_ =	strace $0x9FFFFFFF  }
0xc1: {  	(tm) =	ssettm $0x7FFFFFFF  }
tec
execute0_lowered:
.L_overlay_start_1:
0x0: {  	(tag) =	ssettag $0x1  }
0x1: {  	s1 =	srdreg.scid;
	s0 =	stileid.u32  }
0x2: {  	s28 =	sand.u32 $0x1, s1;
	s31 =	sshll.u32 s0, $0x1  }
0x3: {  	s29 =	sor.u32 s28, s31  }
0x4: {  	s26 =	rddreg [dreg:$0x0];
	s3 =	smul.u32 $0xA0, s29  }
0x5: {  	s2 =	simm.s32 $0x0;
	s1 =	rddreg [dreg:$0x1]  }
0x6: {  	[smem:$0x7FF] =	sst s2;
	s3 =	sadd.s32 s3, s26  }
0x7: {  	_ =	strace $0x80000047;
	s4 =	sadd.s32 $0x3E00, s3;
	s3 =	simm.s32 $0x2  }
0x8: {  	[tilespmem:s2], [sflag:$0x2] =	stream.linear.gather [hbm4b:s4+s2], $0x500, $0x38;
	[tilespmem:$0xA500] =	vst v63  }
0x9: {  	_ =	swait.ge [sflag:s3], $0x500  }
0xa: {  	s6 =	simm.s32 $0x80;
	[sflag:s3] =	ssyncset.done $0x0  }
0xb: {  	s7 =	simm.s32 $0x500;
	s5 =	sadd.s32 $0x5200, s26;
	[sflag:s3] =	ssyncadd.s32 $0xFFFFFB00  }
0xc: {  	[tilespmem:s7], [sflag:$0x1] =	stream.indirect.gather [hbm4b:s5+s6], $0x20, s2, s6, $0xb8;
	[tilespmem:$0xA500] =	vst v63  }
0xd: {  	s8 =	simm.s32 $0x1500  }
0xe: {  	[tilespmem:s8], [sflag:$0x1] =	stream.indirect.gather [hbm4b:s5+s6], $0x20, s6, s6, $0xb8;
	[tilespmem:$0xA500] =	vst v63  }
0xf: {  	s9 =	simm.s32 $0x100;
	s10 =	simm.s32 $0x2500  }
0x10: {  	[tilespmem:s10], [sflag:$0x1] =	stream.indirect.gather [hbm4b:s5+s6], $0x20, s9, s6, $0xb8;
	[tilespmem:$0xA500] =	vst v63  }
0x11: {  	s11 =	simm.s32 $0x180;
	s12 =	simm.s32 $0x3500  }
0x12: {  	[tilespmem:s12], [sflag:$0x1] =	stream.indirect.gather [hbm4b:s5+s6], $0x20, s11, s6, $0xb8;
	[tilespmem:$0xA500] =	vst v63  }
0x13: {  	s13 =	simm.s32 $0x200;
	s14 =	simm.s32 $0x4500  }
0x14: {  	[tilespmem:s14], [sflag:$0x1] =	stream.indirect.gather [hbm4b:s5+s6], $0x20, s13, s6, $0xb8;
	[tilespmem:$0xA500] =	vst v63  }
0x15: {  	s15 =	simm.s32 $0x280;
	s16 =	simm.s32 $0x5500  }
0x16: {  	[tilespmem:s16], [sflag:$0x1] =	stream.indirect.gather [hbm4b:s5+s6], $0x20, s15, s6, $0xb8;
	[tilespmem:$0xA500] =	vst v63  }
0x17: {  	s17 =	simm.s32 $0x300;
	s18 =	simm.s32 $0x6500  }
0x18: {  	[tilespmem:s18], [sflag:$0x1] =	stream.indirect.gather [hbm4b:s5+s6], $0x20, s17, s6, $0xb8;
	[tilespmem:$0xA500] =	vst v63  }
0x19: {  	s19 =	simm.s32 $0x380;
	s20 =	simm.s32 $0x7500  }
0x1a: {  	[tilespmem:s20], [sflag:$0x1] =	stream.indirect.gather [hbm4b:s5+s6], $0x20, s19, s6, $0xb8;
	[tilespmem:$0xA500] =	vst v63  }
0x1b: {  	s21 =	simm.s32 $0x400;
	s22 =	simm.s32 $0x8500  }
0x1c: {  	[tilespmem:s22], [sflag:$0x1] =	stream.indirect.gather [hbm4b:s5+s6], $0x20, s21, s6, $0xb8;
	[tilespmem:$0xA500] =	vst v63  }
0x1d: {  	s23 =	simm.s32 $0x480;
	s24 =	simm.s32 $0x9500;
	s25 =	simm.s32 $0x1  }
0x1e: {  	[tilespmem:s24], [sflag:$0x1] =	stream.indirect.gather [hbm4b:s5+s6], $0x20, s23, s6, $0xb8;
	[tilespmem:$0xA500] =	vst v63  }
0x1f: {  	_ =	swait.ge [sflag:s25], $0x1000  }
0x20: {  	[sflag:s25] =	ssyncset.done $0x0  }
0x21: {  	[sflag:s25] =	ssyncadd.s32 $0xFFFFF000  }
0x22: {  	_ =	swait.ge [sflag:s25], $0x1000  }
0x23: {  	[sflag:s25] =	ssyncset.done $0x0  }
0x24: {  	[sflag:s25] =	ssyncadd.s32 $0xFFFFF000  }
0x25: {  	_ =	swait.ge [sflag:s25], $0x1000  }
0x26: {  	[sflag:s25] =	ssyncset.done $0x0  }
0x27: {  	[sflag:s25] =	ssyncadd.s32 $0xFFFFF000  }
0x28: {  	_ =	swait.ge [sflag:s25], $0x1000  }
0x29: {  	[sflag:s25] =	ssyncset.done $0x0  }
0x2a: {  	[sflag:s25] =	ssyncadd.s32 $0xFFFFF000  }
0x2b: {  	_ =	swait.ge [sflag:s25], $0x1000  }
0x2c: {  	[sflag:s25] =	ssyncset.done $0x0  }
0x2d: {  	[sflag:s25] =	ssyncadd.s32 $0xFFFFF000  }
0x2e: {  	_ =	swait.ge [sflag:s25], $0x1000  }
0x2f: {  	[sflag:s25] =	ssyncset.done $0x0  }
0x30: {  	[sflag:s25] =	ssyncadd.s32 $0xFFFFF000  }
0x31: {  	_ =	swait.ge [sflag:s25], $0x1000  }
0x32: {  	[sflag:s25] =	ssyncset.done $0x0  }
0x33: {  	[sflag:s25] =	ssyncadd.s32 $0xFFFFF000  }
0x34: {  	_ =	swait.ge [sflag:s25], $0x1000  }
0x35: {  	[sflag:s25] =	ssyncset.done $0x0  }
0x36: {  	s28 =	ssub.s32 $0x2, s28;
	[sflag:s25] =	ssyncadd.s32 $0xFFFFF000  }
0x37: {  	s30 =	sshrl.u32 s28, $0x1;
	_ =	swait.ge [sflag:s25], $0x1000  }
0x38: {  	s28 =	ssub.s32 s28, s30;
	[sflag:s25] =	ssyncset.done $0x0  }
0x39: {  	s29 =	smul.u32 $0x1400, s29;
	s28 =	smax.u32 s28, $0x1;
	[sflag:s25] =	ssyncadd.s32 $0xFFFFF000  }
0x3a: {  	p0 =	sne.s32 s28, $0x1;
	_ =	swait.ge [sflag:s25], $0x1000  }
.Ltmp0:
0x3b: {  	s26 =	sadd.s32 s29, s26;
	[sflag:s25] =	ssyncset.done $0x0;
	(pc) =	sbr.rel @!p0 .LBB2_2-.Ltmp0, $4  }
0x3c: {  	s26 =	sadd.s32 $0xF200, s26;
	[sflag:s25] =	ssyncadd.s32 $0xFFFFF000  }
0x3d: {  	[hbm4b:s26+s2] =	stream.linear.scatter [tilespmem:s7], [sflag:$0x2], $0xA000, $0x38;
	[tilespmem:$0xA500] =	vst v63  }
0x3e: {  	_ =	swait.ge [sflag:s3], $0xA000  }
0x3f: {  	s28 =	sadd.s32 $0xFFFFFFFF, s28;
	[sflag:s3] =	ssyncset.done $0x0  }
.LBB2_1:
0x40: {  	p0 =	sne.s32 s28, $0x1;
	s28 =	sadd.s32 $0xFFFFFFFF, s28;
	[sflag:s3] =	ssyncadd.s32 $0xFFFF6000  }
0x41: {  	[tilespmem:s2], [sflag:$0x2] =	stream.linear.gather [hbm4b:s4+s2], $0x500, $0x38;
	[tilespmem:$0xA500] =	vst v63  }
0x42: {  	_ =	swait.ge [sflag:s3], $0x500  }
0x43: {  	[sflag:s3] =	ssyncset.done $0x0  }
0x44: {  	[sflag:s3] =	ssyncadd.s32 $0xFFFFFB00  }
0x45: {  	[tilespmem:s7], [sflag:$0x1] =	stream.indirect.gather [hbm4b:s5+s6], $0x20, s2, s6, $0xb8;
	[tilespmem:$0xA500] =	vst v63  }
0x46: {  	_ = 	snop  }
0x47: {  	[tilespmem:s8], [sflag:$0x1] =	stream.indirect.gather [hbm4b:s5+s6], $0x20, s6, s6, $0xb8;
	[tilespmem:$0xA500] =	vst v63  }
0x48: {  	_ = 	snop  }
0x49: {  	[tilespmem:s10], [sflag:$0x1] =	stream.indirect.gather [hbm4b:s5+s6], $0x20, s9, s6, $0xb8;
	[tilespmem:$0xA500] =	vst v63  }
0x4a: {  	_ = 	snop  }
0x4b: {  	[tilespmem:s12], [sflag:$0x1] =	stream.indirect.gather [hbm4b:s5+s6], $0x20, s11, s6, $0xb8;
	[tilespmem:$0xA500] =	vst v63  }
0x4c: {  	_ = 	snop  }
0x4d: {  	[tilespmem:s14], [sflag:$0x1] =	stream.indirect.gather [hbm4b:s5+s6], $0x20, s13, s6, $0xb8;
	[tilespmem:$0xA500] =	vst v63  }
0x4e: {  	_ = 	snop  }
0x4f: {  	[tilespmem:s16], [sflag:$0x1] =	stream.indirect.gather [hbm4b:s5+s6], $0x20, s15, s6, $0xb8;
	[tilespmem:$0xA500] =	vst v63  }
0x50: {  	_ = 	snop  }
0x51: {  	[tilespmem:s18], [sflag:$0x1] =	stream.indirect.gather [hbm4b:s5+s6], $0x20, s17, s6, $0xb8;
	[tilespmem:$0xA500] =	vst v63  }
0x52: {  	_ = 	snop  }
0x53: {  	[tilespmem:s20], [sflag:$0x1] =	stream.indirect.gather [hbm4b:s5+s6], $0x20, s19, s6, $0xb8;
	[tilespmem:$0xA500] =	vst v63  }
0x54: {  	_ = 	snop  }
0x55: {  	[tilespmem:s22], [sflag:$0x1] =	stream.indirect.gather [hbm4b:s5+s6], $0x20, s21, s6, $0xb8;
	[tilespmem:$0xA500] =	vst v63  }
0x56: {  	_ = 	snop  }
0x57: {  	[tilespmem:s24], [sflag:$0x1] =	stream.indirect.gather [hbm4b:s5+s6], $0x20, s23, s6, $0xb8;
	[tilespmem:$0xA500] =	vst v63  }
0x58: {  	_ =	swait.ge [sflag:s25], $0x1000  }
0x59: {  	[sflag:s25] =	ssyncset.done $0x0  }
0x5a: {  	[sflag:s25] =	ssyncadd.s32 $0xFFFFF000  }
0x5b: {  	_ =	swait.ge [sflag:s25], $0x1000  }
0x5c: {  	[sflag:s25] =	ssyncset.done $0x0  }
0x5d: {  	[sflag:s25] =	ssyncadd.s32 $0xFFFFF000  }
0x5e: {  	_ =	swait.ge [sflag:s25], $0x1000  }
0x5f: {  	[sflag:s25] =	ssyncset.done $0x0  }
0x60: {  	[sflag:s25] =	ssyncadd.s32 $0xFFFFF000  }
0x61: {  	_ =	swait.ge [sflag:s25], $0x1000  }
0x62: {  	[sflag:s25] =	ssyncset.done $0x0  }
0x63: {  	[sflag:s25] =	ssyncadd.s32 $0xFFFFF000  }
0x64: {  	_ =	swait.ge [sflag:s25], $0x1000  }
0x65: {  	[sflag:s25] =	ssyncset.done $0x0  }
0x66: {  	[sflag:s25] =	ssyncadd.s32 $0xFFFFF000  }
0x67: {  	_ =	swait.ge [sflag:s25], $0x1000  }
0x68: {  	[sflag:s25] =	ssyncset.done $0x0  }
0x69: {  	[sflag:s25] =	ssyncadd.s32 $0xFFFFF000  }
0x6a: {  	_ =	swait.ge [sflag:s25], $0x1000  }
0x6b: {  	[sflag:s25] =	ssyncset.done $0x0  }
0x6c: {  	[sflag:s25] =	ssyncadd.s32 $0xFFFFF000  }
0x6d: {  	_ =	swait.ge [sflag:s25], $0x1000  }
0x6e: {  	[sflag:s25] =	ssyncset.done $0x0  }
0x6f: {  	[sflag:s25] =	ssyncadd.s32 $0xFFFFF000  }
0x70: {  	_ =	swait.ge [sflag:s25], $0x1000  }
0x71: {  	[sflag:s25] =	ssyncset.done $0x0  }
0x72: {  	[sflag:s25] =	ssyncadd.s32 $0xFFFFF000  }
0x73: {  	_ =	swait.ge [sflag:s25], $0x1000  }
.Ltmp1:
0x74: {  	[sflag:s25] =	ssyncset.done $0x0;
	(pc) =	sbr.rel @p0 .LBB2_1-.Ltmp1, $4  }
0x75: {  	[sflag:s25] =	ssyncadd.s32 $0xFFFFF000  }
0x76: {  	[hbm4b:s26+s2] =	stream.linear.scatter [tilespmem:s7], [sflag:$0x2], $0xA000, $0x38;
	[tilespmem:$0xA500] =	vst v63  }
0x77: {  	_ =	swait.ge [sflag:s3], $0xA000  }
0x78: {  	[sflag:s3] =	ssyncset.done $0x0  }
.LBB2_2:
0x79: {  	[sflag:s3] =	ssyncadd.s32 $0xFFFF6000  }
0x7a: {  	_ =	sfence.sel $0x180000  }
0x7b: {  	[bflag:$0x0] =	sbarrier.arrive $0xFFFF  }
0x7c: {  	p0 =	sne.s32 s0, $0x0;
	_ =	strace $0x90000047  }
0x7d: {  	s0 =	sadd.s32 @!p0 $0x100000, s1;
	[bflag:$0x2] =	sbarrier.arrive $0xFFFF  }
0x7e: {  	[sflag:s0] =	ssyncadd.tile.s32 @!p0 $0x1;
	_ =	shalt  }
.Lfunc_end2:
_tile_overlayer_lowered:
.L_overlay_start_2:
0x7f: {  	(tag) =	ssettag $0x2  }
0x80: {  	s0 =	rddreg [dreg:$0x0];
	s2 =	stileid.u32  }
0x81: {  	s1 =	rddreg [dreg:$0x1];
	p0 =	sne.s32 s2, $0x0  }
0x82: {  	s3 =	rddreg [dreg:$0x2];
	[bflag:$0x3] =	sbarrier.arrive $0xFFFF;
	s2 =	simm.s32 @!p0 $0x1C02  }
0x83: {  	[timem:s3], [sflag:s2] =	dma.local @!p0 [hbm:s0], s1  }
0x84: {  	s0 =	simm.s32 @!p0 $0x2  }
0x85: {  	_ =	swait.ge @!p0 [sflag:s0], s1  }
0x86: {  	s1 =	ssub.s32 @!p0 $0x0, s1;
	[sflag:s0] =	ssyncset.done @!p0 $0x0  }
0x87: {  	[sflag:s0] =	ssyncadd.s32 @!p0 s1  }
0x88: {  	[bflag:$0x3] =	sbarrier.arrive $0xFFFF  }
0x89: {  	_ =	shalt  }

// kernel: kernel.13.cloned.1.call-start
scs
__scs_entry_jumppad:
0x0: {  	(pc) =	sbr.rel $0x88, $3  }
0x1: {  	(tag) =	ssettag $0x0;
	lr =	simm.s32 $0x1  }
0x2: {  	[smem:$0x3F92] =	sst lr;
	_ =	strace $0xD0000000  }
0x3: {  	_ = 	snop  }
0x4: {  	_ = 	snop  }
0x5: {  	_ = 	snop  }
0x6: {  	_ = 	snop  }
0x7: {  	_ = 	snop  }
__scs_overlays_trampoline_lowered:
0x8: {  	[smem:$0x3FA1] =	sst s0  }
0x9: {  	[smem:$0x3FA2] =	sst s1  }
0xa: {  	[smem:$0x3FA3] =	sst s2  }
0xb: {  	[smem:$0x3FA4] =	sst s3  }
0xc: {  	[smem:$0x3FA5] =	sst s4  }
0xd: {  	[smem:$0x3FA6] =	sst s5  }
0xe: {  	[smem:$0x3FA7] =	sst s6  }
0xf: {  	[smem:$0x3FA8] =	sst s7  }
0x10: {  	[smem:$0x3FA9] =	sst s8  }
0x11: {  	[smem:$0x3FAA] =	sst s9;
	s0 =	simm.s32 @!p0 $0x0  }
0x12: {  	s1 =	sld [smem:$0x3F90];
	s0 =	simm.s32 @p0 $0x1  }
0x13: {  	[smem:$0x3FAB] =	sst s0;
	s0 =	simm.s32 @!p1 $0x0  }
0x14: {  	s2 =	sld [smem:$0x3F8F];
	s0 =	simm.s32 @p1 $0x1  }
0x15: {  	[smem:$0x3FAC] =	sst s0;
	s0 =	simm.s32 @!p2 $0x0  }
0x16: {  	s3 =	sld [smem:$0x3FDB];
	s0 =	simm.s32 @p2 $0x1  }
0x17: {  	s4 =	simm.s32 $0x1BF5;
	[smem:$0x3FAE] =	sst s0  }
0x18: {  	s0 =	sld [smem:$0x3F91];
	_ =	swait.ge [sflag:s4], $0x0  }
0x19: {  	s7 =	sld [smem:$0x3F92]  }
0x1a: {  	s8 =	sadd.s32 $0xFFFFE003, lr  }
0x1b: {  	s9 =	sadd.s32 $0xFFFFFEF7, lr;
	s5 =	simm.s32 $0xFFFFFFFF;
	p2 =	slt.u32 s8, $0xFFFFF086  }
0x1c: {  	p1 =	slt.u32 s9, $0xF7A;
	s5 =	simm.s32 @!p2 $0x0  }
0x1d: {  	s5 =	simm.s32 @p1 $0x1;
	p0 =	seq.s32 s7, s2  }
0x1e: {  	s7 =	smul.u32 @!p0 $0xF7A, s2;
	p2 =	seq.s32 @!p0 s5, $0x0  }
0x1f: {  	s9 =	smul.u32 $0xF7A, s1;
	s8 =	simm.s32 @!p0 $0x1BF5;
	p2 =	por !p2, p0  }
0x20: {  	[sflag:s8] =	ssyncset.s32 @!p0 $0xFFFFF086;
	s6 =	sadd.s32 @!p0 s3, s7;
	s7 =	simm.s32 @!p0 $0x108  }
0x21: {  	s3 =	sadd.s32 s3, s9;
	s6 =	sadd.s32 @!p0 $0x88, s6;
	s7 =	simm.s32 @p2 $0x1082  }
0x22: {  	[simem:s7], [sflag:s8] =	dma.local @!p0 [hbm:s6], $0xF7A  }
0x23: {  	s9 =	sor.u32 $0xD0000000, s2;
	s6 =	simm.s32 $0x108;
	_ =	swait.ge @!p0 [sflag:s8], $0x0  }
0x24: {  	s3 =	sadd.s32 $0x88, s3;
	s6 =	simm.s32 @!p1 $0x1082;
	[sflag:s4] =	ssyncset.s32 $0xFFFFF086  }
0x25: {  	[simem:s6], [sflag:s4] =	dma.local [hbm:s3], $0xF7A  }
0x26: {  	[smem:$0x3F92] =	sst s1;
	(tag) =	ssettag s2;
	_ =	strace s9  }
0x27: {  	s1 =	sld [smem:$0x3FA2]  }
0x28: {  	s2 =	sld [smem:$0x3FA3]  }
0x29: {  	s4 =	sld [smem:$0x3FA5]  }
0x2a: {  	p0 =	seq.s32 s5, $0x0;
	s5 =	sld [smem:$0x3FA6]  }
0x2b: {  	s6 =	sld [smem:$0x3FA7]  }
0x2c: {  	s7 =	sld [smem:$0x3FA8]  }
0x2d: {  	s3 =	simm.s32 $0x108;
	s8 =	sld [smem:$0x3FA9]  }
0x2e: {  	s3 =	simm.s32 @!p0 $0x1082;
	s9 =	sld [smem:$0x3FAA]  }
0x2f: {  	lr =	sadd.s32 s0, s3;
	s0 =	sld [smem:$0x3FA1]  }
0x30: {  	s3 =	sld [smem:$0x3FA4]  }
0x31: {  	[smem:$0x3FAD] =	sst s10  }
0x32: {  	s10 =	sld [smem:$0x3FAB];
	_ =	sdelay $0x3  }
0x33: {  	p0 =	seq.s32 s10, $0x1;
	s10 =	sld [smem:$0x3FAD];
	_ =	sdelay $0x3  }
0x34: {  	[smem:$0x3FAD] =	sst s10  }
0x35: {  	s10 =	sld [smem:$0x3FAC];
	_ =	sdelay $0x3  }
0x36: {  	p1 =	seq.s32 s10, $0x1;
	s10 =	sld [smem:$0x3FAD];
	_ =	sdelay $0x3  }
0x37: {  	[smem:$0x3FAD] =	sst s10  }
0x38: {  	s10 =	sld [smem:$0x3FAE]  }
0x39: {  	_ = 	snop;
	(pc) =	sbr.ind lr, $3  }
0x3a: {  	_ = 	snop  }
0x3b: {  	_ = 	snop  }
0x3c: {  	p2 =	seq.s32 s10, $0x1;
	s10 =	sld [smem:$0x3FAD]  }
0x3d: {  	_ =	shalt  }
0x3e: {  	_ =	shalt  }
0x3f: {  	_ =	shalt  }
0x40: {  	_ =	shalt  }
0x41: {  	_ =	shalt  }
0x42: {  	_ =	shalt  }
0x43: {  	_ =	shalt  }
0x44: {  	_ =	shalt  }
0x45: {  	_ =	shalt  }
0x46: {  	_ =	shalt  }
0x47: {  	_ =	shalt  }
0x48: {  	_ =	shalt  }
0x49: {  	_ =	shalt  }
0x4a: {  	_ =	shalt  }
0x4b: {  	_ =	shalt  }
0x4c: {  	_ =	shalt  }
0x4d: {  	_ =	shalt  }
0x4e: {  	_ =	shalt  }
0x4f: {  	_ =	shalt  }
0x50: {  	_ =	shalt  }
0x51: {  	_ =	shalt  }
0x52: {  	_ =	shalt  }
0x53: {  	_ =	shalt  }
0x54: {  	_ =	shalt  }
0x55: {  	_ =	shalt  }
0x56: {  	_ =	shalt  }
0x57: {  	_ =	shalt  }
0x58: {  	_ =	shalt  }
0x59: {  	_ =	shalt  }
0x5a: {  	_ =	shalt  }
0x5b: {  	_ =	shalt  }
0x5c: {  	_ =	shalt  }
0x5d: {  	_ =	shalt  }
0x5e: {  	_ =	shalt  }
0x5f: {  	_ =	shalt  }
0x60: {  	_ =	shalt  }
0x61: {  	_ =	shalt  }
0x62: {  	_ =	shalt  }
0x63: {  	_ =	shalt  }
0x64: {  	_ =	shalt  }
0x65: {  	_ =	shalt  }
0x66: {  	_ =	shalt  }
0x67: {  	_ =	shalt  }
0x68: {  	_ =	shalt  }
0x69: {  	_ =	shalt  }
0x6a: {  	_ =	shalt  }
0x6b: {  	_ =	shalt  }
0x6c: {  	_ =	shalt  }
0x6d: {  	_ =	shalt  }
0x6e: {  	_ =	shalt  }
0x6f: {  	_ =	shalt  }
0x70: {  	_ =	shalt  }
0x71: {  	_ =	shalt  }
0x72: {  	_ =	shalt  }
0x73: {  	_ =	shalt  }
0x74: {  	_ =	shalt  }
0x75: {  	_ =	shalt  }
0x76: {  	_ =	shalt  }
0x77: {  	_ =	shalt  }
0x78: {  	_ =	shalt  }
0x79: {  	_ =	shalt  }
0x7a: {  	_ =	shalt  }
0x7b: {  	_ =	shalt  }
0x7c: {  	_ =	shalt  }
0x7d: {  	_ =	shalt  }
0x7e: {  	_ =	shalt  }
0x7f: {  	_ =	shalt  }
0x80: {  	_ =	shalt  }
0x81: {  	_ =	shalt  }
0x82: {  	_ =	shalt  }
0x83: {  	_ =	shalt  }
0x84: {  	_ =	shalt  }
0x85: {  	_ =	shalt  }
0x86: {  	_ =	shalt  }
0x87: {  	_ =	shalt  }
.Lfunc_end0:
.L_simem_size_0:
called_computation.1_lowered:
.L_overlay_start_0:
0x88: {  	s2 =	sld [smem:$0x3FD9]  }
0x89: {  	s3 =	sld [smem:$0x3FFE];
	_ =	sdelay $0x1  }
0x8a: {  	s1 =	srdreg.scid  }
0x8b: {  	s0 =	sand.u32 $0x1, s1  }
0x8c: {  	s16 =	sshll.u32 s0, $0xA;
	s2 =	sadd.s32 s3, s2  }
0x8d: {  	s2 =	sadd.s32 s2, s16  }
0x8e: {  	[smem:$0x3FB9] =	sst s2  }
0x8f: {  	_ = 	snop  }
0x90: {  	(tm) =	ssettm $0x1  }
0x91: {  	s17 =	sld [smem:$0x3FFB];
	_ =	sdelay $0x3  }
0x92: {  	_ =	strace s17  }
0x93: {  	s2 =	sld [smem:$0x3FFC];
	_ =	sdelay $0x3  }
0x94: {  	_ =	strace s2  }
0x95: {  	s2 =	sld [smem:$0x3FFD];
	_ =	sdelay $0x3  }
0x96: {  	_ =	strace s2  }
0x97: {  	_ =	strace $0x8FFFFFFF  }
0x98: {  	s18 =	sld [smem:$0x3FDB];
	_ =	sdelay $0x1  }
0x99: {  	s19 =	simm.s32 $_scs_section_size  }
0x9a: {  	s4 =	simm.s32 $_size__tile_overlayer_lowered;
	s5 =	simm.s32 $_tile_overlayer_lowered  }
0x9b: {  	s22 =	simm.s32 $0x1BFF;
	s21 =	sshll.u32 s5, $0x1;
	s2 =	sadd.s32 s19, s18  }
0x9c: {  	s6 =	simm.s32 $0x0;
	s20 =	sshll.u32 s4, $0x1;
	s4 =	sadd.s32 s21, s2  }
0x9d: {  	[timem:s6], [sflag:s22] =	dma.local [hbm:s4], s20  }
0x9e: {  	_ =	swait.ge [sflag:s22], s20  }
0x9f: {  	s3 =	ssub.s32 $0x0, s20;
	[sflag:s22] =	ssyncset.done $0x0  }
0xa0: {  	[sflag:s22] =	ssyncadd.s32 s3;
	_ =	sdelay $0x1  }
0xa1: {  	s23 =	simm.s32 $0x1B8B  }
0xa2: {  	_ =	swait.ge [sflag:s23], $0x1  }
0xa3: {  	[sflag:s23] =	ssyncset.done $0x0  }
0xa4: {  	s25 =	simm.s32 $0x1B8E;
	s24 =	sld [smem:$0x3FFE];
	[sflag:s23] =	ssyncadd.s32 $0xFFFFFFFF  }
0xa5: {  	s26 =	simm.s32 $execute0_lowered;
	[smem:$0x3FD2] =	sst s25  }
0xa6: {  	s4 =	sshll.u32 s26, $0x1;
	_ =	strace $0x80000049;
	[dreg:$0x1] =	wrdreg $0xFFFFFFFF  }
0xa7: {  	s28 =	simm.s32 $_size_execute0_lowered;
	s2 =	sadd.s32 s2, s4;
	[dreg:$0x0] =	wrdreg $0x0  }
0xa8: {  	s4 =	sshll.u32 s28, $0x1;
	[dreg:$0x2] =	wrdreg s2  }
0xa9: {  	[dreg:$0x3] =	wrdreg s4  }
0xaa: {  	[dreg:$0x4] =	wrdreg $0xC0  }
0xab: {  	_ =	task [dreg:s6], $0x5FFFF  }
0xac: {  	[dreg:$0x1] =	wrdreg $0xFFFFFFFF  }
0xad: {  	[dreg:$0x0] =	wrdreg $0x60  }
0xae: {  	[dreg:$0x2] =	wrdreg s24  }
0xaf: {  	[dreg:$0x3] =	wrdreg $0x172000  }
0xb0: {  	[dreg:$0x4] =	wrdreg $0x1C2000  }
0xb1: {  	[dreg:$0x5] =	wrdreg $0x9  }
0xb2: {  	_ =	task.clear_ibuf [dreg:s6], $0x6FFFF;
	_ =	strace $0x90000049  }
0xb3: {  	s29 =	simm.s32 $0x9;
	_ =	strace $0x8000004B  }
0xb4: {  	_ =	swait.ge [sflag:s29], $0x1  }
0xb5: {  	[sflag:s29] =	ssyncadd.s32 $0xFFFFFFFF  }
0xb6: {  	_ =	strace $0x9000004B  }
0xb7: {  	_ =	sfence  }
0xb8: {  	s30 =	sld [smem:$0x0];
	_ =	sdelay $0x2  }
0xb9: {  	s31 =	sshll.u32 s1, $0xD;
	s1 =	sshrl.u32 s1, $0x2  }
0xba: {  	s3 =	sand.u32 $0x4000, s31;
	s1 =	sadd.s32 s1, s30  }
0xbb: {  	s0 =	sor.u32 s3, s0;
	s1 =	sshll.u32 s1, $0x11  }
0xbc: {  	s0 =	sor.u32 s1, s0  }
0xbd: {  	s0 =	sadd.s32 $0x8F2B, s0  }
0xbe: {  	[sflag:s0] =	ssyncadd.remote.s32 $0x1  }
0xbf: {  	_ =	sfence.sel $0xFFFF  }
0xc0: {  	[dreg:$0x0] =	wrdreg $0xFFFFFFFF;
	(pc) =	sbr.abs _section_cstart, $3  }
0xc1: {  	[dreg:$0x1] =	wrdreg $0xFFFFFFFF  }
0xc2: {  	_ =	task.clear_ibuf [dreg:s6], $0x2FFFF;
	_ =	strace $0x9FFFFFFF  }
0xc3: {  	(tm) =	ssettm $0x7FFFFFFF  }
tec
execute0_lowered:
.L_overlay_start_1:
0x0: {  	(tag) =	ssettag $0x1  }
0x1: {  	s5 =	rddreg [dreg:$0x0];
	s1 =	srdreg.scid  }
0x2: {  	s0 =	stileid.u32;
	s3 =	rddreg [dreg:$0x1]  }
0x3: {  	s4 =	rddreg [dreg:$0x2];
	s1 =	sand.u32 $0x1, s1;
	s2 =	sshll.u32 s0, $0x1  }
0x4: {  	s18 =	simm.s32 $0x1500;
	s6 =	sor.u32 s1, s2;
	s2 =	simm.s32 $0x0  }
0x5: {  	s19 =	simm.s32 $0x100;
	s13 =	sadd.s32 $0xDAE00, s5;
	[smem:$0x7FF] =	sst s2  }
0x6: {  	s20 =	simm.s32 $0x2500;
	_ =	strace $0x8000004A;
	[dreg:$0x4] =	wrdreg s13  }
0x7: {  	s21 =	simm.s32 $0x180;
	s8 =	smul.u32 $0x5000, s0;
	[dreg:$0xc] =	wrdreg s18  }
0x8: {  	s22 =	simm.s32 $0x3500;
	s12 =	smul.u32 $0x2800, s0;
	[dreg:$0xd] =	wrdreg s19  }
0x9: {  	s23 =	simm.s32 $0x200;
	s10 =	smul.u32 $0x280, s0;
	[dreg:$0xe] =	wrdreg s20  }
0xa: {  	s24 =	simm.s32 $0x4500;
	s14 =	smul.u32 $0x2800, s1;
	[dreg:$0xf] =	wrdreg s21  }
0xb: {  	s25 =	simm.s32 $0x280;
	s7 =	smul.u32 $0x1400, s6;
	[dreg:$0x10] =	wrdreg s22  }
0xc: {  	s6 =	smul.u32 $0xA0, s6;
	s9 =	sshrl.u32 s8, $0x3;
	[dreg:$0x11] =	wrdreg s23  }
0xd: {  	s11 =	sshrl.u32 s12, $0x3;
	s9 =	sadd.s32 s9, s5;
	[dreg:$0x12] =	wrdreg s24  }
0xe: {  	s11 =	sadd.s32 s11, s5;
	[dreg:$0x13] =	wrdreg s25;
	s13 =	simm.s32 $0x480  }
0xf: {  	s10 =	sadd.s32 s10, s14;
	s9 =	sadd.s32 $0x2D200, s9;
	[dreg:$0x1b] =	wrdreg s13  }
0x10: {  	s0 =	sshll.u32 s10, $0x2;
	s16 =	sadd.s32 $0xD5E00, s11;
	[dreg:$0x7] =	wrdreg s9  }
0x11: {  	s15 =	sshll.u32 s10, $0x1;
	s10 =	simm.s32 $0x400;
	[dreg:$0x9] =	wrdreg s16  }
0x12: {  	s6 =	sadd.s32 s6, s5;
	s11 =	simm.s32 $0x8500;
	[dreg:$0x19] =	wrdreg s10  }
0x13: {  	s7 =	sadd.s32 s7, s5;
	s26 =	sadd.s32 $0xD3600, s6;
	[dreg:$0x1a] =	wrdreg s11  }
0x14: {  	s7 =	sadd.s32 $0x5200, s7;
	[dreg:$0x5] =	wrdreg s26  }
0x15: {  	s6 =	sadd.s32 $0xD4A00, s6;
	[dreg:$0x6] =	wrdreg s7  }
0x16: {  	s14 =	sadd.s32 s0, s5;
	s0 =	simm.s32 $0x300;
	[dreg:$0x8] =	wrdreg s6  }
0x17: {  	s9 =	simm.s32 $0x7500;
	[dreg:$0x15] =	wrdreg s0  }
0x18: {  	s16 =	simm.s32 $0xF580;
	[dreg:$0x18] =	wrdreg s9  }
0x19: {  	s5 =	sadd.s32 s15, s5;
	s17 =	sadd.s32 $0xDB800, s14;
	[dreg:$0x1d] =	wrdreg s16  }
0x1a: {  	s5 =	sadd.s32 $0xEF800, s5;
	[dreg:$0xa] =	wrdreg s17  }
0x1b: {  	s26 =	simm.s32 $0x5500;
	[dreg:$0xb] =	wrdreg s5  }
0x1c: {  	s6 =	simm.s32 $0x6500;
	[dreg:$0x14] =	wrdreg s26  }
0x1d: {  	s7 =	simm.s32 $0x380;
	[dreg:$0x16] =	wrdreg s6  }
0x1e: {  	[dreg:$0x17] =	wrdreg s7  }
0x1f: {  	s14 =	simm.s32 $0x9500;
	s15 =	rddreg [dreg:$0x5]  }
0x20: {  	[dreg:$0x1c] =	wrdreg s14;
	s5 =	simm.s32 $0x1  }
0x21: {  	[tilespmem:s2], [sflag:$0x1] =	stream.linear.gather [hbm4b:s15+s2], $0x500, $0x38;
	[tilespmem:$0x1EA00] =	vst v63  }
0x22: {  	_ =	swait.ge [sflag:s5], $0x500  }
0x23: {  	[sflag:s5] =	ssyncset.done $0x0  }
0x24: {  	s6 =	simm.s32 $0x500;
	s17 =	rddreg [dreg:$0x6];
	[sflag:s5] =	ssyncadd.s32 $0xFFFFFB00  }
0x25: {  	[tilespmem:s6], [sflag:$0x1] =	stream.linear.gather [hbm4b:s17+s2], $0xA000, $0x38;
	[tilespmem:$0x1EA00] =	vst v63  }
0x26: {  	_ =	swait.ge [sflag:s5], $0xA000  }
0x27: {  	[sflag:s5] =	ssyncset.done $0x0  }
0x28: {  	s7 =	simm.s32 $0xA500;
	s18 =	rddreg [dreg:$0x7];
	[sflag:s5] =	ssyncadd.s32 $0xFFFF6000  }
0x29: {  	[tilespmem:s7], [sflag:$0x1] =	stream.linear.gather [hbm4b:s18+s2], $0x5000, $0x38;
	[tilespmem:$0x1EA00] =	vst v63  }
0x2a: {  	_ =	swait.ge [sflag:s5], $0x5000  }
0x2b: {  	[sflag:s5] =	ssyncset.done $0x0  }
0x2c: {  	s8 =	sadd.s32 s8, s3;
	[sflag:s5] =	ssyncadd.s32 $0xFFFFB000  }
0x2d: {  	[spmem:s8] =	stream.linear.scatter [tilespmem:s7], [sflag:$0x1], $0x5000, $0x38;
	[tilespmem:$0x1EA00] =	vst v63  }
0x2e: {  	_ =	swait.ge [sflag:s5], $0x5000  }
0x2f: {  	[sflag:s5] =	ssyncset.done $0x0  }
0x30: {  	s9 =	simm.s32 $0xF500;
	s19 =	rddreg [dreg:$0x8];
	[sflag:s5] =	ssyncadd.s32 $0xFFFFB000  }
0x31: {  	[tilespmem:s9], [sflag:$0x1] =	stream.linear.gather [hbm4b:s19+s2], $0x500, $0x38;
	[tilespmem:$0x1EA00] =	vst v63  }
0x32: {  	_ =	swait.ge [sflag:s5], $0x500  }
0x33: {  	[sflag:s5] =	ssyncset.done $0x0  }
0x34: {  	s11 =	simm.s32 $0xFA00;
	s20 =	rddreg [dreg:$0x4];
	[sflag:s5] =	ssyncadd.s32 $0xFFFFFB00  }
0x35: {  	[tilespmem:s11], [sflag:$0x1] =	stream.linear.gather [hbm4b:s20+s2], $0x5000, $0x38;
	[tilespmem:$0x1EA00] =	vst v63  }
0x36: {  	_ =	swait.ge [sflag:s5], $0x5000  }
0x37: {  	[sflag:s5] =	ssyncset.done $0x0  }
0x38: {  	s10 =	simm.s32 $0x14A00;
	s21 =	rddreg [dreg:$0x9];
	[sflag:s5] =	ssyncadd.s32 $0xFFFFB000  }
0x39: {  	[tilespmem:s10], [sflag:$0x1] =	stream.linear.gather [hbm4b:s21+s2], $0x2800, $0x38;
	[tilespmem:$0x1EA00] =	vst v63  }
0x3a: {  	_ =	swait.ge [sflag:s5], $0x2800  }
0x3b: {  	[sflag:s5] =	ssyncset.done $0x0  }
0x3c: {  	s12 =	sadd.s32 s12, s4;
	[sflag:s5] =	ssyncadd.s32 $0xFFFFD800  }
0x3d: {  	[spmem:s12] =	stream.linear.scatter [tilespmem:s10], [sflag:$0x1], $0x2800, $0x38;
	[tilespmem:$0x1EA00] =	vst v63  }
0x3e: {  	_ =	swait.ge [sflag:s5], $0x2800  }
0x3f: {  	[sflag:s5] =	ssyncset.done $0x0  }
0x40: {  	[sflag:s5] =	ssyncadd.s32 $0xFFFFD800  }
0x41: {  	s13 =	simm.s32 $0x80;
	[bflag:$0x0] =	sbarrier.arrive $0xFFFF  }
0x42: {  	[spmem:s3] =	stream.indirect.scatter.add.f32 [tilespmem:s6], [sflag:$0x1], $0x20, s2, s13, $0xb8;
	[tilespmem:$0x1EA00] =	vst v63  }
0x43: {  	_ =	swait.ge [sflag:s5], $0x1000  }
0x44: {  	[sflag:s5] =	ssyncset.done $0x0  }
0x45: {  	s22 =	rddreg [dreg:$0xc];
	[sflag:s5] =	ssyncadd.s32 $0xFFFFF000  }
0x46: {  	[spmem:s3] =	stream.indirect.scatter.add.f32 [tilespmem:s22], [sflag:$0x1], $0x20, s13, s13, $0xb8;
	[tilespmem:$0x1EA00] =	vst v63  }
0x47: {  	_ =	swait.ge [sflag:s5], $0x1000  }
0x48: {  	s23 =	rddreg [dreg:$0xd];
	[sflag:s5] =	ssyncset.done $0x0  }
0x49: {  	s15 =	rddreg [dreg:$0xe];
	[sflag:s5] =	ssyncadd.s32 $0xFFFFF000  }
0x4a: {  	[spmem:s3] =	stream.indirect.scatter.add.f32 [tilespmem:s15], [sflag:$0x1], $0x20, s23, s13, $0xb8;
	[tilespmem:$0x1EA00] =	vst v63  }
0x4b: {  	_ =	swait.ge [sflag:s5], $0x1000  }
0x4c: {  	s24 =	rddreg [dreg:$0xf];
	[sflag:s5] =	ssyncset.done $0x0  }
0x4d: {  	s25 =	rddreg [dreg:$0x10];
	[sflag:s5] =	ssyncadd.s32 $0xFFFFF000  }
0x4e: {  	[spmem:s3] =	stream.indirect.scatter.add.f32 [tilespmem:s25], [sflag:$0x1], $0x20, s24, s13, $0xb8;
	[tilespmem:$0x1EA00] =	vst v63  }
0x4f: {  	_ =	swait.ge [sflag:s5], $0x1000  }
0x50: {  	s26 =	rddreg [dreg:$0x11];
	[sflag:s5] =	ssyncset.done $0x0  }
0x51: {  	s0 =	rddreg [dreg:$0x12];
	[sflag:s5] =	ssyncadd.s32 $0xFFFFF000  }
0x52: {  	[spmem:s3] =	stream.indirect.scatter.add.f32 [tilespmem:s0], [sflag:$0x1], $0x20, s26, s13, $0xb8;
	[tilespmem:$0x1EA00] =	vst v63  }
0x53: {  	_ =	swait.ge [sflag:s5], $0x1000  }
0x54: {  	s15 =	rddreg [dreg:$0x13];
	[sflag:s5] =	ssyncset.done $0x0  }
0x55: {  	s16 =	rddreg [dreg:$0x14];
	[sflag:s5] =	ssyncadd.s32 $0xFFFFF000  }
0x56: {  	[spmem:s3] =	stream.indirect.scatter.add.f32 [tilespmem:s16], [sflag:$0x1], $0x20, s15, s13, $0xb8;
	[tilespmem:$0x1EA00] =	vst v63  }
0x57: {  	_ =	swait.ge [sflag:s5], $0x1000  }
0x58: {  	s17 =	rddreg [dreg:$0x15];
	[sflag:s5] =	ssyncset.done $0x0  }
0x59: {  	s18 =	rddreg [dreg:$0x16];
	[sflag:s5] =	ssyncadd.s32 $0xFFFFF000  }
0x5a: {  	[spmem:s3] =	stream.indirect.scatter.add.f32 [tilespmem:s18], [sflag:$0x1], $0x20, s17, s13, $0xb8;
	[tilespmem:$0x1EA00] =	vst v63  }
0x5b: {  	_ =	swait.ge [sflag:s5], $0x1000  }
0x5c: {  	s19 =	rddreg [dreg:$0x17];
	[sflag:s5] =	ssyncset.done $0x0  }
0x5d: {  	s20 =	rddreg [dreg:$0x18];
	[sflag:s5] =	ssyncadd.s32 $0xFFFFF000  }
0x5e: {  	[spmem:s3] =	stream.indirect.scatter.add.f32 [tilespmem:s20], [sflag:$0x1], $0x20, s19, s13, $0xb8;
	[tilespmem:$0x1EA00] =	vst v63  }
0x5f: {  	_ =	swait.ge [sflag:s5], $0x1000  }
0x60: {  	s21 =	rddreg [dreg:$0x19];
	[sflag:s5] =	ssyncset.done $0x0  }
0x61: {  	s22 =	rddreg [dreg:$0x1a];
	[sflag:s5] =	ssyncadd.s32 $0xFFFFF000  }
0x62: {  	[spmem:s3] =	stream.indirect.scatter.add.f32 [tilespmem:s22], [sflag:$0x1], $0x20, s21, s13, $0xb8;
	[tilespmem:$0x1EA00] =	vst v63  }
0x63: {  	_ =	swait.ge [sflag:s5], $0x1000  }
0x64: {  	s23 =	rddreg [dreg:$0x1b];
	[sflag:s5] =	ssyncset.done $0x0  }
0x65: {  	s24 =	rddreg [dreg:$0x1c];
	[sflag:s5] =	ssyncadd.s32 $0xFFFFF000  }
0x66: {  	[spmem:s3] =	stream.indirect.scatter.add.f32 [tilespmem:s24], [sflag:$0x1], $0x20, s23, s13, $0xb8;
	[tilespmem:$0x1EA00] =	vst v63  }
0x67: {  	_ =	swait.ge [sflag:s5], $0x1000  }
0x68: {  	[sflag:s5] =	ssyncset.done $0x0  }
0x69: {  	[sflag:s5] =	ssyncadd.s32 $0xFFFFF000  }
0x6a: {  	[spmem:s4] =	stream.indirect.scatter.add.f32 [tilespmem:s11], [sflag:$0x1], $0x10, s9, s13, $0xb8;
	[tilespmem:$0x1EA00] =	vst v63  }
0x6b: {  	_ =	swait.ge [sflag:s5], $0x800  }
0x6c: {  	[sflag:s5] =	ssyncset.done $0x0  }
0x6d: {  	s26 =	simm.s32 $0x10200;
	s25 =	rddreg [dreg:$0x1d];
	[sflag:s5] =	ssyncadd.s32 $0xFFFFF800  }
0x6e: {  	[spmem:s4] =	stream.indirect.scatter.add.f32 [tilespmem:s26], [sflag:$0x1], $0x10, s25, s13, $0xb8;
	[tilespmem:$0x1EA00] =	vst v63  }
0x6f: {  	_ =	swait.ge [sflag:s5], $0x800  }
0x70: {  	[sflag:s5] =	ssyncset.done $0x0  }
0x71: {  	s15 =	simm.s32 $0xF600;
	s16 =	simm.s32 $0x10A00;
	[sflag:s5] =	ssyncadd.s32 $0xFFFFF800  }
0x72: {  	[spmem:s4] =	stream.indirect.scatter.add.f32 [tilespmem:s16], [sflag:$0x1], $0x10, s15, s13, $0xb8;
	[tilespmem:$0x1EA00] =	vst v63  }
0x73: {  	_ =	swait.ge [sflag:s5], $0x800  }
0x74: {  	[sflag:s5] =	ssyncset.done $0x0  }
0x75: {  	s17 =	simm.s32 $0xF680;
	s18 =	simm.s32 $0x11200;
	[sflag:s5] =	ssyncadd.s32 $0xFFFFF800  }
0x76: {  	[spmem:s4] =	stream.indirect.scatter.add.f32 [tilespmem:s18], [sflag:$0x1], $0x10, s17, s13, $0xb8;
	[tilespmem:$0x1EA00] =	vst v63  }
0x77: {  	_ =	swait.ge [sflag:s5], $0x800  }
0x78: {  	[sflag:s5] =	ssyncset.done $0x0  }
0x79: {  	s19 =	simm.s32 $0xF700;
	s20 =	simm.s32 $0x11A00;
	[sflag:s5] =	ssyncadd.s32 $0xFFFFF800  }
0x7a: {  	[spmem:s4] =	stream.indirect.scatter.add.f32 [tilespmem:s20], [sflag:$0x1], $0x10, s19, s13, $0xb8;
	[tilespmem:$0x1EA00] =	vst v63  }
0x7b: {  	_ =	swait.ge [sflag:s5], $0x800  }
0x7c: {  	[sflag:s5] =	ssyncset.done $0x0  }
0x7d: {  	s21 =	simm.s32 $0xF780;
	s22 =	simm.s32 $0x12200;
	[sflag:s5] =	ssyncadd.s32 $0xFFFFF800  }
0x7e: {  	[spmem:s4] =	stream.indirect.scatter.add.f32 [tilespmem:s22], [sflag:$0x1], $0x10, s21, s13, $0xb8;
	[tilespmem:$0x1EA00] =	vst v63  }
0x7f: {  	_ =	swait.ge [sflag:s5], $0x800  }
0x80: {  	[sflag:s5] =	ssyncset.done $0x0  }
0x81: {  	s23 =	simm.s32 $0xF800;
	s24 =	simm.s32 $0x12A00;
	[sflag:s5] =	ssyncadd.s32 $0xFFFFF800  }
0x82: {  	[spmem:s4] =	stream.indirect.scatter.add.f32 [tilespmem:s24], [sflag:$0x1], $0x10, s23, s13, $0xb8;
	[tilespmem:$0x1EA00] =	vst v63  }
0x83: {  	_ =	swait.ge [sflag:s5], $0x800  }
0x84: {  	[sflag:s5] =	ssyncset.done $0x0  }
0x85: {  	s25 =	simm.s32 $0xF880;
	s26 =	simm.s32 $0x13200;
	[sflag:s5] =	ssyncadd.s32 $0xFFFFF800  }
0x86: {  	[spmem:s4] =	stream.indirect.scatter.add.f32 [tilespmem:s26], [sflag:$0x1], $0x10, s25, s13, $0xb8;
	[tilespmem:$0x1EA00] =	vst v63  }
0x87: {  	_ =	swait.ge [sflag:s5], $0x800  }
0x88: {  	[sflag:s5] =	ssyncset.done $0x0  }
0x89: {  	s28 =	simm.s32 $0xF900;
	s29 =	simm.s32 $0x13A00;
	[sflag:s5] =	ssyncadd.s32 $0xFFFFF800  }
0x8a: {  	[spmem:s4] =	stream.indirect.scatter.add.f32 [tilespmem:s29], [sflag:$0x1], $0x10, s28, s13, $0xb8;
	[tilespmem:$0x1EA00] =	vst v63  }
0x8b: {  	_ =	swait.ge [sflag:s5], $0x800  }
0x8c: {  	[sflag:s5] =	ssyncset.done $0x0  }
0x8d: {  	s30 =	simm.s32 $0xF980;
	s31 =	simm.s32 $0x14200;
	[sflag:s5] =	ssyncadd.s32 $0xFFFFF800  }
0x8e: {  	[spmem:s4] =	stream.indirect.scatter.add.f32 [tilespmem:s31], [sflag:$0x1], $0x10, s30, s13, $0xb8;
	[tilespmem:$0x1EA00] =	vst v63  }
0x8f: {  	_ =	swait.ge [sflag:s5], $0x800  }
0x90: {  	s1 =	ssub.s32 $0x2, s1;
	[sflag:s5] =	ssyncset.done $0x0  }
0x91: {  	s0 =	sshrl.u32 s1, $0x1;
	[sflag:s5] =	ssyncadd.s32 $0xFFFFF800  }
0x92: {  	s0 =	ssub.s32 s1, s0;
	[bflag:$0x0] =	sbarrier.arrive $0xFFFF  }
0x93: {  	[tilespmem:s7], [sflag:$0x1] =	stream.linear.gather [spmem:s8], $0x5000, $0x38;
	[tilespmem:$0x1EA00] =	vst v63  }
0x94: {  	s0 =	smax.u32 s0, $0x1;
	_ =	swait.ge [sflag:s5], $0x5000  }
0x95: {  	p0 =	sne.s32 s0, $0x1;
	[sflag:s5] =	ssyncset.done $0x0  }
.Ltmp0:
0x96: {  	s14 =	rddreg [dreg:$0xa];
	[sflag:s5] =	ssyncadd.s32 $0xFFFFB000;
	(pc) =	sbr.rel @!p0 .LBB2_2-.Ltmp0, $4  }
0x97: {  	[hbm4b:s14+s2] =	stream.linear.scatter [tilespmem:s7], [sflag:$0x1], $0x5000, $0x38;
	[tilespmem:$0x1EA00] =	vst v63  }
0x98: {  	_ =	swait.ge [sflag:s5], $0x5000  }
0x99: {  	[sflag:s5] =	ssyncset.done $0x0  }
0x9a: {  	s1 =	sadd.s32 $0xFFFFFFFF, s0;
	[sflag:s5] =	ssyncadd.s32 $0xFFFFB000  }
.LBB2_1:
0x9b: {  	[tilespmem:s10], [sflag:$0x1] =	stream.linear.gather [spmem:s12], $0x2800, $0x38;
	[tilespmem:$0x1EA00] =	vst v63  }
0x9c: {  	_ =	swait.ge [sflag:s5], $0x2800  }
0x9d: {  	[sflag:s5] =	ssyncset.done $0x0  }
0x9e: {  	s0 =	rddreg [dreg:$0xb];
	[sflag:s5] =	ssyncadd.s32 $0xFFFFD800  }
0x9f: {  	[hbm4b:s0+s2] =	stream.linear.scatter [tilespmem:s10], [sflag:$0x1], $0x2800, $0x38;
	[tilespmem:$0x1EA00] =	vst v63  }
0xa0: {  	_ =	swait.ge [sflag:s5], $0x2800  }
0xa1: {  	[sflag:s5] =	ssyncset.done $0x0  }
0xa2: {  	s14 =	rddreg [dreg:$0x5];
	[sflag:s5] =	ssyncadd.s32 $0xFFFFD800  }
0xa3: {  	[tilespmem:s2], [sflag:$0x1] =	stream.linear.gather [hbm4b:s14+s2], $0x500, $0x38;
	[tilespmem:$0x1EA00] =	vst v63  }
0xa4: {  	_ =	swait.ge [sflag:s5], $0x500  }
0xa5: {  	[sflag:s5] =	ssyncset.done $0x0  }
0xa6: {  	s14 =	rddreg [dreg:$0x6];
	[sflag:s5] =	ssyncadd.s32 $0xFFFFFB00  }
0xa7: {  	[tilespmem:s6], [sflag:$0x1] =	stream.linear.gather [hbm4b:s14+s2], $0xA000, $0x38;
	[tilespmem:$0x1EA00] =	vst v63  }
0xa8: {  	_ =	swait.ge [sflag:s5], $0xA000  }
0xa9: {  	[sflag:s5] =	ssyncset.done $0x0  }
0xaa: {  	s14 =	rddreg [dreg:$0x7];
	[sflag:s5] =	ssyncadd.s32 $0xFFFF6000  }
0xab: {  	[tilespmem:s7], [sflag:$0x1] =	stream.linear.gather [hbm4b:s14+s2], $0x5000, $0x38;
	[tilespmem:$0x1EA00] =	vst v63  }
0xac: {  	_ =	swait.ge [sflag:s5], $0x5000  }
0xad: {  	[sflag:s5] =	ssyncset.done $0x0  }
0xae: {  	[sflag:s5] =	ssyncadd.s32 $0xFFFFB000  }
0xaf: {  	[spmem:s8] =	stream.linear.scatter [tilespmem:s7], [sflag:$0x1], $0x5000, $0x38;
	[tilespmem:$0x1EA00] =	vst v63  }
0xb0: {  	_ =	swait.ge [sflag:s5], $0x5000  }
0xb1: {  	[sflag:s5] =	ssyncset.done $0x0  }
0xb2: {  	s14 =	rddreg [dreg:$0x8];
	[sflag:s5] =	ssyncadd.s32 $0xFFFFB000  }
0xb3: {  	[tilespmem:s9], [sflag:$0x1] =	stream.linear.gather [hbm4b:s14+s2], $0x500, $0x38;
	[tilespmem:$0x1EA00] =	vst v63  }
0xb4: {  	_ =	swait.ge [sflag:s5], $0x500  }
0xb5: {  	[sflag:s5] =	ssyncset.done $0x0  }
0xb6: {  	s14 =	rddreg [dreg:$0x4];
	[sflag:s5] =	ssyncadd.s32 $0xFFFFFB00  }
0xb7: {  	[tilespmem:s11], [sflag:$0x1] =	stream.linear.gather [hbm4b:s14+s2], $0x5000, $0x38;
	[tilespmem:$0x1EA00] =	vst v63  }
0xb8: {  	_ =	swait.ge [sflag:s5], $0x5000  }
0xb9: {  	[sflag:s5] =	ssyncset.done $0x0  }
0xba: {  	s14 =	rddreg [dreg:$0x9];
	[sflag:s5] =	ssyncadd.s32 $0xFFFFB000  }
0xbb: {  	[tilespmem:s10], [sflag:$0x1] =	stream.linear.gather [hbm4b:s14+s2], $0x2800, $0x38;
	[tilespmem:$0x1EA00] =	vst v63  }
0xbc: {  	_ =	swait.ge [sflag:s5], $0x2800  }
0xbd: {  	[sflag:s5] =	ssyncset.done $0x0  }
0xbe: {  	[sflag:s5] =	ssyncadd.s32 $0xFFFFD800  }
0xbf: {  	[spmem:s12] =	stream.linear.scatter [tilespmem:s10], [sflag:$0x1], $0x2800, $0x38;
	[tilespmem:$0x1EA00] =	vst v63  }
0xc0: {  	_ =	swait.ge [sflag:s5], $0x2800  }
0xc1: {  	[sflag:s5] =	ssyncset.done $0x0  }
0xc2: {  	[sflag:s5] =	ssyncadd.s32 $0xFFFFD800  }
0xc3: {  	[bflag:$0x0] =	sbarrier.arrive $0xFFFF  }
0xc4: {  	[spmem:s3] =	stream.indirect.scatter.add.f32 [tilespmem:s6], [sflag:$0x1], $0x20, s2, s13, $0xb8;
	[tilespmem:$0x1EA00] =	vst v63  }
0xc5: {  	_ =	swait.ge [sflag:s5], $0x1000  }
0xc6: {  	[sflag:s5] =	ssyncset.done $0x0  }
0xc7: {  	s14 =	rddreg [dreg:$0xc];
	[sflag:s5] =	ssyncadd.s32 $0xFFFFF000  }
0xc8: {  	[spmem:s3] =	stream.indirect.scatter.add.f32 [tilespmem:s14], [sflag:$0x1], $0x20, s13, s13, $0xb8;
	[tilespmem:$0x1EA00] =	vst v63  }
0xc9: {  	_ =	swait.ge [sflag:s5], $0x1000  }
0xca: {  	s0 =	rddreg [dreg:$0xd];
	[sflag:s5] =	ssyncset.done $0x0  }
0xcb: {  	s14 =	rddreg [dreg:$0xe];
	[sflag:s5] =	ssyncadd.s32 $0xFFFFF000  }
0xcc: {  	[spmem:s3] =	stream.indirect.scatter.add.f32 [tilespmem:s14], [sflag:$0x1], $0x20, s0, s13, $0xb8;
	[tilespmem:$0x1EA00] =	vst v63  }
0xcd: {  	_ =	swait.ge [sflag:s5], $0x1000  }
0xce: {  	[sflag:s5] =	ssyncset.done $0x0;
	s0 =	rddreg [dreg:$0xf]  }
0xcf: {  	s14 =	rddreg [dreg:$0x10];
	[sflag:s5] =	ssyncadd.s32 $0xFFFFF000  }
0xd0: {  	[spmem:s3] =	stream.indirect.scatter.add.f32 [tilespmem:s14], [sflag:$0x1], $0x20, s0, s13, $0xb8;
	[tilespmem:$0x1EA00] =	vst v63  }
0xd1: {  	_ =	swait.ge [sflag:s5], $0x1000  }
0xd2: {  	[sflag:s5] =	ssyncset.done $0x0;
	s0 =	rddreg [dreg:$0x11]  }
0xd3: {  	s14 =	rddreg [dreg:$0x12];
	[sflag:s5] =	ssyncadd.s32 $0xFFFFF000  }
0xd4: {  	[spmem:s3] =	stream.indirect.scatter.add.f32 [tilespmem:s14], [sflag:$0x1], $0x20, s0, s13, $0xb8;
	[tilespmem:$0x1EA00] =	vst v63  }
0xd5: {  	_ =	swait.ge [sflag:s5], $0x1000  }
0xd6: {  	[sflag:s5] =	ssyncset.done $0x0;
	s0 =	rddreg [dreg:$0x13]  }
0xd7: {  	s14 =	rddreg [dreg:$0x14];
	[sflag:s5] =	ssyncadd.s32 $0xFFFFF000  }
0xd8: {  	[spmem:s3] =	stream.indirect.scatter.add.f32 [tilespmem:s14], [sflag:$0x1], $0x20, s0, s13, $0xb8;
	[tilespmem:$0x1EA00] =	vst v63  }
0xd9: {  	_ =	swait.ge [sflag:s5], $0x1000  }
0xda: {  	[sflag:s5] =	ssyncset.done $0x0;
	s0 =	rddreg [dreg:$0x15]  }
0xdb: {  	s14 =	rddreg [dreg:$0x16];
	[sflag:s5] =	ssyncadd.s32 $0xFFFFF000  }
0xdc: {  	[spmem:s3] =	stream.indirect.scatter.add.f32 [tilespmem:s14], [sflag:$0x1], $0x20, s0, s13, $0xb8;
	[tilespmem:$0x1EA00] =	vst v63  }
0xdd: {  	_ =	swait.ge [sflag:s5], $0x1000  }
0xde: {  	[sflag:s5] =	ssyncset.done $0x0;
	s0 =	rddreg [dreg:$0x17]  }
0xdf: {  	s14 =	rddreg [dreg:$0x18];
	[sflag:s5] =	ssyncadd.s32 $0xFFFFF000  }
0xe0: {  	[spmem:s3] =	stream.indirect.scatter.add.f32 [tilespmem:s14], [sflag:$0x1], $0x20, s0, s13, $0xb8;
	[tilespmem:$0x1EA00] =	vst v63  }
0xe1: {  	_ =	swait.ge [sflag:s5], $0x1000  }
0xe2: {  	[sflag:s5] =	ssyncset.done $0x0;
	s0 =	rddreg [dreg:$0x19]  }
0xe3: {  	s14 =	rddreg [dreg:$0x1a];
	[sflag:s5] =	ssyncadd.s32 $0xFFFFF000  }
0xe4: {  	[spmem:s3] =	stream.indirect.scatter.add.f32 [tilespmem:s14], [sflag:$0x1], $0x20, s0, s13, $0xb8;
	[tilespmem:$0x1EA00] =	vst v63  }
0xe5: {  	_ =	swait.ge [sflag:s5], $0x1000  }
0xe6: {  	[sflag:s5] =	ssyncset.done $0x0;
	s0 =	rddreg [dreg:$0x1b]  }
0xe7: {  	s14 =	rddreg [dreg:$0x1c];
	[sflag:s5] =	ssyncadd.s32 $0xFFFFF000  }
0xe8: {  	[spmem:s3] =	stream.indirect.scatter.add.f32 [tilespmem:s14], [sflag:$0x1], $0x20, s0, s13, $0xb8;
	[tilespmem:$0x1EA00] =	vst v63  }
0xe9: {  	_ =	swait.ge [sflag:s5], $0x1000  }
0xea: {  	[sflag:s5] =	ssyncset.done $0x0  }
0xeb: {  	[sflag:s5] =	ssyncadd.s32 $0xFFFFF000  }
0xec: {  	[spmem:s4] =	stream.indirect.scatter.add.f32 [tilespmem:s11], [sflag:$0x1], $0x10, s9, s13, $0xb8;
	[tilespmem:$0x1EA00] =	vst v63  }
0xed: {  	_ =	swait.ge [sflag:s5], $0x800  }
0xee: {  	[sflag:s5] =	ssyncset.done $0x0  }
0xef: {  	s14 =	simm.s32 $0x10200;
	s0 =	rddreg [dreg:$0x1d];
	[sflag:s5] =	ssyncadd.s32 $0xFFFFF800  }
0xf0: {  	[spmem:s4] =	stream.indirect.scatter.add.f32 [tilespmem:s14], [sflag:$0x1], $0x10, s0, s13, $0xb8;
	[tilespmem:$0x1EA00] =	vst v63  }
0xf1: {  	_ =	swait.ge [sflag:s5], $0x800  }
0xf2: {  	[sflag:s5] =	ssyncset.done $0x0  }
0xf3: {  	[sflag:s5] =	ssyncadd.s32 $0xFFFFF800  }
0xf4: {  	[spmem:s4] =	stream.indirect.scatter.add.f32 [tilespmem:s16], [sflag:$0x1], $0x10, s15, s13, $0xb8;
	[tilespmem:$0x1EA00] =	vst v63  }
0xf5: {  	_ =	swait.ge [sflag:s5], $0x800  }
0xf6: {  	[sflag:s5] =	ssyncset.done $0x0  }
0xf7: {  	[sflag:s5] =	ssyncadd.s32 $0xFFFFF800  }
0xf8: {  	[spmem:s4] =	stream.indirect.scatter.add.f32 [tilespmem:s18], [sflag:$0x1], $0x10, s17, s13, $0xb8;
	[tilespmem:$0x1EA00] =	vst v63  }
0xf9: {  	_ =	swait.ge [sflag:s5], $0x800  }
0xfa: {  	[sflag:s5] =	ssyncset.done $0x0  }
0xfb: {  	[sflag:s5] =	ssyncadd.s32 $0xFFFFF800  }
0xfc: {  	[spmem:s4] =	stream.indirect.scatter.add.f32 [tilespmem:s20], [sflag:$0x1], $0x10, s19, s13, $0xb8;
	[tilespmem:$0x1EA00] =	vst v63  }
0xfd: {  	_ =	swait.ge [sflag:s5], $0x800  }
0xfe: {  	[sflag:s5] =	ssyncset.done $0x0  }
0xff: {  	[sflag:s5] =	ssyncadd.s32 $0xFFFFF800  }
0x100: {  	[spmem:s4] =	stream.indirect.scatter.add.f32 [tilespmem:s22], [sflag:$0x1], $0x10, s21, s13, $0xb8;
	[tilespmem:$0x1EA00] =	vst v63  }
0x101: {  	_ =	swait.ge [sflag:s5], $0x800  }
0x102: {  	[sflag:s5] =	ssyncset.done $0x0  }
0x103: {  	[sflag:s5] =	ssyncadd.s32 $0xFFFFF800  }
0x104: {  	[spmem:s4] =	stream.indirect.scatter.add.f32 [tilespmem:s24], [sflag:$0x1], $0x10, s23, s13, $0xb8;
	[tilespmem:$0x1EA00] =	vst v63  }
0x105: {  	_ =	swait.ge [sflag:s5], $0x800  }
0x106: {  	[sflag:s5] =	ssyncset.done $0x0  }
0x107: {  	[sflag:s5] =	ssyncadd.s32 $0xFFFFF800  }
0x108: {  	[spmem:s4] =	stream.indirect.scatter.add.f32 [tilespmem:s26], [sflag:$0x1], $0x10, s25, s13, $0xb8;
	[tilespmem:$0x1EA00] =	vst v63  }
0x109: {  	_ =	swait.ge [sflag:s5], $0x800  }
0x10a: {  	[sflag:s5] =	ssyncset.done $0x0  }
0x10b: {  	[sflag:s5] =	ssyncadd.s32 $0xFFFFF800  }
0x10c: {  	[spmem:s4] =	stream.indirect.scatter.add.f32 [tilespmem:s29], [sflag:$0x1], $0x10, s28, s13, $0xb8;
	[tilespmem:$0x1EA00] =	vst v63  }
0x10d: {  	_ =	swait.ge [sflag:s5], $0x800  }
0x10e: {  	[sflag:s5] =	ssyncset.done $0x0  }
0x10f: {  	[sflag:s5] =	ssyncadd.s32 $0xFFFFF800  }
0x110: {  	[spmem:s4] =	stream.indirect.scatter.add.f32 [tilespmem:s31], [sflag:$0x1], $0x10, s30, s13, $0xb8;
	[tilespmem:$0x1EA00] =	vst v63  }
0x111: {  	_ =	swait.ge [sflag:s5], $0x800  }
0x112: {  	[sflag:s5] =	ssyncset.done $0x0  }
0x113: {  	[sflag:s5] =	ssyncadd.s32 $0xFFFFF800  }
0x114: {  	[bflag:$0x0] =	sbarrier.arrive $0xFFFF  }
0x115: {  	[tilespmem:s7], [sflag:$0x1] =	stream.linear.gather [spmem:s8], $0x5000, $0x38;
	[tilespmem:$0x1EA00] =	vst v63  }
0x116: {  	_ =	swait.ge [sflag:s5], $0x5000  }
0x117: {  	p0 =	sne.s32 s1, $0x1;
	[sflag:s5] =	ssyncset.done $0x0  }
.Ltmp1:
0x118: {  	s14 =	rddreg [dreg:$0xa];
	[sflag:s5] =	ssyncadd.s32 $0xFFFFB000;
	(pc) =	sbr.rel @p0 .LBB2_1-.Ltmp1, $4  }
0x119: {  	[hbm4b:s14+s2] =	stream.linear.scatter [tilespmem:s7], [sflag:$0x1], $0x5000, $0x38;
	[tilespmem:$0x1EA00] =	vst v63  }
0x11a: {  	_ =	swait.ge [sflag:s5], $0x5000  }
0x11b: {  	[sflag:s5] =	ssyncset.done $0x0  }
0x11c: {  	s1 =	sadd.s32 $0xFFFFFFFF, s1;
	[sflag:s5] =	ssyncadd.s32 $0xFFFFB000  }
.LBB2_2:
0x11d: {  	[tilespmem:s10], [sflag:$0x1] =	stream.linear.gather [spmem:s12], $0x2800, $0x38;
	[tilespmem:$0x1EA00] =	vst v63  }
0x11e: {  	_ =	swait.ge [sflag:s5], $0x2800  }
0x11f: {  	[sflag:s5] =	ssyncset.done $0x0  }
0x120: {  	s0 =	rddreg [dreg:$0xb];
	[sflag:s5] =	ssyncadd.s32 $0xFFFFD800  }
0x121: {  	[hbm4b:s0+s2] =	stream.linear.scatter [tilespmem:s10], [sflag:$0x1], $0x2800, $0x38;
	[tilespmem:$0x1EA00] =	vst v63  }
0x122: {  	_ =	swait.ge [sflag:s5], $0x2800  }
0x123: {  	[sflag:s5] =	ssyncset.done $0x0  }
0x124: {  	[sflag:s5] =	ssyncadd.s32 $0xFFFFD800  }
0x125: {  	_ =	sfence.sel $0x180000  }
0x126: {  	[bflag:$0x0] =	sbarrier.arrive $0xFFFF  }
0x127: {  	_ =	strace $0x9000004A  }
0x128: {  	s31 =	stileid.u32;
	[bflag:$0x2] =	sbarrier.arrive $0xFFFF  }
0x129: {  	p0 =	sne.s32 s31, $0x0;
	s0 =	rddreg [dreg:$0x3]  }
0x12a: {  	s0 =	sadd.s32 @!p0 $0x100000, s0  }
0x12b: {  	[sflag:s0] =	ssyncadd.tile.s32 @!p0 $0x1;
	_ =	shalt  }
.Lfunc_end2:
_tile_overlayer_lowered:
.L_overlay_start_2:
0x12c: {  	(tag) =	ssettag $0x2  }
0x12d: {  	s0 =	rddreg [dreg:$0x0];
	s2 =	stileid.u32  }
0x12e: {  	s1 =	rddreg [dreg:$0x1];
	p0 =	sne.s32 s2, $0x0  }
0x12f: {  	s3 =	rddreg [dreg:$0x2];
	[bflag:$0x3] =	sbarrier.arrive $0xFFFF;
	s2 =	simm.s32 @!p0 $0x1C01  }
0x130: {  	[timem:s3], [sflag:s2] =	dma.local @!p0 [hbm:s0], s1  }
0x131: {  	s0 =	simm.s32 @!p0 $0x1  }
0x132: {  	_ =	swait.ge @!p0 [sflag:s0], s1  }
0x133: {  	s1 =	ssub.s32 @!p0 $0x0, s1;
	[sflag:s0] =	ssyncset.done @!p0 $0x0  }
0x134: {  	[sflag:s0] =	ssyncadd.s32 @!p0 s1  }
0x135: {  	[bflag:$0x3] =	sbarrier.arrive $0xFFFF  }
0x136: {  	_ =	shalt  }

// kernel: kernel.16.cloned.1.call-start
scs
__scs_entry_jumppad:
0x0: {  	(pc) =	sbr.rel $0x88, $3  }
0x1: {  	(tag) =	ssettag $0x0;
	lr =	simm.s32 $0x1  }
0x2: {  	[smem:$0x3F92] =	sst lr;
	_ =	strace $0xD0000000  }
0x3: {  	_ = 	snop  }
0x4: {  	_ = 	snop  }
0x5: {  	_ = 	snop  }
0x6: {  	_ = 	snop  }
0x7: {  	_ = 	snop  }
__scs_overlays_trampoline_lowered:
0x8: {  	[smem:$0x3FA1] =	sst s0  }
0x9: {  	[smem:$0x3FA2] =	sst s1  }
0xa: {  	[smem:$0x3FA3] =	sst s2  }
0xb: {  	[smem:$0x3FA4] =	sst s3  }
0xc: {  	[smem:$0x3FA5] =	sst s4  }
0xd: {  	[smem:$0x3FA6] =	sst s5  }
0xe: {  	[smem:$0x3FA7] =	sst s6  }
0xf: {  	[smem:$0x3FA8] =	sst s7  }
0x10: {  	[smem:$0x3FA9] =	sst s8  }
0x11: {  	[smem:$0x3FAA] =	sst s9;
	s0 =	simm.s32 @!p0 $0x0  }
0x12: {  	s1 =	sld [smem:$0x3F90];
	s0 =	simm.s32 @p0 $0x1  }
0x13: {  	[smem:$0x3FAB] =	sst s0;
	s0 =	simm.s32 @!p1 $0x0  }
0x14: {  	s2 =	sld [smem:$0x3F8F];
	s0 =	simm.s32 @p1 $0x1  }
0x15: {  	[smem:$0x3FAC] =	sst s0;
	s0 =	simm.s32 @!p2 $0x0  }
0x16: {  	s3 =	sld [smem:$0x3FDB];
	s0 =	simm.s32 @p2 $0x1  }
0x17: {  	s4 =	simm.s32 $0x1BF5;
	[smem:$0x3FAE] =	sst s0  }
0x18: {  	s0 =	sld [smem:$0x3F91];
	_ =	swait.ge [sflag:s4], $0x0  }
0x19: {  	s7 =	sld [smem:$0x3F92]  }
0x1a: {  	s8 =	sadd.s32 $0xFFFFE003, lr  }
0x1b: {  	s9 =	sadd.s32 $0xFFFFFEF7, lr;
	s5 =	simm.s32 $0xFFFFFFFF;
	p2 =	slt.u32 s8, $0xFFFFF086  }
0x1c: {  	p1 =	slt.u32 s9, $0xF7A;
	s5 =	simm.s32 @!p2 $0x0  }
0x1d: {  	s5 =	simm.s32 @p1 $0x1;
	p0 =	seq.s32 s7, s2  }
0x1e: {  	s7 =	smul.u32 @!p0 $0xF7A, s2;
	p2 =	seq.s32 @!p0 s5, $0x0  }
0x1f: {  	s9 =	smul.u32 $0xF7A, s1;
	s8 =	simm.s32 @!p0 $0x1BF5;
	p2 =	por !p2, p0  }
0x20: {  	[sflag:s8] =	ssyncset.s32 @!p0 $0xFFFFF086;
	s6 =	sadd.s32 @!p0 s3, s7;
	s7 =	simm.s32 @!p0 $0x108  }
0x21: {  	s3 =	sadd.s32 s3, s9;
	s6 =	sadd.s32 @!p0 $0x88, s6;
	s7 =	simm.s32 @p2 $0x1082  }
0x22: {  	[simem:s7], [sflag:s8] =	dma.local @!p0 [hbm:s6], $0xF7A  }
0x23: {  	s9 =	sor.u32 $0xD0000000, s2;
	s6 =	simm.s32 $0x108;
	_ =	swait.ge @!p0 [sflag:s8], $0x0  }
0x24: {  	s3 =	sadd.s32 $0x88, s3;
	s6 =	simm.s32 @!p1 $0x1082;
	[sflag:s4] =	ssyncset.s32 $0xFFFFF086  }
0x25: {  	[simem:s6], [sflag:s4] =	dma.local [hbm:s3], $0xF7A  }
0x26: {  	[smem:$0x3F92] =	sst s1;
	(tag) =	ssettag s2;
	_ =	strace s9  }
0x27: {  	s1 =	sld [smem:$0x3FA2]  }
0x28: {  	s2 =	sld [smem:$0x3FA3]  }
0x29: {  	s4 =	sld [smem:$0x3FA5]  }
0x2a: {  	p0 =	seq.s32 s5, $0x0;
	s5 =	sld [smem:$0x3FA6]  }
0x2b: {  	s6 =	sld [smem:$0x3FA7]  }
0x2c: {  	s7 =	sld [smem:$0x3FA8]  }
0x2d: {  	s3 =	simm.s32 $0x108;
	s8 =	sld [smem:$0x3FA9]  }
0x2e: {  	s3 =	simm.s32 @!p0 $0x1082;
	s9 =	sld [smem:$0x3FAA]  }
0x2f: {  	lr =	sadd.s32 s0, s3;
	s0 =	sld [smem:$0x3FA1]  }
0x30: {  	s3 =	sld [smem:$0x3FA4]  }
0x31: {  	[smem:$0x3FAD] =	sst s10  }
0x32: {  	s10 =	sld [smem:$0x3FAB];
	_ =	sdelay $0x3  }
0x33: {  	p0 =	seq.s32 s10, $0x1;
	s10 =	sld [smem:$0x3FAD];
	_ =	sdelay $0x3  }
0x34: {  	[smem:$0x3FAD] =	sst s10  }
0x35: {  	s10 =	sld [smem:$0x3FAC];
	_ =	sdelay $0x3  }
0x36: {  	p1 =	seq.s32 s10, $0x1;
	s10 =	sld [smem:$0x3FAD];
	_ =	sdelay $0x3  }
0x37: {  	[smem:$0x3FAD] =	sst s10  }
0x38: {  	s10 =	sld [smem:$0x3FAE]  }
0x39: {  	_ = 	snop;
	(pc) =	sbr.ind lr, $3  }
0x3a: {  	_ = 	snop  }
0x3b: {  	_ = 	snop  }
0x3c: {  	p2 =	seq.s32 s10, $0x1;
	s10 =	sld [smem:$0x3FAD]  }
0x3d: {  	_ =	shalt  }
0x3e: {  	_ =	shalt  }
0x3f: {  	_ =	shalt  }
0x40: {  	_ =	shalt  }
0x41: {  	_ =	shalt  }
0x42: {  	_ =	shalt  }
0x43: {  	_ =	shalt  }
0x44: {  	_ =	shalt  }
0x45: {  	_ =	shalt  }
0x46: {  	_ =	shalt  }
0x47: {  	_ =	shalt  }
0x48: {  	_ =	shalt  }
0x49: {  	_ =	shalt  }
0x4a: {  	_ =	shalt  }
0x4b: {  	_ =	shalt  }
0x4c: {  	_ =	shalt  }
0x4d: {  	_ =	shalt  }
0x4e: {  	_ =	shalt  }
0x4f: {  	_ =	shalt  }
0x50: {  	_ =	shalt  }
0x51: {  	_ =	shalt  }
0x52: {  	_ =	shalt  }
0x53: {  	_ =	shalt  }
0x54: {  	_ =	shalt  }
0x55: {  	_ =	shalt  }
0x56: {  	_ =	shalt  }
0x57: {  	_ =	shalt  }
0x58: {  	_ =	shalt  }
0x59: {  	_ =	shalt  }
0x5a: {  	_ =	shalt  }
0x5b: {  	_ =	shalt  }
0x5c: {  	_ =	shalt  }
0x5d: {  	_ =	shalt  }
0x5e: {  	_ =	shalt  }
0x5f: {  	_ =	shalt  }
0x60: {  	_ =	shalt  }
0x61: {  	_ =	shalt  }
0x62: {  	_ =	shalt  }
0x63: {  	_ =	shalt  }
0x64: {  	_ =	shalt  }
0x65: {  	_ =	shalt  }
0x66: {  	_ =	shalt  }
0x67: {  	_ =	shalt  }
0x68: {  	_ =	shalt  }
0x69: {  	_ =	shalt  }
0x6a: {  	_ =	shalt  }
0x6b: {  	_ =	shalt  }
0x6c: {  	_ =	shalt  }
0x6d: {  	_ =	shalt  }
0x6e: {  	_ =	shalt  }
0x6f: {  	_ =	shalt  }
0x70: {  	_ =	shalt  }
0x71: {  	_ =	shalt  }
0x72: {  	_ =	shalt  }
0x73: {  	_ =	shalt  }
0x74: {  	_ =	shalt  }
0x75: {  	_ =	shalt  }
0x76: {  	_ =	shalt  }
0x77: {  	_ =	shalt  }
0x78: {  	_ =	shalt  }
0x79: {  	_ =	shalt  }
0x7a: {  	_ =	shalt  }
0x7b: {  	_ =	shalt  }
0x7c: {  	_ =	shalt  }
0x7d: {  	_ =	shalt  }
0x7e: {  	_ =	shalt  }
0x7f: {  	_ =	shalt  }
0x80: {  	_ =	shalt  }
0x81: {  	_ =	shalt  }
0x82: {  	_ =	shalt  }
0x83: {  	_ =	shalt  }
0x84: {  	_ =	shalt  }
0x85: {  	_ =	shalt  }
0x86: {  	_ =	shalt  }
0x87: {  	_ =	shalt  }
.Lfunc_end0:
.L_simem_size_0:
called_computation.2_lowered:
.L_overlay_start_0:
0x88: {  	s2 =	sld [smem:$0x3FD9]  }
0x89: {  	s3 =	sld [smem:$0x3FFE];
	_ =	sdelay $0x1  }
0x8a: {  	s1 =	srdreg.scid  }
0x8b: {  	s0 =	sand.u32 $0x1, s1  }
0x8c: {  	s16 =	sshll.u32 s0, $0xA;
	s2 =	sadd.s32 s3, s2  }
0x8d: {  	s2 =	sadd.s32 s2, s16  }
0x8e: {  	[smem:$0x3FB9] =	sst s2  }
0x8f: {  	_ = 	snop  }
0x90: {  	(tm) =	ssettm $0x1  }
0x91: {  	s17 =	sld [smem:$0x3FFB];
	_ =	sdelay $0x3  }
0x92: {  	_ =	strace s17  }
0x93: {  	s2 =	sld [smem:$0x3FFC];
	_ =	sdelay $0x3  }
0x94: {  	_ =	strace s2  }
0x95: {  	s2 =	sld [smem:$0x3FFD];
	_ =	sdelay $0x3  }
0x96: {  	_ =	strace s2  }
0x97: {  	_ =	strace $0x8FFFFFFF  }
0x98: {  	s18 =	sld [smem:$0x3FDB];
	_ =	sdelay $0x1  }
0x99: {  	s19 =	simm.s32 $_scs_section_size  }
0x9a: {  	s4 =	simm.s32 $_size__tile_overlayer_lowered;
	s5 =	simm.s32 $_tile_overlayer_lowered  }
0x9b: {  	s22 =	simm.s32 $0x1BFF;
	s21 =	sshll.u32 s5, $0x1;
	s2 =	sadd.s32 s19, s18  }
0x9c: {  	s6 =	simm.s32 $0x0;
	s20 =	sshll.u32 s4, $0x1;
	s4 =	sadd.s32 s21, s2  }
0x9d: {  	[timem:s6], [sflag:s22] =	dma.local [hbm:s4], s20  }
0x9e: {  	_ =	swait.ge [sflag:s22], s20  }
0x9f: {  	s3 =	ssub.s32 $0x0, s20;
	[sflag:s22] =	ssyncset.done $0x0  }
0xa0: {  	[sflag:s22] =	ssyncadd.s32 s3;
	_ =	sdelay $0x1  }
0xa1: {  	s23 =	simm.s32 $0x1B8B  }
0xa2: {  	_ =	swait.ge [sflag:s23], $0x1  }
0xa3: {  	[sflag:s23] =	ssyncset.done $0x0  }
0xa4: {  	s25 =	simm.s32 $0x1B8E;
	s24 =	sld [smem:$0x3FFE];
	[sflag:s23] =	ssyncadd.s32 $0xFFFFFFFF  }
0xa5: {  	s26 =	simm.s32 $execute0_lowered;
	[smem:$0x3FD2] =	sst s25  }
0xa6: {  	s4 =	sshll.u32 s26, $0x1;
	_ =	strace $0x8000004C;
	[dreg:$0x1] =	wrdreg $0xFFFFFFFF  }
0xa7: {  	s28 =	simm.s32 $_size_execute0_lowered;
	s2 =	sadd.s32 s2, s4;
	[dreg:$0x0] =	wrdreg $0x0  }
0xa8: {  	s4 =	sshll.u32 s28, $0x1;
	[dreg:$0x2] =	wrdreg s2  }
0xa9: {  	[dreg:$0x3] =	wrdreg s4  }
0xaa: {  	[dreg:$0x4] =	wrdreg $0xC0  }
0xab: {  	_ =	task [dreg:s6], $0x5FFFF  }
0xac: {  	[dreg:$0x1] =	wrdreg $0xFFFFFFFF  }
0xad: {  	[dreg:$0x0] =	wrdreg $0x60  }
0xae: {  	[dreg:$0x2] =	wrdreg s24  }
0xaf: {  	[dreg:$0x3] =	wrdreg $0x9  }
0xb0: {  	_ =	task.clear_ibuf [dreg:s6], $0x4FFFF;
	_ =	strace $0x9000004C  }
0xb1: {  	s29 =	simm.s32 $0x9;
	_ =	strace $0x8000004E  }
0xb2: {  	_ =	swait.ge [sflag:s29], $0x1  }
0xb3: {  	[sflag:s29] =	ssyncadd.s32 $0xFFFFFFFF  }
0xb4: {  	_ =	strace $0x9000004E  }
0xb5: {  	_ =	sfence  }
0xb6: {  	s30 =	sld [smem:$0x0];
	_ =	sdelay $0x2  }
0xb7: {  	s31 =	sshll.u32 s1, $0xD;
	s1 =	sshrl.u32 s1, $0x2  }
0xb8: {  	s3 =	sand.u32 $0x4000, s31;
	s1 =	sadd.s32 s1, s30  }
0xb9: {  	s0 =	sor.u32 s3, s0;
	s1 =	sshll.u32 s1, $0x11  }
0xba: {  	s0 =	sor.u32 s1, s0  }
0xbb: {  	s0 =	sadd.s32 $0x8F2B, s0  }
0xbc: {  	[sflag:s0] =	ssyncadd.remote.s32 $0x1  }
0xbd: {  	_ =	sfence.sel $0xFFFF  }
0xbe: {  	[dreg:$0x0] =	wrdreg $0xFFFFFFFF;
	(pc) =	sbr.abs _section_cstart, $3  }
0xbf: {  	[dreg:$0x1] =	wrdreg $0xFFFFFFFF  }
0xc0: {  	_ =	task.clear_ibuf [dreg:s6], $0x2FFFF;
	_ =	strace $0x9FFFFFFF  }
0xc1: {  	(tm) =	ssettm $0x7FFFFFFF  }
tec
execute0_lowered:
.L_overlay_start_1:
0x0: {  	(tag) =	ssettag $0x1  }
0x1: {  	s1 =	srdreg.scid;
	s0 =	stileid.u32  }
0x2: {  	s28 =	sand.u32 $0x1, s1;
	s31 =	sshll.u32 s0, $0x1  }
0x3: {  	s29 =	sor.u32 s28, s31  }
0x4: {  	s26 =	rddreg [dreg:$0x0];
	s3 =	smul.u32 $0xA0, s29  }
0x5: {  	s2 =	simm.s32 $0x0;
	s1 =	rddreg [dreg:$0x1]  }
0x6: {  	[smem:$0x7FF] =	sst s2;
	s3 =	sadd.s32 s3, s26  }
0x7: {  	_ =	strace $0x8000004D;
	s4 =	sadd.s32 $0x3E00, s3;
	s3 =	simm.s32 $0x2  }
0x8: {  	[tilespmem:s2], [sflag:$0x2] =	stream.linear.gather [hbm4b:s4+s2], $0x500, $0x38;
	[tilespmem:$0xA500] =	vst v63  }
0x9: {  	_ =	swait.ge [sflag:s3], $0x500  }
0xa: {  	s6 =	simm.s32 $0x80;
	[sflag:s3] =	ssyncset.done $0x0  }
0xb: {  	s7 =	simm.s32 $0x500;
	s5 =	sadd.s32 $0xD4A00, s26;
	[sflag:s3] =	ssyncadd.s32 $0xFFFFFB00  }
0xc: {  	[tilespmem:s7], [sflag:$0x1] =	stream.indirect.gather [hbm4b:s5+s6], $0x20, s2, s6, $0xb8;
	[tilespmem:$0xA500] =	vst v63  }
0xd: {  	s8 =	simm.s32 $0x1500  }
0xe: {  	[tilespmem:s8], [sflag:$0x1] =	stream.indirect.gather [hbm4b:s5+s6], $0x20, s6, s6, $0xb8;
	[tilespmem:$0xA500] =	vst v63  }
0xf: {  	s9 =	simm.s32 $0x100;
	s10 =	simm.s32 $0x2500  }
0x10: {  	[tilespmem:s10], [sflag:$0x1] =	stream.indirect.gather [hbm4b:s5+s6], $0x20, s9, s6, $0xb8;
	[tilespmem:$0xA500] =	vst v63  }
0x11: {  	s11 =	simm.s32 $0x180;
	s12 =	simm.s32 $0x3500  }
0x12: {  	[tilespmem:s12], [sflag:$0x1] =	stream.indirect.gather [hbm4b:s5+s6], $0x20, s11, s6, $0xb8;
	[tilespmem:$0xA500] =	vst v63  }
0x13: {  	s13 =	simm.s32 $0x200;
	s14 =	simm.s32 $0x4500  }
0x14: {  	[tilespmem:s14], [sflag:$0x1] =	stream.indirect.gather [hbm4b:s5+s6], $0x20, s13, s6, $0xb8;
	[tilespmem:$0xA500] =	vst v63  }
0x15: {  	s15 =	simm.s32 $0x280;
	s16 =	simm.s32 $0x5500  }
0x16: {  	[tilespmem:s16], [sflag:$0x1] =	stream.indirect.gather [hbm4b:s5+s6], $0x20, s15, s6, $0xb8;
	[tilespmem:$0xA500] =	vst v63  }
0x17: {  	s17 =	simm.s32 $0x300;
	s18 =	simm.s32 $0x6500  }
0x18: {  	[tilespmem:s18], [sflag:$0x1] =	stream.indirect.gather [hbm4b:s5+s6], $0x20, s17, s6, $0xb8;
	[tilespmem:$0xA500] =	vst v63  }
0x19: {  	s19 =	simm.s32 $0x380;
	s20 =	simm.s32 $0x7500  }
0x1a: {  	[tilespmem:s20], [sflag:$0x1] =	stream.indirect.gather [hbm4b:s5+s6], $0x20, s19, s6, $0xb8;
	[tilespmem:$0xA500] =	vst v63  }
0x1b: {  	s21 =	simm.s32 $0x400;
	s22 =	simm.s32 $0x8500  }
0x1c: {  	[tilespmem:s22], [sflag:$0x1] =	stream.indirect.gather [hbm4b:s5+s6], $0x20, s21, s6, $0xb8;
	[tilespmem:$0xA500] =	vst v63  }
0x1d: {  	s23 =	simm.s32 $0x480;
	s24 =	simm.s32 $0x9500;
	s25 =	simm.s32 $0x1  }
0x1e: {  	[tilespmem:s24], [sflag:$0x1] =	stream.indirect.gather [hbm4b:s5+s6], $0x20, s23, s6, $0xb8;
	[tilespmem:$0xA500] =	vst v63  }
0x1f: {  	_ =	swait.ge [sflag:s25], $0x1000  }
0x20: {  	[sflag:s25] =	ssyncset.done $0x0  }
0x21: {  	[sflag:s25] =	ssyncadd.s32 $0xFFFFF000  }
0x22: {  	_ =	swait.ge [sflag:s25], $0x1000  }
0x23: {  	[sflag:s25] =	ssyncset.done $0x0  }
0x24: {  	[sflag:s25] =	ssyncadd.s32 $0xFFFFF000  }
0x25: {  	_ =	swait.ge [sflag:s25], $0x1000  }
0x26: {  	[sflag:s25] =	ssyncset.done $0x0  }
0x27: {  	[sflag:s25] =	ssyncadd.s32 $0xFFFFF000  }
0x28: {  	_ =	swait.ge [sflag:s25], $0x1000  }
0x29: {  	[sflag:s25] =	ssyncset.done $0x0  }
0x2a: {  	[sflag:s25] =	ssyncadd.s32 $0xFFFFF000  }
0x2b: {  	_ =	swait.ge [sflag:s25], $0x1000  }
0x2c: {  	[sflag:s25] =	ssyncset.done $0x0  }
0x2d: {  	[sflag:s25] =	ssyncadd.s32 $0xFFFFF000  }
0x2e: {  	_ =	swait.ge [sflag:s25], $0x1000  }
0x2f: {  	[sflag:s25] =	ssyncset.done $0x0  }
0x30: {  	[sflag:s25] =	ssyncadd.s32 $0xFFFFF000  }
0x31: {  	_ =	swait.ge [sflag:s25], $0x1000  }
0x32: {  	[sflag:s25] =	ssyncset.done $0x0  }
0x33: {  	[sflag:s25] =	ssyncadd.s32 $0xFFFFF000  }
0x34: {  	_ =	swait.ge [sflag:s25], $0x1000  }
0x35: {  	[sflag:s25] =	ssyncset.done $0x0  }
0x36: {  	s28 =	ssub.s32 $0x2, s28;
	[sflag:s25] =	ssyncadd.s32 $0xFFFFF000  }
0x37: {  	s30 =	sshrl.u32 s28, $0x1;
	_ =	swait.ge [sflag:s25], $0x1000  }
0x38: {  	s28 =	ssub.s32 s28, s30;
	[sflag:s25] =	ssyncset.done $0x0  }
0x39: {  	s29 =	smul.u32 $0x1400, s29;
	s28 =	smax.u32 s28, $0x1;
	[sflag:s25] =	ssyncadd.s32 $0xFFFFF000  }
0x3a: {  	p0 =	sne.s32 s28, $0x1;
	_ =	swait.ge [sflag:s25], $0x1000  }
.Ltmp0:
0x3b: {  	s26 =	sadd.s32 s29, s26;
	[sflag:s25] =	ssyncset.done $0x0;
	(pc) =	sbr.rel @!p0 .LBB2_2-.Ltmp0, $4  }
0x3c: {  	s26 =	sadd.s32 $0x5200, s26;
	[sflag:s25] =	ssyncadd.s32 $0xFFFFF000  }
0x3d: {  	[hbm4b:s26+s2] =	stream.linear.scatter [tilespmem:s7], [sflag:$0x2], $0xA000, $0x38;
	[tilespmem:$0xA500] =	vst v63  }
0x3e: {  	_ =	swait.ge [sflag:s3], $0xA000  }
0x3f: {  	s28 =	sadd.s32 $0xFFFFFFFF, s28;
	[sflag:s3] =	ssyncset.done $0x0  }
.LBB2_1:
0x40: {  	p0 =	sne.s32 s28, $0x1;
	s28 =	sadd.s32 $0xFFFFFFFF, s28;
	[sflag:s3] =	ssyncadd.s32 $0xFFFF6000  }
0x41: {  	[tilespmem:s2], [sflag:$0x2] =	stream.linear.gather [hbm4b:s4+s2], $0x500, $0x38;
	[tilespmem:$0xA500] =	vst v63  }
0x42: {  	_ =	swait.ge [sflag:s3], $0x500  }
0x43: {  	[sflag:s3] =	ssyncset.done $0x0  }
0x44: {  	[sflag:s3] =	ssyncadd.s32 $0xFFFFFB00  }
0x45: {  	[tilespmem:s7], [sflag:$0x1] =	stream.indirect.gather [hbm4b:s5+s6], $0x20, s2, s6, $0xb8;
	[tilespmem:$0xA500] =	vst v63  }
0x46: {  	_ = 	snop  }
0x47: {  	[tilespmem:s8], [sflag:$0x1] =	stream.indirect.gather [hbm4b:s5+s6], $0x20, s6, s6, $0xb8;
	[tilespmem:$0xA500] =	vst v63  }
0x48: {  	_ = 	snop  }
0x49: {  	[tilespmem:s10], [sflag:$0x1] =	stream.indirect.gather [hbm4b:s5+s6], $0x20, s9, s6, $0xb8;
	[tilespmem:$0xA500] =	vst v63  }
0x4a: {  	_ = 	snop  }
0x4b: {  	[tilespmem:s12], [sflag:$0x1] =	stream.indirect.gather [hbm4b:s5+s6], $0x20, s11, s6, $0xb8;
	[tilespmem:$0xA500] =	vst v63  }
0x4c: {  	_ = 	snop  }
0x4d: {  	[tilespmem:s14], [sflag:$0x1] =	stream.indirect.gather [hbm4b:s5+s6], $0x20, s13, s6, $0xb8;
	[tilespmem:$0xA500] =	vst v63  }
0x4e: {  	_ = 	snop  }
0x4f: {  	[tilespmem:s16], [sflag:$0x1] =	stream.indirect.gather [hbm4b:s5+s6], $0x20, s15, s6, $0xb8;
	[tilespmem:$0xA500] =	vst v63  }
0x50: {  	_ = 	snop  }
0x51: {  	[tilespmem:s18], [sflag:$0x1] =	stream.indirect.gather [hbm4b:s5+s6], $0x20, s17, s6, $0xb8;
	[tilespmem:$0xA500] =	vst v63  }
0x52: {  	_ = 	snop  }
0x53: {  	[tilespmem:s20], [sflag:$0x1] =	stream.indirect.gather [hbm4b:s5+s6], $0x20, s19, s6, $0xb8;
	[tilespmem:$0xA500] =	vst v63  }
0x54: {  	_ = 	snop  }
0x55: {  	[tilespmem:s22], [sflag:$0x1] =	stream.indirect.gather [hbm4b:s5+s6], $0x20, s21, s6, $0xb8;
	[tilespmem:$0xA500] =	vst v63  }
0x56: {  	_ = 	snop  }
0x57: {  	[tilespmem:s24], [sflag:$0x1] =	stream.indirect.gather [hbm4b:s5+s6], $0x20, s23, s6, $0xb8;
	[tilespmem:$0xA500] =	vst v63  }
0x58: {  	_ =	swait.ge [sflag:s25], $0x1000  }
0x59: {  	[sflag:s25] =	ssyncset.done $0x0  }
0x5a: {  	[sflag:s25] =	ssyncadd.s32 $0xFFFFF000  }
0x5b: {  	_ =	swait.ge [sflag:s25], $0x1000  }
0x5c: {  	[sflag:s25] =	ssyncset.done $0x0  }
0x5d: {  	[sflag:s25] =	ssyncadd.s32 $0xFFFFF000  }
0x5e: {  	_ =	swait.ge [sflag:s25], $0x1000  }
0x5f: {  	[sflag:s25] =	ssyncset.done $0x0  }
0x60: {  	[sflag:s25] =	ssyncadd.s32 $0xFFFFF000  }
0x61: {  	_ =	swait.ge [sflag:s25], $0x1000  }
0x62: {  	[sflag:s25] =	ssyncset.done $0x0  }
0x63: {  	[sflag:s25] =	ssyncadd.s32 $0xFFFFF000  }
0x64: {  	_ =	swait.ge [sflag:s25], $0x1000  }
0x65: {  	[sflag:s25] =	ssyncset.done $0x0  }
0x66: {  	[sflag:s25] =	ssyncadd.s32 $0xFFFFF000  }
0x67: {  	_ =	swait.ge [sflag:s25], $0x1000  }
0x68: {  	[sflag:s25] =	ssyncset.done $0x0  }
0x69: {  	[sflag:s25] =	ssyncadd.s32 $0xFFFFF000  }
0x6a: {  	_ =	swait.ge [sflag:s25], $0x1000  }
0x6b: {  	[sflag:s25] =	ssyncset.done $0x0  }
0x6c: {  	[sflag:s25] =	ssyncadd.s32 $0xFFFFF000  }
0x6d: {  	_ =	swait.ge [sflag:s25], $0x1000  }
0x6e: {  	[sflag:s25] =	ssyncset.done $0x0  }
0x6f: {  	[sflag:s25] =	ssyncadd.s32 $0xFFFFF000  }
0x70: {  	_ =	swait.ge [sflag:s25], $0x1000  }
0x71: {  	[sflag:s25] =	ssyncset.done $0x0  }
0x72: {  	[sflag:s25] =	ssyncadd.s32 $0xFFFFF000  }
0x73: {  	_ =	swait.ge [sflag:s25], $0x1000  }
.Ltmp1:
0x74: {  	[sflag:s25] =	ssyncset.done $0x0;
	(pc) =	sbr.rel @p0 .LBB2_1-.Ltmp1, $4  }
0x75: {  	[sflag:s25] =	ssyncadd.s32 $0xFFFFF000  }
0x76: {  	[hbm4b:s26+s2] =	stream.linear.scatter [tilespmem:s7], [sflag:$0x2], $0xA000, $0x38;
	[tilespmem:$0xA500] =	vst v63  }
0x77: {  	_ =	swait.ge [sflag:s3], $0xA000  }
0x78: {  	[sflag:s3] =	ssyncset.done $0x0  }
.LBB2_2:
0x79: {  	[sflag:s3] =	ssyncadd.s32 $0xFFFF6000  }
0x7a: {  	_ =	sfence.sel $0x180000  }
0x7b: {  	[bflag:$0x0] =	sbarrier.arrive $0xFFFF  }
0x7c: {  	p0 =	sne.s32 s0, $0x0;
	_ =	strace $0x9000004D  }
0x7d: {  	s0 =	sadd.s32 @!p0 $0x100000, s1;
	[bflag:$0x2] =	sbarrier.arrive $0xFFFF  }
0x7e: {  	[sflag:s0] =	ssyncadd.tile.s32 @!p0 $0x1;
	_ =	shalt  }
.Lfunc_end2:
_tile_overlayer_lowered:
.L_overlay_start_2:
0x7f: {  	(tag) =	ssettag $0x2  }
0x80: {  	s0 =	rddreg [dreg:$0x0];
	s2 =	stileid.u32  }
0x81: {  	s1 =	rddreg [dreg:$0x1];
	p0 =	sne.s32 s2, $0x0  }
0x82: {  	s3 =	rddreg [dreg:$0x2];
	[bflag:$0x3] =	sbarrier.arrive $0xFFFF;
	s2 =	simm.s32 @!p0 $0x1C02  }
0x83: {  	[timem:s3], [sflag:s2] =	dma.local @!p0 [hbm:s0], s1  }
0x84: {  	s0 =	simm.s32 @!p0 $0x2  }
0x85: {  	_ =	swait.ge @!p0 [sflag:s0], s1  }
0x86: {  	s1 =	ssub.s32 @!p0 $0x0, s1;
	[sflag:s0] =	ssyncset.done @!p0 $0x0  }
0x87: {  	[sflag:s0] =	ssyncadd.s32 @!p0 s1  }
0x88: {  	[bflag:$0x3] =	sbarrier.arrive $0xFFFF  }
0x89: {  	_ =	shalt  }

// kernel: kernel.19.cloned.1.call-start
scs
__scs_entry_jumppad:
0x0: {  	(pc) =	sbr.rel $0x88, $3  }
0x1: {  	(tag) =	ssettag $0x0;
	lr =	simm.s32 $0x1  }
0x2: {  	[smem:$0x3F92] =	sst lr;
	_ =	strace $0xD0000000  }
0x3: {  	_ = 	snop  }
0x4: {  	_ = 	snop  }
0x5: {  	_ = 	snop  }
0x6: {  	_ = 	snop  }
0x7: {  	_ = 	snop  }
__scs_overlays_trampoline_lowered:
0x8: {  	[smem:$0x3FA1] =	sst s0  }
0x9: {  	[smem:$0x3FA2] =	sst s1  }
0xa: {  	[smem:$0x3FA3] =	sst s2  }
0xb: {  	[smem:$0x3FA4] =	sst s3  }
0xc: {  	[smem:$0x3FA5] =	sst s4  }
0xd: {  	[smem:$0x3FA6] =	sst s5  }
0xe: {  	[smem:$0x3FA7] =	sst s6  }
0xf: {  	[smem:$0x3FA8] =	sst s7  }
0x10: {  	[smem:$0x3FA9] =	sst s8  }
0x11: {  	[smem:$0x3FAA] =	sst s9;
	s0 =	simm.s32 @!p0 $0x0  }
0x12: {  	s1 =	sld [smem:$0x3F90];
	s0 =	simm.s32 @p0 $0x1  }
0x13: {  	[smem:$0x3FAB] =	sst s0;
	s0 =	simm.s32 @!p1 $0x0  }
0x14: {  	s2 =	sld [smem:$0x3F8F];
	s0 =	simm.s32 @p1 $0x1  }
0x15: {  	[smem:$0x3FAC] =	sst s0;
	s0 =	simm.s32 @!p2 $0x0  }
0x16: {  	s3 =	sld [smem:$0x3FDB];
	s0 =	simm.s32 @p2 $0x1  }
0x17: {  	s4 =	simm.s32 $0x1BF5;
	[smem:$0x3FAE] =	sst s0  }
0x18: {  	s0 =	sld [smem:$0x3F91];
	_ =	swait.ge [sflag:s4], $0x0  }
0x19: {  	s7 =	sld [smem:$0x3F92]  }
0x1a: {  	s8 =	sadd.s32 $0xFFFFE003, lr  }
0x1b: {  	s9 =	sadd.s32 $0xFFFFFEF7, lr;
	s5 =	simm.s32 $0xFFFFFFFF;
	p2 =	slt.u32 s8, $0xFFFFF086  }
0x1c: {  	p1 =	slt.u32 s9, $0xF7A;
	s5 =	simm.s32 @!p2 $0x0  }
0x1d: {  	s5 =	simm.s32 @p1 $0x1;
	p0 =	seq.s32 s7, s2  }
0x1e: {  	s7 =	smul.u32 @!p0 $0xF7A, s2;
	p2 =	seq.s32 @!p0 s5, $0x0  }
0x1f: {  	s9 =	smul.u32 $0xF7A, s1;
	s8 =	simm.s32 @!p0 $0x1BF5;
	p2 =	por !p2, p0  }
0x20: {  	[sflag:s8] =	ssyncset.s32 @!p0 $0xFFFFF086;
	s6 =	sadd.s32 @!p0 s3, s7;
	s7 =	simm.s32 @!p0 $0x108  }
0x21: {  	s3 =	sadd.s32 s3, s9;
	s6 =	sadd.s32 @!p0 $0x88, s6;
	s7 =	simm.s32 @p2 $0x1082  }
0x22: {  	[simem:s7], [sflag:s8] =	dma.local @!p0 [hbm:s6], $0xF7A  }
0x23: {  	s9 =	sor.u32 $0xD0000000, s2;
	s6 =	simm.s32 $0x108;
	_ =	swait.ge @!p0 [sflag:s8], $0x0  }
0x24: {  	s3 =	sadd.s32 $0x88, s3;
	s6 =	simm.s32 @!p1 $0x1082;
	[sflag:s4] =	ssyncset.s32 $0xFFFFF086  }
0x25: {  	[simem:s6], [sflag:s4] =	dma.local [hbm:s3], $0xF7A  }
0x26: {  	[smem:$0x3F92] =	sst s1;
	(tag) =	ssettag s2;
	_ =	strace s9  }
0x27: {  	s1 =	sld [smem:$0x3FA2]  }
0x28: {  	s2 =	sld [smem:$0x3FA3]  }
0x29: {  	s4 =	sld [smem:$0x3FA5]  }
0x2a: {  	p0 =	seq.s32 s5, $0x0;
	s5 =	sld [smem:$0x3FA6]  }
0x2b: {  	s6 =	sld [smem:$0x3FA7]  }
0x2c: {  	s7 =	sld [smem:$0x3FA8]  }
0x2d: {  	s3 =	simm.s32 $0x108;
	s8 =	sld [smem:$0x3FA9]  }
0x2e: {  	s3 =	simm.s32 @!p0 $0x1082;
	s9 =	sld [smem:$0x3FAA]  }
0x2f: {  	lr =	sadd.s32 s0, s3;
	s0 =	sld [smem:$0x3FA1]  }
0x30: {  	s3 =	sld [smem:$0x3FA4]  }
0x31: {  	[smem:$0x3FAD] =	sst s10  }
0x32: {  	s10 =	sld [smem:$0x3FAB];
	_ =	sdelay $0x3  }
0x33: {  	p0 =	seq.s32 s10, $0x1;
	s10 =	sld [smem:$0x3FAD];
	_ =	sdelay $0x3  }
0x34: {  	[smem:$0x3FAD] =	sst s10  }
0x35: {  	s10 =	sld [smem:$0x3FAC];
	_ =	sdelay $0x3  }
0x36: {  	p1 =	seq.s32 s10, $0x1;
	s10 =	sld [smem:$0x3FAD];
	_ =	sdelay $0x3  }
0x37: {  	[smem:$0x3FAD] =	sst s10  }
0x38: {  	s10 =	sld [smem:$0x3FAE]  }
0x39: {  	_ = 	snop;
	(pc) =	sbr.ind lr, $3  }
0x3a: {  	_ = 	snop  }
0x3b: {  	_ = 	snop  }
0x3c: {  	p2 =	seq.s32 s10, $0x1;
	s10 =	sld [smem:$0x3FAD]  }
0x3d: {  	_ =	shalt  }
0x3e: {  	_ =	shalt  }
0x3f: {  	_ =	shalt  }
0x40: {  	_ =	shalt  }
0x41: {  	_ =	shalt  }
0x42: {  	_ =	shalt  }
0x43: {  	_ =	shalt  }
0x44: {  	_ =	shalt  }
0x45: {  	_ =	shalt  }
0x46: {  	_ =	shalt  }
0x47: {  	_ =	shalt  }
0x48: {  	_ =	shalt  }
0x49: {  	_ =	shalt  }
0x4a: {  	_ =	shalt  }
0x4b: {  	_ =	shalt  }
0x4c: {  	_ =	shalt  }
0x4d: {  	_ =	shalt  }
0x4e: {  	_ =	shalt  }
0x4f: {  	_ =	shalt  }
0x50: {  	_ =	shalt  }
0x51: {  	_ =	shalt  }
0x52: {  	_ =	shalt  }
0x53: {  	_ =	shalt  }
0x54: {  	_ =	shalt  }
0x55: {  	_ =	shalt  }
0x56: {  	_ =	shalt  }
0x57: {  	_ =	shalt  }
0x58: {  	_ =	shalt  }
0x59: {  	_ =	shalt  }
0x5a: {  	_ =	shalt  }
0x5b: {  	_ =	shalt  }
0x5c: {  	_ =	shalt  }
0x5d: {  	_ =	shalt  }
0x5e: {  	_ =	shalt  }
0x5f: {  	_ =	shalt  }
0x60: {  	_ =	shalt  }
0x61: {  	_ =	shalt  }
0x62: {  	_ =	shalt  }
0x63: {  	_ =	shalt  }
0x64: {  	_ =	shalt  }
0x65: {  	_ =	shalt  }
0x66: {  	_ =	shalt  }
0x67: {  	_ =	shalt  }
0x68: {  	_ =	shalt  }
0x69: {  	_ =	shalt  }
0x6a: {  	_ =	shalt  }
0x6b: {  	_ =	shalt  }
0x6c: {  	_ =	shalt  }
0x6d: {  	_ =	shalt  }
0x6e: {  	_ =	shalt  }
0x6f: {  	_ =	shalt  }
0x70: {  	_ =	shalt  }
0x71: {  	_ =	shalt  }
0x72: {  	_ =	shalt  }
0x73: {  	_ =	shalt  }
0x74: {  	_ =	shalt  }
0x75: {  	_ =	shalt  }
0x76: {  	_ =	shalt  }
0x77: {  	_ =	shalt  }
0x78: {  	_ =	shalt  }
0x79: {  	_ =	shalt  }
0x7a: {  	_ =	shalt  }
0x7b: {  	_ =	shalt  }
0x7c: {  	_ =	shalt  }
0x7d: {  	_ =	shalt  }
0x7e: {  	_ =	shalt  }
0x7f: {  	_ =	shalt  }
0x80: {  	_ =	shalt  }
0x81: {  	_ =	shalt  }
0x82: {  	_ =	shalt  }
0x83: {  	_ =	shalt  }
0x84: {  	_ =	shalt  }
0x85: {  	_ =	shalt  }
0x86: {  	_ =	shalt  }
0x87: {  	_ =	shalt  }
.Lfunc_end0:
.L_simem_size_0:
called_computation.3_lowered:
.L_overlay_start_0:
0x88: {  	s2 =	sld [smem:$0x3FD9]  }
0x89: {  	s3 =	sld [smem:$0x3FFE];
	_ =	sdelay $0x1  }
0x8a: {  	s1 =	srdreg.scid  }
0x8b: {  	s0 =	sand.u32 $0x1, s1  }
0x8c: {  	s16 =	sshll.u32 s0, $0xA;
	s2 =	sadd.s32 s3, s2  }
0x8d: {  	s2 =	sadd.s32 s2, s16  }
0x8e: {  	[smem:$0x3FB9] =	sst s2  }
0x8f: {  	_ = 	snop  }
0x90: {  	(tm) =	ssettm $0x1  }
0x91: {  	s17 =	sld [smem:$0x3FFB];
	_ =	sdelay $0x3  }
0x92: {  	_ =	strace s17  }
0x93: {  	s2 =	sld [smem:$0x3FFC];
	_ =	sdelay $0x3  }
0x94: {  	_ =	strace s2  }
0x95: {  	s2 =	sld [smem:$0x3FFD];
	_ =	sdelay $0x3  }
0x96: {  	_ =	strace s2  }
0x97: {  	_ =	strace $0x8FFFFFFF  }
0x98: {  	s18 =	sld [smem:$0x3FDB];
	_ =	sdelay $0x1  }
0x99: {  	s19 =	simm.s32 $_scs_section_size  }
0x9a: {  	s4 =	simm.s32 $_size__tile_overlayer_lowered;
	s5 =	simm.s32 $_tile_overlayer_lowered  }
0x9b: {  	s22 =	simm.s32 $0x1BFF;
	s21 =	sshll.u32 s5, $0x1;
	s2 =	sadd.s32 s19, s18  }
0x9c: {  	s6 =	simm.s32 $0x0;
	s20 =	sshll.u32 s4, $0x1;
	s4 =	sadd.s32 s21, s2  }
0x9d: {  	[timem:s6], [sflag:s22] =	dma.local [hbm:s4], s20  }
0x9e: {  	_ =	swait.ge [sflag:s22], s20  }
0x9f: {  	s3 =	ssub.s32 $0x0, s20;
	[sflag:s22] =	ssyncset.done $0x0  }
0xa0: {  	[sflag:s22] =	ssyncadd.s32 s3;
	_ =	sdelay $0x1  }
0xa1: {  	s23 =	simm.s32 $0x1B8B  }
0xa2: {  	_ =	swait.ge [sflag:s23], $0x1  }
0xa3: {  	[sflag:s23] =	ssyncset.done $0x0  }
0xa4: {  	s25 =	simm.s32 $0x1B8E;
	s24 =	sld [smem:$0x3FFE];
	[sflag:s23] =	ssyncadd.s32 $0xFFFFFFFF  }
0xa5: {  	s26 =	simm.s32 $execute0_lowered;
	[smem:$0x3FD2] =	sst s25  }
0xa6: {  	s4 =	sshll.u32 s26, $0x1;
	_ =	strace $0x8000004F;
	[dreg:$0x1] =	wrdreg $0xFFFFFFFF  }
0xa7: {  	s28 =	simm.s32 $_size_execute0_lowered;
	s2 =	sadd.s32 s2, s4;
	[dreg:$0x0] =	wrdreg $0x0  }
0xa8: {  	s4 =	sshll.u32 s28, $0x1;
	[dreg:$0x2] =	wrdreg s2  }
0xa9: {  	[dreg:$0x3] =	wrdreg s4  }
0xaa: {  	[dreg:$0x4] =	wrdreg $0xC0  }
0xab: {  	_ =	task [dreg:s6], $0x5FFFF  }
0xac: {  	[dreg:$0x1] =	wrdreg $0xFFFFFFFF  }
0xad: {  	[dreg:$0x0] =	wrdreg $0x60  }
0xae: {  	[dreg:$0x2] =	wrdreg s24  }
0xaf: {  	[dreg:$0x3] =	wrdreg $0xF5000  }
0xb0: {  	[dreg:$0x4] =	wrdreg $0x9  }
0xb1: {  	_ =	task.clear_ibuf [dreg:s6], $0x5FFFF;
	_ =	strace $0x9000004F  }
0xb2: {  	s29 =	simm.s32 $0x9;
	_ =	strace $0x80000051  }
0xb3: {  	_ =	swait.ge [sflag:s29], $0x1  }
0xb4: {  	[sflag:s29] =	ssyncadd.s32 $0xFFFFFFFF  }
0xb5: {  	_ =	strace $0x90000051  }
0xb6: {  	_ =	sfence  }
0xb7: {  	s30 =	sld [smem:$0x0];
	_ =	sdelay $0x2  }
0xb8: {  	s31 =	sshll.u32 s1, $0xD;
	s1 =	sshrl.u32 s1, $0x2  }
0xb9: {  	s3 =	sand.u32 $0x4000, s31;
	s1 =	sadd.s32 s1, s30  }
0xba: {  	s0 =	sor.u32 s3, s0;
	s1 =	sshll.u32 s1, $0x11  }
0xbb: {  	s0 =	sor.u32 s1, s0  }
0xbc: {  	s0 =	sadd.s32 $0x8F2B, s0  }
0xbd: {  	[sflag:s0] =	ssyncadd.remote.s32 $0x1  }
0xbe: {  	_ =	sfence.sel $0xFFFF  }
0xbf: {  	[dreg:$0x0] =	wrdreg $0xFFFFFFFF;
	(pc) =	sbr.abs _section_cstart, $3  }
0xc0: {  	[dreg:$0x1] =	wrdreg $0xFFFFFFFF  }
0xc1: {  	_ =	task.clear_ibuf [dreg:s6], $0x2FFFF;
	_ =	strace $0x9FFFFFFF  }
0xc2: {  	(tm) =	ssettm $0x7FFFFFFF  }
0xc3: {  	_ =	shalt  }
tec
execute0_lowered:
.L_overlay_start_1:
0x0: {  	(tag) =	ssettag $0x1  }
0x1: {  	s1 =	srdreg.scid;
	s0 =	stileid.u32  }
0x2: {  	s31 =	sand.u32 $0x1, s1;
	s26 =	sshll.u32 s0, $0x1  }
0x3: {  	s4 =	sor.u32 s31, s26  }
0x4: {  	s30 =	rddreg [dreg:$0x0];
	s3 =	simm.s32 $0x0;
	s5 =	smul.u32 $0xA0, s4  }
0x5: {  	[smem:$0x7FF] =	sst s3  }
0x6: {  	s2 =	rddreg [dreg:$0x1];
	_ =	strace $0x80000050;
	s5 =	sadd.s32 s5, s30  }
0x7: {  	s6 =	smul.u32 $0x1400, s4;
	s4 =	simm.s32 $0x1;
	s5 =	sadd.s32 $0xD3600, s5  }
0x8: {  	[tilespmem:s3], [sflag:$0x1] =	stream.linear.gather [hbm4b:s5+s3], $0x500, $0x38;
	[tilespmem:$0x14500] =	vst v63  }
0x9: {  	_ =	swait.ge [sflag:s4], $0x500  }
0xa: {  	s7 =	simm.s32 $0x500;
	s6 =	sadd.s32 s6, s30;
	[sflag:s4] =	ssyncset.done $0x0  }
0xb: {  	s10 =	smul.u32 $0x5000, s0;
	s6 =	sadd.s32 $0x3E00, s6;
	[sflag:s4] =	ssyncadd.s32 $0xFFFFFB00  }
0xc: {  	[tilespmem:s7], [sflag:$0x1] =	stream.linear.gather [hbm4b:s6+s3], $0xA000, $0x38;
	[tilespmem:$0x14500] =	vst v63  }
0xd: {  	s8 =	sshrl.u32 s10, $0x3;
	_ =	swait.ge [sflag:s4], $0xA000  }
0xe: {  	s8 =	sadd.s32 s8, s30;
	[sflag:s4] =	ssyncset.done $0x0  }
0xf: {  	s9 =	simm.s32 $0xA500;
	s8 =	sadd.s32 $0x2D200, s8;
	[sflag:s4] =	ssyncadd.s32 $0xFFFF6000  }
0x10: {  	[tilespmem:s9], [sflag:$0x1] =	stream.linear.gather [hbm4b:s8+s3], $0x5000, $0x38;
	[tilespmem:$0x14500] =	vst v63  }
0x11: {  	_ =	swait.ge [sflag:s4], $0x5000  }
0x12: {  	[sflag:s4] =	ssyncset.done $0x0  }
0x13: {  	s10 =	sadd.s32 s10, s2;
	[sflag:s4] =	ssyncadd.s32 $0xFFFFB000  }
0x14: {  	[spmem:s10] =	stream.linear.scatter [tilespmem:s9], [sflag:$0x1], $0x5000, $0x38;
	[tilespmem:$0x14500] =	vst v63  }
0x15: {  	_ =	swait.ge [sflag:s4], $0x5000  }
0x16: {  	[sflag:s4] =	ssyncset.done $0x0  }
0x17: {  	[sflag:s4] =	ssyncadd.s32 $0xFFFFB000  }
0x18: {  	s11 =	simm.s32 $0x80;
	[bflag:$0x0] =	sbarrier.arrive $0xFFFF  }
0x19: {  	[spmem:s2] =	stream.indirect.scatter.add.f32 [tilespmem:s7], [sflag:$0x1], $0x20, s3, s11, $0xb8;
	[tilespmem:$0x14500] =	vst v63  }
0x1a: {  	_ =	swait.ge [sflag:s4], $0x1000  }
0x1b: {  	[sflag:s4] =	ssyncset.done $0x0  }
0x1c: {  	s12 =	simm.s32 $0x1500;
	[sflag:s4] =	ssyncadd.s32 $0xFFFFF000  }
0x1d: {  	[spmem:s2] =	stream.indirect.scatter.add.f32 [tilespmem:s12], [sflag:$0x1], $0x20, s11, s11, $0xb8;
	[tilespmem:$0x14500] =	vst v63  }
0x1e: {  	_ =	swait.ge [sflag:s4], $0x1000  }
0x1f: {  	[sflag:s4] =	ssyncset.done $0x0  }
0x20: {  	s13 =	simm.s32 $0x100;
	s14 =	simm.s32 $0x2500;
	[sflag:s4] =	ssyncadd.s32 $0xFFFFF000  }
0x21: {  	[spmem:s2] =	stream.indirect.scatter.add.f32 [tilespmem:s14], [sflag:$0x1], $0x20, s13, s11, $0xb8;
	[tilespmem:$0x14500] =	vst v63  }
0x22: {  	_ =	swait.ge [sflag:s4], $0x1000  }
0x23: {  	[sflag:s4] =	ssyncset.done $0x0  }
0x24: {  	s15 =	simm.s32 $0x180;
	s16 =	simm.s32 $0x3500;
	[sflag:s4] =	ssyncadd.s32 $0xFFFFF000  }
0x25: {  	[spmem:s2] =	stream.indirect.scatter.add.f32 [tilespmem:s16], [sflag:$0x1], $0x20, s15, s11, $0xb8;
	[tilespmem:$0x14500] =	vst v63  }
0x26: {  	_ =	swait.ge [sflag:s4], $0x1000  }
0x27: {  	[sflag:s4] =	ssyncset.done $0x0  }
0x28: {  	s17 =	simm.s32 $0x200;
	s18 =	simm.s32 $0x4500;
	[sflag:s4] =	ssyncadd.s32 $0xFFFFF000  }
0x29: {  	[spmem:s2] =	stream.indirect.scatter.add.f32 [tilespmem:s18], [sflag:$0x1], $0x20, s17, s11, $0xb8;
	[tilespmem:$0x14500] =	vst v63  }
0x2a: {  	_ =	swait.ge [sflag:s4], $0x1000  }
0x2b: {  	[sflag:s4] =	ssyncset.done $0x0  }
0x2c: {  	s19 =	simm.s32 $0x280;
	s20 =	simm.s32 $0x5500;
	[sflag:s4] =	ssyncadd.s32 $0xFFFFF000  }
0x2d: {  	[spmem:s2] =	stream.indirect.scatter.add.f32 [tilespmem:s20], [sflag:$0x1], $0x20, s19, s11, $0xb8;
	[tilespmem:$0x14500] =	vst v63  }
0x2e: {  	_ =	swait.ge [sflag:s4], $0x1000  }
0x2f: {  	[sflag:s4] =	ssyncset.done $0x0  }
0x30: {  	s21 =	simm.s32 $0x300;
	s22 =	simm.s32 $0x6500;
	[sflag:s4] =	ssyncadd.s32 $0xFFFFF000  }
0x31: {  	[spmem:s2] =	stream.indirect.scatter.add.f32 [tilespmem:s22], [sflag:$0x1], $0x20, s21, s11, $0xb8;
	[tilespmem:$0x14500] =	vst v63  }
0x32: {  	_ =	swait.ge [sflag:s4], $0x1000  }
0x33: {  	[sflag:s4] =	ssyncset.done $0x0  }
0x34: {  	s23 =	simm.s32 $0x380;
	s24 =	simm.s32 $0x7500;
	[sflag:s4] =	ssyncadd.s32 $0xFFFFF000  }
0x35: {  	[spmem:s2] =	stream.indirect.scatter.add.f32 [tilespmem:s24], [sflag:$0x1], $0x20, s23, s11, $0xb8;
	[tilespmem:$0x14500] =	vst v63  }
0x36: {  	_ =	swait.ge [sflag:s4], $0x1000  }
0x37: {  	[sflag:s4] =	ssyncset.done $0x0  }
0x38: {  	s25 =	simm.s32 $0x400;
	s26 =	simm.s32 $0x8500;
	[sflag:s4] =	ssyncadd.s32 $0xFFFFF000  }
0x39: {  	[spmem:s2] =	stream.indirect.scatter.add.f32 [tilespmem:s26], [sflag:$0x1], $0x20, s25, s11, $0xb8;
	[tilespmem:$0x14500] =	vst v63  }
0x3a: {  	_ =	swait.ge [sflag:s4], $0x1000  }
0x3b: {  	s28 =	simm.s32 $0x480;
	s0 =	smul.u32 $0xA00, s0;
	[sflag:s4] =	ssyncset.done $0x0  }
0x3c: {  	s29 =	simm.s32 $0x9500;
	s1 =	smul.u32 $0xA000, s31;
	[sflag:s4] =	ssyncadd.s32 $0xFFFFF000  }
0x3d: {  	[spmem:s2] =	stream.indirect.scatter.add.f32 [tilespmem:s29], [sflag:$0x1], $0x20, s28, s11, $0xb8;
	[tilespmem:$0x14500] =	vst v63  }
0x3e: {  	s31 =	ssub.s32 $0x2, s31;
	_ =	swait.ge [sflag:s4], $0x1000  }
0x3f: {  	s0 =	sadd.s32 s0, s1;
	s1 =	sshrl.u32 s31, $0x1;
	[sflag:s4] =	ssyncset.done $0x0  }
0x40: {  	s1 =	ssub.s32 s31, s1;
	[sflag:s4] =	ssyncadd.s32 $0xFFFFF000  }
0x41: {  	s1 =	smax.u32 s1, $0x1;
	[bflag:$0x0] =	sbarrier.arrive $0xFFFF  }
0x42: {  	[tilespmem:s9], [sflag:$0x1] =	stream.linear.gather [spmem:s10], $0x5000, $0x38;
	[tilespmem:$0x14500] =	vst v63  }
0x43: {  	p0 =	sne.s32 s1, $0x1;
	_ =	swait.ge [sflag:s4], $0x5000  }
.Ltmp0:
0x44: {  	s0 =	sadd.s32 s0, s30;
	[sflag:s4] =	ssyncset.done $0x0;
	(pc) =	sbr.rel @!p0 .LBB2_2-.Ltmp0, $4  }
0x45: {  	s30 =	sadd.s32 $0xD4A00, s0;
	[sflag:s4] =	ssyncadd.s32 $0xFFFFB000  }
0x46: {  	[hbm4b:s30+s3] =	stream.linear.scatter [tilespmem:s9], [sflag:$0x1], $0x5000, $0x38;
	[tilespmem:$0x14500] =	vst v63  }
0x47: {  	_ =	swait.ge [sflag:s4], $0x5000  }
0x48: {  	s31 =	sadd.s32 $0xFFFFFFFF, s1;
	[sflag:s4] =	ssyncset.done $0x0  }
.LBB2_1:
0x49: {  	p0 =	sne.s32 s31, $0x1;
	s31 =	sadd.s32 $0xFFFFFFFF, s31;
	[sflag:s4] =	ssyncadd.s32 $0xFFFFB000  }
0x4a: {  	[tilespmem:s3], [sflag:$0x1] =	stream.linear.gather [hbm4b:s5+s3], $0x500, $0x38;
	[tilespmem:$0x14500] =	vst v63  }
0x4b: {  	_ =	swait.ge [sflag:s4], $0x500  }
0x4c: {  	[sflag:s4] =	ssyncset.done $0x0  }
0x4d: {  	[sflag:s4] =	ssyncadd.s32 $0xFFFFFB00  }
0x4e: {  	[tilespmem:s7], [sflag:$0x1] =	stream.linear.gather [hbm4b:s6+s3], $0xA000, $0x38;
	[tilespmem:$0x14500] =	vst v63  }
0x4f: {  	_ =	swait.ge [sflag:s4], $0xA000  }
0x50: {  	[sflag:s4] =	ssyncset.done $0x0  }
0x51: {  	[sflag:s4] =	ssyncadd.s32 $0xFFFF6000  }
0x52: {  	[tilespmem:s9], [sflag:$0x1] =	stream.linear.gather [hbm4b:s8+s3], $0x5000, $0x38;
	[tilespmem:$0x14500] =	vst v63  }
0x53: {  	_ =	swait.ge [sflag:s4], $0x5000  }
0x54: {  	[sflag:s4] =	ssyncset.done $0x0  }
0x55: {  	[sflag:s4] =	ssyncadd.s32 $0xFFFFB000  }
0x56: {  	[spmem:s10] =	stream.linear.scatter [tilespmem:s9], [sflag:$0x1], $0x5000, $0x38;
	[tilespmem:$0x14500] =	vst v63  }
0x57: {  	_ =	swait.ge [sflag:s4], $0x5000  }
0x58: {  	[sflag:s4] =	ssyncset.done $0x0  }
0x59: {  	[sflag:s4] =	ssyncadd.s32 $0xFFFFB000  }
0x5a: {  	[bflag:$0x0] =	sbarrier.arrive $0xFFFF  }
0x5b: {  	[spmem:s2] =	stream.indirect.scatter.add.f32 [tilespmem:s7], [sflag:$0x1], $0x20, s3, s11, $0xb8;
	[tilespmem:$0x14500] =	vst v63  }
0x5c: {  	_ =	swait.ge [sflag:s4], $0x1000  }
0x5d: {  	[sflag:s4] =	ssyncset.done $0x0  }
0x5e: {  	[sflag:s4] =	ssyncadd.s32 $0xFFFFF000  }
0x5f: {  	[spmem:s2] =	stream.indirect.scatter.add.f32 [tilespmem:s12], [sflag:$0x1], $0x20, s11, s11, $0xb8;
	[tilespmem:$0x14500] =	vst v63  }
0x60: {  	_ =	swait.ge [sflag:s4], $0x1000  }
0x61: {  	[sflag:s4] =	ssyncset.done $0x0  }
0x62: {  	[sflag:s4] =	ssyncadd.s32 $0xFFFFF000  }
0x63: {  	[spmem:s2] =	stream.indirect.scatter.add.f32 [tilespmem:s14], [sflag:$0x1], $0x20, s13, s11, $0xb8;
	[tilespmem:$0x14500] =	vst v63  }
0x64: {  	_ =	swait.ge [sflag:s4], $0x1000  }
0x65: {  	[sflag:s4] =	ssyncset.done $0x0  }
0x66: {  	[sflag:s4] =	ssyncadd.s32 $0xFFFFF000  }
0x67: {  	[spmem:s2] =	stream.indirect.scatter.add.f32 [tilespmem:s16], [sflag:$0x1], $0x20, s15, s11, $0xb8;
	[tilespmem:$0x14500] =	vst v63  }
0x68: {  	_ =	swait.ge [sflag:s4], $0x1000  }
0x69: {  	[sflag:s4] =	ssyncset.done $0x0  }
0x6a: {  	[sflag:s4] =	ssyncadd.s32 $0xFFFFF000  }
0x6b: {  	[spmem:s2] =	stream.indirect.scatter.add.f32 [tilespmem:s18], [sflag:$0x1], $0x20, s17, s11, $0xb8;
	[tilespmem:$0x14500] =	vst v63  }
0x6c: {  	_ =	swait.ge [sflag:s4], $0x1000  }
0x6d: {  	[sflag:s4] =	ssyncset.done $0x0  }
0x6e: {  	[sflag:s4] =	ssyncadd.s32 $0xFFFFF000  }
0x6f: {  	[spmem:s2] =	stream.indirect.scatter.add.f32 [tilespmem:s20], [sflag:$0x1], $0x20, s19, s11, $0xb8;
	[tilespmem:$0x14500] =	vst v63  }
0x70: {  	_ =	swait.ge [sflag:s4], $0x1000  }
0x71: {  	[sflag:s4] =	ssyncset.done $0x0  }
0x72: {  	[sflag:s4] =	ssyncadd.s32 $0xFFFFF000  }
0x73: {  	[spmem:s2] =	stream.indirect.scatter.add.f32 [tilespmem:s22], [sflag:$0x1], $0x20, s21, s11, $0xb8;
	[tilespmem:$0x14500] =	vst v63  }
0x74: {  	_ =	swait.ge [sflag:s4], $0x1000  }
0x75: {  	[sflag:s4] =	ssyncset.done $0x0  }
0x76: {  	[sflag:s4] =	ssyncadd.s32 $0xFFFFF000  }
0x77: {  	[spmem:s2] =	stream.indirect.scatter.add.f32 [tilespmem:s24], [sflag:$0x1], $0x20, s23, s11, $0xb8;
	[tilespmem:$0x14500] =	vst v63  }
0x78: {  	_ =	swait.ge [sflag:s4], $0x1000  }
0x79: {  	[sflag:s4] =	ssyncset.done $0x0  }
0x7a: {  	[sflag:s4] =	ssyncadd.s32 $0xFFFFF000  }
0x7b: {  	[spmem:s2] =	stream.indirect.scatter.add.f32 [tilespmem:s26], [sflag:$0x1], $0x20, s25, s11, $0xb8;
	[tilespmem:$0x14500] =	vst v63  }
0x7c: {  	_ =	swait.ge [sflag:s4], $0x1000  }
0x7d: {  	[sflag:s4] =	ssyncset.done $0x0  }
0x7e: {  	[sflag:s4] =	ssyncadd.s32 $0xFFFFF000  }
0x7f: {  	[spmem:s2] =	stream.indirect.scatter.add.f32 [tilespmem:s29], [sflag:$0x1], $0x20, s28, s11, $0xb8;
	[tilespmem:$0x14500] =	vst v63  }
0x80: {  	_ =	swait.ge [sflag:s4], $0x1000  }
0x81: {  	[sflag:s4] =	ssyncset.done $0x0  }
0x82: {  	[sflag:s4] =	ssyncadd.s32 $0xFFFFF000  }
0x83: {  	[bflag:$0x0] =	sbarrier.arrive $0xFFFF  }
0x84: {  	[tilespmem:s9], [sflag:$0x1] =	stream.linear.gather [spmem:s10], $0x5000, $0x38;
	[tilespmem:$0x14500] =	vst v63  }
0x85: {  	_ =	swait.ge [sflag:s4], $0x5000  }
.Ltmp1:
0x86: {  	[sflag:s4] =	ssyncset.done $0x0;
	(pc) =	sbr.rel @p0 .LBB2_1-.Ltmp1, $4  }
0x87: {  	[sflag:s4] =	ssyncadd.s32 $0xFFFFB000  }
0x88: {  	[hbm4b:s30+s3] =	stream.linear.scatter [tilespmem:s9], [sflag:$0x1], $0x5000, $0x38;
	[tilespmem:$0x14500] =	vst v63  }
0x89: {  	_ =	swait.ge [sflag:s4], $0x5000  }
0x8a: {  	[sflag:s4] =	ssyncset.done $0x0  }
.LBB2_2:
0x8b: {  	[sflag:s4] =	ssyncadd.s32 $0xFFFFB000  }
0x8c: {  	_ =	sfence.sel $0x180000  }
0x8d: {  	[bflag:$0x0] =	sbarrier.arrive $0xFFFF  }
0x8e: {  	_ =	strace $0x90000050  }
0x8f: {  	s0 =	stileid.u32;
	[bflag:$0x2] =	sbarrier.arrive $0xFFFF  }
0x90: {  	p0 =	sne.s32 s0, $0x0;
	s0 =	rddreg [dreg:$0x2]  }
0x91: {  	s0 =	sadd.s32 @!p0 $0x100000, s0  }
0x92: {  	[sflag:s0] =	ssyncadd.tile.s32 @!p0 $0x1;
	_ =	shalt  }
.Lfunc_end2:
_tile_overlayer_lowered:
.L_overlay_start_2:
0x93: {  	(tag) =	ssettag $0x2  }
0x94: {  	s0 =	rddreg [dreg:$0x0];
	s2 =	stileid.u32  }
0x95: {  	s1 =	rddreg [dreg:$0x1];
	p0 =	sne.s32 s2, $0x0  }
0x96: {  	s3 =	rddreg [dreg:$0x2];
	[bflag:$0x3] =	sbarrier.arrive $0xFFFF;
	s2 =	simm.s32 @!p0 $0x1C01  }
0x97: {  	[timem:s3], [sflag:s2] =	dma.local @!p0 [hbm:s0], s1  }
0x98: {  	s0 =	simm.s32 @!p0 $0x1  }
0x99: {  	_ =	swait.ge @!p0 [sflag:s0], s1  }
0x9a: {  	s1 =	ssub.s32 @!p0 $0x0, s1;
	[sflag:s0] =	ssyncset.done @!p0 $0x0  }
0x9b: {  	[sflag:s0] =	ssyncadd.s32 @!p0 s1  }
0x9c: {  	[bflag:$0x3] =	sbarrier.arrive $0xFFFF  }
0x9d: {  	_ =	shalt  }

</sc_bundles>
